<compile_context>
chip_gen: v7x
topology: tpu7x:2x2x1
jax: 0.10.2.dev20260603
libtpu: 0.0.44.dev20260713+nightly
codegen_flags: <defaults>
</compile_context>

<pallas_src>
import functools

import jax
import jax.numpy as jnp
from jax import lax
from jax.experimental import pallas as pl
from jax.experimental.pallas import tpu as pltpu
from jax.experimental.pallas import tpu_sc as plsc

N = 50000
E = 1600000
D = 64
H = 128
B = 16
MAX_LV = 3

NC = 2
NS = 16
NW = NC * NS
PASSES = D // NW
LANES = 16
CHUNK = 10000
NCH = E // CHUNK
BLK = 512
EBLK = 8192

_mesh = plsc.VectorSubcoreMesh(core_axis_name="c", subcore_axis_name="s")


@functools.partial(
    pl.kernel,
    out_type=jax.ShapeDtypeStruct((D, N), jnp.float32),
    mesh=_mesh,
    compiler_params=pltpu.CompilerParams(needs_layout_passes=False),
    scratch_types=[
        pltpu.VMEM((N,), jnp.float32),
        pltpu.VMEM((N,), jnp.float32),
        pltpu.VMEM((CHUNK,), jnp.int32),
        pltpu.VMEM((CHUNK,), jnp.int32),
        pltpu.SemaphoreType.DMA,
        pltpu.SemaphoreType.DMA,
    ],
)
def _seg_sum_T(h_hbm, pk_hbm, out_hbm, tab, acc, p0, p1, sem0, sem1):
    wid = lax.axis_index("s") * NC + lax.axis_index("c")
    sems = (sem0, sem1)
    pbufs = (p0, p1)

    def issue(k, b):
        pltpu.async_copy(pk_hbm.at[pl.ds(k * CHUNK, CHUNK)], pbufs[b], sems[b])

    def drain(b):
        pltpu.make_async_copy(pk_hbm.at[pl.ds(0, CHUNK)], pbufs[b], sems[b]).wait()

    for p in range(PASSES):
        col = wid + NW * p
        pltpu.sync_copy(h_hbm.at[col], tab)

        @plsc.parallel_loop(0, N, step=LANES, unroll=16)
        def _(i):
            acc[pl.ds(i, LANES)] = jnp.zeros((LANES,), jnp.float32)

        issue(0, 0)
        issue(1, 1)

        def chunk_pair(g, carry):
            for b in range(2):
                k = 2 * g + b
                drain(b)

                @plsc.parallel_loop(0, CHUNK, step=LANES, unroll=16)
                def _(j):
                    pk = pbufs[b][pl.ds(j, LANES)]
                    s = pk & 0xFFFF
                    dv = lax.shift_right_logical(pk, 16)
                    vals = plsc.load_gather(tab, [s])
                    plsc.addupdate_scatter(acc, [dv], vals)

                @pl.when(k + 2 < NCH)
                def _():
                    issue(k + 2, b)

            return carry

        lax.fori_loop(0, NCH // 2, chunk_pair, 0)

        pltpu.sync_copy(acc, out_hbm.at[col])


def _pack_body(ei_ref, out_ref):
    out_ref[...] = (ei_ref[0:1, :] & 0xFFFF) | (ei_ref[1:2, :] << 16)


_pack_edges = pl.pallas_call(
    _pack_body,
    grid=(pl.cdiv(E, EBLK),),
    in_specs=[pl.BlockSpec((2, EBLK), lambda i: (0, i))],
    out_specs=pl.BlockSpec((1, EBLK), lambda i: (0, i)),
    out_shape=jax.ShapeDtypeStruct((1, E), jnp.int32),
)


def _prelude_body(nf_ref, w_ref, msg_ref, h_ref):
    m = jnp.dot(nf_ref[...], w_ref[...], preferred_element_type=jnp.float32)
    msg_ref[...] = m
    h_ref[...] = jnp.transpose(jnp.maximum(m, 0.0), (1, 0))


_prelude = pl.pallas_call(
    _prelude_body,
    grid=(pl.cdiv(N, BLK),),
    in_specs=[
        pl.BlockSpec((BLK, 2), lambda i: (i, 0)),
        pl.BlockSpec((2, D), lambda i: (0, 0)),
    ],
    out_specs=[
        pl.BlockSpec((BLK, D), lambda i: (i, 0)),
        pl.BlockSpec((D, BLK), lambda i: (0, i)),
    ],
    out_shape=[
        jax.ShapeDtypeStruct((N, D), jnp.float32),
        jax.ShapeDtypeStruct((D, N), jnp.float32),
    ],
)


def _level_body(poolT_ref, w_ref, msg_ref, h_ref):
    pool_rows = jnp.transpose(poolT_ref[...], (1, 0))
    m = jnp.dot(pool_rows, w_ref[...], preferred_element_type=jnp.float32)
    h_ref[...] = jnp.transpose(jnp.maximum(m + msg_ref[...], 0.0), (1, 0))


_level = pl.pallas_call(
    _level_body,
    grid=(pl.cdiv(N, BLK),),
    in_specs=[
        pl.BlockSpec((D, BLK), lambda i: (0, i)),
        pl.BlockSpec((D, D), lambda i: (0, 0)),
        pl.BlockSpec((BLK, D), lambda i: (i, 0)),
    ],
    out_specs=pl.BlockSpec((D, BLK), lambda i: (0, i)),
    out_shape=jax.ShapeDtypeStruct((D, N), jnp.float32),
)


@functools.partial(
    pl.kernel,
    out_type=jax.ShapeDtypeStruct((D, B), jnp.float32),
    mesh=_mesh,
    compiler_params=pltpu.CompilerParams(needs_layout_passes=False),
    scratch_types=[
        pltpu.VMEM((N,), jnp.float32),
        pltpu.VMEM((N,), jnp.int32),
        pltpu.VMEM((B,), jnp.float32),
    ],
)
def _pool_sc(h_hbm, gid_hbm, out_hbm, tab, gbuf, acc):
    wid = lax.axis_index("s") * NC + lax.axis_index("c")
    pltpu.sync_copy(gid_hbm, gbuf)
    for p in range(PASSES):
        col = wid + NW * p
        pltpu.sync_copy(h_hbm.at[col], tab)
        acc[pl.ds(0, B)] = jnp.zeros((B,), jnp.float32)

        def body(i, c):
            for u in range(5):
                n = i * (5 * LANES) + u * LANES
                g = gbuf[pl.ds(n, LANES)]
                v = tab[pl.ds(n, LANES)]
                plsc.addupdate_scatter(acc, [g], v)
            return c

        lax.fori_loop(0, N // (5 * LANES), body, 0)
        pltpu.sync_copy(acc, out_hbm.at[col])


def _head_body(xT_ref, w1_ref, b1_ref, w2_ref, b2_ref, out_ref):
    x = jnp.transpose(xT_ref[...], (1, 0))
    hid = jnp.dot(x, w1_ref[...], preferred_element_type=jnp.float32)
    hid = jnp.maximum(hid + b1_ref[...], 0.0)
    out_ref[...] = jnp.dot(hid, w2_ref[...], preferred_element_type=jnp.float32) + b2_ref[...]


def _make_head(nrows, blk):
    return pl.pallas_call(
        _head_body,
        grid=(pl.cdiv(nrows, blk),),
        in_specs=[
            pl.BlockSpec((D, blk), lambda i: (0, i)),
            pl.BlockSpec((D, H), lambda i: (0, 0)),
            pl.BlockSpec((1, H), lambda i: (0, 0)),
            pl.BlockSpec((H, 1), lambda i: (0, 0)),
            pl.BlockSpec((1, 1), lambda i: (0, 0)),
        ],
        out_specs=pl.BlockSpec((blk, 1), lambda i: (i, 0)),
        out_shape=jax.ShapeDtypeStruct((nrows, 1), jnp.float32),
    )


_head_nodes = _make_head(N, BLK)
_head_graphs = _make_head(B, B)


def kernel(node_feat, edge_index, graph_ids, W_n2l, W_conv, add_W1, add_b1, add_W2, add_b2):
    ei = edge_index.astype(jnp.int32)
    pk = _pack_edges(ei).reshape(E)
    msg_rows, hT = _prelude(node_feat, W_n2l)
    for _ in range(MAX_LV):
        poolT = _seg_sum_T(hT, pk)
        hT = _level(poolT, W_conv, msg_rows)
    geT = _pool_sc(hT, graph_ids.astype(jnp.int32))
    b1r = add_b1.reshape(1, H)
    b2r = add_b2.reshape(1, 1)
    raw_n = _head_nodes(hT, add_W1, b1r, add_W2, b2r)
    raw_g = _head_graphs(geT, add_W1, b1r, add_W2, b2r)
    return jnp.concatenate([raw_n, raw_g], axis=0)

# --- scband reference (transcript-rebuilt; emitter-appended) ---
"""Pipeline reference for scband-qnet-87574383165917 (READ-ONLY COPY).

The authoritative reference and input builder live on the scoring server;
editing this copy changes nothing except your own understanding.
"""

import jax, jax.numpy as jnp
import numpy as np

N = 50000
E = 1600000
D = 64      # latent_dim
H = 128     # mlp_hidden
B = 16      # number of graphs in batch
MAX_LV = 3
NUM_NODE_FEATS = 2


def setup_inputs(seed: int = 0) -> dict:
    key = jax.random.key(seed)
    ks = jax.random.split(key, 10)
    node_feat = jax.random.uniform(ks[0], (N, NUM_NODE_FEATS), dtype=jnp.float32)
    edge_index = jax.random.randint(ks[1], (2, E), 0, N, dtype=jnp.int64)
    graph_ids = jnp.sort(jax.random.randint(ks[2], (N,), 0, B, dtype=jnp.int64))
    # s2v (EmbedMeanField) parameters
    W_n2l = jax.random.normal(ks[3], (NUM_NODE_FEATS, D), dtype=jnp.float32) * 0.1
    W_conv = jax.random.normal(ks[4], (D, D), dtype=jnp.float32) * 0.1
    # QNet add-head MLP parameters
    add_W1 = jax.random.normal(ks[5], (D, H), dtype=jnp.float32) * 0.1
    add_b1 = jnp.zeros((H,), dtype=jnp.float32)
    add_W2 = jax.random.normal(ks[6], (H, 1), dtype=jnp.float32) * 0.1
    add_b2 = jnp.zeros((1,), dtype=jnp.float32)
    return {
        'node_feat': node_feat,
        'edge_index': edge_index,
        'graph_ids': graph_ids,
        'W_n2l': W_n2l,
        'W_conv': W_conv,
        'add_W1': add_W1,
        'add_b1': add_b1,
        'add_W2': add_W2,
        'add_b2': add_b2,
    }


def reference(node_feat, edge_index, graph_ids, W_n2l, W_conv, add_W1, add_b1, add_W2, add_b2):
    # EmbedMeanField (structure2vec mean-field) message passing
    src = edge_index[0]
    dst = edge_index[1]
    input_msg = node_feat @ W_n2l                      # [N, D]
    h = jax.nn.relu(input_msg)
    for _ in range(MAX_LV):
        # gather neighbor embeddings and scatter-add to destination nodes
        n2npool = jax.ops.segment_sum(h[src], dst, num_segments=N)   # [N, D]
        h = jax.nn.relu(n2npool @ W_conv + input_msg)
    # pool_global=True: per-graph sum pooling
    graph_embed = jax.ops.segment_sum(h, graph_ids, num_segments=B)  # [B, D]
    # QNet: concat node embeddings and graph embeddings along dim 0
    embed_s_a = jnp.concatenate([h, graph_embed], axis=0)            # [N+B, D]
    # add head (_type == 0)
    hidden = jax.nn.relu(embed_s_a @ add_W1 + add_b1)
    raw_pred = hidden @ add_W2 + add_b2                              # [N+B, 1]
    return raw_pred

if __name__ == "__main__":
    import jax
    _d = setup_inputs()
    print(jax.jit(kernel)(*tuple(_d.values())))

</pallas_src>

<mosaic_0001>
#map = affine_map<(d0, d1) -> (0, 0)>
#map1 = affine_map<(d0, d1) -> (0)>
module attributes {stable_mosaic.version = 14 : i64} {
  func.func @_seg_sum_T(%arg0: i32, %arg1: i32, %arg2: memref<64x50000xf32, #tpu.memory_space<hbm>>, %arg3: memref<1600000xi32, #tpu.memory_space<hbm>>, %arg4: memref<64x50000xf32, #tpu.memory_space<hbm>>, %arg5: memref<50000xf32, #tpu.memory_space<vmem>>, %arg6: memref<50000xf32, #tpu.memory_space<vmem>>, %arg7: memref<10000xi32, #tpu.memory_space<vmem>>, %arg8: memref<10000xi32, #tpu.memory_space<vmem>>, %arg9: memref<!tpu.dma_semaphore, #tpu.memory_space<semaphore_mem>>, %arg10: memref<!tpu.dma_semaphore, #tpu.memory_space<semaphore_mem>>) attributes {dimension_semantics = [#tpu.dimension_semantics<core_parallel>, #tpu.dimension_semantics<subcore_parallel>], iteration_bounds = array<i64: 2, 16>, scalar_prefetch = 0 : i64, scratch_operands = 6 : i64, tpu.core_type = #tpu.core_type<sc_vector_subcore>, window_params = [{transform_indices = #map}, {transform_indices = #map1}, {transform_indices = #map}]} {
    %mul3A = arith.constant 2 : i32
    %mul3A_0 = arith.muli %arg1, %mul3A : i32
    %add3A = arith.addi %mul3A_0, %arg0 : i32
    %add3A_1 = arith.constant 0 : i32
    %add3A_2 = arith.addi %add3A, %add3A_1 : i32
    "tpu.region"() ({
      %run_scoped3A = tpu.sem_alloc : memref<!tpu.dma_semaphore, #tpu.memory_space<semaphore_mem>>
      %dma_start3A_36 = arith.constant 0 : i32
      %dma_start3A_37 = tpu.memref_slice %arg2[%add3A_2, %dma_start3A_36] : memref<64x50000xf32, #tpu.memory_space<hbm>> -> memref<1x50000xf32, #tpu.memory_space<hbm>>
      %dma_start3A_38 = tpu.memref_squeeze %dma_start3A_37 : memref<1x50000xf32, #tpu.memory_space<hbm>> -> memref<50000xf32, #tpu.memory_space<hbm>>
      %dma_start3A_39 = arith.constant 0 : i32
      %dma_start3A_40 = tpu.memref_slice %arg2[%add3A_2, %dma_start3A_39] : memref<64x50000xf32, #tpu.memory_space<hbm>> -> memref<1x50000xf32, #tpu.memory_space<hbm>>
      %dma_start3A_41 = tpu.memref_squeeze %dma_start3A_40 : memref<1x50000xf32, #tpu.memory_space<hbm>> -> memref<50000xf32, #tpu.memory_space<hbm>>
      tpu.enqueue_dma source(%dma_start3A_41 : memref<50000xf32, #tpu.memory_space<hbm>>) target(%arg5 : memref<50000xf32, #tpu.memory_space<vmem>>) target_semaphore(%run_scoped3A : memref<!tpu.dma_semaphore, #tpu.memory_space<semaphore_mem>>)
      %dma_wait3A = arith.constant 0 : i32
      %dma_wait3A_42 = tpu.memref_slice %arg2[%add3A_2, %dma_wait3A] : memref<64x50000xf32, #tpu.memory_space<hbm>> -> memref<1x50000xf32, #tpu.memory_space<hbm>>
      %dma_wait3A_43 = tpu.memref_squeeze %dma_wait3A_42 : memref<1x50000xf32, #tpu.memory_space<hbm>> -> memref<50000xf32, #tpu.memory_space<hbm>>
      %dma_wait3A_44 = arith.constant 0 : i32
      %dma_wait3A_45 = tpu.memref_slice %arg2[%add3A_2, %dma_wait3A_44] : memref<64x50000xf32, #tpu.memory_space<hbm>> -> memref<1x50000xf32, #tpu.memory_space<hbm>>
      %dma_wait3A_46 = tpu.memref_squeeze %dma_wait3A_45 : memref<1x50000xf32, #tpu.memory_space<hbm>> -> memref<50000xf32, #tpu.memory_space<hbm>>
      tpu.wait_dma2 semaphore(%run_scoped3A : memref<!tpu.dma_semaphore, #tpu.memory_space<semaphore_mem>>) src(%dma_wait3A_46 : memref<50000xf32, #tpu.memory_space<hbm>>) dst(%arg5 : memref<50000xf32, #tpu.memory_space<vmem>>)
      tpu.yield
    }) : () -> ()
    %parallel_loop3A = arith.constant 0 : i32
    %parallel_loop3A_3 = arith.constant 50000 : i32
    %parallel_loop3A_4 = arith.constant 16 : i32
    scf.for %parallel_loop3A_36 = %parallel_loop3A to %parallel_loop3A_3 step %parallel_loop3A_4  : i32 {
      %parallel_loop3A_37 = arith.constant 0.000000e+00 : f32
      %parallel_loop3A_38 = vector.broadcast %parallel_loop3A_37 : f32 to vector<16xf32>
      %parallel_loop3A_39 = arith.index_cast %parallel_loop3A_36 : i32 to index
      %parallel_loop3A_40 = tpu.vector_load %arg6[%parallel_loop3A_39] {strides = array<i32>} : memref<50000xf32, #tpu.memory_space<vmem>>, vector<16xf32>,
      tpu.vector_store %arg6[%parallel_loop3A_39], %parallel_loop3A_38 {strides = array<i32>} : memref<50000xf32, #tpu.memory_space<vmem>>, vector<16xf32>,
    } {sc.loop_unroll_factor = 16 : i64, sc.parallel_access}
    %dma_start3A = arith.constant 0 : i32
    %dma_start3A_5 = tpu.memref_slice %arg3[%dma_start3A] : memref<1600000xi32, #tpu.memory_space<hbm>> -> memref<10000xi32, #tpu.memory_space<hbm>>
    %dma_start3A_6 = arith.constant 0 : i32
    %dma_start3A_7 = tpu.memref_slice %arg3[%dma_start3A_6] : memref<1600000xi32, #tpu.memory_space<hbm>> -> memref<10000xi32, #tpu.memory_space<hbm>>
    tpu.enqueue_dma source(%dma_start3A_7 : memref<10000xi32, #tpu.memory_space<hbm>>) target(%arg7 : memref<10000xi32, #tpu.memory_space<vmem>>) target_semaphore(%arg9 : memref<!tpu.dma_semaphore, #tpu.memory_space<semaphore_mem>>)
    %dma_start3A_8 = arith.constant 10000 : i32
    %dma_start3A_9 = tpu.memref_slice %arg3[%dma_start3A_8] : memref<1600000xi32, #tpu.memory_space<hbm>> -> memref<10000xi32, #tpu.memory_space<hbm>>
    %dma_start3A_10 = arith.constant 10000 : i32
    %dma_start3A_11 = tpu.memref_slice %arg3[%dma_start3A_10] : memref<1600000xi32, #tpu.memory_space<hbm>> -> memref<10000xi32, #tpu.memory_space<hbm>>
    tpu.enqueue_dma source(%dma_start3A_11 : memref<10000xi32, #tpu.memory_space<hbm>>) target(%arg8 : memref<10000xi32, #tpu.memory_space<vmem>>) target_semaphore(%arg10 : memref<!tpu.dma_semaphore, #tpu.memory_space<semaphore_mem>>)
    %scan3A = arith.constant 0 : i32
    %scan3A_12 = arith.constant 0 : i32
    %scan3A_13 = arith.constant 80 : i32
    %scan3A_14 = arith.addi %scan3A_12, %scan3A_13 : i32
    %scan3A_15 = arith.constant 1 : i32
    scf.for %scan3A_36 = %scan3A_12 to %scan3A_14 step %scan3A_15  : i32 {
      %mul3A_37 = arith.constant 2 : i32
      %mul3A_38 = arith.muli %mul3A_37, %scan3A_36 : i32
      %add3A_39 = arith.constant 0 : i32
      %add3A_40 = arith.addi %mul3A_38, %add3A_39 : i32
      %dma_wait3A = arith.constant 0 : i32
      %dma_wait3A_41 = tpu.memref_slice %arg3[%dma_wait3A] : memref<1600000xi32, #tpu.memory_space<hbm>> -> memref<10000xi32, #tpu.memory_space<hbm>>
      %dma_wait3A_42 = arith.constant 0 : i32
      %dma_wait3A_43 = tpu.memref_slice %arg3[%dma_wait3A_42] : memref<1600000xi32, #tpu.memory_space<hbm>> -> memref<10000xi32, #tpu.memory_space<hbm>>
      tpu.wait_dma2 semaphore(%arg9 : memref<!tpu.dma_semaphore, #tpu.memory_space<semaphore_mem>>) src(%dma_wait3A_43 : memref<10000xi32, #tpu.memory_space<hbm>>) dst(%arg7 : memref<10000xi32, #tpu.memory_space<vmem>>)
      %parallel_loop3A_44 = arith.constant 0 : i32
      %parallel_loop3A_45 = arith.constant 10000 : i32
      %parallel_loop3A_46 = arith.constant 16 : i32
      scf.for %parallel_loop3A_69 = %parallel_loop3A_44 to %parallel_loop3A_45 step %parallel_loop3A_46  : i32 {
        %parallel_loop3A_70 = arith.index_cast %parallel_loop3A_69 : i32 to index
        %parallel_loop3A_71 = tpu.vector_load %arg7[%parallel_loop3A_70] {strides = array<i32>} : memref<10000xi32, #tpu.memory_space<vmem>>, vector<16xi32>,
        %parallel_loop3A_72 = arith.constant 65535 : i32
        %parallel_loop3A_73 = vector.broadcast %parallel_loop3A_72 : i32 to vector<16xi32>
        %parallel_loop3A_74 = arith.andi %parallel_loop3A_71, %parallel_loop3A_73 : vector<16xi32>
        %parallel_loop3A_75 = arith.constant 16 : i32
        %parallel_loop3A_76 = vector.broadcast %parallel_loop3A_75 : i32 to vector<16xi32>
        %parallel_loop3A_77 = arith.shrui %parallel_loop3A_71, %parallel_loop3A_76 : vector<16xi32>
        %parallel_loop3A_78 = tpu.vector_load_idx %arg5[%parallel_loop3A_74] : memref<50000xf32, #tpu.memory_space<vmem>>[vector<16xi32>], vector<16xf32>,
        tpu.vector_store_idx %arg6[%parallel_loop3A_77], %parallel_loop3A_78 {add = true} : memref<50000xf32, #tpu.memory_space<vmem>>[vector<16xi32>], vector<16xf32>,
      } {sc.loop_unroll_factor = 16 : i64, sc.parallel_access}
      %add3A_47 = arith.constant 2 : i32
      %add3A_48 = arith.addi %add3A_40, %add3A_47 : i32
      %lt3A = arith.constant 160 : i32
      %lt3A_49 = arith.cmpi slt, %add3A_48, %lt3A : i32
      %convert_element_type3A = arith.extui %lt3A_49 : i1 to i32
      %cond3A = arith.constant 0 : i32
      %cond3A_50 = arith.cmpi ne, %convert_element_type3A, %cond3A : i32
      scf.if %cond3A_50 {
        %add3A_69 = arith.constant 2 : i32
        %add3A_70 = arith.addi %add3A_40, %add3A_69 : i32
        %mul3A_71 = arith.constant 10000 : i32
        %mul3A_72 = arith.muli %add3A_70, %mul3A_71 : i32
        %dma_start3A_73 = tpu.memref_slice %arg3[%mul3A_72] : memref<1600000xi32, #tpu.memory_space<hbm>> -> memref<10000xi32, #tpu.memory_space<hbm>>
        %dma_start3A_74 = tpu.memref_slice %arg3[%mul3A_72] : memref<1600000xi32, #tpu.memory_space<hbm>> -> memref<10000xi32, #tpu.memory_space<hbm>>
        tpu.enqueue_dma source(%dma_start3A_74 : memref<10000xi32, #tpu.memory_space<hbm>>) target(%arg7 : memref<10000xi32, #tpu.memory_space<vmem>>) target_semaphore(%arg9 : memref<!tpu.dma_semaphore, #tpu.memory_space<semaphore_mem>>)
      } else {
      }
      %mul3A_51 = arith.constant 2 : i32
      %mul3A_52 = arith.muli %mul3A_51, %scan3A_36 : i32
      %add3A_53 = arith.constant 1 : i32
      %add3A_54 = arith.addi %mul3A_52, %add3A_53 : i32
      %dma_wait3A_55 = arith.constant 0 : i32
      %dma_wait3A_56 = tpu.memref_slice %arg3[%dma_wait3A_55] : memref<1600000xi32, #tpu.memory_space<hbm>> -> memref<10000xi32, #tpu.memory_space<hbm>>
      %dma_wait3A_57 = arith.constant 0 : i32
      %dma_wait3A_58 = tpu.memref_slice %arg3[%dma_wait3A_57] : memref<1600000xi32, #tpu.memory_space<hbm>> -> memref<10000xi32, #tpu.memory_space<hbm>>
      tpu.wait_dma2 semaphore(%arg10 : memref<!tpu.dma_semaphore, #tpu.memory_space<semaphore_mem>>) src(%dma_wait3A_58 : memref<10000xi32, #tpu.memory_space<hbm>>) dst(%arg8 : memref<10000xi32, #tpu.memory_space<vmem>>)
      %parallel_loop3A_59 = arith.constant 0 : i32
      %parallel_loop3A_60 = arith.constant 10000 : i32
      %parallel_loop3A_61 = arith.constant 16 : i32
      scf.for %parallel_loop3A_69 = %parallel_loop3A_59 to %parallel_loop3A_60 step %parallel_loop3A_61  : i32 {
        %parallel_loop3A_70 = arith.index_cast %parallel_loop3A_69 : i32 to index
        %parallel_loop3A_71 = tpu.vector_load %arg8[%parallel_loop3A_70] {strides = array<i32>} : memref<10000xi32, #tpu.memory_space<vmem>>, vector<16xi32>,
        %parallel_loop3A_72 = arith.constant 65535 : i32
        %parallel_loop3A_73 = vector.broadcast %parallel_loop3A_72 : i32 to vector<16xi32>
        %parallel_loop3A_74 = arith.andi %parallel_loop3A_71, %parallel_loop3A_73 : vector<16xi32>
        %parallel_loop3A_75 = arith.constant 16 : i32
        %parallel_loop3A_76 = vector.broadcast %parallel_loop3A_75 : i32 to vector<16xi32>
        %parallel_loop3A_77 = arith.shrui %parallel_loop3A_71, %parallel_loop3A_76 : vector<16xi32>
        %parallel_loop3A_78 = tpu.vector_load_idx %arg5[%parallel_loop3A_74] : memref<50000xf32, #tpu.memory_space<vmem>>[vector<16xi32>], vector<16xf32>,
        tpu.vector_store_idx %arg6[%parallel_loop3A_77], %parallel_loop3A_78 {add = true} : memref<50000xf32, #tpu.memory_space<vmem>>[vector<16xi32>], vector<16xf32>,
      } {sc.loop_unroll_factor = 16 : i64, sc.parallel_access}
      %add3A_62 = arith.constant 2 : i32
      %add3A_63 = arith.addi %add3A_54, %add3A_62 : i32
      %lt3A_64 = arith.constant 160 : i32
      %lt3A_65 = arith.cmpi slt, %add3A_63, %lt3A_64 : i32
      %convert_element_type3A_66 = arith.extui %lt3A_65 : i1 to i32
      %cond3A_67 = arith.constant 0 : i32
      %cond3A_68 = arith.cmpi ne, %convert_element_type3A_66, %cond3A_67 : i32
      scf.if %cond3A_68 {
        %add3A_69 = arith.constant 2 : i32
        %add3A_70 = arith.addi %add3A_54, %add3A_69 : i32
        %mul3A_71 = arith.constant 10000 : i32
        %mul3A_72 = arith.muli %add3A_70, %mul3A_71 : i32
        %dma_start3A_73 = tpu.memref_slice %arg3[%mul3A_72] : memref<1600000xi32, #tpu.memory_space<hbm>> -> memref<10000xi32, #tpu.memory_space<hbm>>
        %dma_start3A_74 = tpu.memref_slice %arg3[%mul3A_72] : memref<1600000xi32, #tpu.memory_space<hbm>> -> memref<10000xi32, #tpu.memory_space<hbm>>
        tpu.enqueue_dma source(%dma_start3A_74 : memref<10000xi32, #tpu.memory_space<hbm>>) target(%arg8 : memref<10000xi32, #tpu.memory_space<vmem>>) target_semaphore(%arg10 : memref<!tpu.dma_semaphore, #tpu.memory_space<semaphore_mem>>)
      } else {
      }
    }
    %scan3A_16 = arith.constant 80 : i32
    "tpu.region"() ({
      %run_scoped3A = tpu.sem_alloc : memref<!tpu.dma_semaphore, #tpu.memory_space<semaphore_mem>>
      %dma_start3A_36 = arith.constant 0 : i32
      %dma_start3A_37 = tpu.memref_slice %arg4[%add3A_2, %dma_start3A_36] : memref<64x50000xf32, #tpu.memory_space<hbm>> -> memref<1x50000xf32, #tpu.memory_space<hbm>>
      %dma_start3A_38 = tpu.memref_squeeze %dma_start3A_37 : memref<1x50000xf32, #tpu.memory_space<hbm>> -> memref<50000xf32, #tpu.memory_space<hbm>>
      %dma_start3A_39 = arith.constant 0 : i32
      %dma_start3A_40 = tpu.memref_slice %arg4[%add3A_2, %dma_start3A_39] : memref<64x50000xf32, #tpu.memory_space<hbm>> -> memref<1x50000xf32, #tpu.memory_space<hbm>>
      %dma_start3A_41 = tpu.memref_squeeze %dma_start3A_40 : memref<1x50000xf32, #tpu.memory_space<hbm>> -> memref<50000xf32, #tpu.memory_space<hbm>>
      tpu.enqueue_dma source(%arg6 : memref<50000xf32, #tpu.memory_space<vmem>>) target(%dma_start3A_41 : memref<50000xf32, #tpu.memory_space<hbm>>) target_semaphore(%run_scoped3A : memref<!tpu.dma_semaphore, #tpu.memory_space<semaphore_mem>>)
      %dma_wait3A = arith.constant 0 : i32
      %dma_wait3A_42 = tpu.memref_slice %arg4[%add3A_2, %dma_wait3A] : memref<64x50000xf32, #tpu.memory_space<hbm>> -> memref<1x50000xf32, #tpu.memory_space<hbm>>
      %dma_wait3A_43 = tpu.memref_squeeze %dma_wait3A_42 : memref<1x50000xf32, #tpu.memory_space<hbm>> -> memref<50000xf32, #tpu.memory_space<hbm>>
      %dma_wait3A_44 = arith.constant 0 : i32
      %dma_wait3A_45 = tpu.memref_slice %arg4[%add3A_2, %dma_wait3A_44] : memref<64x50000xf32, #tpu.memory_space<hbm>> -> memref<1x50000xf32, #tpu.memory_space<hbm>>
      %dma_wait3A_46 = tpu.memref_squeeze %dma_wait3A_45 : memref<1x50000xf32, #tpu.memory_space<hbm>> -> memref<50000xf32, #tpu.memory_space<hbm>>
      tpu.wait_dma2 semaphore(%run_scoped3A : memref<!tpu.dma_semaphore, #tpu.memory_space<semaphore_mem>>) src(%arg6 : memref<50000xf32, #tpu.memory_space<vmem>>) dst(%dma_wait3A_46 : memref<50000xf32, #tpu.memory_space<hbm>>)
      tpu.yield
    }) : () -> ()
    %add3A_17 = arith.constant 32 : i32
    %add3A_18 = arith.addi %add3A, %add3A_17 : i32
    "tpu.region"() ({
      %run_scoped3A = tpu.sem_alloc : memref<!tpu.dma_semaphore, #tpu.memory_space<semaphore_mem>>
      %dma_start3A_36 = arith.constant 0 : i32
      %dma_start3A_37 = tpu.memref_slice %arg2[%add3A_18, %dma_start3A_36] : memref<64x50000xf32, #tpu.memory_space<hbm>> -> memref<1x50000xf32, #tpu.memory_space<hbm>>
      %dma_start3A_38 = tpu.memref_squeeze %dma_start3A_37 : memref<1x50000xf32, #tpu.memory_space<hbm>> -> memref<50000xf32, #tpu.memory_space<hbm>>
      %dma_start3A_39 = arith.constant 0 : i32
      %dma_start3A_40 = tpu.memref_slice %arg2[%add3A_18, %dma_start3A_39] : memref<64x50000xf32, #tpu.memory_space<hbm>> -> memref<1x50000xf32, #tpu.memory_space<hbm>>
      %dma_start3A_41 = tpu.memref_squeeze %dma_start3A_40 : memref<1x50000xf32, #tpu.memory_space<hbm>> -> memref<50000xf32, #tpu.memory_space<hbm>>
      tpu.enqueue_dma source(%dma_start3A_41 : memref<50000xf32, #tpu.memory_space<hbm>>) target(%arg5 : memref<50000xf32, #tpu.memory_space<vmem>>) target_semaphore(%run_scoped3A : memref<!tpu.dma_semaphore, #tpu.memory_space<semaphore_mem>>)
      %dma_wait3A = arith.constant 0 : i32
      %dma_wait3A_42 = tpu.memref_slice %arg2[%add3A_18, %dma_wait3A] : memref<64x50000xf32, #tpu.memory_space<hbm>> -> memref<1x50000xf32, #tpu.memory_space<hbm>>
      %dma_wait3A_43 = tpu.memref_squeeze %dma_wait3A_42 : memref<1x50000xf32, #tpu.memory_space<hbm>> -> memref<50000xf32, #tpu.memory_space<hbm>>
      %dma_wait3A_44 = arith.constant 0 : i32
      %dma_wait3A_45 = tpu.memref_slice %arg2[%add3A_18, %dma_wait3A_44] : memref<64x50000xf32, #tpu.memory_space<hbm>> -> memref<1x50000xf32, #tpu.memory_space<hbm>>
      %dma_wait3A_46 = tpu.memref_squeeze %dma_wait3A_45 : memref<1x50000xf32, #tpu.memory_space<hbm>> -> memref<50000xf32, #tpu.memory_space<hbm>>
      tpu.wait_dma2 semaphore(%run_scoped3A : memref<!tpu.dma_semaphore, #tpu.memory_space<semaphore_mem>>) src(%dma_wait3A_46 : memref<50000xf32, #tpu.memory_space<hbm>>) dst(%arg5 : memref<50000xf32, #tpu.memory_space<vmem>>)
      tpu.yield
    }) : () -> ()
    %parallel_loop3A_19 = arith.constant 0 : i32
    %parallel_loop3A_20 = arith.constant 50000 : i32
    %parallel_loop3A_21 = arith.constant 16 : i32
    scf.for %parallel_loop3A_36 = %parallel_loop3A_19 to %parallel_loop3A_20 step %parallel_loop3A_21  : i32 {
      %parallel_loop3A_37 = arith.constant 0.000000e+00 : f32
      %parallel_loop3A_38 = vector.broadcast %parallel_loop3A_37 : f32 to vector<16xf32>
      %parallel_loop3A_39 = arith.index_cast %parallel_loop3A_36 : i32 to index
      %parallel_loop3A_40 = tpu.vector_load %arg6[%parallel_loop3A_39] {strides = array<i32>} : memref<50000xf32, #tpu.memory_space<vmem>>, vector<16xf32>,
      tpu.vector_store %arg6[%parallel_loop3A_39], %parallel_loop3A_38 {strides = array<i32>} : memref<50000xf32, #tpu.memory_space<vmem>>, vector<16xf32>,
    } {sc.loop_unroll_factor = 16 : i64, sc.parallel_access}
    %dma_start3A_22 = arith.constant 0 : i32
    %dma_start3A_23 = tpu.memref_slice %arg3[%dma_start3A_22] : memref<1600000xi32, #tpu.memory_space<hbm>> -> memref<10000xi32, #tpu.memory_space<hbm>>
    %dma_start3A_24 = arith.constant 0 : i32
    %dma_start3A_25 = tpu.memref_slice %arg3[%dma_start3A_24] : memref<1600000xi32, #tpu.memory_space<hbm>> -> memref<10000xi32, #tpu.memory_space<hbm>>
    tpu.enqueue_dma source(%dma_start3A_25 : memref<10000xi32, #tpu.memory_space<hbm>>) target(%arg7 : memref<10000xi32, #tpu.memory_space<vmem>>) target_semaphore(%arg9 : memref<!tpu.dma_semaphore, #tpu.memory_space<semaphore_mem>>)
    %dma_start3A_26 = arith.constant 10000 : i32
    %dma_start3A_27 = tpu.memref_slice %arg3[%dma_start3A_26] : memref<1600000xi32, #tpu.memory_space<hbm>> -> memref<10000xi32, #tpu.memory_space<hbm>>
    %dma_start3A_28 = arith.constant 10000 : i32
    %dma_start3A_29 = tpu.memref_slice %arg3[%dma_start3A_28] : memref<1600000xi32, #tpu.memory_space<hbm>> -> memref<10000xi32, #tpu.memory_space<hbm>>
    tpu.enqueue_dma source(%dma_start3A_29 : memref<10000xi32, #tpu.memory_space<hbm>>) target(%arg8 : memref<10000xi32, #tpu.memory_space<vmem>>) target_semaphore(%arg10 : memref<!tpu.dma_semaphore, #tpu.memory_space<semaphore_mem>>)
    %scan3A_30 = arith.constant 0 : i32
    %scan3A_31 = arith.constant 0 : i32
    %scan3A_32 = arith.constant 80 : i32
    %scan3A_33 = arith.addi %scan3A_31, %scan3A_32 : i32
    %scan3A_34 = arith.constant 1 : i32
    scf.for %scan3A_36 = %scan3A_31 to %scan3A_33 step %scan3A_34  : i32 {
      %mul3A_37 = arith.constant 2 : i32
      %mul3A_38 = arith.muli %mul3A_37, %scan3A_36 : i32
      %add3A_39 = arith.constant 0 : i32
      %add3A_40 = arith.addi %mul3A_38, %add3A_39 : i32
      %dma_wait3A = arith.constant 0 : i32
      %dma_wait3A_41 = tpu.memref_slice %arg3[%dma_wait3A] : memref<1600000xi32, #tpu.memory_space<hbm>> -> memref<10000xi32, #tpu.memory_space<hbm>>
      %dma_wait3A_42 = arith.constant 0 : i32
      %dma_wait3A_43 = tpu.memref_slice %arg3[%dma_wait3A_42] : memref<1600000xi32, #tpu.memory_space<hbm>> -> memref<10000xi32, #tpu.memory_space<hbm>>
      tpu.wait_dma2 semaphore(%arg9 : memref<!tpu.dma_semaphore, #tpu.memory_space<semaphore_mem>>) src(%dma_wait3A_43 : memref<10000xi32, #tpu.memory_space<hbm>>) dst(%arg7 : memref<10000xi32, #tpu.memory_space<vmem>>)
      %parallel_loop3A_44 = arith.constant 0 : i32
      %parallel_loop3A_45 = arith.constant 10000 : i32
      %parallel_loop3A_46 = arith.constant 16 : i32
      scf.for %parallel_loop3A_69 = %parallel_loop3A_44 to %parallel_loop3A_45 step %parallel_loop3A_46  : i32 {
        %parallel_loop3A_70 = arith.index_cast %parallel_loop3A_69 : i32 to index
        %parallel_loop3A_71 = tpu.vector_load %arg7[%parallel_loop3A_70] {strides = array<i32>} : memref<10000xi32, #tpu.memory_space<vmem>>, vector<16xi32>,
        %parallel_loop3A_72 = arith.constant 65535 : i32
        %parallel_loop3A_73 = vector.broadcast %parallel_loop3A_72 : i32 to vector<16xi32>
        %parallel_loop3A_74 = arith.andi %parallel_loop3A_71, %parallel_loop3A_73 : vector<16xi32>
        %parallel_loop3A_75 = arith.constant 16 : i32
        %parallel_loop3A_76 = vector.broadcast %parallel_loop3A_75 : i32 to vector<16xi32>
        %parallel_loop3A_77 = arith.shrui %parallel_loop3A_71, %parallel_loop3A_76 : vector<16xi32>
        %parallel_loop3A_78 = tpu.vector_load_idx %arg5[%parallel_loop3A_74] : memref<50000xf32, #tpu.memory_space<vmem>>[vector<16xi32>], vector<16xf32>,
        tpu.vector_store_idx %arg6[%parallel_loop3A_77], %parallel_loop3A_78 {add = true} : memref<50000xf32, #tpu.memory_space<vmem>>[vector<16xi32>], vector<16xf32>,
      } {sc.loop_unroll_factor = 16 : i64, sc.parallel_access}
      %add3A_47 = arith.constant 2 : i32
      %add3A_48 = arith.addi %add3A_40, %add3A_47 : i32
      %lt3A = arith.constant 160 : i32
      %lt3A_49 = arith.cmpi slt, %add3A_48, %lt3A : i32
      %convert_element_type3A = arith.extui %lt3A_49 : i1 to i32
      %cond3A = arith.constant 0 : i32
      %cond3A_50 = arith.cmpi ne, %convert_element_type3A, %cond3A : i32
      scf.if %cond3A_50 {
        %add3A_69 = arith.constant 2 : i32
        %add3A_70 = arith.addi %add3A_40, %add3A_69 : i32
        %mul3A_71 = arith.constant 10000 : i32
        %mul3A_72 = arith.muli %add3A_70, %mul3A_71 : i32
        %dma_start3A_73 = tpu.memref_slice %arg3[%mul3A_72] : memref<1600000xi32, #tpu.memory_space<hbm>> -> memref<10000xi32, #tpu.memory_space<hbm>>
        %dma_start3A_74 = tpu.memref_slice %arg3[%mul3A_72] : memref<1600000xi32, #tpu.memory_space<hbm>> -> memref<10000xi32, #tpu.memory_space<hbm>>
        tpu.enqueue_dma source(%dma_start3A_74 : memref<10000xi32, #tpu.memory_space<hbm>>) target(%arg7 : memref<10000xi32, #tpu.memory_space<vmem>>) target_semaphore(%arg9 : memref<!tpu.dma_semaphore, #tpu.memory_space<semaphore_mem>>)
      } else {
      }
      %mul3A_51 = arith.constant 2 : i32
      %mul3A_52 = arith.muli %mul3A_51, %scan3A_36 : i32
      %add3A_53 = arith.constant 1 : i32
      %add3A_54 = arith.addi %mul3A_52, %add3A_53 : i32
      %dma_wait3A_55 = arith.constant 0 : i32
      %dma_wait3A_56 = tpu.memref_slice %arg3[%dma_wait3A_55] : memref<1600000xi32, #tpu.memory_space<hbm>> -> memref<10000xi32, #tpu.memory_space<hbm>>
      %dma_wait3A_57 = arith.constant 0 : i32
      %dma_wait3A_58 = tpu.memref_slice %arg3[%dma_wait3A_57] : memref<1600000xi32, #tpu.memory_space<hbm>> -> memref<10000xi32, #tpu.memory_space<hbm>>
      tpu.wait_dma2 semaphore(%arg10 : memref<!tpu.dma_semaphore, #tpu.memory_space<semaphore_mem>>) src(%dma_wait3A_58 : memref<10000xi32, #tpu.memory_space<hbm>>) dst(%arg8 : memref<10000xi32, #tpu.memory_space<vmem>>)
      %parallel_loop3A_59 = arith.constant 0 : i32
      %parallel_loop3A_60 = arith.constant 10000 : i32
      %parallel_loop3A_61 = arith.constant 16 : i32
      scf.for %parallel_loop3A_69 = %parallel_loop3A_59 to %parallel_loop3A_60 step %parallel_loop3A_61  : i32 {
        %parallel_loop3A_70 = arith.index_cast %parallel_loop3A_69 : i32 to index
        %parallel_loop3A_71 = tpu.vector_load %arg8[%parallel_loop3A_70] {strides = array<i32>} : memref<10000xi32, #tpu.memory_space<vmem>>, vector<16xi32>,
        %parallel_loop3A_72 = arith.constant 65535 : i32
        %parallel_loop3A_73 = vector.broadcast %parallel_loop3A_72 : i32 to vector<16xi32>
        %parallel_loop3A_74 = arith.andi %parallel_loop3A_71, %parallel_loop3A_73 : vector<16xi32>
        %parallel_loop3A_75 = arith.constant 16 : i32
        %parallel_loop3A_76 = vector.broadcast %parallel_loop3A_75 : i32 to vector<16xi32>
        %parallel_loop3A_77 = arith.shrui %parallel_loop3A_71, %parallel_loop3A_76 : vector<16xi32>
        %parallel_loop3A_78 = tpu.vector_load_idx %arg5[%parallel_loop3A_74] : memref<50000xf32, #tpu.memory_space<vmem>>[vector<16xi32>], vector<16xf32>,
        tpu.vector_store_idx %arg6[%parallel_loop3A_77], %parallel_loop3A_78 {add = true} : memref<50000xf32, #tpu.memory_space<vmem>>[vector<16xi32>], vector<16xf32>,
      } {sc.loop_unroll_factor = 16 : i64, sc.parallel_access}
      %add3A_62 = arith.constant 2 : i32
      %add3A_63 = arith.addi %add3A_54, %add3A_62 : i32
      %lt3A_64 = arith.constant 160 : i32
      %lt3A_65 = arith.cmpi slt, %add3A_63, %lt3A_64 : i32
      %convert_element_type3A_66 = arith.extui %lt3A_65 : i1 to i32
      %cond3A_67 = arith.constant 0 : i32
      %cond3A_68 = arith.cmpi ne, %convert_element_type3A_66, %cond3A_67 : i32
      scf.if %cond3A_68 {
        %add3A_69 = arith.constant 2 : i32
        %add3A_70 = arith.addi %add3A_54, %add3A_69 : i32
        %mul3A_71 = arith.constant 10000 : i32
        %mul3A_72 = arith.muli %add3A_70, %mul3A_71 : i32
        %dma_start3A_73 = tpu.memref_slice %arg3[%mul3A_72] : memref<1600000xi32, #tpu.memory_space<hbm>> -> memref<10000xi32, #tpu.memory_space<hbm>>
        %dma_start3A_74 = tpu.memref_slice %arg3[%mul3A_72] : memref<1600000xi32, #tpu.memory_space<hbm>> -> memref<10000xi32, #tpu.memory_space<hbm>>
        tpu.enqueue_dma source(%dma_start3A_74 : memref<10000xi32, #tpu.memory_space<hbm>>) target(%arg8 : memref<10000xi32, #tpu.memory_space<vmem>>) target_semaphore(%arg10 : memref<!tpu.dma_semaphore, #tpu.memory_space<semaphore_mem>>)
      } else {
      }
    }
    %scan3A_35 = arith.constant 80 : i32
    "tpu.region"() ({
      %run_scoped3A = tpu.sem_alloc : memref<!tpu.dma_semaphore, #tpu.memory_space<semaphore_mem>>
      %dma_start3A_36 = arith.constant 0 : i32
      %dma_start3A_37 = tpu.memref_slice %arg4[%add3A_18, %dma_start3A_36] : memref<64x50000xf32, #tpu.memory_space<hbm>> -> memref<1x50000xf32, #tpu.memory_space<hbm>>
      %dma_start3A_38 = tpu.memref_squeeze %dma_start3A_37 : memref<1x50000xf32, #tpu.memory_space<hbm>> -> memref<50000xf32, #tpu.memory_space<hbm>>
      %dma_start3A_39 = arith.constant 0 : i32
      %dma_start3A_40 = tpu.memref_slice %arg4[%add3A_18, %dma_start3A_39] : memref<64x50000xf32, #tpu.memory_space<hbm>> -> memref<1x50000xf32, #tpu.memory_space<hbm>>
      %dma_start3A_41 = tpu.memref_squeeze %dma_start3A_40 : memref<1x50000xf32, #tpu.memory_space<hbm>> -> memref<50000xf32, #tpu.memory_space<hbm>>
      tpu.enqueue_dma source(%arg6 : memref<50000xf32, #tpu.memory_space<vmem>>) target(%dma_start3A_41 : memref<50000xf32, #tpu.memory_space<hbm>>) target_semaphore(%run_scoped3A : memref<!tpu.dma_semaphore, #tpu.memory_space<semaphore_mem>>)
      %dma_wait3A = arith.constant 0 : i32
      %dma_wait3A_42 = tpu.memref_slice %arg4[%add3A_18, %dma_wait3A] : memref<64x50000xf32, #tpu.memory_space<hbm>> -> memref<1x50000xf32, #tpu.memory_space<hbm>>
      %dma_wait3A_43 = tpu.memref_squeeze %dma_wait3A_42 : memref<1x50000xf32, #tpu.memory_space<hbm>> -> memref<50000xf32, #tpu.memory_space<hbm>>
      %dma_wait3A_44 = arith.constant 0 : i32
      %dma_wait3A_45 = tpu.memref_slice %arg4[%add3A_18, %dma_wait3A_44] : memref<64x50000xf32, #tpu.memory_space<hbm>> -> memref<1x50000xf32, #tpu.memory_space<hbm>>
      %dma_wait3A_46 = tpu.memref_squeeze %dma_wait3A_45 : memref<1x50000xf32, #tpu.memory_space<hbm>> -> memref<50000xf32, #tpu.memory_space<hbm>>
      tpu.wait_dma2 semaphore(%run_scoped3A : memref<!tpu.dma_semaphore, #tpu.memory_space<semaphore_mem>>) src(%arg6 : memref<50000xf32, #tpu.memory_space<vmem>>) dst(%dma_wait3A_46 : memref<50000xf32, #tpu.memory_space<hbm>>)
      tpu.yield
    }) : () -> ()
    return
  }
}

#map = affine_map<(d0, d1) -> (0, 0)>
#map1 = affine_map<(d0, d1) -> (0)>
module attributes {stable_mosaic.version = 14 : i64} {
  func.func @_seg_sum_T(%arg0: i32, %arg1: i32, %arg2: memref<64x50000xf32, #tpu.memory_space<hbm>>, %arg3: memref<1600000xi32, #tpu.memory_space<hbm>>, %arg4: memref<64x50000xf32, #tpu.memory_space<hbm>>, %arg5: memref<50000xf32, #tpu.memory_space<vmem>>, %arg6: memref<50000xf32, #tpu.memory_space<vmem>>, %arg7: memref<10000xi32, #tpu.memory_space<vmem>>, %arg8: memref<10000xi32, #tpu.memory_space<vmem>>, %arg9: memref<!tpu.dma_semaphore, #tpu.memory_space<semaphore_mem>>, %arg10: memref<!tpu.dma_semaphore, #tpu.memory_space<semaphore_mem>>) attributes {dimension_semantics = [#tpu.dimension_semantics<core_parallel>, #tpu.dimension_semantics<subcore_parallel>], iteration_bounds = array<i64: 2, 16>, scalar_prefetch = 0 : i64, scratch_operands = 6 : i64, tpu.core_type = #tpu.core_type<sc_vector_subcore>, window_params = [{transform_indices = #map}, {transform_indices = #map1}, {transform_indices = #map}]} {
    %mul3A = arith.constant 2 : i32
    %mul3A_0 = arith.muli %arg1, %mul3A : i32
    %add3A = arith.addi %mul3A_0, %arg0 : i32
    %add3A_1 = arith.constant 0 : i32
    %add3A_2 = arith.addi %add3A, %add3A_1 : i32
    "tpu.region"() ({
      %run_scoped3A = tpu.sem_alloc : memref<!tpu.dma_semaphore, #tpu.memory_space<semaphore_mem>>
      %dma_start3A_36 = arith.constant 0 : i32
      %dma_start3A_37 = tpu.memref_slice %arg2[%add3A_2, %dma_start3A_36] : memref<64x50000xf32, #tpu.memory_space<hbm>> -> memref<1x50000xf32, #tpu.memory_space<hbm>>
      %dma_start3A_38 = tpu.memref_squeeze %dma_start3A_37 : memref<1x50000xf32, #tpu.memory_space<hbm>> -> memref<50000xf32, #tpu.memory_space<hbm>>
      %dma_start3A_39 = arith.constant 0 : i32
      %dma_start3A_40 = tpu.memref_slice %arg2[%add3A_2, %dma_start3A_39] : memref<64x50000xf32, #tpu.memory_space<hbm>> -> memref<1x50000xf32, #tpu.memory_space<hbm>>
      %dma_start3A_41 = tpu.memref_squeeze %dma_start3A_40 : memref<1x50000xf32, #tpu.memory_space<hbm>> -> memref<50000xf32, #tpu.memory_space<hbm>>
      tpu.enqueue_dma source(%dma_start3A_41 : memref<50000xf32, #tpu.memory_space<hbm>>) target(%arg5 : memref<50000xf32, #tpu.memory_space<vmem>>) target_semaphore(%run_scoped3A : memref<!tpu.dma_semaphore, #tpu.memory_space<semaphore_mem>>)
      %dma_wait3A = arith.constant 0 : i32
      %dma_wait3A_42 = tpu.memref_slice %arg2[%add3A_2, %dma_wait3A] : memref<64x50000xf32, #tpu.memory_space<hbm>> -> memref<1x50000xf32, #tpu.memory_space<hbm>>
      %dma_wait3A_43 = tpu.memref_squeeze %dma_wait3A_42 : memref<1x50000xf32, #tpu.memory_space<hbm>> -> memref<50000xf32, #tpu.memory_space<hbm>>
      %dma_wait3A_44 = arith.constant 0 : i32
      %dma_wait3A_45 = tpu.memref_slice %arg2[%add3A_2, %dma_wait3A_44] : memref<64x50000xf32, #tpu.memory_space<hbm>> -> memref<1x50000xf32, #tpu.memory_space<hbm>>
      %dma_wait3A_46 = tpu.memref_squeeze %dma_wait3A_45 : memref<1x50000xf32, #tpu.memory_space<hbm>> -> memref<50000xf32, #tpu.memory_space<hbm>>
      tpu.wait_dma2 semaphore(%run_scoped3A : memref<!tpu.dma_semaphore, #tpu.memory_space<semaphore_mem>>) src(%dma_wait3A_46 : memref<50000xf32, #tpu.memory_space<hbm>>) dst(%arg5 : memref<50000xf32, #tpu.memory_space<vmem>>)
      tpu.yield
    }) : () -> ()
    %parallel_loop3A = arith.constant 0 : i32
    %parallel_loop3A_3 = arith.constant 50000 : i32
    %parallel_loop3A_4 = arith.constant 16 : i32
    scf.for %parallel_loop3A_36 = %parallel_loop3A to %parallel_loop3A_3 step %parallel_loop3A_4  : i32 {
      %parallel_loop3A_37 = arith.constant 0.000000e+00 : f32
      %parallel_loop3A_38 = vector.broadcast %parallel_loop3A_37 : f32 to vector<16xf32>
      %parallel_loop3A_39 = arith.index_cast %parallel_loop3A_36 : i32 to index
      %parallel_loop3A_40 = tpu.vector_load %arg6[%parallel_loop3A_39] {strides = array<i32>} : memref<50000xf32, #tpu.memory_space<vmem>>, vector<16xf32>,
      tpu.vector_store %arg6[%parallel_loop3A_39], %parallel_loop3A_38 {strides = array<i32>} : memref<50000xf32, #tpu.memory_space<vmem>>, vector<16xf32>,
    } {sc.loop_unroll_factor = 16 : i64, sc.parallel_access}
    %dma_start3A = arith.constant 0 : i32
    %dma_start3A_5 = tpu.memref_slice %arg3[%dma_start3A] : memref<1600000xi32, #tpu.memory_space<hbm>> -> memref<10000xi32, #tpu.memory_space<hbm>>
    %dma_start3A_6 = arith.constant 0 : i32
    %dma_start3A_7 = tpu.memref_slice %arg3[%dma_start3A_6] : memref<1600000xi32, #tpu.memory_space<hbm>> -> memref<10000xi32, #tpu.memory_space<hbm>>
    tpu.enqueue_dma source(%dma_start3A_7 : memref<10000xi32, #tpu.memory_space<hbm>>) target(%arg7 : memref<10000xi32, #tpu.memory_space<vmem>>) target_semaphore(%arg9 : memref<!tpu.dma_semaphore, #tpu.memory_space<semaphore_mem>>)
    %dma_start3A_8 = arith.constant 10000 : i32
    %dma_start3A_9 = tpu.memref_slice %arg3[%dma_start3A_8] : memref<1600000xi32, #tpu.memory_space<hbm>> -> memref<10000xi32, #tpu.memory_space<hbm>>
    %dma_start3A_10 = arith.constant 10000 : i32
    %dma_start3A_11 = tpu.memref_slice %arg3[%dma_start3A_10] : memref<1600000xi32, #tpu.memory_space<hbm>> -> memref<10000xi32, #tpu.memory_space<hbm>>
    tpu.enqueue_dma source(%dma_start3A_11 : memref<10000xi32, #tpu.memory_space<hbm>>) target(%arg8 : memref<10000xi32, #tpu.memory_space<vmem>>) target_semaphore(%arg10 : memref<!tpu.dma_semaphore, #tpu.memory_space<semaphore_mem>>)
    %scan3A = arith.constant 0 : i32
    %scan3A_12 = arith.constant 0 : i32
    %scan3A_13 = arith.constant 80 : i32
    %scan3A_14 = arith.addi %scan3A_12, %scan3A_13 : i32
    %scan3A_15 = arith.constant 1 : i32
    scf.for %scan3A_36 = %scan3A_12 to %scan3A_14 step %scan3A_15  : i32 {
      %mul3A_37 = arith.constant 2 : i32
      %mul3A_38 = arith.muli %mul3A_37, %scan3A_36 : i32
      %add3A_39 = arith.constant 0 : i32
      %add3A_40 = arith.addi %mul3A_38, %add3A_39 : i32
      %dma_wait3A = arith.constant 0 : i32
      %dma_wait3A_41 = tpu.memref_slice %arg3[%dma_wait3A] : memref<1600000xi32, #tpu.memory_space<hbm>> -> memref<10000xi32, #tpu.memory_space<hbm>>
      %dma_wait3A_42 = arith.constant 0 : i32
      %dma_wait3A_43 = tpu.memref_slice %arg3[%dma_wait3A_42] : memref<1600000xi32, #tpu.memory_space<hbm>> -> memref<10000xi32, #tpu.memory_space<hbm>>
      tpu.wait_dma2 semaphore(%arg9 : memref<!tpu.dma_semaphore, #tpu.memory_space<semaphore_mem>>) src(%dma_wait3A_43 : memref<10000xi32, #tpu.memory_space<hbm>>) dst(%arg7 : memref<10000xi32, #tpu.memory_space<vmem>>)
      %parallel_loop3A_44 = arith.constant 0 : i32
      %parallel_loop3A_45 = arith.constant 10000 : i32
      %parallel_loop3A_46 = arith.constant 16 : i32
      scf.for %parallel_loop3A_69 = %parallel_loop3A_44 to %parallel_loop3A_45 step %parallel_loop3A_46  : i32 {
        %parallel_loop3A_70 = arith.index_cast %parallel_loop3A_69 : i32 to index
        %parallel_loop3A_71 = tpu.vector_load %arg7[%parallel_loop3A_70] {strides = array<i32>} : memref<10000xi32, #tpu.memory_space<vmem>>, vector<16xi32>,
        %parallel_loop3A_72 = arith.constant 65535 : i32
        %parallel_loop3A_73 = vector.broadcast %parallel_loop3A_72 : i32 to vector<16xi32>
        %parallel_loop3A_74 = arith.andi %parallel_loop3A_71, %parallel_loop3A_73 : vector<16xi32>
        %parallel_loop3A_75 = arith.constant 16 : i32
        %parallel_loop3A_76 = vector.broadcast %parallel_loop3A_75 : i32 to vector<16xi32>
        %parallel_loop3A_77 = arith.shrui %parallel_loop3A_71, %parallel_loop3A_76 : vector<16xi32>
        %parallel_loop3A_78 = tpu.vector_load_idx %arg5[%parallel_loop3A_74] : memref<50000xf32, #tpu.memory_space<vmem>>[vector<16xi32>], vector<16xf32>,
        tpu.vector_store_idx %arg6[%parallel_loop3A_77], %parallel_loop3A_78 {add = true} : memref<50000xf32, #tpu.memory_space<vmem>>[vector<16xi32>], vector<16xf32>,
      } {sc.loop_unroll_factor = 16 : i64, sc.parallel_access}
      %add3A_47 = arith.constant 2 : i32
      %add3A_48 = arith.addi %add3A_40, %add3A_47 : i32
      %lt3A = arith.constant 160 : i32
      %lt3A_49 = arith.cmpi slt, %add3A_48, %lt3A : i32
      %convert_element_type3A = arith.extui %lt3A_49 : i1 to i32
      %cond3A = arith.constant 0 : i32
      %cond3A_50 = arith.cmpi ne, %convert_element_type3A, %cond3A : i32
      scf.if %cond3A_50 {
        %add3A_69 = arith.constant 2 : i32
        %add3A_70 = arith.addi %add3A_40, %add3A_69 : i32
        %mul3A_71 = arith.constant 10000 : i32
        %mul3A_72 = arith.muli %add3A_70, %mul3A_71 : i32
        %dma_start3A_73 = tpu.memref_slice %arg3[%mul3A_72] : memref<1600000xi32, #tpu.memory_space<hbm>> -> memref<10000xi32, #tpu.memory_space<hbm>>
        %dma_start3A_74 = tpu.memref_slice %arg3[%mul3A_72] : memref<1600000xi32, #tpu.memory_space<hbm>> -> memref<10000xi32, #tpu.memory_space<hbm>>
        tpu.enqueue_dma source(%dma_start3A_74 : memref<10000xi32, #tpu.memory_space<hbm>>) target(%arg7 : memref<10000xi32, #tpu.memory_space<vmem>>) target_semaphore(%arg9 : memref<!tpu.dma_semaphore, #tpu.memory_space<semaphore_mem>>)
      } else {
      }
      %mul3A_51 = arith.constant 2 : i32
      %mul3A_52 = arith.muli %mul3A_51, %scan3A_36 : i32
      %add3A_53 = arith.constant 1 : i32
      %add3A_54 = arith.addi %mul3A_52, %add3A_53 : i32
      %dma_wait3A_55 = arith.constant 0 : i32
      %dma_wait3A_56 = tpu.memref_slice %arg3[%dma_wait3A_55] : memref<1600000xi32, #tpu.memory_space<hbm>> -> memref<10000xi32, #tpu.memory_space<hbm>>
      %dma_wait3A_57 = arith.constant 0 : i32
      %dma_wait3A_58 = tpu.memref_slice %arg3[%dma_wait3A_57] : memref<1600000xi32, #tpu.memory_space<hbm>> -> memref<10000xi32, #tpu.memory_space<hbm>>
      tpu.wait_dma2 semaphore(%arg10 : memref<!tpu.dma_semaphore, #tpu.memory_space<semaphore_mem>>) src(%dma_wait3A_58 : memref<10000xi32, #tpu.memory_space<hbm>>) dst(%arg8 : memref<10000xi32, #tpu.memory_space<vmem>>)
      %parallel_loop3A_59 = arith.constant 0 : i32
      %parallel_loop3A_60 = arith.constant 10000 : i32
      %parallel_loop3A_61 = arith.constant 16 : i32
      scf.for %parallel_loop3A_69 = %parallel_loop3A_59 to %parallel_loop3A_60 step %parallel_loop3A_61  : i32 {
        %parallel_loop3A_70 = arith.index_cast %parallel_loop3A_69 : i32 to index
        %parallel_loop3A_71 = tpu.vector_load %arg8[%parallel_loop3A_70] {strides = array<i32>} : memref<10000xi32, #tpu.memory_space<vmem>>, vector<16xi32>,
        %parallel_loop3A_72 = arith.constant 65535 : i32
        %parallel_loop3A_73 = vector.broadcast %parallel_loop3A_72 : i32 to vector<16xi32>
        %parallel_loop3A_74 = arith.andi %parallel_loop3A_71, %parallel_loop3A_73 : vector<16xi32>
        %parallel_loop3A_75 = arith.constant 16 : i32
        %parallel_loop3A_76 = vector.broadcast %parallel_loop3A_75 : i32 to vector<16xi32>
        %parallel_loop3A_77 = arith.shrui %parallel_loop3A_71, %parallel_loop3A_76 : vector<16xi32>
        %parallel_loop3A_78 = tpu.vector_load_idx %arg5[%parallel_loop3A_74] : memref<50000xf32, #tpu.memory_space<vmem>>[vector<16xi32>], vector<16xf32>,
        tpu.vector_store_idx %arg6[%parallel_loop3A_77], %parallel_loop3A_78 {add = true} : memref<50000xf32, #tpu.memory_space<vmem>>[vector<16xi32>], vector<16xf32>,
      } {sc.loop_unroll_factor = 16 : i64, sc.parallel_access}
      %add3A_62 = arith.constant 2 : i32
      %add3A_63 = arith.addi %add3A_54, %add3A_62 : i32
      %lt3A_64 = arith.constant 160 : i32
      %lt3A_65 = arith.cmpi slt, %add3A_63, %lt3A_64 : i32
      %convert_element_type3A_66 = arith.extui %lt3A_65 : i1 to i32
      %cond3A_67 = arith.constant 0 : i32
      %cond3A_68 = arith.cmpi ne, %convert_element_type3A_66, %cond3A_67 : i32
      scf.if %cond3A_68 {
        %add3A_69 = arith.constant 2 : i32
        %add3A_70 = arith.addi %add3A_54, %add3A_69 : i32
        %mul3A_71 = arith.constant 10000 : i32
        %mul3A_72 = arith.muli %add3A_70, %mul3A_71 : i32
        %dma_start3A_73 = tpu.memref_slice %arg3[%mul3A_72] : memref<1600000xi32, #tpu.memory_space<hbm>> -> memref<10000xi32, #tpu.memory_space<hbm>>
        %dma_start3A_74 = tpu.memref_slice %arg3[%mul3A_72] : memref<1600000xi32, #tpu.memory_space<hbm>> -> memref<10000xi32, #tpu.memory_space<hbm>>
        tpu.enqueue_dma source(%dma_start3A_74 : memref<10000xi32, #tpu.memory_space<hbm>>) target(%arg8 : memref<10000xi32, #tpu.memory_space<vmem>>) target_semaphore(%arg10 : memref<!tpu.dma_semaphore, #tpu.memory_space<semaphore_mem>>)
      } else {
      }
    }
    %scan3A_16 = arith.constant 80 : i32
    "tpu.region"() ({
      %run_scoped3A = tpu.sem_alloc : memref<!tpu.dma_semaphore, #tpu.memory_space<semaphore_mem>>
      %dma_start3A_36 = arith.constant 0 : i32
      %dma_start3A_37 = tpu.memref_slice %arg4[%add3A_2, %dma_start3A_36] : memref<64x50000xf32, #tpu.memory_space<hbm>> -> memref<1x50000xf32, #tpu.memory_space<hbm>>
      %dma_start3A_38 = tpu.memref_squeeze %dma_start3A_37 : memref<1x50000xf32, #tpu.memory_space<hbm>> -> memref<50000xf32, #tpu.memory_space<hbm>>
      %dma_start3A_39 = arith.constant 0 : i32
      %dma_start3A_40 = tpu.memref_slice %arg4[%add3A_2, %dma_start3A_39] : memref<64x50000xf32, #tpu.memory_space<hbm>> -> memref<1x50000xf32, #tpu.memory_space<hbm>>
      %dma_start3A_41 = tpu.memref_squeeze %dma_start3A_40 : memref<1x50000xf32, #tpu.memory_space<hbm>> -> memref<50000xf32, #tpu.memory_space<hbm>>
      tpu.enqueue_dma source(%arg6 : memref<50000xf32, #tpu.memory_space<vmem>>) target(%dma_start3A_41 : memref<50000xf32, #tpu.memory_space<hbm>>) target_semaphore(%run_scoped3A : memref<!tpu.dma_semaphore, #tpu.memory_space<semaphore_mem>>)
      %dma_wait3A = arith.constant 0 : i32
      %dma_wait3A_42 = tpu.memref_slice %arg4[%add3A_2, %dma_wait3A] : memref<64x50000xf32, #tpu.memory_space<hbm>> -> memref<1x50000xf32, #tpu.memory_space<hbm>>
      %dma_wait3A_43 = tpu.memref_squeeze %dma_wait3A_42 : memref<1x50000xf32, #tpu.memory_space<hbm>> -> memref<50000xf32, #tpu.memory_space<hbm>>
      %dma_wait3A_44 = arith.constant 0 : i32
      %dma_wait3A_45 = tpu.memref_slice %arg4[%add3A_2, %dma_wait3A_44] : memref<64x50000xf32, #tpu.memory_space<hbm>> -> memref<1x50000xf32, #tpu.memory_space<hbm>>
      %dma_wait3A_46 = tpu.memref_squeeze %dma_wait3A_45 : memref<1x50000xf32, #tpu.memory_space<hbm>> -> memref<50000xf32, #tpu.memory_space<hbm>>
      tpu.wait_dma2 semaphore(%run_scoped3A : memref<!tpu.dma_semaphore, #tpu.memory_space<semaphore_mem>>) src(%arg6 : memref<50000xf32, #tpu.memory_space<vmem>>) dst(%dma_wait3A_46 : memref<50000xf32, #tpu.memory_space<hbm>>)
      tpu.yield
    }) : () -> ()
    %add3A_17 = arith.constant 32 : i32
    %add3A_18 = arith.addi %add3A, %add3A_17 : i32
    "tpu.region"() ({
      %run_scoped3A = tpu.sem_alloc : memref<!tpu.dma_semaphore, #tpu.memory_space<semaphore_mem>>
      %dma_start3A_36 = arith.constant 0 : i32
      %dma_start3A_37 = tpu.memref_slice %arg2[%add3A_18, %dma_start3A_36] : memref<64x50000xf32, #tpu.memory_space<hbm>> -> memref<1x50000xf32, #tpu.memory_space<hbm>>
      %dma_start3A_38 = tpu.memref_squeeze %dma_start3A_37 : memref<1x50000xf32, #tpu.memory_space<hbm>> -> memref<50000xf32, #tpu.memory_space<hbm>>
      %dma_start3A_39 = arith.constant 0 : i32
      %dma_start3A_40 = tpu.memref_slice %arg2[%add3A_18, %dma_start3A_39] : memref<64x50000xf32, #tpu.memory_space<hbm>> -> memref<1x50000xf32, #tpu.memory_space<hbm>>
      %dma_start3A_41 = tpu.memref_squeeze %dma_start3A_40 : memref<1x50000xf32, #tpu.memory_space<hbm>> -> memref<50000xf32, #tpu.memory_space<hbm>>
      tpu.enqueue_dma source(%dma_start3A_41 : memref<50000xf32, #tpu.memory_space<hbm>>) target(%arg5 : memref<50000xf32, #tpu.memory_space<vmem>>) target_semaphore(%run_scoped3A : memref<!tpu.dma_semaphore, #tpu.memory_space<semaphore_mem>>)
      %dma_wait3A = arith.constant 0 : i32
      %dma_wait3A_42 = tpu.memref_slice %arg2[%add3A_18, %dma_wait3A] : memref<64x50000xf32, #tpu.memory_space<hbm>> -> memref<1x50000xf32, #tpu.memory_space<hbm>>
      %dma_wait3A_43 = tpu.memref_squeeze %dma_wait3A_42 : memref<1x50000xf32, #tpu.memory_space<hbm>> -> memref<50000xf32, #tpu.memory_space<hbm>>
      %dma_wait3A_44 = arith.constant 0 : i32
      %dma_wait3A_45 = tpu.memref_slice %arg2[%add3A_18, %dma_wait3A_44] : memref<64x50000xf32, #tpu.memory_space<hbm>> -> memref<1x50000xf32, #tpu.memory_space<hbm>>
      %dma_wait3A_46 = tpu.memref_squeeze %dma_wait3A_45 : memref<1x50000xf32, #tpu.memory_space<hbm>> -> memref<50000xf32, #tpu.memory_space<hbm>>
      tpu.wait_dma2 semaphore(%run_scoped3A : memref<!tpu.dma_semaphore, #tpu.memory_space<semaphore_mem>>) src(%dma_wait3A_46 : memref<50000xf32, #tpu.memory_space<hbm>>) dst(%arg5 : memref<50000xf32, #tpu.memory_space<vmem>>)
      tpu.yield
    }) : () -> ()
    %parallel_loop3A_19 = arith.constant 0 : i32
    %parallel_loop3A_20 = arith.constant 50000 : i32
    %parallel_loop3A_21 = arith.constant 16 : i32
    scf.for %parallel_loop3A_36 = %parallel_loop3A_19 to %parallel_loop3A_20 step %parallel_loop3A_21  : i32 {
      %parallel_loop3A_37 = arith.constant 0.000000e+00 : f32
      %parallel_loop3A_38 = vector.broadcast %parallel_loop3A_37 : f32 to vector<16xf32>
      %parallel_loop3A_39 = arith.index_cast %parallel_loop3A_36 : i32 to index
      %parallel_loop3A_40 = tpu.vector_load %arg6[%parallel_loop3A_39] {strides = array<i32>} : memref<50000xf32, #tpu.memory_space<vmem>>, vector<16xf32>,
      tpu.vector_store %arg6[%parallel_loop3A_39], %parallel_loop3A_38 {strides = array<i32>} : memref<50000xf32, #tpu.memory_space<vmem>>, vector<16xf32>,
    } {sc.loop_unroll_factor = 16 : i64, sc.parallel_access}
    %dma_start3A_22 = arith.constant 0 : i32
    %dma_start3A_23 = tpu.memref_slice %arg3[%dma_start3A_22] : memref<1600000xi32, #tpu.memory_space<hbm>> -> memref<10000xi32, #tpu.memory_space<hbm>>
    %dma_start3A_24 = arith.constant 0 : i32
    %dma_start3A_25 = tpu.memref_slice %arg3[%dma_start3A_24] : memref<1600000xi32, #tpu.memory_space<hbm>> -> memref<10000xi32, #tpu.memory_space<hbm>>
    tpu.enqueue_dma source(%dma_start3A_25 : memref<10000xi32, #tpu.memory_space<hbm>>) target(%arg7 : memref<10000xi32, #tpu.memory_space<vmem>>) target_semaphore(%arg9 : memref<!tpu.dma_semaphore, #tpu.memory_space<semaphore_mem>>)
    %dma_start3A_26 = arith.constant 10000 : i32
    %dma_start3A_27 = tpu.memref_slice %arg3[%dma_start3A_26] : memref<1600000xi32, #tpu.memory_space<hbm>> -> memref<10000xi32, #tpu.memory_space<hbm>>
    %dma_start3A_28 = arith.constant 10000 : i32
    %dma_start3A_29 = tpu.memref_slice %arg3[%dma_start3A_28] : memref<1600000xi32, #tpu.memory_space<hbm>> -> memref<10000xi32, #tpu.memory_space<hbm>>
    tpu.enqueue_dma source(%dma_start3A_29 : memref<10000xi32, #tpu.memory_space<hbm>>) target(%arg8 : memref<10000xi32, #tpu.memory_space<vmem>>) target_semaphore(%arg10 : memref<!tpu.dma_semaphore, #tpu.memory_space<semaphore_mem>>)
    %scan3A_30 = arith.constant 0 : i32
    %scan3A_31 = arith.constant 0 : i32
    %scan3A_32 = arith.constant 80 : i32
    %scan3A_33 = arith.addi %scan3A_31, %scan3A_32 : i32
    %scan3A_34 = arith.constant 1 : i32
    scf.for %scan3A_36 = %scan3A_31 to %scan3A_33 step %scan3A_34  : i32 {
      %mul3A_37 = arith.constant 2 : i32
      %mul3A_38 = arith.muli %mul3A_37, %scan3A_36 : i32
      %add3A_39 = arith.constant 0 : i32
      %add3A_40 = arith.addi %mul3A_38, %add3A_39 : i32
      %dma_wait3A = arith.constant 0 : i32
      %dma_wait3A_41 = tpu.memref_slice %arg3[%dma_wait3A] : memref<1600000xi32, #tpu.memory_space<hbm>> -> memref<10000xi32, #tpu.memory_space<hbm>>
      %dma_wait3A_42 = arith.constant 0 : i32
      %dma_wait3A_43 = tpu.memref_slice %arg3[%dma_wait3A_42] : memref<1600000xi32, #tpu.memory_space<hbm>> -> memref<10000xi32, #tpu.memory_space<hbm>>
      tpu.wait_dma2 semaphore(%arg9 : memref<!tpu.dma_semaphore, #tpu.memory_space<semaphore_mem>>) src(%dma_wait3A_43 : memref<10000xi32, #tpu.memory_space<hbm>>) dst(%arg7 : memref<10000xi32, #tpu.memory_space<vmem>>)
      %parallel_loop3A_44 = arith.constant 0 : i32
      %parallel_loop3A_45 = arith.constant 10000 : i32
      %parallel_loop3A_46 = arith.constant 16 : i32
      scf.for %parallel_loop3A_69 = %parallel_loop3A_44 to %parallel_loop3A_45 step %parallel_loop3A_46  : i32 {
        %parallel_loop3A_70 = arith.index_cast %parallel_loop3A_69 : i32 to index
        %parallel_loop3A_71 = tpu.vector_load %arg7[%parallel_loop3A_70] {strides = array<i32>} : memref<10000xi32, #tpu.memory_space<vmem>>, vector<16xi32>,
        %parallel_loop3A_72 = arith.constant 65535 : i32
        %parallel_loop3A_73 = vector.broadcast %parallel_loop3A_72 : i32 to vector<16xi32>
        %parallel_loop3A_74 = arith.andi %parallel_loop3A_71, %parallel_loop3A_73 : vector<16xi32>
        %parallel_loop3A_75 = arith.constant 16 : i32
        %parallel_loop3A_76 = vector.broadcast %parallel_loop3A_75 : i32 to vector<16xi32>
        %parallel_loop3A_77 = arith.shrui %parallel_loop3A_71, %parallel_loop3A_76 : vector<16xi32>
        %parallel_loop3A_78 = tpu.vector_load_idx %arg5[%parallel_loop3A_74] : memref<50000xf32, #tpu.memory_space<vmem>>[vector<16xi32>], vector<16xf32>,
        tpu.vector_store_idx %arg6[%parallel_loop3A_77], %parallel_loop3A_78 {add = true} : memref<50000xf32, #tpu.memory_space<vmem>>[vector<16xi32>], vector<16xf32>,
      } {sc.loop_unroll_factor = 16 : i64, sc.parallel_access}
      %add3A_47 = arith.constant 2 : i32
      %add3A_48 = arith.addi %add3A_40, %add3A_47 : i32
      %lt3A = arith.constant 160 : i32
      %lt3A_49 = arith.cmpi slt, %add3A_48, %lt3A : i32
      %convert_element_type3A = arith.extui %lt3A_49 : i1 to i32
      %cond3A = arith.constant 0 : i32
      %cond3A_50 = arith.cmpi ne, %convert_element_type3A, %cond3A : i32
      scf.if %cond3A_50 {
        %add3A_69 = arith.constant 2 : i32
        %add3A_70 = arith.addi %add3A_40, %add3A_69 : i32
        %mul3A_71 = arith.constant 10000 : i32
        %mul3A_72 = arith.muli %add3A_70, %mul3A_71 : i32
        %dma_start3A_73 = tpu.memref_slice %arg3[%mul3A_72] : memref<1600000xi32, #tpu.memory_space<hbm>> -> memref<10000xi32, #tpu.memory_space<hbm>>
        %dma_start3A_74 = tpu.memref_slice %arg3[%mul3A_72] : memref<1600000xi32, #tpu.memory_space<hbm>> -> memref<10000xi32, #tpu.memory_space<hbm>>
        tpu.enqueue_dma source(%dma_start3A_74 : memref<10000xi32, #tpu.memory_space<hbm>>) target(%arg7 : memref<10000xi32, #tpu.memory_space<vmem>>) target_semaphore(%arg9 : memref<!tpu.dma_semaphore, #tpu.memory_space<semaphore_mem>>)
      } else {
      }
      %mul3A_51 = arith.constant 2 : i32
      %mul3A_52 = arith.muli %mul3A_51, %scan3A_36 : i32
      %add3A_53 = arith.constant 1 : i32
      %add3A_54 = arith.addi %mul3A_52, %add3A_53 : i32
      %dma_wait3A_55 = arith.constant 0 : i32
      %dma_wait3A_56 = tpu.memref_slice %arg3[%dma_wait3A_55] : memref<1600000xi32, #tpu.memory_space<hbm>> -> memref<10000xi32, #tpu.memory_space<hbm>>
      %dma_wait3A_57 = arith.constant 0 : i32
      %dma_wait3A_58 = tpu.memref_slice %arg3[%dma_wait3A_57] : memref<1600000xi32, #tpu.memory_space<hbm>> -> memref<10000xi32, #tpu.memory_space<hbm>>
      tpu.wait_dma2 semaphore(%arg10 : memref<!tpu.dma_semaphore, #tpu.memory_space<semaphore_mem>>) src(%dma_wait3A_58 : memref<10000xi32, #tpu.memory_space<hbm>>) dst(%arg8 : memref<10000xi32, #tpu.memory_space<vmem>>)
      %parallel_loop3A_59 = arith.constant 0 : i32
      %parallel_loop3A_60 = arith.constant 10000 : i32
      %parallel_loop3A_61 = arith.constant 16 : i32
      scf.for %parallel_loop3A_69 = %parallel_loop3A_59 to %parallel_loop3A_60 step %parallel_loop3A_61  : i32 {
        %parallel_loop3A_70 = arith.index_cast %parallel_loop3A_69 : i32 to index
        %parallel_loop3A_71 = tpu.vector_load %arg8[%parallel_loop3A_70] {strides = array<i32>} : memref<10000xi32, #tpu.memory_space<vmem>>, vector<16xi32>,
        %parallel_loop3A_72 = arith.constant 65535 : i32
        %parallel_loop3A_73 = vector.broadcast %parallel_loop3A_72 : i32 to vector<16xi32>
        %parallel_loop3A_74 = arith.andi %parallel_loop3A_71, %parallel_loop3A_73 : vector<16xi32>
        %parallel_loop3A_75 = arith.constant 16 : i32
        %parallel_loop3A_76 = vector.broadcast %parallel_loop3A_75 : i32 to vector<16xi32>
        %parallel_loop3A_77 = arith.shrui %parallel_loop3A_71, %parallel_loop3A_76 : vector<16xi32>
        %parallel_loop3A_78 = tpu.vector_load_idx %arg5[%parallel_loop3A_74] : memref<50000xf32, #tpu.memory_space<vmem>>[vector<16xi32>], vector<16xf32>,
        tpu.vector_store_idx %arg6[%parallel_loop3A_77], %parallel_loop3A_78 {add = true} : memref<50000xf32, #tpu.memory_space<vmem>>[vector<16xi32>], vector<16xf32>,
      } {sc.loop_unroll_factor = 16 : i64, sc.parallel_access}
      %add3A_62 = arith.constant 2 : i32
      %add3A_63 = arith.addi %add3A_54, %add3A_62 : i32
      %lt3A_64 = arith.constant 160 : i32
      %lt3A_65 = arith.cmpi slt, %add3A_63, %lt3A_64 : i32
      %convert_element_type3A_66 = arith.extui %lt3A_65 : i1 to i32
      %cond3A_67 = arith.constant 0 : i32
      %cond3A_68 = arith.cmpi ne, %convert_element_type3A_66, %cond3A_67 : i32
      scf.if %cond3A_68 {
        %add3A_69 = arith.constant 2 : i32
        %add3A_70 = arith.addi %add3A_54, %add3A_69 : i32
        %mul3A_71 = arith.constant 10000 : i32
        %mul3A_72 = arith.muli %add3A_70, %mul3A_71 : i32
        %dma_start3A_73 = tpu.memref_slice %arg3[%mul3A_72] : memref<1600000xi32, #tpu.memory_space<hbm>> -> memref<10000xi32, #tpu.memory_space<hbm>>
        %dma_start3A_74 = tpu.memref_slice %arg3[%mul3A_72] : memref<1600000xi32, #tpu.memory_space<hbm>> -> memref<10000xi32, #tpu.memory_space<hbm>>
        tpu.enqueue_dma source(%dma_start3A_74 : memref<10000xi32, #tpu.memory_space<hbm>>) target(%arg8 : memref<10000xi32, #tpu.memory_space<vmem>>) target_semaphore(%arg10 : memref<!tpu.dma_semaphore, #tpu.memory_space<semaphore_mem>>)
      } else {
      }
    }
    %scan3A_35 = arith.constant 80 : i32
    "tpu.region"() ({
      %run_scoped3A = tpu.sem_alloc : memref<!tpu.dma_semaphore, #tpu.memory_space<semaphore_mem>>
      %dma_start3A_36 = arith.constant 0 : i32
      %dma_start3A_37 = tpu.memref_slice %arg4[%add3A_18, %dma_start3A_36] : memref<64x50000xf32, #tpu.memory_space<hbm>> -> memref<1x50000xf32, #tpu.memory_space<hbm>>
      %dma_start3A_38 = tpu.memref_squeeze %dma_start3A_37 : memref<1x50000xf32, #tpu.memory_space<hbm>> -> memref<50000xf32, #tpu.memory_space<hbm>>
      %dma_start3A_39 = arith.constant 0 : i32
      %dma_start3A_40 = tpu.memref_slice %arg4[%add3A_18, %dma_start3A_39] : memref<64x50000xf32, #tpu.memory_space<hbm>> -> memref<1x50000xf32, #tpu.memory_space<hbm>>
      %dma_start3A_41 = tpu.memref_squeeze %dma_start3A_40 : memref<1x50000xf32, #tpu.memory_space<hbm>> -> memref<50000xf32, #tpu.memory_space<hbm>>
      tpu.enqueue_dma source(%arg6 : memref<50000xf32, #tpu.memory_space<vmem>>) target(%dma_start3A_41 : memref<50000xf32, #tpu.memory_space<hbm>>) target_semaphore(%run_scoped3A : memref<!tpu.dma_semaphore, #tpu.memory_space<semaphore_mem>>)
      %dma_wait3A = arith.constant 0 : i32
      %dma_wait3A_42 = tpu.memref_slice %arg4[%add3A_18, %dma_wait3A] : memref<64x50000xf32, #tpu.memory_space<hbm>> -> memref<1x50000xf32, #tpu.memory_space<hbm>>
      %dma_wait3A_43 = tpu.memref_squeeze %dma_wait3A_42 : memref<1x50000xf32, #tpu.memory_space<hbm>> -> memref<50000xf32, #tpu.memory_space<hbm>>
      %dma_wait3A_44 = arith.constant 0 : i32
      %dma_wait3A_45 = tpu.memref_slice %arg4[%add3A_18, %dma_wait3A_44] : memref<64x50000xf32, #tpu.memory_space<hbm>> -> memref<1x50000xf32, #tpu.memory_space<hbm>>
      %dma_wait3A_46 = tpu.memref_squeeze %dma_wait3A_45 : memref<1x50000xf32, #tpu.memory_space<hbm>> -> memref<50000xf32, #tpu.memory_space<hbm>>
      tpu.wait_dma2 semaphore(%run_scoped3A : memref<!tpu.dma_semaphore, #tpu.memory_space<semaphore_mem>>) src(%arg6 : memref<50000xf32, #tpu.memory_space<vmem>>) dst(%dma_wait3A_46 : memref<50000xf32, #tpu.memory_space<hbm>>)
      tpu.yield
    }) : () -> ()
    return
  }
}

#map = affine_map<(d0, d1) -> (0, 0)>
#map1 = affine_map<(d0, d1) -> (0)>
module attributes {stable_mosaic.version = 14 : i64} {
  func.func @_pool_sc(%arg0: i32, %arg1: i32, %arg2: memref<64x50000xf32, #tpu.memory_space<hbm>>, %arg3: memref<50000xi32, #tpu.memory_space<hbm>>, %arg4: memref<64x16xf32, #tpu.memory_space<hbm>>, %arg5: memref<50000xf32, #tpu.memory_space<vmem>>, %arg6: memref<50000xi32, #tpu.memory_space<vmem>>, %arg7: memref<16xf32, #tpu.memory_space<vmem>>) attributes {dimension_semantics = [#tpu.dimension_semantics<core_parallel>, #tpu.dimension_semantics<subcore_parallel>], iteration_bounds = array<i64: 2, 16>, scalar_prefetch = 0 : i64, scratch_operands = 3 : i64, tpu.core_type = #tpu.core_type<sc_vector_subcore>, window_params = [{transform_indices = #map}, {transform_indices = #map1}, {transform_indices = #map}]} {
    %mul3A = arith.constant 2 : i32
    %mul3A_0 = arith.muli %arg1, %mul3A : i32
    %add3A = arith.addi %mul3A_0, %arg0 : i32
    "tpu.region"() ({
      %run_scoped3A = tpu.sem_alloc : memref<!tpu.dma_semaphore, #tpu.memory_space<semaphore_mem>>
      tpu.enqueue_dma source(%arg3 : memref<50000xi32, #tpu.memory_space<hbm>>) target(%arg6 : memref<50000xi32, #tpu.memory_space<vmem>>) target_semaphore(%run_scoped3A : memref<!tpu.dma_semaphore, #tpu.memory_space<semaphore_mem>>)
      tpu.wait_dma2 semaphore(%run_scoped3A : memref<!tpu.dma_semaphore, #tpu.memory_space<semaphore_mem>>) src(%arg3 : memref<50000xi32, #tpu.memory_space<hbm>>) dst(%arg6 : memref<50000xi32, #tpu.memory_space<vmem>>)
      tpu.yield
    }) : () -> ()
    %add3A_1 = arith.constant 0 : i32
    %add3A_2 = arith.addi %add3A, %add3A_1 : i32
    "tpu.region"() ({
      %run_scoped3A = tpu.sem_alloc : memref<!tpu.dma_semaphore, #tpu.memory_space<semaphore_mem>>
      %dma_start3A = arith.constant 0 : i32
      %dma_start3A_22 = tpu.memref_slice %arg2[%add3A_2, %dma_start3A] : memref<64x50000xf32, #tpu.memory_space<hbm>> -> memref<1x50000xf32, #tpu.memory_space<hbm>>
      %dma_start3A_23 = tpu.memref_squeeze %dma_start3A_22 : memref<1x50000xf32, #tpu.memory_space<hbm>> -> memref<50000xf32, #tpu.memory_space<hbm>>
      %dma_start3A_24 = arith.constant 0 : i32
      %dma_start3A_25 = tpu.memref_slice %arg2[%add3A_2, %dma_start3A_24] : memref<64x50000xf32, #tpu.memory_space<hbm>> -> memref<1x50000xf32, #tpu.memory_space<hbm>>
      %dma_start3A_26 = tpu.memref_squeeze %dma_start3A_25 : memref<1x50000xf32, #tpu.memory_space<hbm>> -> memref<50000xf32, #tpu.memory_space<hbm>>
      tpu.enqueue_dma source(%dma_start3A_26 : memref<50000xf32, #tpu.memory_space<hbm>>) target(%arg5 : memref<50000xf32, #tpu.memory_space<vmem>>) target_semaphore(%run_scoped3A : memref<!tpu.dma_semaphore, #tpu.memory_space<semaphore_mem>>)
      %dma_wait3A = arith.constant 0 : i32
      %dma_wait3A_27 = tpu.memref_slice %arg2[%add3A_2, %dma_wait3A] : memref<64x50000xf32, #tpu.memory_space<hbm>> -> memref<1x50000xf32, #tpu.memory_space<hbm>>
      %dma_wait3A_28 = tpu.memref_squeeze %dma_wait3A_27 : memref<1x50000xf32, #tpu.memory_space<hbm>> -> memref<50000xf32, #tpu.memory_space<hbm>>
      %dma_wait3A_29 = arith.constant 0 : i32
      %dma_wait3A_30 = tpu.memref_slice %arg2[%add3A_2, %dma_wait3A_29] : memref<64x50000xf32, #tpu.memory_space<hbm>> -> memref<1x50000xf32, #tpu.memory_space<hbm>>
      %dma_wait3A_31 = tpu.memref_squeeze %dma_wait3A_30 : memref<1x50000xf32, #tpu.memory_space<hbm>> -> memref<50000xf32, #tpu.memory_space<hbm>>
      tpu.wait_dma2 semaphore(%run_scoped3A : memref<!tpu.dma_semaphore, #tpu.memory_space<semaphore_mem>>) src(%dma_wait3A_31 : memref<50000xf32, #tpu.memory_space<hbm>>) dst(%arg5 : memref<50000xf32, #tpu.memory_space<vmem>>)
      tpu.yield
    }) : () -> ()
    %broadcast_in_dim3A = arith.constant 0.000000e+00 : f32
    %broadcast_in_dim3A_3 = vector.broadcast %broadcast_in_dim3A : f32 to vector<16xf32>
    %swap3A = arith.constant 0 : index
    %swap3A_4 = tpu.vector_load %arg7[%swap3A] {strides = array<i32>} : memref<16xf32, #tpu.memory_space<vmem>>, vector<16xf32>,
    tpu.vector_store %arg7[%swap3A], %broadcast_in_dim3A_3 {strides = array<i32>} : memref<16xf32, #tpu.memory_space<vmem>>, vector<16xf32>,
    %scan3A = arith.constant 0 : i32
    %scan3A_5 = arith.constant 0 : i32
    %scan3A_6 = arith.constant 625 : i32
    %scan3A_7 = arith.addi %scan3A_5, %scan3A_6 : i32
    %scan3A_8 = arith.constant 1 : i32
    scf.for %scan3A_22 = %scan3A_5 to %scan3A_7 step %scan3A_8  : i32 {
      %mul3A_23 = arith.constant 80 : i32
      %mul3A_24 = arith.muli %scan3A_22, %mul3A_23 : i32
      %add3A_25 = arith.constant 0 : i32
      %add3A_26 = arith.addi %mul3A_24, %add3A_25 : i32
      %get3A = arith.index_cast %add3A_26 : i32 to index
      %get3A_27 = tpu.vector_load %arg6[%get3A] {strides = array<i32>} : memref<50000xi32, #tpu.memory_space<vmem>>, vector<16xi32>,
      %get3A_28 = arith.index_cast %add3A_26 : i32 to index
      %get3A_29 = tpu.vector_load %arg5[%get3A_28] {strides = array<i32>} : memref<50000xf32, #tpu.memory_space<vmem>>, vector<16xf32>,
      tpu.vector_store_idx %arg7[%get3A_27], %get3A_29 {add = true} : memref<16xf32, #tpu.memory_space<vmem>>[vector<16xi32>], vector<16xf32>,
      %mul3A_30 = arith.constant 80 : i32
      %mul3A_31 = arith.muli %scan3A_22, %mul3A_30 : i32
      %add3A_32 = arith.constant 16 : i32
      %add3A_33 = arith.addi %mul3A_31, %add3A_32 : i32
      %get3A_34 = arith.index_cast %add3A_33 : i32 to index
      %get3A_35 = tpu.vector_load %arg6[%get3A_34] {strides = array<i32>} : memref<50000xi32, #tpu.memory_space<vmem>>, vector<16xi32>,
      %get3A_36 = arith.index_cast %add3A_33 : i32 to index
      %get3A_37 = tpu.vector_load %arg5[%get3A_36] {strides = array<i32>} : memref<50000xf32, #tpu.memory_space<vmem>>, vector<16xf32>,
      tpu.vector_store_idx %arg7[%get3A_35], %get3A_37 {add = true} : memref<16xf32, #tpu.memory_space<vmem>>[vector<16xi32>], vector<16xf32>,
      %mul3A_38 = arith.constant 80 : i32
      %mul3A_39 = arith.muli %scan3A_22, %mul3A_38 : i32
      %add3A_40 = arith.constant 32 : i32
      %add3A_41 = arith.addi %mul3A_39, %add3A_40 : i32
      %get3A_42 = arith.index_cast %add3A_41 : i32 to index
      %get3A_43 = tpu.vector_load %arg6[%get3A_42] {strides = array<i32>} : memref<50000xi32, #tpu.memory_space<vmem>>, vector<16xi32>,
      %get3A_44 = arith.index_cast %add3A_41 : i32 to index
      %get3A_45 = tpu.vector_load %arg5[%get3A_44] {strides = array<i32>} : memref<50000xf32, #tpu.memory_space<vmem>>, vector<16xf32>,
      tpu.vector_store_idx %arg7[%get3A_43], %get3A_45 {add = true} : memref<16xf32, #tpu.memory_space<vmem>>[vector<16xi32>], vector<16xf32>,
      %mul3A_46 = arith.constant 80 : i32
      %mul3A_47 = arith.muli %scan3A_22, %mul3A_46 : i32
      %add3A_48 = arith.constant 48 : i32
      %add3A_49 = arith.addi %mul3A_47, %add3A_48 : i32
      %get3A_50 = arith.index_cast %add3A_49 : i32 to index
      %get3A_51 = tpu.vector_load %arg6[%get3A_50] {strides = array<i32>} : memref<50000xi32, #tpu.memory_space<vmem>>, vector<16xi32>,
      %get3A_52 = arith.index_cast %add3A_49 : i32 to index
      %get3A_53 = tpu.vector_load %arg5[%get3A_52] {strides = array<i32>} : memref<50000xf32, #tpu.memory_space<vmem>>, vector<16xf32>,
      tpu.vector_store_idx %arg7[%get3A_51], %get3A_53 {add = true} : memref<16xf32, #tpu.memory_space<vmem>>[vector<16xi32>], vector<16xf32>,
      %mul3A_54 = arith.constant 80 : i32
      %mul3A_55 = arith.muli %scan3A_22, %mul3A_54 : i32
      %add3A_56 = arith.constant 64 : i32
      %add3A_57 = arith.addi %mul3A_55, %add3A_56 : i32
      %get3A_58 = arith.index_cast %add3A_57 : i32 to index
      %get3A_59 = tpu.vector_load %arg6[%get3A_58] {strides = array<i32>} : memref<50000xi32, #tpu.memory_space<vmem>>, vector<16xi32>,
      %get3A_60 = arith.index_cast %add3A_57 : i32 to index
      %get3A_61 = tpu.vector_load %arg5[%get3A_60] {strides = array<i32>} : memref<50000xf32, #tpu.memory_space<vmem>>, vector<16xf32>,
      tpu.vector_store_idx %arg7[%get3A_59], %get3A_61 {add = true} : memref<16xf32, #tpu.memory_space<vmem>>[vector<16xi32>], vector<16xf32>,
    }
    %scan3A_9 = arith.constant 625 : i32
    "tpu.region"() ({
      %run_scoped3A = tpu.sem_alloc : memref<!tpu.dma_semaphore, #tpu.memory_space<semaphore_mem>>
      %dma_start3A = arith.constant 0 : i32
      %dma_start3A_22 = tpu.memref_slice %arg4[%add3A_2, %dma_start3A] : memref<64x16xf32, #tpu.memory_space<hbm>> -> memref<1x16xf32, #tpu.memory_space<hbm>>
      %dma_start3A_23 = tpu.memref_squeeze %dma_start3A_22 : memref<1x16xf32, #tpu.memory_space<hbm>> -> memref<16xf32, #tpu.memory_space<hbm>>
      %dma_start3A_24 = arith.constant 0 : i32
      %dma_start3A_25 = tpu.memref_slice %arg4[%add3A_2, %dma_start3A_24] : memref<64x16xf32, #tpu.memory_space<hbm>> -> memref<1x16xf32, #tpu.memory_space<hbm>>
      %dma_start3A_26 = tpu.memref_squeeze %dma_start3A_25 : memref<1x16xf32, #tpu.memory_space<hbm>> -> memref<16xf32, #tpu.memory_space<hbm>>
      tpu.enqueue_dma source(%arg7 : memref<16xf32, #tpu.memory_space<vmem>>) target(%dma_start3A_26 : memref<16xf32, #tpu.memory_space<hbm>>) target_semaphore(%run_scoped3A : memref<!tpu.dma_semaphore, #tpu.memory_space<semaphore_mem>>)
      %dma_wait3A = arith.constant 0 : i32
      %dma_wait3A_27 = tpu.memref_slice %arg4[%add3A_2, %dma_wait3A] : memref<64x16xf32, #tpu.memory_space<hbm>> -> memref<1x16xf32, #tpu.memory_space<hbm>>
      %dma_wait3A_28 = tpu.memref_squeeze %dma_wait3A_27 : memref<1x16xf32, #tpu.memory_space<hbm>> -> memref<16xf32, #tpu.memory_space<hbm>>
      %dma_wait3A_29 = arith.constant 0 : i32
      %dma_wait3A_30 = tpu.memref_slice %arg4[%add3A_2, %dma_wait3A_29] : memref<64x16xf32, #tpu.memory_space<hbm>> -> memref<1x16xf32, #tpu.memory_space<hbm>>
      %dma_wait3A_31 = tpu.memref_squeeze %dma_wait3A_30 : memref<1x16xf32, #tpu.memory_space<hbm>> -> memref<16xf32, #tpu.memory_space<hbm>>
      tpu.wait_dma2 semaphore(%run_scoped3A : memref<!tpu.dma_semaphore, #tpu.memory_space<semaphore_mem>>) src(%arg7 : memref<16xf32, #tpu.memory_space<vmem>>) dst(%dma_wait3A_31 : memref<16xf32, #tpu.memory_space<hbm>>)
      tpu.yield
    }) : () -> ()
    %add3A_10 = arith.constant 32 : i32
    %add3A_11 = arith.addi %add3A, %add3A_10 : i32
    "tpu.region"() ({
      %run_scoped3A = tpu.sem_alloc : memref<!tpu.dma_semaphore, #tpu.memory_space<semaphore_mem>>
      %dma_start3A = arith.constant 0 : i32
      %dma_start3A_22 = tpu.memref_slice %arg2[%add3A_11, %dma_start3A] : memref<64x50000xf32, #tpu.memory_space<hbm>> -> memref<1x50000xf32, #tpu.memory_space<hbm>>
      %dma_start3A_23 = tpu.memref_squeeze %dma_start3A_22 : memref<1x50000xf32, #tpu.memory_space<hbm>> -> memref<50000xf32, #tpu.memory_space<hbm>>
      %dma_start3A_24 = arith.constant 0 : i32
      %dma_start3A_25 = tpu.memref_slice %arg2[%add3A_11, %dma_start3A_24] : memref<64x50000xf32, #tpu.memory_space<hbm>> -> memref<1x50000xf32, #tpu.memory_space<hbm>>
      %dma_start3A_26 = tpu.memref_squeeze %dma_start3A_25 : memref<1x50000xf32, #tpu.memory_space<hbm>> -> memref<50000xf32, #tpu.memory_space<hbm>>
      tpu.enqueue_dma source(%dma_start3A_26 : memref<50000xf32, #tpu.memory_space<hbm>>) target(%arg5 : memref<50000xf32, #tpu.memory_space<vmem>>) target_semaphore(%run_scoped3A : memref<!tpu.dma_semaphore, #tpu.memory_space<semaphore_mem>>)
      %dma_wait3A = arith.constant 0 : i32
      %dma_wait3A_27 = tpu.memref_slice %arg2[%add3A_11, %dma_wait3A] : memref<64x50000xf32, #tpu.memory_space<hbm>> -> memref<1x50000xf32, #tpu.memory_space<hbm>>
      %dma_wait3A_28 = tpu.memref_squeeze %dma_wait3A_27 : memref<1x50000xf32, #tpu.memory_space<hbm>> -> memref<50000xf32, #tpu.memory_space<hbm>>
      %dma_wait3A_29 = arith.constant 0 : i32
      %dma_wait3A_30 = tpu.memref_slice %arg2[%add3A_11, %dma_wait3A_29] : memref<64x50000xf32, #tpu.memory_space<hbm>> -> memref<1x50000xf32, #tpu.memory_space<hbm>>
      %dma_wait3A_31 = tpu.memref_squeeze %dma_wait3A_30 : memref<1x50000xf32, #tpu.memory_space<hbm>> -> memref<50000xf32, #tpu.memory_space<hbm>>
      tpu.wait_dma2 semaphore(%run_scoped3A : memref<!tpu.dma_semaphore, #tpu.memory_space<semaphore_mem>>) src(%dma_wait3A_31 : memref<50000xf32, #tpu.memory_space<hbm>>) dst(%arg5 : memref<50000xf32, #tpu.memory_space<vmem>>)
      tpu.yield
    }) : () -> ()
    %broadcast_in_dim3A_12 = arith.constant 0.000000e+00 : f32
    %broadcast_in_dim3A_13 = vector.broadcast %broadcast_in_dim3A_12 : f32 to vector<16xf32>
    %swap3A_14 = arith.constant 0 : index
    %swap3A_15 = tpu.vector_load %arg7[%swap3A_14] {strides = array<i32>} : memref<16xf32, #tpu.memory_space<vmem>>, vector<16xf32>,
    tpu.vector_store %arg7[%swap3A_14], %broadcast_in_dim3A_13 {strides = array<i32>} : memref<16xf32, #tpu.memory_space<vmem>>, vector<16xf32>,
    %scan3A_16 = arith.constant 0 : i32
    %scan3A_17 = arith.constant 0 : i32
    %scan3A_18 = arith.constant 625 : i32
    %scan3A_19 = arith.addi %scan3A_17, %scan3A_18 : i32
    %scan3A_20 = arith.constant 1 : i32
    scf.for %scan3A_22 = %scan3A_17 to %scan3A_19 step %scan3A_20  : i32 {
      %mul3A_23 = arith.constant 80 : i32
      %mul3A_24 = arith.muli %scan3A_22, %mul3A_23 : i32
      %add3A_25 = arith.constant 0 : i32
      %add3A_26 = arith.addi %mul3A_24, %add3A_25 : i32
      %get3A = arith.index_cast %add3A_26 : i32 to index
      %get3A_27 = tpu.vector_load %arg6[%get3A] {strides = array<i32>} : memref<50000xi32, #tpu.memory_space<vmem>>, vector<16xi32>,
      %get3A_28 = arith.index_cast %add3A_26 : i32 to index
      %get3A_29 = tpu.vector_load %arg5[%get3A_28] {strides = array<i32>} : memref<50000xf32, #tpu.memory_space<vmem>>, vector<16xf32>,
      tpu.vector_store_idx %arg7[%get3A_27], %get3A_29 {add = true} : memref<16xf32, #tpu.memory_space<vmem>>[vector<16xi32>], vector<16xf32>,
      %mul3A_30 = arith.constant 80 : i32
      %mul3A_31 = arith.muli %scan3A_22, %mul3A_30 : i32
      %add3A_32 = arith.constant 16 : i32
      %add3A_33 = arith.addi %mul3A_31, %add3A_32 : i32
      %get3A_34 = arith.index_cast %add3A_33 : i32 to index
      %get3A_35 = tpu.vector_load %arg6[%get3A_34] {strides = array<i32>} : memref<50000xi32, #tpu.memory_space<vmem>>, vector<16xi32>,
      %get3A_36 = arith.index_cast %add3A_33 : i32 to index
      %get3A_37 = tpu.vector_load %arg5[%get3A_36] {strides = array<i32>} : memref<50000xf32, #tpu.memory_space<vmem>>, vector<16xf32>,
      tpu.vector_store_idx %arg7[%get3A_35], %get3A_37 {add = true} : memref<16xf32, #tpu.memory_space<vmem>>[vector<16xi32>], vector<16xf32>,
      %mul3A_38 = arith.constant 80 : i32
      %mul3A_39 = arith.muli %scan3A_22, %mul3A_38 : i32
      %add3A_40 = arith.constant 32 : i32
      %add3A_41 = arith.addi %mul3A_39, %add3A_40 : i32
      %get3A_42 = arith.index_cast %add3A_41 : i32 to index
      %get3A_43 = tpu.vector_load %arg6[%get3A_42] {strides = array<i32>} : memref<50000xi32, #tpu.memory_space<vmem>>, vector<16xi32>,
      %get3A_44 = arith.index_cast %add3A_41 : i32 to index
      %get3A_45 = tpu.vector_load %arg5[%get3A_44] {strides = array<i32>} : memref<50000xf32, #tpu.memory_space<vmem>>, vector<16xf32>,
      tpu.vector_store_idx %arg7[%get3A_43], %get3A_45 {add = true} : memref<16xf32, #tpu.memory_space<vmem>>[vector<16xi32>], vector<16xf32>,
      %mul3A_46 = arith.constant 80 : i32
      %mul3A_47 = arith.muli %scan3A_22, %mul3A_46 : i32
      %add3A_48 = arith.constant 48 : i32
      %add3A_49 = arith.addi %mul3A_47, %add3A_48 : i32
      %get3A_50 = arith.index_cast %add3A_49 : i32 to index
      %get3A_51 = tpu.vector_load %arg6[%get3A_50] {strides = array<i32>} : memref<50000xi32, #tpu.memory_space<vmem>>, vector<16xi32>,
      %get3A_52 = arith.index_cast %add3A_49 : i32 to index
      %get3A_53 = tpu.vector_load %arg5[%get3A_52] {strides = array<i32>} : memref<50000xf32, #tpu.memory_space<vmem>>, vector<16xf32>,
      tpu.vector_store_idx %arg7[%get3A_51], %get3A_53 {add = true} : memref<16xf32, #tpu.memory_space<vmem>>[vector<16xi32>], vector<16xf32>,
      %mul3A_54 = arith.constant 80 : i32
      %mul3A_55 = arith.muli %scan3A_22, %mul3A_54 : i32
      %add3A_56 = arith.constant 64 : i32
      %add3A_57 = arith.addi %mul3A_55, %add3A_56 : i32
      %get3A_58 = arith.index_cast %add3A_57 : i32 to index
      %get3A_59 = tpu.vector_load %arg6[%get3A_58] {strides = array<i32>} : memref<50000xi32, #tpu.memory_space<vmem>>, vector<16xi32>,
      %get3A_60 = arith.index_cast %add3A_57 : i32 to index
      %get3A_61 = tpu.vector_load %arg5[%get3A_60] {strides = array<i32>} : memref<50000xf32, #tpu.memory_space<vmem>>, vector<16xf32>,
      tpu.vector_store_idx %arg7[%get3A_59], %get3A_61 {add = true} : memref<16xf32, #tpu.memory_space<vmem>>[vector<16xi32>], vector<16xf32>,
    }
    %scan3A_21 = arith.constant 625 : i32
    "tpu.region"() ({
      %run_scoped3A = tpu.sem_alloc : memref<!tpu.dma_semaphore, #tpu.memory_space<semaphore_mem>>
      %dma_start3A = arith.constant 0 : i32
      %dma_start3A_22 = tpu.memref_slice %arg4[%add3A_11, %dma_start3A] : memref<64x16xf32, #tpu.memory_space<hbm>> -> memref<1x16xf32, #tpu.memory_space<hbm>>
      %dma_start3A_23 = tpu.memref_squeeze %dma_start3A_22 : memref<1x16xf32, #tpu.memory_space<hbm>> -> memref<16xf32, #tpu.memory_space<hbm>>
      %dma_start3A_24 = arith.constant 0 : i32
      %dma_start3A_25 = tpu.memref_slice %arg4[%add3A_11, %dma_start3A_24] : memref<64x16xf32, #tpu.memory_space<hbm>> -> memref<1x16xf32, #tpu.memory_space<hbm>>
      %dma_start3A_26 = tpu.memref_squeeze %dma_start3A_25 : memref<1x16xf32, #tpu.memory_space<hbm>> -> memref<16xf32, #tpu.memory_space<hbm>>
      tpu.enqueue_dma source(%arg7 : memref<16xf32, #tpu.memory_space<vmem>>) target(%dma_start3A_26 : memref<16xf32, #tpu.memory_space<hbm>>) target_semaphore(%run_scoped3A : memref<!tpu.dma_semaphore, #tpu.memory_space<semaphore_mem>>)
      %dma_wait3A = arith.constant 0 : i32
      %dma_wait3A_27 = tpu.memref_slice %arg4[%add3A_11, %dma_wait3A] : memref<64x16xf32, #tpu.memory_space<hbm>> -> memref<1x16xf32, #tpu.memory_space<hbm>>
      %dma_wait3A_28 = tpu.memref_squeeze %dma_wait3A_27 : memref<1x16xf32, #tpu.memory_space<hbm>> -> memref<16xf32, #tpu.memory_space<hbm>>
      %dma_wait3A_29 = arith.constant 0 : i32
      %dma_wait3A_30 = tpu.memref_slice %arg4[%add3A_11, %dma_wait3A_29] : memref<64x16xf32, #tpu.memory_space<hbm>> -> memref<1x16xf32, #tpu.memory_space<hbm>>
      %dma_wait3A_31 = tpu.memref_squeeze %dma_wait3A_30 : memref<1x16xf32, #tpu.memory_space<hbm>> -> memref<16xf32, #tpu.memory_space<hbm>>
      tpu.wait_dma2 semaphore(%run_scoped3A : memref<!tpu.dma_semaphore, #tpu.memory_space<semaphore_mem>>) src(%arg7 : memref<16xf32, #tpu.memory_space<vmem>>) dst(%dma_wait3A_31 : memref<16xf32, #tpu.memory_space<hbm>>)
      tpu.yield
    }) : () -> ()
    return
  }
}

#map = affine_map<(d0, d1) -> (0, 0)>
#map1 = affine_map<(d0, d1) -> (0)>
module attributes {stable_mosaic.version = 14 : i64} {
  func.func @_seg_sum_T(%arg0: i32, %arg1: i32, %arg2: memref<64x50000xf32, #tpu.memory_space<hbm>>, %arg3: memref<1600000xi32, #tpu.memory_space<hbm>>, %arg4: memref<64x50000xf32, #tpu.memory_space<hbm>>, %arg5: memref<50000xf32, #tpu.memory_space<vmem>>, %arg6: memref<50000xf32, #tpu.memory_space<vmem>>, %arg7: memref<10000xi32, #tpu.memory_space<vmem>>, %arg8: memref<10000xi32, #tpu.memory_space<vmem>>, %arg9: memref<!tpu.dma_semaphore, #tpu.memory_space<semaphore_mem>>, %arg10: memref<!tpu.dma_semaphore, #tpu.memory_space<semaphore_mem>>) attributes {dimension_semantics = [#tpu.dimension_semantics<core_parallel>, #tpu.dimension_semantics<subcore_parallel>], iteration_bounds = array<i64: 2, 16>, scalar_prefetch = 0 : i64, scratch_operands = 6 : i64, tpu.core_type = #tpu.core_type<sc_vector_subcore>, window_params = [{transform_indices = #map}, {transform_indices = #map1}, {transform_indices = #map}]} {
    %mul3A = arith.constant 2 : i32
    %mul3A_0 = arith.muli %arg1, %mul3A : i32
    %add3A = arith.addi %mul3A_0, %arg0 : i32
    %add3A_1 = arith.constant 0 : i32
    %add3A_2 = arith.addi %add3A, %add3A_1 : i32
    "tpu.region"() ({
      %run_scoped3A = tpu.sem_alloc : memref<!tpu.dma_semaphore, #tpu.memory_space<semaphore_mem>>
      %dma_start3A_36 = arith.constant 0 : i32
      %dma_start3A_37 = tpu.memref_slice %arg2[%add3A_2, %dma_start3A_36] : memref<64x50000xf32, #tpu.memory_space<hbm>> -> memref<1x50000xf32, #tpu.memory_space<hbm>>
      %dma_start3A_38 = tpu.memref_squeeze %dma_start3A_37 : memref<1x50000xf32, #tpu.memory_space<hbm>> -> memref<50000xf32, #tpu.memory_space<hbm>>
      %dma_start3A_39 = arith.constant 0 : i32
      %dma_start3A_40 = tpu.memref_slice %arg2[%add3A_2, %dma_start3A_39] : memref<64x50000xf32, #tpu.memory_space<hbm>> -> memref<1x50000xf32, #tpu.memory_space<hbm>>
      %dma_start3A_41 = tpu.memref_squeeze %dma_start3A_40 : memref<1x50000xf32, #tpu.memory_space<hbm>> -> memref<50000xf32, #tpu.memory_space<hbm>>
      tpu.enqueue_dma source(%dma_start3A_41 : memref<50000xf32, #tpu.memory_space<hbm>>) target(%arg5 : memref<50000xf32, #tpu.memory_space<vmem>>) target_semaphore(%run_scoped3A : memref<!tpu.dma_semaphore, #tpu.memory_space<semaphore_mem>>)
      %dma_wait3A = arith.constant 0 : i32
      %dma_wait3A_42 = tpu.memref_slice %arg2[%add3A_2, %dma_wait3A] : memref<64x50000xf32, #tpu.memory_space<hbm>> -> memref<1x50000xf32, #tpu.memory_space<hbm>>
      %dma_wait3A_43 = tpu.memref_squeeze %dma_wait3A_42 : memref<1x50000xf32, #tpu.memory_space<hbm>> -> memref<50000xf32, #tpu.memory_space<hbm>>
      %dma_wait3A_44 = arith.constant 0 : i32
      %dma_wait3A_45 = tpu.memref_slice %arg2[%add3A_2, %dma_wait3A_44] : memref<64x50000xf32, #tpu.memory_space<hbm>> -> memref<1x50000xf32, #tpu.memory_space<hbm>>
      %dma_wait3A_46 = tpu.memref_squeeze %dma_wait3A_45 : memref<1x50000xf32, #tpu.memory_space<hbm>> -> memref<50000xf32, #tpu.memory_space<hbm>>
      tpu.wait_dma2 semaphore(%run_scoped3A : memref<!tpu.dma_semaphore, #tpu.memory_space<semaphore_mem>>) src(%dma_wait3A_46 : memref<50000xf32, #tpu.memory_space<hbm>>) dst(%arg5 : memref<50000xf32, #tpu.memory_space<vmem>>)
      tpu.yield
    }) : () -> ()
    %parallel_loop3A = arith.constant 0 : i32
    %parallel_loop3A_3 = arith.constant 50000 : i32
    %parallel_loop3A_4 = arith.constant 16 : i32
    scf.for %parallel_loop3A_36 = %parallel_loop3A to %parallel_loop3A_3 step %parallel_loop3A_4  : i32 {
      %parallel_loop3A_37 = arith.constant 0.000000e+00 : f32
      %parallel_loop3A_38 = vector.broadcast %parallel_loop3A_37 : f32 to vector<16xf32>
      %parallel_loop3A_39 = arith.index_cast %parallel_loop3A_36 : i32 to index
      %parallel_loop3A_40 = tpu.vector_load %arg6[%parallel_loop3A_39] {strides = array<i32>} : memref<50000xf32, #tpu.memory_space<vmem>>, vector<16xf32>,
      tpu.vector_store %arg6[%parallel_loop3A_39], %parallel_loop3A_38 {strides = array<i32>} : memref<50000xf32, #tpu.memory_space<vmem>>, vector<16xf32>,
    } {sc.loop_unroll_factor = 16 : i64, sc.parallel_access}
    %dma_start3A = arith.constant 0 : i32
    %dma_start3A_5 = tpu.memref_slice %arg3[%dma_start3A] : memref<1600000xi32, #tpu.memory_space<hbm>> -> memref<10000xi32, #tpu.memory_space<hbm>>
    %dma_start3A_6 = arith.constant 0 : i32
    %dma_start3A_7 = tpu.memref_slice %arg3[%dma_start3A_6] : memref<1600000xi32, #tpu.memory_space<hbm>> -> memref<10000xi32, #tpu.memory_space<hbm>>
    tpu.enqueue_dma source(%dma_start3A_7 : memref<10000xi32, #tpu.memory_space<hbm>>) target(%arg7 : memref<10000xi32, #tpu.memory_space<vmem>>) target_semaphore(%arg9 : memref<!tpu.dma_semaphore, #tpu.memory_space<semaphore_mem>>)
    %dma_start3A_8 = arith.constant 10000 : i32
    %dma_start3A_9 = tpu.memref_slice %arg3[%dma_start3A_8] : memref<1600000xi32, #tpu.memory_space<hbm>> -> memref<10000xi32, #tpu.memory_space<hbm>>
    %dma_start3A_10 = arith.constant 10000 : i32
    %dma_start3A_11 = tpu.memref_slice %arg3[%dma_start3A_10] : memref<1600000xi32, #tpu.memory_space<hbm>> -> memref<10000xi32, #tpu.memory_space<hbm>>
    tpu.enqueue_dma source(%dma_start3A_11 : memref<10000xi32, #tpu.memory_space<hbm>>) target(%arg8 : memref<10000xi32, #tpu.memory_space<vmem>>) target_semaphore(%arg10 : memref<!tpu.dma_semaphore, #tpu.memory_space<semaphore_mem>>)
    %scan3A = arith.constant 0 : i32
    %scan3A_12 = arith.constant 0 : i32
    %scan3A_13 = arith.constant 80 : i32
    %scan3A_14 = arith.addi %scan3A_12, %scan3A_13 : i32
    %scan3A_15 = arith.constant 1 : i32
    scf.for %scan3A_36 = %scan3A_12 to %scan3A_14 step %scan3A_15  : i32 {
      %mul3A_37 = arith.constant 2 : i32
      %mul3A_38 = arith.muli %mul3A_37, %scan3A_36 : i32
      %add3A_39 = arith.constant 0 : i32
      %add3A_40 = arith.addi %mul3A_38, %add3A_39 : i32
      %dma_wait3A = arith.constant 0 : i32
      %dma_wait3A_41 = tpu.memref_slice %arg3[%dma_wait3A] : memref<1600000xi32, #tpu.memory_space<hbm>> -> memref<10000xi32, #tpu.memory_space<hbm>>
      %dma_wait3A_42 = arith.constant 0 : i32
      %dma_wait3A_43 = tpu.memref_slice %arg3[%dma_wait3A_42] : memref<1600000xi32, #tpu.memory_space<hbm>> -> memref<10000xi32, #tpu.memory_space<hbm>>
      tpu.wait_dma2 semaphore(%arg9 : memref<!tpu.dma_semaphore, #tpu.memory_space<semaphore_mem>>) src(%dma_wait3A_43 : memref<10000xi32, #tpu.memory_space<hbm>>) dst(%arg7 : memref<10000xi32, #tpu.memory_space<vmem>>)
      %parallel_loop3A_44 = arith.constant 0 : i32
      %parallel_loop3A_45 = arith.constant 10000 : i32
      %parallel_loop3A_46 = arith.constant 16 : i32
      scf.for %parallel_loop3A_69 = %parallel_loop3A_44 to %parallel_loop3A_45 step %parallel_loop3A_46  : i32 {
        %parallel_loop3A_70 = arith.index_cast %parallel_loop3A_69 : i32 to index
        %parallel_loop3A_71 = tpu.vector_load %arg7[%parallel_loop3A_70] {strides = array<i32>} : memref<10000xi32, #tpu.memory_space<vmem>>, vector<16xi32>,
        %parallel_loop3A_72 = arith.constant 65535 : i32
        %parallel_loop3A_73 = vector.broadcast %parallel_loop3A_72 : i32 to vector<16xi32>
        %parallel_loop3A_74 = arith.andi %parallel_loop3A_71, %parallel_loop3A_73 : vector<16xi32>
        %parallel_loop3A_75 = arith.constant 16 : i32
        %parallel_loop3A_76 = vector.broadcast %parallel_loop3A_75 : i32 to vector<16xi32>
        %parallel_loop3A_77 = arith.shrui %parallel_loop3A_71, %parallel_loop3A_76 : vector<16xi32>
        %parallel_loop3A_78 = tpu.vector_load_idx %arg5[%parallel_loop3A_74] : memref<50000xf32, #tpu.memory_space<vmem>>[vector<16xi32>], vector<16xf32>,
        tpu.vector_store_idx %arg6[%parallel_loop3A_77], %parallel_loop3A_78 {add = true} : memref<50000xf32, #tpu.memory_space<vmem>>[vector<16xi32>], vector<16xf32>,
      } {sc.loop_unroll_factor = 16 : i64, sc.parallel_access}
      %add3A_47 = arith.constant 2 : i32
      %add3A_48 = arith.addi %add3A_40, %add3A_47 : i32
      %lt3A = arith.constant 160 : i32
      %lt3A_49 = arith.cmpi slt, %add3A_48, %lt3A : i32
      %convert_element_type3A = arith.extui %lt3A_49 : i1 to i32
      %cond3A = arith.constant 0 : i32
      %cond3A_50 = arith.cmpi ne, %convert_element_type3A, %cond3A : i32
      scf.if %cond3A_50 {
        %add3A_69 = arith.constant 2 : i32
        %add3A_70 = arith.addi %add3A_40, %add3A_69 : i32
        %mul3A_71 = arith.constant 10000 : i32
        %mul3A_72 = arith.muli %add3A_70, %mul3A_71 : i32
        %dma_start3A_73 = tpu.memref_slice %arg3[%mul3A_72] : memref<1600000xi32, #tpu.memory_space<hbm>> -> memref<10000xi32, #tpu.memory_space<hbm>>
        %dma_start3A_74 = tpu.memref_slice %arg3[%mul3A_72] : memref<1600000xi32, #tpu.memory_space<hbm>> -> memref<10000xi32, #tpu.memory_space<hbm>>
        tpu.enqueue_dma source(%dma_start3A_74 : memref<10000xi32, #tpu.memory_space<hbm>>) target(%arg7 : memref<10000xi32, #tpu.memory_space<vmem>>) target_semaphore(%arg9 : memref<!tpu.dma_semaphore, #tpu.memory_space<semaphore_mem>>)
      } else {
      }
      %mul3A_51 = arith.constant 2 : i32
      %mul3A_52 = arith.muli %mul3A_51, %scan3A_36 : i32
      %add3A_53 = arith.constant 1 : i32
      %add3A_54 = arith.addi %mul3A_52, %add3A_53 : i32
      %dma_wait3A_55 = arith.constant 0 : i32
      %dma_wait3A_56 = tpu.memref_slice %arg3[%dma_wait3A_55] : memref<1600000xi32, #tpu.memory_space<hbm>> -> memref<10000xi32, #tpu.memory_space<hbm>>
      %dma_wait3A_57 = arith.constant 0 : i32
      %dma_wait3A_58 = tpu.memref_slice %arg3[%dma_wait3A_57] : memref<1600000xi32, #tpu.memory_space<hbm>> -> memref<10000xi32, #tpu.memory_space<hbm>>
      tpu.wait_dma2 semaphore(%arg10 : memref<!tpu.dma_semaphore, #tpu.memory_space<semaphore_mem>>) src(%dma_wait3A_58 : memref<10000xi32, #tpu.memory_space<hbm>>) dst(%arg8 : memref<10000xi32, #tpu.memory_space<vmem>>)
      %parallel_loop3A_59 = arith.constant 0 : i32
      %parallel_loop3A_60 = arith.constant 10000 : i32
      %parallel_loop3A_61 = arith.constant 16 : i32
      scf.for %parallel_loop3A_69 = %parallel_loop3A_59 to %parallel_loop3A_60 step %parallel_loop3A_61  : i32 {
        %parallel_loop3A_70 = arith.index_cast %parallel_loop3A_69 : i32 to index
        %parallel_loop3A_71 = tpu.vector_load %arg8[%parallel_loop3A_70] {strides = array<i32>} : memref<10000xi32, #tpu.memory_space<vmem>>, vector<16xi32>,
        %parallel_loop3A_72 = arith.constant 65535 : i32
        %parallel_loop3A_73 = vector.broadcast %parallel_loop3A_72 : i32 to vector<16xi32>
        %parallel_loop3A_74 = arith.andi %parallel_loop3A_71, %parallel_loop3A_73 : vector<16xi32>
        %parallel_loop3A_75 = arith.constant 16 : i32
        %parallel_loop3A_76 = vector.broadcast %parallel_loop3A_75 : i32 to vector<16xi32>
        %parallel_loop3A_77 = arith.shrui %parallel_loop3A_71, %parallel_loop3A_76 : vector<16xi32>
        %parallel_loop3A_78 = tpu.vector_load_idx %arg5[%parallel_loop3A_74] : memref<50000xf32, #tpu.memory_space<vmem>>[vector<16xi32>], vector<16xf32>,
        tpu.vector_store_idx %arg6[%parallel_loop3A_77], %parallel_loop3A_78 {add = true} : memref<50000xf32, #tpu.memory_space<vmem>>[vector<16xi32>], vector<16xf32>,
      } {sc.loop_unroll_factor = 16 : i64, sc.parallel_access}
      %add3A_62 = arith.constant 2 : i32
      %add3A_63 = arith.addi %add3A_54, %add3A_62 : i32
      %lt3A_64 = arith.constant 160 : i32
      %lt3A_65 = arith.cmpi slt, %add3A_63, %lt3A_64 : i32
      %convert_element_type3A_66 = arith.extui %lt3A_65 : i1 to i32
      %cond3A_67 = arith.constant 0 : i32
      %cond3A_68 = arith.cmpi ne, %convert_element_type3A_66, %cond3A_67 : i32
      scf.if %cond3A_68 {
        %add3A_69 = arith.constant 2 : i32
        %add3A_70 = arith.addi %add3A_54, %add3A_69 : i32
        %mul3A_71 = arith.constant 10000 : i32
        %mul3A_72 = arith.muli %add3A_70, %mul3A_71 : i32
        %dma_start3A_73 = tpu.memref_slice %arg3[%mul3A_72] : memref<1600000xi32, #tpu.memory_space<hbm>> -> memref<10000xi32, #tpu.memory_space<hbm>>
        %dma_start3A_74 = tpu.memref_slice %arg3[%mul3A_72] : memref<1600000xi32, #tpu.memory_space<hbm>> -> memref<10000xi32, #tpu.memory_space<hbm>>
        tpu.enqueue_dma source(%dma_start3A_74 : memref<10000xi32, #tpu.memory_space<hbm>>) target(%arg8 : memref<10000xi32, #tpu.memory_space<vmem>>) target_semaphore(%arg10 : memref<!tpu.dma_semaphore, #tpu.memory_space<semaphore_mem>>)
      } else {
      }
    }
    %scan3A_16 = arith.constant 80 : i32
    "tpu.region"() ({
      %run_scoped3A = tpu.sem_alloc : memref<!tpu.dma_semaphore, #tpu.memory_space<semaphore_mem>>
      %dma_start3A_36 = arith.constant 0 : i32
      %dma_start3A_37 = tpu.memref_slice %arg4[%add3A_2, %dma_start3A_36] : memref<64x50000xf32, #tpu.memory_space<hbm>> -> memref<1x50000xf32, #tpu.memory_space<hbm>>
      %dma_start3A_38 = tpu.memref_squeeze %dma_start3A_37 : memref<1x50000xf32, #tpu.memory_space<hbm>> -> memref<50000xf32, #tpu.memory_space<hbm>>
      %dma_start3A_39 = arith.constant 0 : i32
      %dma_start3A_40 = tpu.memref_slice %arg4[%add3A_2, %dma_start3A_39] : memref<64x50000xf32, #tpu.memory_space<hbm>> -> memref<1x50000xf32, #tpu.memory_space<hbm>>
      %dma_start3A_41 = tpu.memref_squeeze %dma_start3A_40 : memref<1x50000xf32, #tpu.memory_space<hbm>> -> memref<50000xf32, #tpu.memory_space<hbm>>
      tpu.enqueue_dma source(%arg6 : memref<50000xf32, #tpu.memory_space<vmem>>) target(%dma_start3A_41 : memref<50000xf32, #tpu.memory_space<hbm>>) target_semaphore(%run_scoped3A : memref<!tpu.dma_semaphore, #tpu.memory_space<semaphore_mem>>)
      %dma_wait3A = arith.constant 0 : i32
      %dma_wait3A_42 = tpu.memref_slice %arg4[%add3A_2, %dma_wait3A] : memref<64x50000xf32, #tpu.memory_space<hbm>> -> memref<1x50000xf32, #tpu.memory_space<hbm>>
      %dma_wait3A_43 = tpu.memref_squeeze %dma_wait3A_42 : memref<1x50000xf32, #tpu.memory_space<hbm>> -> memref<50000xf32, #tpu.memory_space<hbm>>
      %dma_wait3A_44 = arith.constant 0 : i32
      %dma_wait3A_45 = tpu.memref_slice %arg4[%add3A_2, %dma_wait3A_44] : memref<64x50000xf32, #tpu.memory_space<hbm>> -> memref<1x50000xf32, #tpu.memory_space<hbm>>
      %dma_wait3A_46 = tpu.memref_squeeze %dma_wait3A_45 : memref<1x50000xf32, #tpu.memory_space<hbm>> -> memref<50000xf32, #tpu.memory_space<hbm>>
      tpu.wait_dma2 semaphore(%run_scoped3A : memref<!tpu.dma_semaphore, #tpu.memory_space<semaphore_mem>>) src(%arg6 : memref<50000xf32, #tpu.memory_space<vmem>>) dst(%dma_wait3A_46 : memref<50000xf32, #tpu.memory_space<hbm>>)
      tpu.yield
    }) : () -> ()
    %add3A_17 = arith.constant 32 : i32
    %add3A_18 = arith.addi %add3A, %add3A_17 : i32
    "tpu.region"() ({
      %run_scoped3A = tpu.sem_alloc : memref<!tpu.dma_semaphore, #tpu.memory_space<semaphore_mem>>
      %dma_start3A_36 = arith.constant 0 : i32
      %dma_start3A_37 = tpu.memref_slice %arg2[%add3A_18, %dma_start3A_36] : memref<64x50000xf32, #tpu.memory_space<hbm>> -> memref<1x50000xf32, #tpu.memory_space<hbm>>
      %dma_start3A_38 = tpu.memref_squeeze %dma_start3A_37 : memref<1x50000xf32, #tpu.memory_space<hbm>> -> memref<50000xf32, #tpu.memory_space<hbm>>
      %dma_start3A_39 = arith.constant 0 : i32
      %dma_start3A_40 = tpu.memref_slice %arg2[%add3A_18, %dma_start3A_39] : memref<64x50000xf32, #tpu.memory_space<hbm>> -> memref<1x50000xf32, #tpu.memory_space<hbm>>
      %dma_start3A_41 = tpu.memref_squeeze %dma_start3A_40 : memref<1x50000xf32, #tpu.memory_space<hbm>> -> memref<50000xf32, #tpu.memory_space<hbm>>
      tpu.enqueue_dma source(%dma_start3A_41 : memref<50000xf32, #tpu.memory_space<hbm>>) target(%arg5 : memref<50000xf32, #tpu.memory_space<vmem>>) target_semaphore(%run_scoped3A : memref<!tpu.dma_semaphore, #tpu.memory_space<semaphore_mem>>)
      %dma_wait3A = arith.constant 0 : i32
      %dma_wait3A_42 = tpu.memref_slice %arg2[%add3A_18, %dma_wait3A] : memref<64x50000xf32, #tpu.memory_space<hbm>> -> memref<1x50000xf32, #tpu.memory_space<hbm>>
      %dma_wait3A_43 = tpu.memref_squeeze %dma_wait3A_42 : memref<1x50000xf32, #tpu.memory_space<hbm>> -> memref<50000xf32, #tpu.memory_space<hbm>>
      %dma_wait3A_44 = arith.constant 0 : i32
      %dma_wait3A_45 = tpu.memref_slice %arg2[%add3A_18, %dma_wait3A_44] : memref<64x50000xf32, #tpu.memory_space<hbm>> -> memref<1x50000xf32, #tpu.memory_space<hbm>>
      %dma_wait3A_46 = tpu.memref_squeeze %dma_wait3A_45 : memref<1x50000xf32, #tpu.memory_space<hbm>> -> memref<50000xf32, #tpu.memory_space<hbm>>
      tpu.wait_dma2 semaphore(%run_scoped3A : memref<!tpu.dma_semaphore, #tpu.memory_space<semaphore_mem>>) src(%dma_wait3A_46 : memref<50000xf32, #tpu.memory_space<hbm>>) dst(%arg5 : memref<50000xf32, #tpu.memory_space<vmem>>)
      tpu.yield
    }) : () -> ()
    %parallel_loop3A_19 = arith.constant 0 : i32
    %parallel_loop3A_20 = arith.constant 50000 : i32
    %parallel_loop3A_21 = arith.constant 16 : i32
    scf.for %parallel_loop3A_36 = %parallel_loop3A_19 to %parallel_loop3A_20 step %parallel_loop3A_21  : i32 {
      %parallel_loop3A_37 = arith.constant 0.000000e+00 : f32
      %parallel_loop3A_38 = vector.broadcast %parallel_loop3A_37 : f32 to vector<16xf32>
      %parallel_loop3A_39 = arith.index_cast %parallel_loop3A_36 : i32 to index
      %parallel_loop3A_40 = tpu.vector_load %arg6[%parallel_loop3A_39] {strides = array<i32>} : memref<50000xf32, #tpu.memory_space<vmem>>, vector<16xf32>,
      tpu.vector_store %arg6[%parallel_loop3A_39], %parallel_loop3A_38 {strides = array<i32>} : memref<50000xf32, #tpu.memory_space<vmem>>, vector<16xf32>,
    } {sc.loop_unroll_factor = 16 : i64, sc.parallel_access}
    %dma_start3A_22 = arith.constant 0 : i32
    %dma_start3A_23 = tpu.memref_slice %arg3[%dma_start3A_22] : memref<1600000xi32, #tpu.memory_space<hbm>> -> memref<10000xi32, #tpu.memory_space<hbm>>
    %dma_start3A_24 = arith.constant 0 : i32
    %dma_start3A_25 = tpu.memref_slice %arg3[%dma_start3A_24] : memref<1600000xi32, #tpu.memory_space<hbm>> -> memref<10000xi32, #tpu.memory_space<hbm>>
    tpu.enqueue_dma source(%dma_start3A_25 : memref<10000xi32, #tpu.memory_space<hbm>>) target(%arg7 : memref<10000xi32, #tpu.memory_space<vmem>>) target_semaphore(%arg9 : memref<!tpu.dma_semaphore, #tpu.memory_space<semaphore_mem>>)
    %dma_start3A_26 = arith.constant 10000 : i32
    %dma_start3A_27 = tpu.memref_slice %arg3[%dma_start3A_26] : memref<1600000xi32, #tpu.memory_space<hbm>> -> memref<10000xi32, #tpu.memory_space<hbm>>
    %dma_start3A_28 = arith.constant 10000 : i32
    %dma_start3A_29 = tpu.memref_slice %arg3[%dma_start3A_28] : memref<1600000xi32, #tpu.memory_space<hbm>> -> memref<10000xi32, #tpu.memory_space<hbm>>
    tpu.enqueue_dma source(%dma_start3A_29 : memref<10000xi32, #tpu.memory_space<hbm>>) target(%arg8 : memref<10000xi32, #tpu.memory_space<vmem>>) target_semaphore(%arg10 : memref<!tpu.dma_semaphore, #tpu.memory_space<semaphore_mem>>)
    %scan3A_30 = arith.constant 0 : i32
    %scan3A_31 = arith.constant 0 : i32
    %scan3A_32 = arith.constant 80 : i32
    %scan3A_33 = arith.addi %scan3A_31, %scan3A_32 : i32
    %scan3A_34 = arith.constant 1 : i32
    scf.for %scan3A_36 = %scan3A_31 to %scan3A_33 step %scan3A_34  : i32 {
      %mul3A_37 = arith.constant 2 : i32
      %mul3A_38 = arith.muli %mul3A_37, %scan3A_36 : i32
      %add3A_39 = arith.constant 0 : i32
      %add3A_40 = arith.addi %mul3A_38, %add3A_39 : i32
      %dma_wait3A = arith.constant 0 : i32
      %dma_wait3A_41 = tpu.memref_slice %arg3[%dma_wait3A] : memref<1600000xi32, #tpu.memory_space<hbm>> -> memref<10000xi32, #tpu.memory_space<hbm>>
      %dma_wait3A_42 = arith.constant 0 : i32
      %dma_wait3A_43 = tpu.memref_slice %arg3[%dma_wait3A_42] : memref<1600000xi32, #tpu.memory_space<hbm>> -> memref<10000xi32, #tpu.memory_space<hbm>>
      tpu.wait_dma2 semaphore(%arg9 : memref<!tpu.dma_semaphore, #tpu.memory_space<semaphore_mem>>) src(%dma_wait3A_43 : memref<10000xi32, #tpu.memory_space<hbm>>) dst(%arg7 : memref<10000xi32, #tpu.memory_space<vmem>>)
      %parallel_loop3A_44 = arith.constant 0 : i32
      %parallel_loop3A_45 = arith.constant 10000 : i32
      %parallel_loop3A_46 = arith.constant 16 : i32
      scf.for %parallel_loop3A_69 = %parallel_loop3A_44 to %parallel_loop3A_45 step %parallel_loop3A_46  : i32 {
        %parallel_loop3A_70 = arith.index_cast %parallel_loop3A_69 : i32 to index
        %parallel_loop3A_71 = tpu.vector_load %arg7[%parallel_loop3A_70] {strides = array<i32>} : memref<10000xi32, #tpu.memory_space<vmem>>, vector<16xi32>,
        %parallel_loop3A_72 = arith.constant 65535 : i32
        %parallel_loop3A_73 = vector.broadcast %parallel_loop3A_72 : i32 to vector<16xi32>
        %parallel_loop3A_74 = arith.andi %parallel_loop3A_71, %parallel_loop3A_73 : vector<16xi32>
        %parallel_loop3A_75 = arith.constant 16 : i32
        %parallel_loop3A_76 = vector.broadcast %parallel_loop3A_75 : i32 to vector<16xi32>
        %parallel_loop3A_77 = arith.shrui %parallel_loop3A_71, %parallel_loop3A_76 : vector<16xi32>
        %parallel_loop3A_78 = tpu.vector_load_idx %arg5[%parallel_loop3A_74] : memref<50000xf32, #tpu.memory_space<vmem>>[vector<16xi32>], vector<16xf32>,
        tpu.vector_store_idx %arg6[%parallel_loop3A_77], %parallel_loop3A_78 {add = true} : memref<50000xf32, #tpu.memory_space<vmem>>[vector<16xi32>], vector<16xf32>,
      } {sc.loop_unroll_factor = 16 : i64, sc.parallel_access}
      %add3A_47 = arith.constant 2 : i32
      %add3A_48 = arith.addi %add3A_40, %add3A_47 : i32
      %lt3A = arith.constant 160 : i32
      %lt3A_49 = arith.cmpi slt, %add3A_48, %lt3A : i32
      %convert_element_type3A = arith.extui %lt3A_49 : i1 to i32
      %cond3A = arith.constant 0 : i32
      %cond3A_50 = arith.cmpi ne, %convert_element_type3A, %cond3A : i32
      scf.if %cond3A_50 {
        %add3A_69 = arith.constant 2 : i32
        %add3A_70 = arith.addi %add3A_40, %add3A_69 : i32
        %mul3A_71 = arith.constant 10000 : i32
        %mul3A_72 = arith.muli %add3A_70, %mul3A_71 : i32
        %dma_start3A_73 = tpu.memref_slice %arg3[%mul3A_72] : memref<1600000xi32, #tpu.memory_space<hbm>> -> memref<10000xi32, #tpu.memory_space<hbm>>
        %dma_start3A_74 = tpu.memref_slice %arg3[%mul3A_72] : memref<1600000xi32, #tpu.memory_space<hbm>> -> memref<10000xi32, #tpu.memory_space<hbm>>
        tpu.enqueue_dma source(%dma_start3A_74 : memref<10000xi32, #tpu.memory_space<hbm>>) target(%arg7 : memref<10000xi32, #tpu.memory_space<vmem>>) target_semaphore(%arg9 : memref<!tpu.dma_semaphore, #tpu.memory_space<semaphore_mem>>)
      } else {
      }
      %mul3A_51 = arith.constant 2 : i32
      %mul3A_52 = arith.muli %mul3A_51, %scan3A_36 : i32
      %add3A_53 = arith.constant 1 : i32
      %add3A_54 = arith.addi %mul3A_52, %add3A_53 : i32
      %dma_wait3A_55 = arith.constant 0 : i32
      %dma_wait3A_56 = tpu.memref_slice %arg3[%dma_wait3A_55] : memref<1600000xi32, #tpu.memory_space<hbm>> -> memref<10000xi32, #tpu.memory_space<hbm>>
      %dma_wait3A_57 = arith.constant 0 : i32
      %dma_wait3A_58 = tpu.memref_slice %arg3[%dma_wait3A_57] : memref<1600000xi32, #tpu.memory_space<hbm>> -> memref<10000xi32, #tpu.memory_space<hbm>>
      tpu.wait_dma2 semaphore(%arg10 : memref<!tpu.dma_semaphore, #tpu.memory_space<semaphore_mem>>) src(%dma_wait3A_58 : memref<10000xi32, #tpu.memory_space<hbm>>) dst(%arg8 : memref<10000xi32, #tpu.memory_space<vmem>>)
      %parallel_loop3A_59 = arith.constant 0 : i32
      %parallel_loop3A_60 = arith.constant 10000 : i32
      %parallel_loop3A_61 = arith.constant 16 : i32
      scf.for %parallel_loop3A_69 = %parallel_loop3A_59 to %parallel_loop3A_60 step %parallel_loop3A_61  : i32 {
        %parallel_loop3A_70 = arith.index_cast %parallel_loop3A_69 : i32 to index
        %parallel_loop3A_71 = tpu.vector_load %arg8[%parallel_loop3A_70] {strides = array<i32>} : memref<10000xi32, #tpu.memory_space<vmem>>, vector<16xi32>,
        %parallel_loop3A_72 = arith.constant 65535 : i32
        %parallel_loop3A_73 = vector.broadcast %parallel_loop3A_72 : i32 to vector<16xi32>
        %parallel_loop3A_74 = arith.andi %parallel_loop3A_71, %parallel_loop3A_73 : vector<16xi32>
        %parallel_loop3A_75 = arith.constant 16 : i32
        %parallel_loop3A_76 = vector.broadcast %parallel_loop3A_75 : i32 to vector<16xi32>
        %parallel_loop3A_77 = arith.shrui %parallel_loop3A_71, %parallel_loop3A_76 : vector<16xi32>
        %parallel_loop3A_78 = tpu.vector_load_idx %arg5[%parallel_loop3A_74] : memref<50000xf32, #tpu.memory_space<vmem>>[vector<16xi32>], vector<16xf32>,
        tpu.vector_store_idx %arg6[%parallel_loop3A_77], %parallel_loop3A_78 {add = true} : memref<50000xf32, #tpu.memory_space<vmem>>[vector<16xi32>], vector<16xf32>,
      } {sc.loop_unroll_factor = 16 : i64, sc.parallel_access}
      %add3A_62 = arith.constant 2 : i32
      %add3A_63 = arith.addi %add3A_54, %add3A_62 : i32
      %lt3A_64 = arith.constant 160 : i32
      %lt3A_65 = arith.cmpi slt, %add3A_63, %lt3A_64 : i32
      %convert_element_type3A_66 = arith.extui %lt3A_65 : i1 to i32
      %cond3A_67 = arith.constant 0 : i32
      %cond3A_68 = arith.cmpi ne, %convert_element_type3A_66, %cond3A_67 : i32
      scf.if %cond3A_68 {
        %add3A_69 = arith.constant 2 : i32
        %add3A_70 = arith.addi %add3A_54, %add3A_69 : i32
        %mul3A_71 = arith.constant 10000 : i32
        %mul3A_72 = arith.muli %add3A_70, %mul3A_71 : i32
        %dma_start3A_73 = tpu.memref_slice %arg3[%mul3A_72] : memref<1600000xi32, #tpu.memory_space<hbm>> -> memref<10000xi32, #tpu.memory_space<hbm>>
        %dma_start3A_74 = tpu.memref_slice %arg3[%mul3A_72] : memref<1600000xi32, #tpu.memory_space<hbm>> -> memref<10000xi32, #tpu.memory_space<hbm>>
        tpu.enqueue_dma source(%dma_start3A_74 : memref<10000xi32, #tpu.memory_space<hbm>>) target(%arg8 : memref<10000xi32, #tpu.memory_space<vmem>>) target_semaphore(%arg10 : memref<!tpu.dma_semaphore, #tpu.memory_space<semaphore_mem>>)
      } else {
      }
    }
    %scan3A_35 = arith.constant 80 : i32
    "tpu.region"() ({
      %run_scoped3A = tpu.sem_alloc : memref<!tpu.dma_semaphore, #tpu.memory_space<semaphore_mem>>
      %dma_start3A_36 = arith.constant 0 : i32
      %dma_start3A_37 = tpu.memref_slice %arg4[%add3A_18, %dma_start3A_36] : memref<64x50000xf32, #tpu.memory_space<hbm>> -> memref<1x50000xf32, #tpu.memory_space<hbm>>
      %dma_start3A_38 = tpu.memref_squeeze %dma_start3A_37 : memref<1x50000xf32, #tpu.memory_space<hbm>> -> memref<50000xf32, #tpu.memory_space<hbm>>
      %dma_start3A_39 = arith.constant 0 : i32
      %dma_start3A_40 = tpu.memref_slice %arg4[%add3A_18, %dma_start3A_39] : memref<64x50000xf32, #tpu.memory_space<hbm>> -> memref<1x50000xf32, #tpu.memory_space<hbm>>
      %dma_start3A_41 = tpu.memref_squeeze %dma_start3A_40 : memref<1x50000xf32, #tpu.memory_space<hbm>> -> memref<50000xf32, #tpu.memory_space<hbm>>
      tpu.enqueue_dma source(%arg6 : memref<50000xf32, #tpu.memory_space<vmem>>) target(%dma_start3A_41 : memref<50000xf32, #tpu.memory_space<hbm>>) target_semaphore(%run_scoped3A : memref<!tpu.dma_semaphore, #tpu.memory_space<semaphore_mem>>)
      %dma_wait3A = arith.constant 0 : i32
      %dma_wait3A_42 = tpu.memref_slice %arg4[%add3A_18, %dma_wait3A] : memref<64x50000xf32, #tpu.memory_space<hbm>> -> memref<1x50000xf32, #tpu.memory_space<hbm>>
      %dma_wait3A_43 = tpu.memref_squeeze %dma_wait3A_42 : memref<1x50000xf32, #tpu.memory_space<hbm>> -> memref<50000xf32, #tpu.memory_space<hbm>>
      %dma_wait3A_44 = arith.constant 0 : i32
      %dma_wait3A_45 = tpu.memref_slice %arg4[%add3A_18, %dma_wait3A_44] : memref<64x50000xf32, #tpu.memory_space<hbm>> -> memref<1x50000xf32, #tpu.memory_space<hbm>>
      %dma_wait3A_46 = tpu.memref_squeeze %dma_wait3A_45 : memref<1x50000xf32, #tpu.memory_space<hbm>> -> memref<50000xf32, #tpu.memory_space<hbm>>
      tpu.wait_dma2 semaphore(%run_scoped3A : memref<!tpu.dma_semaphore, #tpu.memory_space<semaphore_mem>>) src(%arg6 : memref<50000xf32, #tpu.memory_space<vmem>>) dst(%dma_wait3A_46 : memref<50000xf32, #tpu.memory_space<hbm>>)
      tpu.yield
    }) : () -> ()
    return
  }
}

module attributes {stable_mosaic.version = 14 : i64} {
  func.func @_pack_body(%arg0: i32, %arg1: memref<2x8192xi32, #tpu.memory_space<vmem>>, %arg2: memref<1x8192xi32, #tpu.memory_space<vmem>>) attributes {dimension_semantics = [#tpu.dimension_semantics<arbitrary>], iteration_bounds = array<i64: 196>, scalar_prefetch = 0 : i64, scratch_operands = 0 : i64, tpu.core_type = #tpu.core_type<tc>, window_params = [{transform_indices = @transform_0, window_bounds = array<i64: 2, 8192>}, {transform_indices = @transform_1, window_bounds = array<i64: 1, 8192>}]} {
    %get3A = arith.constant 0 : index
    %get3A_0 = arith.constant 0 : index
    %get3A_1 = vector.load %arg1[%get3A, %get3A_0] : memref<2x8192xi32, #tpu.memory_space<vmem>>, vector<1x8192xi32>
    %and3A = arith.constant 65535 : i32
    %and3A_2 = vector.broadcast %and3A : i32 to vector<1x8192xi32>
    %and3A_3 = arith.andi %get3A_1, %and3A_2 : vector<1x8192xi32>
    %get3A_4 = arith.constant 1 : index
    %get3A_5 = arith.constant 0 : index
    %get3A_6 = vector.load %arg1[%get3A_4, %get3A_5] : memref<2x8192xi32, #tpu.memory_space<vmem>>, vector<1x8192xi32>
    %shift_left3A = arith.constant 16 : i32
    %shift_left3A_7 = vector.broadcast %shift_left3A : i32 to vector<1x8192xi32>
    %shift_left3A_8 = arith.shli %get3A_6, %shift_left3A_7 : vector<1x8192xi32>
    %or3A = arith.ori %and3A_3, %shift_left3A_8 : vector<1x8192xi32>
    %swap3A = arith.constant 0 : index
    %swap3A_9 = arith.constant 0 : index
    %swap3A_10 = vector.load %arg2[%swap3A, %swap3A_9] : memref<1x8192xi32, #tpu.memory_space<vmem>>, vector<1x8192xi32>
    tpu.vector_store %arg2[%swap3A, %swap3A_9], %or3A {strides = array<i32>} : memref<1x8192xi32, #tpu.memory_space<vmem>>, vector<1x8192xi32>,
    return
  }
  func.func @transform_0(%arg0: i32) -> (i32, i32) {
    %c0_i32 = arith.constant 0 : i32
    %c0_i32_0 = arith.constant 0 : i32
    return %c0_i32, %arg0 : i32, i32
  }
  func.func @transform_1(%arg0: i32) -> (i32, i32) {
    %c0_i32 = arith.constant 0 : i32
    %c0_i32_0 = arith.constant 0 : i32
    return %c0_i32, %arg0 : i32, i32
  }
}

module attributes {stable_mosaic.version = 14 : i64} {
  func.func @_prelude_body(%arg0: i32, %arg1: memref<512x2xf32, #tpu.memory_space<vmem>>, %arg2: memref<2x64xf32, #tpu.memory_space<vmem>>, %arg3: memref<512x64xf32, #tpu.memory_space<vmem>>, %arg4: memref<64x512xf32, #tpu.memory_space<vmem>>) attributes {dimension_semantics = [#tpu.dimension_semantics<arbitrary>], iteration_bounds = array<i64: 98>, scalar_prefetch = 0 : i64, scratch_operands = 0 : i64, tpu.core_type = #tpu.core_type<tc>, window_params = [{transform_indices = @transform_0, window_bounds = array<i64: 512, 2>}, {pipeline_mode = #tpu.pipeline_mode<synchronous>, transform_indices = @transform_1, window_bounds = array<i64: 2, 64>}, {transform_indices = @transform_2, window_bounds = array<i64: 512, 64>}, {transform_indices = @transform_3, window_bounds = array<i64: 64, 512>}]} {
    %get3A = arith.constant 0 : index
    %get3A_0 = arith.constant 0 : index
    %get3A_1 = vector.load %arg1[%get3A, %get3A_0] : memref<512x2xf32, #tpu.memory_space<vmem>>, vector<512x2xf32>
    %get3A_2 = arith.constant 0 : index
    %get3A_3 = arith.constant 0 : index
    %get3A_4 = vector.load %arg2[%get3A_2, %get3A_3] : memref<2x64xf32, #tpu.memory_space<vmem>>, vector<2x64xf32>
    %dot_general3A = arith.constant dense<0.000000e+00> : vector<512x64xf32>
    %dot_general3A_5 = tpu.matmul %get3A_1, %get3A_4, %dot_general3A {dimension_numbers = #tpu.dot_dimension_numbers<[1], [0], [0], [1], [0, 0, 1, 1], [], []>, transpose_lhs_hint = false} : vector<512x2xf32>, vector<2x64xf32>, vector<512x64xf32> -> vector<512x64xf32>
    %swap3A = arith.constant 0 : index
    %swap3A_6 = arith.constant 0 : index
    %swap3A_7 = vector.load %arg3[%swap3A, %swap3A_6] : memref<512x64xf32, #tpu.memory_space<vmem>>, vector<512x64xf32>
    tpu.vector_store %arg3[%swap3A, %swap3A_6], %dot_general3A_5 {strides = array<i32>} : memref<512x64xf32, #tpu.memory_space<vmem>>, vector<512x64xf32>,
    %max3A = arith.constant 0.000000e+00 : f32
    %max3A_8 = vector.broadcast %max3A : f32 to vector<512x64xf32>
    %max3A_9 = arith.maximumf %dot_general3A_5, %max3A_8 : vector<512x64xf32>
    %transpose3A = tpu.transpose %max3A_9, [1, 0] : vector<512x64xf32> -> vector<64x512xf32>
    %swap3A_10 = arith.constant 0 : index
    %swap3A_11 = arith.constant 0 : index
    %swap3A_12 = vector.load %arg4[%swap3A_10, %swap3A_11] : memref<64x512xf32, #tpu.memory_space<vmem>>, vector<64x512xf32>
    tpu.vector_store %arg4[%swap3A_10, %swap3A_11], %transpose3A {strides = array<i32>} : memref<64x512xf32, #tpu.memory_space<vmem>>, vector<64x512xf32>,
    return
  }
  func.func @transform_0(%arg0: i32) -> (i32, i32) {
    %c0_i32 = arith.constant 0 : i32
    %c0_i32_0 = arith.constant 0 : i32
    return %arg0, %c0_i32 : i32, i32
  }
  func.func @transform_1(%arg0: i32) -> (i32, i32) {
    %c0_i32 = arith.constant 0 : i32
    %c0_i32_0 = arith.constant 0 : i32
    %c0_i32_1 = arith.constant 0 : i32
    return %c0_i32, %c0_i32_0 : i32, i32
  }
  func.func @transform_2(%arg0: i32) -> (i32, i32) {
    %c0_i32 = arith.constant 0 : i32
    %c0_i32_0 = arith.constant 0 : i32
    return %arg0, %c0_i32 : i32, i32
  }
  func.func @transform_3(%arg0: i32) -> (i32, i32) {
    %c0_i32 = arith.constant 0 : i32
    %c0_i32_0 = arith.constant 0 : i32
    return %c0_i32, %arg0 : i32, i32
  }
}

module attributes {stable_mosaic.version = 14 : i64} {
  func.func @_level_body(%arg0: i32, %arg1: memref<64x512xf32, #tpu.memory_space<vmem>>, %arg2: memref<64x64xf32, #tpu.memory_space<vmem>>, %arg3: memref<512x64xf32, #tpu.memory_space<vmem>>, %arg4: memref<64x512xf32, #tpu.memory_space<vmem>>) attributes {dimension_semantics = [#tpu.dimension_semantics<arbitrary>], iteration_bounds = array<i64: 98>, scalar_prefetch = 0 : i64, scratch_operands = 0 : i64, tpu.core_type = #tpu.core_type<tc>, window_params = [{transform_indices = @transform_0, window_bounds = array<i64: 64, 512>}, {pipeline_mode = #tpu.pipeline_mode<synchronous>, transform_indices = @transform_1, window_bounds = array<i64: 64, 64>}, {transform_indices = @transform_2, window_bounds = array<i64: 512, 64>}, {transform_indices = @transform_3, window_bounds = array<i64: 64, 512>}]} {
    %get3A = arith.constant 0 : index
    %get3A_0 = arith.constant 0 : index
    %get3A_1 = vector.load %arg1[%get3A, %get3A_0] : memref<64x512xf32, #tpu.memory_space<vmem>>, vector<64x512xf32>
    %transpose3A = tpu.transpose %get3A_1, [1, 0] : vector<64x512xf32> -> vector<512x64xf32>
    %get3A_2 = arith.constant 0 : index
    %get3A_3 = arith.constant 0 : index
    %get3A_4 = vector.load %arg2[%get3A_2, %get3A_3] : memref<64x64xf32, #tpu.memory_space<vmem>>, vector<64x64xf32>
    %dot_general3A = arith.constant dense<0.000000e+00> : vector<512x64xf32>
    %dot_general3A_5 = tpu.matmul %transpose3A, %get3A_4, %dot_general3A {dimension_numbers = #tpu.dot_dimension_numbers<[1], [0], [0], [1], [0, 0, 1, 1], [], []>, transpose_lhs_hint = false} : vector<512x64xf32>, vector<64x64xf32>, vector<512x64xf32> -> vector<512x64xf32>
    %get3A_6 = arith.constant 0 : index
    %get3A_7 = arith.constant 0 : index
    %get3A_8 = vector.load %arg3[%get3A_6, %get3A_7] : memref<512x64xf32, #tpu.memory_space<vmem>>, vector<512x64xf32>
    %add3A = arith.addf %dot_general3A_5, %get3A_8 : vector<512x64xf32>
    %max3A = arith.constant 0.000000e+00 : f32
    %max3A_9 = vector.broadcast %max3A : f32 to vector<512x64xf32>
    %max3A_10 = arith.maximumf %add3A, %max3A_9 : vector<512x64xf32>
    %transpose3A_11 = tpu.transpose %max3A_10, [1, 0] : vector<512x64xf32> -> vector<64x512xf32>
    %swap3A = arith.constant 0 : index
    %swap3A_12 = arith.constant 0 : index
    %swap3A_13 = vector.load %arg4[%swap3A, %swap3A_12] : memref<64x512xf32, #tpu.memory_space<vmem>>, vector<64x512xf32>
    tpu.vector_store %arg4[%swap3A, %swap3A_12], %transpose3A_11 {strides = array<i32>} : memref<64x512xf32, #tpu.memory_space<vmem>>, vector<64x512xf32>,
    return
  }
  func.func @transform_0(%arg0: i32) -> (i32, i32) {
    %c0_i32 = arith.constant 0 : i32
    %c0_i32_0 = arith.constant 0 : i32
    return %c0_i32, %arg0 : i32, i32
  }
  func.func @transform_1(%arg0: i32) -> (i32, i32) {
    %c0_i32 = arith.constant 0 : i32
    %c0_i32_0 = arith.constant 0 : i32
    %c0_i32_1 = arith.constant 0 : i32
    return %c0_i32, %c0_i32_0 : i32, i32
  }
  func.func @transform_2(%arg0: i32) -> (i32, i32) {
    %c0_i32 = arith.constant 0 : i32
    %c0_i32_0 = arith.constant 0 : i32
    return %arg0, %c0_i32 : i32, i32
  }
  func.func @transform_3(%arg0: i32) -> (i32, i32) {
    %c0_i32 = arith.constant 0 : i32
    %c0_i32_0 = arith.constant 0 : i32
    return %c0_i32, %arg0 : i32, i32
  }
}

module attributes {stable_mosaic.version = 14 : i64} {
  func.func @_head_body(%arg0: i32, %arg1: memref<64x512xf32, #tpu.memory_space<vmem>>, %arg2: memref<64x128xf32, #tpu.memory_space<vmem>>, %arg3: memref<1x128xf32, #tpu.memory_space<vmem>>, %arg4: memref<128x1xf32, #tpu.memory_space<vmem>>, %arg5: memref<1x1xf32, #tpu.memory_space<vmem>>, %arg6: memref<512x1xf32, #tpu.memory_space<vmem>>) attributes {dimension_semantics = [#tpu.dimension_semantics<arbitrary>], iteration_bounds = array<i64: 98>, scalar_prefetch = 0 : i64, scratch_operands = 0 : i64, tpu.core_type = #tpu.core_type<tc>, window_params = [{transform_indices = @transform_0, window_bounds = array<i64: 64, 512>}, {pipeline_mode = #tpu.pipeline_mode<synchronous>, transform_indices = @transform_1, window_bounds = array<i64: 64, 128>}, {pipeline_mode = #tpu.pipeline_mode<synchronous>, transform_indices = @transform_2, window_bounds = array<i64: 1, 128>}, {pipeline_mode = #tpu.pipeline_mode<synchronous>, transform_indices = @transform_3, window_bounds = array<i64: 128, 1>}, {pipeline_mode = #tpu.pipeline_mode<synchronous>, transform_indices = @transform_4, window_bounds = array<i64: 1, 1>}, {transform_indices = @transform_5, window_bounds = array<i64: 512, 1>}]} {
    %get3A = arith.constant 0 : index
    %get3A_0 = arith.constant 0 : index
    %get3A_1 = vector.load %arg1[%get3A, %get3A_0] : memref<64x512xf32, #tpu.memory_space<vmem>>, vector<64x512xf32>
    %transpose3A = tpu.transpose %get3A_1, [1, 0] : vector<64x512xf32> -> vector<512x64xf32>
    %get3A_2 = arith.constant 0 : index
    %get3A_3 = arith.constant 0 : index
    %get3A_4 = vector.load %arg2[%get3A_2, %get3A_3] : memref<64x128xf32, #tpu.memory_space<vmem>>, vector<64x128xf32>
    %dot_general3A = arith.constant dense<0.000000e+00> : vector<512x128xf32>
    %dot_general3A_5 = tpu.matmul %transpose3A, %get3A_4, %dot_general3A {dimension_numbers = #tpu.dot_dimension_numbers<[1], [0], [0], [1], [0, 0, 1, 1], [], []>, transpose_lhs_hint = false} : vector<512x64xf32>, vector<64x128xf32>, vector<512x128xf32> -> vector<512x128xf32>
    %get3A_6 = arith.constant 0 : index
    %get3A_7 = arith.constant 0 : index
    %get3A_8 = vector.load %arg3[%get3A_6, %get3A_7] : memref<1x128xf32, #tpu.memory_space<vmem>>, vector<1x128xf32>
    %add3A = vector.broadcast %get3A_8 : vector<1x128xf32> to vector<512x128xf32>
    %add3A_9 = arith.addf %dot_general3A_5, %add3A : vector<512x128xf32>
    %max3A = arith.constant 0.000000e+00 : f32
    %max3A_10 = vector.broadcast %max3A : f32 to vector<512x128xf32>
    %max3A_11 = arith.maximumf %add3A_9, %max3A_10 : vector<512x128xf32>
    %get3A_12 = arith.constant 0 : index
    %get3A_13 = arith.constant 0 : index
    %get3A_14 = vector.load %arg4[%get3A_12, %get3A_13] : memref<128x1xf32, #tpu.memory_space<vmem>>, vector<128x1xf32>
    %dot_general3A_15 = arith.constant dense<0.000000e+00> : vector<512x1xf32>
    %dot_general3A_16 = tpu.matmul %max3A_11, %get3A_14, %dot_general3A_15 {dimension_numbers = #tpu.dot_dimension_numbers<[1], [0], [0], [1], [0, 0, 1, 1], [], []>, transpose_lhs_hint = false} : vector<512x128xf32>, vector<128x1xf32>, vector<512x1xf32> -> vector<512x1xf32>
    %get3A_17 = arith.constant 0 : index
    %get3A_18 = arith.constant 0 : index
    %get3A_19 = vector.load %arg5[%get3A_17, %get3A_18] : memref<1x1xf32, #tpu.memory_space<vmem>>, vector<1x1xf32>
    %add3A_20 = vector.broadcast %get3A_19 : vector<1x1xf32> to vector<512x1xf32>
    %add3A_21 = arith.addf %dot_general3A_16, %add3A_20 : vector<512x1xf32>
    %swap3A = arith.constant 0 : index
    %swap3A_22 = arith.constant 0 : index
    %swap3A_23 = vector.load %arg6[%swap3A, %swap3A_22] : memref<512x1xf32, #tpu.memory_space<vmem>>, vector<512x1xf32>
    tpu.vector_store %arg6[%swap3A, %swap3A_22], %add3A_21 {strides = array<i32>} : memref<512x1xf32, #tpu.memory_space<vmem>>, vector<512x1xf32>,
    return
  }
  func.func @transform_0(%arg0: i32) -> (i32, i32) {
    %c0_i32 = arith.constant 0 : i32
    %c0_i32_0 = arith.constant 0 : i32
    return %c0_i32, %arg0 : i32, i32
  }
  func.func @transform_1(%arg0: i32) -> (i32, i32) {
    %c0_i32 = arith.constant 0 : i32
    %c0_i32_0 = arith.constant 0 : i32
    %c0_i32_1 = arith.constant 0 : i32
    return %c0_i32, %c0_i32_0 : i32, i32
  }
  func.func @transform_2(%arg0: i32) -> (i32, i32) {
    %c0_i32 = arith.constant 0 : i32
    %c0_i32_0 = arith.constant 0 : i32
    %c0_i32_1 = arith.constant 0 : i32
    return %c0_i32, %c0_i32_0 : i32, i32
  }
  func.func @transform_3(%arg0: i32) -> (i32, i32) {
    %c0_i32 = arith.constant 0 : i32
    %c0_i32_0 = arith.constant 0 : i32
    %c0_i32_1 = arith.constant 0 : i32
    return %c0_i32, %c0_i32_0 : i32, i32
  }
  func.func @transform_4(%arg0: i32) -> (i32, i32) {
    %c0_i32 = arith.constant 0 : i32
    %c0_i32_0 = arith.constant 0 : i32
    %c0_i32_1 = arith.constant 0 : i32
    return %c0_i32, %c0_i32_0 : i32, i32
  }
  func.func @transform_5(%arg0: i32) -> (i32, i32) {
    %c0_i32 = arith.constant 0 : i32
    %c0_i32_0 = arith.constant 0 : i32
    return %arg0, %c0_i32 : i32, i32
  }
}

module attributes {stable_mosaic.version = 14 : i64} {
  func.func @_head_body(%arg0: i32, %arg1: memref<64x16xf32, #tpu.memory_space<vmem>>, %arg2: memref<64x128xf32, #tpu.memory_space<vmem>>, %arg3: memref<1x128xf32, #tpu.memory_space<vmem>>, %arg4: memref<128x1xf32, #tpu.memory_space<vmem>>, %arg5: memref<1x1xf32, #tpu.memory_space<vmem>>, %arg6: memref<16x1xf32, #tpu.memory_space<vmem>>) attributes {dimension_semantics = [#tpu.dimension_semantics<arbitrary>], iteration_bounds = array<i64: 1>, scalar_prefetch = 0 : i64, scratch_operands = 0 : i64, tpu.core_type = #tpu.core_type<tc>, window_params = [{transform_indices = @transform_0, window_bounds = array<i64: 64, 16>}, {pipeline_mode = #tpu.pipeline_mode<synchronous>, transform_indices = @transform_1, window_bounds = array<i64: 64, 128>}, {pipeline_mode = #tpu.pipeline_mode<synchronous>, transform_indices = @transform_2, window_bounds = array<i64: 1, 128>}, {pipeline_mode = #tpu.pipeline_mode<synchronous>, transform_indices = @transform_3, window_bounds = array<i64: 128, 1>}, {pipeline_mode = #tpu.pipeline_mode<synchronous>, transform_indices = @transform_4, window_bounds = array<i64: 1, 1>}, {transform_indices = @transform_5, window_bounds = array<i64: 16, 1>}]} {
    %get3A = arith.constant 0 : index
    %get3A_0 = arith.constant 0 : index
    %get3A_1 = vector.load %arg1[%get3A, %get3A_0] : memref<64x16xf32, #tpu.memory_space<vmem>>, vector<64x16xf32>
    %transpose3A = tpu.transpose %get3A_1, [1, 0] : vector<64x16xf32> -> vector<16x64xf32>
    %get3A_2 = arith.constant 0 : index
    %get3A_3 = arith.constant 0 : index
    %get3A_4 = vector.load %arg2[%get3A_2, %get3A_3] : memref<64x128xf32, #tpu.memory_space<vmem>>, vector<64x128xf32>
    %dot_general3A = arith.constant dense<0.000000e+00> : vector<16x128xf32>
    %dot_general3A_5 = tpu.matmul %transpose3A, %get3A_4, %dot_general3A {dimension_numbers = #tpu.dot_dimension_numbers<[1], [0], [0], [1], [0, 0, 1, 1], [], []>, transpose_lhs_hint = false} : vector<16x64xf32>, vector<64x128xf32>, vector<16x128xf32> -> vector<16x128xf32>
    %get3A_6 = arith.constant 0 : index
    %get3A_7 = arith.constant 0 : index
    %get3A_8 = vector.load %arg3[%get3A_6, %get3A_7] : memref<1x128xf32, #tpu.memory_space<vmem>>, vector<1x128xf32>
    %add3A = vector.broadcast %get3A_8 : vector<1x128xf32> to vector<16x128xf32>
    %add3A_9 = arith.addf %dot_general3A_5, %add3A : vector<16x128xf32>
    %max3A = arith.constant 0.000000e+00 : f32
    %max3A_10 = vector.broadcast %max3A : f32 to vector<16x128xf32>
    %max3A_11 = arith.maximumf %add3A_9, %max3A_10 : vector<16x128xf32>
    %get3A_12 = arith.constant 0 : index
    %get3A_13 = arith.constant 0 : index
    %get3A_14 = vector.load %arg4[%get3A_12, %get3A_13] : memref<128x1xf32, #tpu.memory_space<vmem>>, vector<128x1xf32>
    %dot_general3A_15 = arith.constant dense<0.000000e+00> : vector<16x1xf32>
    %dot_general3A_16 = tpu.matmul %max3A_11, %get3A_14, %dot_general3A_15 {dimension_numbers = #tpu.dot_dimension_numbers<[1], [0], [0], [1], [0, 0, 1, 1], [], []>, transpose_lhs_hint = false} : vector<16x128xf32>, vector<128x1xf32>, vector<16x1xf32> -> vector<16x1xf32>
    %get3A_17 = arith.constant 0 : index
    %get3A_18 = arith.constant 0 : index
    %get3A_19 = vector.load %arg5[%get3A_17, %get3A_18] : memref<1x1xf32, #tpu.memory_space<vmem>>, vector<1x1xf32>
    %add3A_20 = vector.broadcast %get3A_19 : vector<1x1xf32> to vector<16x1xf32>
    %add3A_21 = arith.addf %dot_general3A_16, %add3A_20 : vector<16x1xf32>
    %swap3A = arith.constant 0 : index
    %swap3A_22 = arith.constant 0 : index
    %swap3A_23 = vector.load %arg6[%swap3A, %swap3A_22] : memref<16x1xf32, #tpu.memory_space<vmem>>, vector<16x1xf32>
    tpu.vector_store %arg6[%swap3A, %swap3A_22], %add3A_21 {strides = array<i32>} : memref<16x1xf32, #tpu.memory_space<vmem>>, vector<16x1xf32>,
    return
  }
  func.func @transform_0(%arg0: i32) -> (i32, i32) {
    %c0_i32 = arith.constant 0 : i32
    %c0_i32_0 = arith.constant 0 : i32
    return %c0_i32, %arg0 : i32, i32
  }
  func.func @transform_1(%arg0: i32) -> (i32, i32) {
    %c0_i32 = arith.constant 0 : i32
    %c0_i32_0 = arith.constant 0 : i32
    %c0_i32_1 = arith.constant 0 : i32
    return %c0_i32, %c0_i32_0 : i32, i32
  }
  func.func @transform_2(%arg0: i32) -> (i32, i32) {
    %c0_i32 = arith.constant 0 : i32
    %c0_i32_0 = arith.constant 0 : i32
    %c0_i32_1 = arith.constant 0 : i32
    return %c0_i32, %c0_i32_0 : i32, i32
  }
  func.func @transform_3(%arg0: i32) -> (i32, i32) {
    %c0_i32 = arith.constant 0 : i32
    %c0_i32_0 = arith.constant 0 : i32
    %c0_i32_1 = arith.constant 0 : i32
    return %c0_i32, %c0_i32_0 : i32, i32
  }
  func.func @transform_4(%arg0: i32) -> (i32, i32) {
    %c0_i32 = arith.constant 0 : i32
    %c0_i32_0 = arith.constant 0 : i32
    %c0_i32_1 = arith.constant 0 : i32
    return %c0_i32, %c0_i32_0 : i32, i32
  }
  func.func @transform_5(%arg0: i32) -> (i32, i32) {
    %c0_i32 = arith.constant 0 : i32
    %c0_i32_0 = arith.constant 0 : i32
    return %arg0, %c0_i32 : i32, i32
  }
}

</mosaic_0001>

<sc_bundles>
// kernel: kernel.13.cloned.1.call-start
scs
__scs_entry_jumppad:
0x0: {  	(pc) =	sbr.rel $0x88, $3  }
0x1: {  	(tag) =	ssettag $0x0;
	lr =	simm.s32 $0x1  }
0x2: {  	[smem:$0x3F98] =	sst lr;
	_ =	strace $0xD0000000  }
0x3: {  	_ = 	snop  }
0x4: {  	_ = 	snop  }
0x5: {  	_ = 	snop  }
0x6: {  	_ = 	snop  }
0x7: {  	_ = 	snop  }
__scs_overlays_trampoline_lowered:
0x8: {  	[smem:$0x3FA7] =	sst s0  }
0x9: {  	[smem:$0x3FA8] =	sst s1  }
0xa: {  	[smem:$0x3FA9] =	sst s2  }
0xb: {  	[smem:$0x3FAA] =	sst s3  }
0xc: {  	[smem:$0x3FAB] =	sst s4  }
0xd: {  	[smem:$0x3FAC] =	sst s5  }
0xe: {  	[smem:$0x3FAD] =	sst s6  }
0xf: {  	[smem:$0x3FAE] =	sst s7  }
0x10: {  	[smem:$0x3FAF] =	sst s8  }
0x11: {  	[smem:$0x3FB0] =	sst s9;
	s0 =	simm.s32 @!p0 $0x0  }
0x12: {  	s1 =	sld [smem:$0x3F96];
	s0 =	simm.s32 @p0 $0x1  }
0x13: {  	[smem:$0x3FB1] =	sst s0;
	s0 =	simm.s32 @!p1 $0x0  }
0x14: {  	s2 =	sld [smem:$0x3F95];
	s0 =	simm.s32 @p1 $0x1  }
0x15: {  	[smem:$0x3FB2] =	sst s0;
	s0 =	simm.s32 @!p2 $0x0  }
0x16: {  	s3 =	sld [smem:$0x3FDB];
	s0 =	simm.s32 @p2 $0x1  }
0x17: {  	s4 =	simm.s32 $0x1BF5;
	[smem:$0x3FB4] =	sst s0  }
0x18: {  	s0 =	sld [smem:$0x3F97];
	_ =	swait.ge [sflag:s4], $0x0  }
0x19: {  	s7 =	sld [smem:$0x3F98]  }
0x1a: {  	s8 =	sadd.s32 $0xFFFFE003, lr  }
0x1b: {  	s9 =	sadd.s32 $0xFFFFFEF7, lr;
	s5 =	simm.s32 $0xFFFFFFFF;
	p2 =	slt.u32 s8, $0xFFFFF086  }
0x1c: {  	p1 =	slt.u32 s9, $0xF7A;
	s5 =	simm.s32 @!p2 $0x0  }
0x1d: {  	s5 =	simm.s32 @p1 $0x1;
	p0 =	seq.s32 s7, s2  }
0x1e: {  	s7 =	smul.u32 @!p0 $0xF7A, s2;
	p2 =	seq.s32 @!p0 s5, $0x0  }
0x1f: {  	s9 =	smul.u32 $0xF7A, s1;
	s8 =	simm.s32 @!p0 $0x1BF5;
	p2 =	por !p2, p0  }
0x20: {  	[sflag:s8] =	ssyncset.s32 @!p0 $0xFFFFF086;
	s6 =	sadd.s32 @!p0 s3, s7;
	s7 =	simm.s32 @!p0 $0x108  }
0x21: {  	s3 =	sadd.s32 s3, s9;
	s6 =	sadd.s32 @!p0 $0x88, s6;
	s7 =	simm.s32 @p2 $0x1082  }
0x22: {  	[simem:s7], [sflag:s8] =	dma.local @!p0 [hbm:s6], $0xF7A  }
0x23: {  	s9 =	sor.u32 $0xD0000000, s2;
	s6 =	simm.s32 $0x108;
	_ =	swait.ge @!p0 [sflag:s8], $0x0  }
0x24: {  	s3 =	sadd.s32 $0x88, s3;
	s6 =	simm.s32 @!p1 $0x1082;
	[sflag:s4] =	ssyncset.s32 $0xFFFFF086  }
0x25: {  	[simem:s6], [sflag:s4] =	dma.local [hbm:s3], $0xF7A  }
0x26: {  	[smem:$0x3F98] =	sst s1;
	(tag) =	ssettag s2;
	_ =	strace s9  }
0x27: {  	s1 =	sld [smem:$0x3FA8]  }
0x28: {  	s2 =	sld [smem:$0x3FA9]  }
0x29: {  	s4 =	sld [smem:$0x3FAB]  }
0x2a: {  	p0 =	seq.s32 s5, $0x0;
	s5 =	sld [smem:$0x3FAC]  }
0x2b: {  	s6 =	sld [smem:$0x3FAD]  }
0x2c: {  	s7 =	sld [smem:$0x3FAE]  }
0x2d: {  	s3 =	simm.s32 $0x108;
	s8 =	sld [smem:$0x3FAF]  }
0x2e: {  	s3 =	simm.s32 @!p0 $0x1082;
	s9 =	sld [smem:$0x3FB0]  }
0x2f: {  	lr =	sadd.s32 s0, s3;
	s0 =	sld [smem:$0x3FA7]  }
0x30: {  	s3 =	sld [smem:$0x3FAA]  }
0x31: {  	[smem:$0x3FB3] =	sst s10  }
0x32: {  	s10 =	sld [smem:$0x3FB1];
	_ =	sdelay $0x3  }
0x33: {  	p0 =	seq.s32 s10, $0x1;
	s10 =	sld [smem:$0x3FB3];
	_ =	sdelay $0x3  }
0x34: {  	[smem:$0x3FB3] =	sst s10  }
0x35: {  	s10 =	sld [smem:$0x3FB2];
	_ =	sdelay $0x3  }
0x36: {  	p1 =	seq.s32 s10, $0x1;
	s10 =	sld [smem:$0x3FB3];
	_ =	sdelay $0x3  }
0x37: {  	[smem:$0x3FB3] =	sst s10  }
0x38: {  	s10 =	sld [smem:$0x3FB4]  }
0x39: {  	_ = 	snop;
	(pc) =	sbr.ind lr, $3  }
0x3a: {  	_ = 	snop  }
0x3b: {  	_ = 	snop  }
0x3c: {  	p2 =	seq.s32 s10, $0x1;
	s10 =	sld [smem:$0x3FB3]  }
0x3d: {  	_ =	shalt  }
0x3e: {  	_ =	shalt  }
0x3f: {  	_ =	shalt  }
0x40: {  	_ =	shalt  }
0x41: {  	_ =	shalt  }
0x42: {  	_ =	shalt  }
0x43: {  	_ =	shalt  }
0x44: {  	_ =	shalt  }
0x45: {  	_ =	shalt  }
0x46: {  	_ =	shalt  }
0x47: {  	_ =	shalt  }
0x48: {  	_ =	shalt  }
0x49: {  	_ =	shalt  }
0x4a: {  	_ =	shalt  }
0x4b: {  	_ =	shalt  }
0x4c: {  	_ =	shalt  }
0x4d: {  	_ =	shalt  }
0x4e: {  	_ =	shalt  }
0x4f: {  	_ =	shalt  }
0x50: {  	_ =	shalt  }
0x51: {  	_ =	shalt  }
0x52: {  	_ =	shalt  }
0x53: {  	_ =	shalt  }
0x54: {  	_ =	shalt  }
0x55: {  	_ =	shalt  }
0x56: {  	_ =	shalt  }
0x57: {  	_ =	shalt  }
0x58: {  	_ =	shalt  }
0x59: {  	_ =	shalt  }
0x5a: {  	_ =	shalt  }
0x5b: {  	_ =	shalt  }
0x5c: {  	_ =	shalt  }
0x5d: {  	_ =	shalt  }
0x5e: {  	_ =	shalt  }
0x5f: {  	_ =	shalt  }
0x60: {  	_ =	shalt  }
0x61: {  	_ =	shalt  }
0x62: {  	_ =	shalt  }
0x63: {  	_ =	shalt  }
0x64: {  	_ =	shalt  }
0x65: {  	_ =	shalt  }
0x66: {  	_ =	shalt  }
0x67: {  	_ =	shalt  }
0x68: {  	_ =	shalt  }
0x69: {  	_ =	shalt  }
0x6a: {  	_ =	shalt  }
0x6b: {  	_ =	shalt  }
0x6c: {  	_ =	shalt  }
0x6d: {  	_ =	shalt  }
0x6e: {  	_ =	shalt  }
0x6f: {  	_ =	shalt  }
0x70: {  	_ =	shalt  }
0x71: {  	_ =	shalt  }
0x72: {  	_ =	shalt  }
0x73: {  	_ =	shalt  }
0x74: {  	_ =	shalt  }
0x75: {  	_ =	shalt  }
0x76: {  	_ =	shalt  }
0x77: {  	_ =	shalt  }
0x78: {  	_ =	shalt  }
0x79: {  	_ =	shalt  }
0x7a: {  	_ =	shalt  }
0x7b: {  	_ =	shalt  }
0x7c: {  	_ =	shalt  }
0x7d: {  	_ =	shalt  }
0x7e: {  	_ =	shalt  }
0x7f: {  	_ =	shalt  }
0x80: {  	_ =	shalt  }
0x81: {  	_ =	shalt  }
0x82: {  	_ =	shalt  }
0x83: {  	_ =	shalt  }
0x84: {  	_ =	shalt  }
0x85: {  	_ =	shalt  }
0x86: {  	_ =	shalt  }
0x87: {  	_ =	shalt  }
.Lfunc_end0:
.L_simem_size_0:
called_computation_lowered:
.L_overlay_start_0:
0x88: {  	s2 =	sld [smem:$0x3FD9]  }
0x89: {  	s3 =	sld [smem:$0x3FFE];
	_ =	sdelay $0x1  }
0x8a: {  	s1 =	srdreg.scid  }
0x8b: {  	s0 =	sand.u32 $0x1, s1  }
0x8c: {  	s16 =	sshll.u32 s0, $0xA;
	s2 =	sadd.s32 s3, s2  }
0x8d: {  	s2 =	sadd.s32 s2, s16  }
0x8e: {  	[smem:$0x3FBF] =	sst s2  }
0x8f: {  	_ = 	snop  }
0x90: {  	(tm) =	ssettm $0x1  }
0x91: {  	s17 =	sld [smem:$0x3FFB];
	_ =	sdelay $0x3  }
0x92: {  	_ =	strace s17  }
0x93: {  	s2 =	sld [smem:$0x3FFC];
	_ =	sdelay $0x3  }
0x94: {  	_ =	strace s2  }
0x95: {  	s2 =	sld [smem:$0x3FFD];
	_ =	sdelay $0x3  }
0x96: {  	_ =	strace s2  }
0x97: {  	_ =	strace $0x8FFFFFFF  }
0x98: {  	s18 =	sld [smem:$0x3FDB];
	_ =	sdelay $0x1  }
0x99: {  	s19 =	simm.s32 $_scs_section_size  }
0x9a: {  	s4 =	simm.s32 $_size__tile_overlayer_lowered;
	s5 =	simm.s32 $_tile_overlayer_lowered  }
0x9b: {  	s22 =	simm.s32 $0x1BFF;
	s21 =	sshll.u32 s5, $0x1;
	s2 =	sadd.s32 s19, s18  }
0x9c: {  	s6 =	simm.s32 $0x0;
	s20 =	sshll.u32 s4, $0x1;
	s4 =	sadd.s32 s21, s2  }
0x9d: {  	[timem:s6], [sflag:s22] =	dma.local [hbm:s4], s20  }
0x9e: {  	_ =	swait.ge [sflag:s22], s20  }
0x9f: {  	s3 =	ssub.s32 $0x0, s20;
	[sflag:s22] =	ssyncset.done $0x0  }
0xa0: {  	[sflag:s22] =	ssyncadd.s32 s3;
	_ =	sdelay $0x1  }
0xa1: {  	s23 =	simm.s32 $0x1B8B  }
0xa2: {  	_ =	swait.ge [sflag:s23], $0x1  }
0xa3: {  	[sflag:s23] =	ssyncset.done $0x0  }
0xa4: {  	s25 =	simm.s32 $0x1B8E;
	s24 =	sld [smem:$0x3FFE];
	[sflag:s23] =	ssyncadd.s32 $0xFFFFFFFF  }
0xa5: {  	s26 =	simm.s32 $execute0_lowered;
	[smem:$0x3FD2] =	sst s25  }
0xa6: {  	s4 =	sshll.u32 s26, $0x1;
	_ =	strace $0x80000046;
	[dreg:$0x1] =	wrdreg $0xFFFFFFFF  }
0xa7: {  	s28 =	simm.s32 $_size_execute0_lowered;
	s2 =	sadd.s32 s2, s4;
	[dreg:$0x0] =	wrdreg $0x0  }
0xa8: {  	s4 =	sshll.u32 s28, $0x1;
	[dreg:$0x2] =	wrdreg s2  }
0xa9: {  	[dreg:$0x3] =	wrdreg s4  }
0xaa: {  	[dreg:$0x4] =	wrdreg $0xC0  }
0xab: {  	_ =	task [dreg:s6], $0x5FFFF  }
0xac: {  	[dreg:$0x1] =	wrdreg $0xFFFFFFFF  }
0xad: {  	[dreg:$0x0] =	wrdreg $0x60  }
0xae: {  	[dreg:$0x2] =	wrdreg s24  }
0xaf: {  	[dreg:$0x3] =	wrdreg $0x9  }
0xb0: {  	_ =	task.clear_ibuf [dreg:s6], $0x4FFFF;
	_ =	strace $0x90000046  }
0xb1: {  	s29 =	simm.s32 $0x9;
	_ =	strace $0x80000048  }
0xb2: {  	_ =	swait.ge [sflag:s29], $0x1  }
0xb3: {  	[sflag:s29] =	ssyncadd.s32 $0xFFFFFFFF  }
0xb4: {  	_ =	strace $0x90000048  }
0xb5: {  	_ =	sfence  }
0xb6: {  	s30 =	sld [smem:$0x0];
	_ =	sdelay $0x2  }
0xb7: {  	s31 =	sshll.u32 s1, $0xD;
	s1 =	sshrl.u32 s1, $0x2  }
0xb8: {  	s3 =	sand.u32 $0x4000, s31;
	s1 =	sadd.s32 s1, s30  }
0xb9: {  	s0 =	sor.u32 s3, s0;
	s1 =	sshll.u32 s1, $0x11  }
0xba: {  	s0 =	sor.u32 s1, s0  }
0xbb: {  	s0 =	sadd.s32 $0x8F2B, s0  }
0xbc: {  	[sflag:s0] =	ssyncadd.remote.s32 $0x1  }
0xbd: {  	_ =	sfence.sel $0xFFFF  }
0xbe: {  	[dreg:$0x0] =	wrdreg $0xFFFFFFFF;
	(pc) =	sbr.abs _section_cstart, $3  }
0xbf: {  	[dreg:$0x1] =	wrdreg $0xFFFFFFFF  }
0xc0: {  	_ =	task.clear_ibuf [dreg:s6], $0x2FFFF;
	_ =	strace $0x9FFFFFFF  }
0xc1: {  	(tm) =	ssettm $0x7FFFFFFF  }
tec
execute0_lowered:
.L_overlay_start_1:
0x0: {  	(tag) =	ssettag $0x1  }
0x1: {  	s5 =	rddreg [dreg:$0x0]  }
0x2: {  	s0 =	rddreg [dreg:$0x1];
	s2 =	simm.s32 $0x0;
	s3 =	srdreg.scid  }
0x3: {  	s1 =	stileid.u32;
	s12 =	simm.s32 $0x3;
	s13 =	simm.s32 $0x18700  }
0x4: {  	s14 =	simm.s32 $0x1AE80;
	s15 =	simm.s32 $0x1;
	s16 =	simm.s32 $0xC380  }
0x5: {  	s17 =	simm.s32 $0x2;
	s18 =	simm.s32 $0x0;
	[smem:$0x7FF] =	sst s2  }
0x6: {  	s4 =	sand.u32 $0x1, s3;
	s26 =	sshrl.u32 s1, $0x2;
	s6 =	sshll.u32 s1, $0x8  }
0x7: {  	s8 =	sadd.s32 $0x2600, s5;
	s3 =	sadd.s32 $0x64200, s5;
	s9 =	sadd.s32 $0x189200, s5  }
0x8: {  	s7 =	smul.u32 $0x61C00, s26;
	s28 =	sshll.u32 s4, $0x7;
	s6 =	sand.u32 $0x300, s6  }
0x9: {  	s5 =	sadd.s32 $0x646E2, s5;
	_ =	strace $0x80000047;
	s6 =	sor.u32 s28, s6  }
.Ltmp0:
0xa: {  	s4 =	ssub.s32 $0x2, s4;
	s6 =	sor.u32 s7, s6;
	(pc) =	sbr.rel .LBB2_1-.Ltmp0, $4  }
0xb: {  	s29 =	sshrl.u32 s4, $0x1;
	s10 =	sshrl.u32 s6, $0x3;
	s30 =	sadd.s32 $0x187000, s6  }
0xc: {  	s11 =	ssub.s32 s4, s29;
	s4 =	sadd.s32 s8, s10;
	s31 =	sshrl.u32 s30, $0x3  }
0xd: {  	s6 =	sadd.s32 s9, s10;
	s10 =	simm.s32 $0x80;
	s7 =	sadd.s32 s8, s31  }
0xe: {  	v0 =	vimm.f32 $0.0e+00;
	s8 =	sadd.s32 s9, s31;
	s9 =	smax.u32 s11, $0x1;
	s11 =	simm.s32 $0x400  }
.LBB2_23:
0xf: {  	s18 =	sadd.s32 $0x1, s18  }
0x10: {  	p0 =	sne.s32 s18, s9  }
.Ltmp1:
0x11: {  	_ = 	snop;
	(pc) =	sbr.rel @!p0 .LBB2_24-.Ltmp1, $4  }
0x12: {  	[hbm4b:s8+s10] =	stream.strided.scatter [tilespmem:s16], [sflag:$0x3], $0xC380, s11, s10, $0x38;
	[tilespmem:$0x1D600] =	vst v63  }
0x13: {  	_ =	swait.ge [sflag:s12], $0xC380  }
0x14: {  	[sflag:s12] =	ssyncset.done $0x0  }
0x15: {  	[sflag:s12] =	ssyncadd.s32 $0xFFFF3C80  }
.LBB2_1:
0x16: {  	[tilespmem:s2], [sflag:$0x3] =	stream.strided.gather [hbm4b:s4+s10], $0xC380, s11, s10, $0x38;
	[tilespmem:$0x1D600] =	vst v63  }
0x17: {  	_ =	swait.ge [sflag:s12], $0xC380  }
0x18: {  	[sflag:s12] =	ssyncset.done $0x0  }
0x19: {  	s19 =	simm.s32 $0xC400;
	[sflag:s12] =	ssyncadd.s32 $0xFFFF3C80  }
0x1a: {  	[tilespmem:s19+$0xFFFFFF80] =	vst v0  }
0x1b: {  	[tilespmem:s19+$0x70] =	vst v0  }
0x1c: {  	[tilespmem:s19+$0x60] =	vst v0  }
0x1d: {  	[tilespmem:s19+$0x50] =	vst v0  }
0x1e: {  	[tilespmem:s19+$0x40] =	vst v0  }
0x1f: {  	[tilespmem:s19+$0x30] =	vst v0  }
0x20: {  	[tilespmem:s19+$0x20] =	vst v0  }
0x21: {  	[tilespmem:s19+$0x10] =	vst v0  }
0x22: {  	[tilespmem:s19+$0x0] =	vst v0  }
0x23: {  	[tilespmem:s19+$0xFFFFFFF0] =	vst v0  }
0x24: {  	[tilespmem:s19+$0xFFFFFFE0] =	vst v0  }
0x25: {  	[tilespmem:s19+$0xFFFFFFD0] =	vst v0  }
0x26: {  	[tilespmem:s19+$0xFFFFFFC0] =	vst v0  }
0x27: {  	[tilespmem:s19+$0xFFFFFFB0] =	vst v0  }
0x28: {  	s22 =	simm.s32 $0x0;
	s20 =	simm.s32 $0x18680;
	[tilespmem:s19+$0xFFFFFFA0] =	vst v0  }
.LBB2_2:
0x29: {  	s22 =	sadd.s32 $0x100, s22;
	[tilespmem:s19+$0xFFFFFF90] =	vst v0;
	s19 =	sadd.s32 $0x100, s19;
	s21 =	simm.s32 $0xC2F0  }
0x2a: {  	[tilespmem:s19+$0xFFFFFF80] =	vst v0;
	p0 =	slt.u32 s22, $0xC200  }
0x2b: {  	[tilespmem:s19+$0x70] =	vst v0  }
0x2c: {  	[tilespmem:s19+$0x60] =	vst v0  }
0x2d: {  	[tilespmem:s19+$0x50] =	vst v0  }
0x2e: {  	[tilespmem:s19+$0x40] =	vst v0  }
0x2f: {  	[tilespmem:s19+$0x30] =	vst v0  }
0x30: {  	[tilespmem:s19+$0x20] =	vst v0  }
0x31: {  	[tilespmem:s19+$0x10] =	vst v0  }
0x32: {  	[tilespmem:s19+$0x0] =	vst v0  }
0x33: {  	[tilespmem:s19+$0xFFFFFFF0] =	vst v0  }
.Ltmp2:
0x34: {  	[tilespmem:s19+$0xFFFFFFE0] =	vst v0;
	(pc) =	sbr.rel @p0 .LBB2_2-.Ltmp2, $4  }
0x35: {  	[tilespmem:s19+$0xFFFFFFD0] =	vst v0  }
0x36: {  	[tilespmem:s19+$0xFFFFFFC0] =	vst v0  }
0x37: {  	[tilespmem:s19+$0xFFFFFFB0] =	vst v0  }
0x38: {  	[tilespmem:s19+$0xFFFFFFA0] =	vst v0  }
0x39: {  	[tilespmem:s19+$0xFFFFFF90] =	vst v0  }
.LBB2_4:
0x3a: {  	s21 =	sadd.s32 $0x10, s21  }
0x3b: {  	p0 =	slt.u32 s21, $0xC340  }
.Ltmp3:
0x3c: {  	_ = 	snop;
	(pc) =	sbr.rel @p0 .LBB2_4-.Ltmp3, $2  }
0x3d: {  	_ =	sdelay $0x2  }
0x3e: {  	[tilespmem:s20+$0x0] =	vst v0;
	s20 =	sadd.s32 $0x10, s20  }
0x3f: {  	s19 =	simm.s32 $0x0  }
0x40: {  	[tilespmem:s13], [sflag:$0x1] =	stream.linear.gather [hbm4b:s3+s19], $0x2710, $0x38;
	[tilespmem:$0x1D600] =	vst v63  }
0x41: {  	_ = 	snop  }
0x42: {  	[tilespmem:s14], [sflag:$0x2] =	stream.linear.gather [hbm4b:s5+s19], $0x2710, $0x38;
	[tilespmem:$0x1D600] =	vst v63  }
.LBB2_6:
0x43: {  	_ =	swait.ge [sflag:s15], $0x2710  }
0x44: {  	[sflag:s15] =	ssyncset.done $0x0  }
0x45: {  	s20 =	simm.s32 $0x18780;
	[sflag:s15] =	ssyncadd.s32 $0xFFFFD8F0  }
0x46: {  	v12 =	vld [tilespmem:s20+$0xFFFFFF90]  }
0x47: {  	v4 =	vld [tilespmem:s20+$0xFFFFFFC0]  }
0x48: {  	v3 =	vld [tilespmem:s20+$0xFFFFFFD0]  }
0x49: {  	v2 =	vld [tilespmem:s20+$0xFFFFFFE0]  }
0x4a: {  	v14 =	vld [tilespmem:s20+$0xFFFFFFF0]  }
0x4b: {  	v5 =	vld [tilespmem:s20+$0xFFFFFF80]  }
0x4c: {  	v6 =	vld [tilespmem:s20+$0x70]  }
0x4d: {  	v7 =	vld [tilespmem:s20+$0x60]  }
0x4e: {  	v8 =	vld [tilespmem:s20+$0x50]  }
0x4f: {  	v1 =	vld [tilespmem:s20+$0xFFFFFFA0]  }
0x50: {  	v10 =	vld [tilespmem:s20+$0x40]  }
0x51: {  	v11 =	vld [tilespmem:s20+$0x30];
	v9 =	vand.u32 $0xFFFF, v5  }
0x52: {  	v15 =	vld [tilespmem:s20+$0x20];
	v13 =	vand.u32 $0xFFFF, v6  }
0x53: {  	v17 =	vld [tilespmem:s20+$0x10];
	v16 =	vand.u32 $0xFFFF, v7  }
0x54: {  	v19 =	vld [tilespmem:s20+$0x0];
	v18 =	vand.u32 $0xFFFF, v8  }
0x55: {  	v22 =	vld [tilespmem:s20+$0xFFFFFFB0];
	v20 =	vand.u32 $0xFFFF, v10  }
0x56: {  	v5 =	vshrl.u32 v5, $0x10;
	v9 =	vld.idx.msk [tilespmem:v9+s2+$0x0], $0xffff  }
0x57: {  	v21 =	vand.u32 $0xFFFF, v15;
	v13 =	vld.idx.msk [tilespmem:v13+s2+$0x0], $0xffff  }
0x58: {  	v6 =	vshrl.u32 v6, $0x10;
	v16 =	vld.idx.msk [tilespmem:v16+s2+$0x0], $0xffff  }
0x59: {  	v7 =	vshrl.u32 v7, $0x10;
	v18 =	vld.idx.msk [tilespmem:v18+s2+$0x0], $0xffff  }
0x5a: {  	v23 =	vand.u32 $0xFFFF, v11;
	v20 =	vld.idx.msk [tilespmem:v20+s2+$0x0], $0xffff  }
0x5b: {  	v8 =	vshrl.u32 v8, $0x10;
	[tilespmem:v5+s16+$0x0] =	vst.idx.add.f32.msk $0xffff, v9  }
0x5c: {  	v5 =	vand.u32 $0xFFFF, v19;
	v9 =	vld.idx.msk [tilespmem:v21+s2+$0x0], $0xffff  }
0x5d: {  	v62 =	vand.u32 $0xFFFF, v14;
	[tilespmem:v6+s16+$0x0] =	vst.idx.add.f32.msk $0xffff, v13  }
0x5e: {  	v10 =	vshrl.u32 v10, $0x10;
	[tilespmem:v7+s16+$0x0] =	vst.idx.add.f32.msk $0xffff, v16  }
0x5f: {  	v6 =	vand.u32 $0xFFFF, v17;
	v16 =	vld.idx.msk [tilespmem:v23+s2+$0x0], $0xffff  }
0x60: {  	v63 =	vand.u32 $0xFFFF, v3;
	[tilespmem:v8+s16+$0x0] =	vst.idx.add.f32.msk $0xffff, v18  }
0x61: {  	v7 =	vld.idx.msk [tilespmem:v5+s2+$0x0], $0xffff;
	v5 =	vshrl.u32 v15, $0x10;
	v15 =	vshrl.u32 v11, $0x10  }
0x62: {  	v8 =	vand.u32 $0xFFFF, v4;
	v13 =	vld.idx.msk [tilespmem:v62+s2+$0x0], $0xffff  }
0x63: {  	[tilespmem:v10+s16+$0x0] =	vst.idx.add.f32.msk $0xffff, v20  }
0x64: {  	v18 =	vand.u32 $0xFFFF, v2;
	v11 =	vld.idx.msk [tilespmem:v6+s2+$0x0], $0xffff  }
0x65: {  	v20 =	vand.u32 $0xFFFF, v22;
	v6 =	vld.idx.msk [tilespmem:v63+s2+$0x0], $0xffff  }
0x66: {  	[tilespmem:v15+s16+$0x0] =	vst.idx.add.f32.msk $0xffff, v16;
	v15 =	vshrl.u32 v14, $0x10  }
0x67: {  	v8 =	vld.idx.msk [tilespmem:v8+s2+$0x0], $0xffff;
	v16 =	vshrl.u32 v19, $0x10  }
0x68: {  	v3 =	vshrl.u32 v3, $0x10;
	v17 =	vshrl.u32 v17, $0x10;
	[tilespmem:v5+s16+$0x0] =	vst.idx.add.f32.msk $0xffff, v9  }
0x69: {  	v2 =	vshrl.u32 v2, $0x10;
	v4 =	vshrl.u32 v4, $0x10;
	v9 =	vand.u32 $0xFFFF, v1;
	v14 =	vld.idx.msk [tilespmem:v18+s2+$0x0], $0xffff  }
0x6a: {  	s21 =	simm.s32 $0x0;
	v10 =	vand.u32 $0xFFFF, v12;
	v12 =	vshrl.u32 v12, $0x10;
	v5 =	vshrl.u32 v22, $0x10;
	v18 =	vld.idx.msk [tilespmem:v20+s2+$0x0], $0xffff  }
.LBB2_7:
0x6b: {  	s21 =	sadd.s32 $0x100, s21;
	[tilespmem:v15+s16+$0x0] =	vst.idx.add.f32.msk $0xffff, v13;
	s20 =	sadd.s32 $0x100, s20  }
0x6c: {  	p0 =	slt.u32 s21, $0x2600;
	[tilespmem:v16+s16+$0x0] =	vst.idx.add.f32.msk $0xffff, v7  }
0x6d: {  	[tilespmem:v17+s16+$0x0] =	vst.idx.add.f32.msk $0xffff, v11  }
0x6e: {  	v7 =	vld.idx.msk [tilespmem:v9+s2+$0x0], $0xffff  }
0x6f: {  	v1 =	vshrl.u32 v1, $0x10;
	v9 =	vld.idx.msk [tilespmem:v10+s2+$0x0], $0xffff  }
0x70: {  	[tilespmem:v5+s16+$0x0] =	vst.idx.add.f32.msk $0xffff, v18  }
0x71: {  	[tilespmem:v2+s16+$0x0] =	vst.idx.add.f32.msk $0xffff, v14  }
0x72: {  	[tilespmem:v3+s16+$0x0] =	vst.idx.add.f32.msk $0xffff, v6  }
0x73: {  	[tilespmem:v4+s16+$0x0] =	vst.idx.add.f32.msk $0xffff, v8  }
0x74: {  	[tilespmem:v1+s16+$0x0] =	vst.idx.add.f32.msk $0xffff, v7  }
0x75: {  	[tilespmem:v12+s16+$0x0] =	vst.idx.add.f32.msk $0xffff, v9  }
0x76: {  	v8 =	vld [tilespmem:s20+$0xFFFFFF90]  }
0x77: {  	v5 =	vld [tilespmem:s20+$0xFFFFFFC0]  }
0x78: {  	v4 =	vld [tilespmem:s20+$0xFFFFFFD0]  }
0x79: {  	v3 =	vld [tilespmem:s20+$0xFFFFFFE0]  }
0x7a: {  	v6 =	vld [tilespmem:s20+$0xFFFFFFF0]  }
0x7b: {  	v2 =	vld [tilespmem:s20+$0xFFFFFF80]  }
0x7c: {  	v7 =	vld [tilespmem:s20+$0x70]  }
0x7d: {  	v9 =	vld [tilespmem:s20+$0x60]  }
0x7e: {  	v10 =	vld [tilespmem:s20+$0x50]  }
0x7f: {  	v1 =	vld [tilespmem:s20+$0xFFFFFFA0]  }
0x80: {  	v11 =	vand.u32 $0xFFFF, v2;
	v12 =	vld [tilespmem:s20+$0x40]  }
0x81: {  	v13 =	vld [tilespmem:s20+$0x30];
	v14 =	vand.u32 $0xFFFF, v7  }
0x82: {  	v15 =	vld [tilespmem:s20+$0x20];
	v16 =	vand.u32 $0xFFFF, v9  }
0x83: {  	v17 =	vld [tilespmem:s20+$0x10];
	v18 =	vand.u32 $0xFFFF, v10  }
0x84: {  	v19 =	vld [tilespmem:s20+$0x0]  }
0x85: {  	v11 =	vld.idx.msk [tilespmem:v11+s2+$0x0], $0xffff;
	v20 =	vand.u32 $0xFFFF, v12  }
0x86: {  	v2 =	vshrl.u32 v2, $0x10;
	v14 =	vld.idx.msk [tilespmem:v14+s2+$0x0], $0xffff  }
0x87: {  	v7 =	vshrl.u32 v7, $0x10;
	v21 =	vand.u32 $0xFFFF, v15;
	v16 =	vld.idx.msk [tilespmem:v16+s2+$0x0], $0xffff  }
0x88: {  	v9 =	vshrl.u32 v9, $0x10;
	v23 =	vand.u32 $0xFFFF, v13;
	v22 =	vand.u32 $0xFFFF, v17;
	v18 =	vld.idx.msk [tilespmem:v18+s2+$0x0], $0xffff  }
0x89: {  	v26 =	vshrl.u32 v10, $0x10;
	v24 =	vld [tilespmem:s20+$0xFFFFFFB0];
	v25 =	vand.u32 $0xFFFF, v19  }
0x8a: {  	v27 =	vand.u32 $0xFFFF, v6;
	v20 =	vld.idx.msk [tilespmem:v20+s2+$0x0], $0xffff  }
0x8b: {  	v28 =	vand.u32 $0xFFFF, v3;
	[tilespmem:v2+s16+$0x0] =	vst.idx.add.f32.msk $0xffff, v11;
	v2 =	vshrl.u32 v3, $0x10  }
0x8c: {  	v29 =	vand.u32 $0xFFFF, v4;
	v12 =	vshrl.u32 v12, $0x10;
	v3 =	vshrl.u32 v4, $0x10;
	v21 =	vld.idx.msk [tilespmem:v21+s2+$0x0], $0xffff  }
0x8d: {  	v30 =	vand.u32 $0xFFFF, v5;
	v4 =	vshrl.u32 v5, $0x10;
	[tilespmem:v7+s16+$0x0] =	vst.idx.add.f32.msk $0xffff, v14  }
0x8e: {  	v14 =	vshrl.u32 v15, $0x10;
	v5 =	vshrl.u32 v24, $0x10;
	v24 =	vand.u32 $0xFFFF, v24;
	[tilespmem:v9+s16+$0x0] =	vst.idx.add.f32.msk $0xffff, v16  }
0x8f: {  	v9 =	vand.u32 $0xFFFF, v1;
	v23 =	vld.idx.msk [tilespmem:v23+s2+$0x0], $0xffff  }
0x90: {  	v10 =	vand.u32 $0xFFFF, v8;
	v31 =	vshrl.u32 v13, $0x10;
	[tilespmem:v26+s16+$0x0] =	vst.idx.add.f32.msk $0xffff, v18  }
0x91: {  	v7 =	vld.idx.msk [tilespmem:v25+s2+$0x0], $0xffff  }
0x92: {  	v13 =	vld.idx.msk [tilespmem:v27+s2+$0x0], $0xffff  }
0x93: {  	v15 =	vshrl.u32 v6, $0x10;
	v11 =	vld.idx.msk [tilespmem:v22+s2+$0x0], $0xffff  }
0x94: {  	v16 =	vshrl.u32 v19, $0x10;
	[tilespmem:v12+s16+$0x0] =	vst.idx.add.f32.msk $0xffff, v20  }
0x95: {  	v17 =	vshrl.u32 v17, $0x10;
	v6 =	vld.idx.msk [tilespmem:v29+s2+$0x0], $0xffff  }
.Ltmp4:
0x96: {  	v12 =	vshrl.u32 v8, $0x10;
	v8 =	vld.idx.msk [tilespmem:v30+s2+$0x0], $0xffff;
	(pc) =	sbr.rel @p0 .LBB2_7-.Ltmp4, $4  }
0x97: {  	[tilespmem:v14+s16+$0x0] =	vst.idx.add.f32.msk $0xffff, v21  }
0x98: {  	[tilespmem:v31+s16+$0x0] =	vst.idx.add.f32.msk $0xffff, v23  }
0x99: {  	v14 =	vld.idx.msk [tilespmem:v28+s2+$0x0], $0xffff  }
0x9a: {  	v18 =	vld.idx.msk [tilespmem:v24+s2+$0x0], $0xffff  }
0x9b: {  	_ =	sdelay $0x3  }
0x9c: {  	[tilespmem:v15+s16+$0x0] =	vst.idx.add.f32.msk $0xffff, v13  }
0x9d: {  	[tilespmem:v16+s16+$0x0] =	vst.idx.add.f32.msk $0xffff, v7  }
0x9e: {  	[tilespmem:v17+s16+$0x0] =	vst.idx.add.f32.msk $0xffff, v11  }
0x9f: {  	v7 =	vld.idx.msk [tilespmem:v9+s2+$0x0], $0xffff  }
0xa0: {  	v9 =	vld.idx.msk [tilespmem:v10+s2+$0x0], $0xffff;
	v1 =	vshrl.u32 v1, $0x10  }
0xa1: {  	[tilespmem:v3+s16+$0x0] =	vst.idx.add.f32.msk $0xffff, v6  }
0xa2: {  	[tilespmem:v4+s16+$0x0] =	vst.idx.add.f32.msk $0xffff, v8  }
0xa3: {  	[tilespmem:v2+s16+$0x0] =	vst.idx.add.f32.msk $0xffff, v14  }
0xa4: {  	[tilespmem:v5+s16+$0x0] =	vst.idx.add.f32.msk $0xffff, v18  }
0xa5: {  	[tilespmem:v1+s16+$0x0] =	vst.idx.add.f32.msk $0xffff, v7  }
0xa6: {  	[tilespmem:v12+s16+$0x0] =	vst.idx.add.f32.msk $0xffff, v9  }
0xa7: {  	v1 =	vld [tilespmem:$0x1AE00];
	_ =	sdelay $0x4  }
0xa8: {  	v2 =	vand.u32 $0xFFFF, v1;
	_ =	sdelay $0x4  }
0xa9: {  	p0 =	seq.s32 s19, $0x4F;
	v1 =	vshrl.u32 v1, $0x10;
	v2 =	vld.idx.msk [tilespmem:v2+s2+$0x0], $0xffff  }
0xaa: {  	s20 =	smul.u32 @!p0 $0x4E20, s19;
	_ =	sdelay $0x1  }
0xab: {  	s20 =	sshrl.u32 @!p0 s20, $0x3  }
0xac: {  	s20 =	sadd.s32 @!p0 s3, s20  }
0xad: {  	s21 =	simm.s32 @!p0 $0x0;
	s22 =	simm.s32 @!p0 $0x18700;
	s20 =	sadd.s32 @!p0 $0x9C4, s20;
	[tilespmem:v1+s16+$0x0] =	vst.idx.add.f32.msk $0xffff, v2  }
0xae: {  	[tilespmem:s22], [sflag:$0x1] =	stream.linear.gather @!p0 [hbm4b:s20+s21], $0x2710, $0x38;
	[tilespmem:$0x1D600] =	vst v63  }
0xaf: {  	_ =	swait.ge [sflag:s17], $0x2710  }
0xb0: {  	[sflag:s17] =	ssyncset.done $0x0  }
0xb1: {  	s20 =	simm.s32 $0x1AF00;
	[sflag:s17] =	ssyncadd.s32 $0xFFFFD8F0  }
0xb2: {  	v12 =	vld [tilespmem:s20+$0xFFFFFF90]  }
0xb3: {  	v4 =	vld [tilespmem:s20+$0xFFFFFFC0]  }
0xb4: {  	v3 =	vld [tilespmem:s20+$0xFFFFFFD0]  }
0xb5: {  	v2 =	vld [tilespmem:s20+$0xFFFFFFE0]  }
0xb6: {  	v14 =	vld [tilespmem:s20+$0xFFFFFFF0]  }
0xb7: {  	v5 =	vld [tilespmem:s20+$0xFFFFFF80]  }
0xb8: {  	v6 =	vld [tilespmem:s20+$0x70]  }
0xb9: {  	v7 =	vld [tilespmem:s20+$0x60]  }
0xba: {  	v8 =	vld [tilespmem:s20+$0x50]  }
0xbb: {  	v1 =	vld [tilespmem:s20+$0xFFFFFFA0]  }
0xbc: {  	v10 =	vld [tilespmem:s20+$0x40]  }
0xbd: {  	v11 =	vld [tilespmem:s20+$0x30];
	v9 =	vand.u32 $0xFFFF, v5  }
0xbe: {  	v15 =	vld [tilespmem:s20+$0x20];
	v13 =	vand.u32 $0xFFFF, v6  }
0xbf: {  	v17 =	vld [tilespmem:s20+$0x10];
	v16 =	vand.u32 $0xFFFF, v7  }
0xc0: {  	v19 =	vld [tilespmem:s20+$0x0];
	v18 =	vand.u32 $0xFFFF, v8  }
0xc1: {  	v22 =	vld [tilespmem:s20+$0xFFFFFFB0];
	v20 =	vand.u32 $0xFFFF, v10  }
0xc2: {  	v5 =	vshrl.u32 v5, $0x10;
	v9 =	vld.idx.msk [tilespmem:v9+s2+$0x0], $0xffff  }
0xc3: {  	v21 =	vand.u32 $0xFFFF, v15;
	v13 =	vld.idx.msk [tilespmem:v13+s2+$0x0], $0xffff  }
0xc4: {  	v6 =	vshrl.u32 v6, $0x10;
	v16 =	vld.idx.msk [tilespmem:v16+s2+$0x0], $0xffff  }
0xc5: {  	v7 =	vshrl.u32 v7, $0x10;
	v18 =	vld.idx.msk [tilespmem:v18+s2+$0x0], $0xffff  }
0xc6: {  	v23 =	vand.u32 $0xFFFF, v11;
	v20 =	vld.idx.msk [tilespmem:v20+s2+$0x0], $0xffff  }
0xc7: {  	v8 =	vshrl.u32 v8, $0x10;
	[tilespmem:v5+s16+$0x0] =	vst.idx.add.f32.msk $0xffff, v9  }
0xc8: {  	v5 =	vand.u32 $0xFFFF, v19;
	v9 =	vld.idx.msk [tilespmem:v21+s2+$0x0], $0xffff  }
0xc9: {  	v62 =	vand.u32 $0xFFFF, v14;
	[tilespmem:v6+s16+$0x0] =	vst.idx.add.f32.msk $0xffff, v13  }
0xca: {  	v10 =	vshrl.u32 v10, $0x10;
	[tilespmem:v7+s16+$0x0] =	vst.idx.add.f32.msk $0xffff, v16  }
0xcb: {  	v6 =	vand.u32 $0xFFFF, v17;
	v16 =	vld.idx.msk [tilespmem:v23+s2+$0x0], $0xffff  }
0xcc: {  	v63 =	vand.u32 $0xFFFF, v3;
	[tilespmem:v8+s16+$0x0] =	vst.idx.add.f32.msk $0xffff, v18  }
0xcd: {  	v7 =	vld.idx.msk [tilespmem:v5+s2+$0x0], $0xffff;
	v5 =	vshrl.u32 v15, $0x10;
	v15 =	vshrl.u32 v11, $0x10  }
0xce: {  	v8 =	vand.u32 $0xFFFF, v4;
	v13 =	vld.idx.msk [tilespmem:v62+s2+$0x0], $0xffff  }
0xcf: {  	[tilespmem:v10+s16+$0x0] =	vst.idx.add.f32.msk $0xffff, v20  }
0xd0: {  	v18 =	vand.u32 $0xFFFF, v2;
	v11 =	vld.idx.msk [tilespmem:v6+s2+$0x0], $0xffff  }
0xd1: {  	v20 =	vand.u32 $0xFFFF, v22;
	v6 =	vld.idx.msk [tilespmem:v63+s2+$0x0], $0xffff  }
0xd2: {  	[tilespmem:v15+s16+$0x0] =	vst.idx.add.f32.msk $0xffff, v16;
	v15 =	vshrl.u32 v14, $0x10  }
0xd3: {  	v8 =	vld.idx.msk [tilespmem:v8+s2+$0x0], $0xffff;
	v16 =	vshrl.u32 v19, $0x10  }
0xd4: {  	v3 =	vshrl.u32 v3, $0x10;
	v17 =	vshrl.u32 v17, $0x10;
	[tilespmem:v5+s16+$0x0] =	vst.idx.add.f32.msk $0xffff, v9  }
0xd5: {  	v2 =	vshrl.u32 v2, $0x10;
	v4 =	vshrl.u32 v4, $0x10;
	v9 =	vand.u32 $0xFFFF, v1;
	v14 =	vld.idx.msk [tilespmem:v18+s2+$0x0], $0xffff  }
0xd6: {  	s21 =	simm.s32 $0x0;
	v10 =	vand.u32 $0xFFFF, v12;
	v12 =	vshrl.u32 v12, $0x10;
	v5 =	vshrl.u32 v22, $0x10;
	v18 =	vld.idx.msk [tilespmem:v20+s2+$0x0], $0xffff  }
.LBB2_9:
0xd7: {  	s21 =	sadd.s32 $0x100, s21;
	[tilespmem:v15+s16+$0x0] =	vst.idx.add.f32.msk $0xffff, v13;
	s20 =	sadd.s32 $0x100, s20  }
0xd8: {  	p1 =	slt.u32 s21, $0x2600;
	[tilespmem:v16+s16+$0x0] =	vst.idx.add.f32.msk $0xffff, v7  }
0xd9: {  	[tilespmem:v17+s16+$0x0] =	vst.idx.add.f32.msk $0xffff, v11  }
0xda: {  	v7 =	vld.idx.msk [tilespmem:v9+s2+$0x0], $0xffff  }
0xdb: {  	v1 =	vshrl.u32 v1, $0x10;
	v9 =	vld.idx.msk [tilespmem:v10+s2+$0x0], $0xffff  }
0xdc: {  	[tilespmem:v5+s16+$0x0] =	vst.idx.add.f32.msk $0xffff, v18  }
0xdd: {  	[tilespmem:v2+s16+$0x0] =	vst.idx.add.f32.msk $0xffff, v14  }
0xde: {  	[tilespmem:v3+s16+$0x0] =	vst.idx.add.f32.msk $0xffff, v6  }
0xdf: {  	[tilespmem:v4+s16+$0x0] =	vst.idx.add.f32.msk $0xffff, v8  }
0xe0: {  	[tilespmem:v1+s16+$0x0] =	vst.idx.add.f32.msk $0xffff, v7  }
0xe1: {  	[tilespmem:v12+s16+$0x0] =	vst.idx.add.f32.msk $0xffff, v9  }
0xe2: {  	v8 =	vld [tilespmem:s20+$0xFFFFFF90]  }
0xe3: {  	v5 =	vld [tilespmem:s20+$0xFFFFFFC0]  }
0xe4: {  	v4 =	vld [tilespmem:s20+$0xFFFFFFD0]  }
0xe5: {  	v3 =	vld [tilespmem:s20+$0xFFFFFFE0]  }
0xe6: {  	v6 =	vld [tilespmem:s20+$0xFFFFFFF0]  }
0xe7: {  	v2 =	vld [tilespmem:s20+$0xFFFFFF80]  }
0xe8: {  	v7 =	vld [tilespmem:s20+$0x70]  }
0xe9: {  	v9 =	vld [tilespmem:s20+$0x60]  }
0xea: {  	v10 =	vld [tilespmem:s20+$0x50]  }
0xeb: {  	v1 =	vld [tilespmem:s20+$0xFFFFFFA0]  }
0xec: {  	v11 =	vand.u32 $0xFFFF, v2;
	v12 =	vld [tilespmem:s20+$0x40]  }
0xed: {  	v13 =	vld [tilespmem:s20+$0x30];
	v14 =	vand.u32 $0xFFFF, v7  }
0xee: {  	v15 =	vld [tilespmem:s20+$0x20];
	v16 =	vand.u32 $0xFFFF, v9  }
0xef: {  	v17 =	vld [tilespmem:s20+$0x10];
	v18 =	vand.u32 $0xFFFF, v10  }
0xf0: {  	v19 =	vld [tilespmem:s20+$0x0]  }
0xf1: {  	v11 =	vld.idx.msk [tilespmem:v11+s2+$0x0], $0xffff;
	v20 =	vand.u32 $0xFFFF, v12  }
0xf2: {  	v2 =	vshrl.u32 v2, $0x10;
	v14 =	vld.idx.msk [tilespmem:v14+s2+$0x0], $0xffff  }
0xf3: {  	v7 =	vshrl.u32 v7, $0x10;
	v21 =	vand.u32 $0xFFFF, v15;
	v16 =	vld.idx.msk [tilespmem:v16+s2+$0x0], $0xffff  }
0xf4: {  	v9 =	vshrl.u32 v9, $0x10;
	v23 =	vand.u32 $0xFFFF, v13;
	v22 =	vand.u32 $0xFFFF, v17;
	v18 =	vld.idx.msk [tilespmem:v18+s2+$0x0], $0xffff  }
0xf5: {  	v26 =	vshrl.u32 v10, $0x10;
	v24 =	vld [tilespmem:s20+$0xFFFFFFB0];
	v25 =	vand.u32 $0xFFFF, v19  }
0xf6: {  	v27 =	vand.u32 $0xFFFF, v6;
	v20 =	vld.idx.msk [tilespmem:v20+s2+$0x0], $0xffff  }
0xf7: {  	v28 =	vand.u32 $0xFFFF, v3;
	[tilespmem:v2+s16+$0x0] =	vst.idx.add.f32.msk $0xffff, v11;
	v2 =	vshrl.u32 v3, $0x10  }
0xf8: {  	v29 =	vand.u32 $0xFFFF, v4;
	v12 =	vshrl.u32 v12, $0x10;
	v3 =	vshrl.u32 v4, $0x10;
	v21 =	vld.idx.msk [tilespmem:v21+s2+$0x0], $0xffff  }
0xf9: {  	v30 =	vand.u32 $0xFFFF, v5;
	v4 =	vshrl.u32 v5, $0x10;
	[tilespmem:v7+s16+$0x0] =	vst.idx.add.f32.msk $0xffff, v14  }
0xfa: {  	v14 =	vshrl.u32 v15, $0x10;
	v5 =	vshrl.u32 v24, $0x10;
	v24 =	vand.u32 $0xFFFF, v24;
	[tilespmem:v9+s16+$0x0] =	vst.idx.add.f32.msk $0xffff, v16  }
0xfb: {  	v9 =	vand.u32 $0xFFFF, v1;
	v23 =	vld.idx.msk [tilespmem:v23+s2+$0x0], $0xffff  }
0xfc: {  	v10 =	vand.u32 $0xFFFF, v8;
	v31 =	vshrl.u32 v13, $0x10;
	[tilespmem:v26+s16+$0x0] =	vst.idx.add.f32.msk $0xffff, v18  }
0xfd: {  	v7 =	vld.idx.msk [tilespmem:v25+s2+$0x0], $0xffff  }
0xfe: {  	v13 =	vld.idx.msk [tilespmem:v27+s2+$0x0], $0xffff  }
0xff: {  	v15 =	vshrl.u32 v6, $0x10;
	v11 =	vld.idx.msk [tilespmem:v22+s2+$0x0], $0xffff  }
0x100: {  	v16 =	vshrl.u32 v19, $0x10;
	[tilespmem:v12+s16+$0x0] =	vst.idx.add.f32.msk $0xffff, v20  }
0x101: {  	v17 =	vshrl.u32 v17, $0x10;
	v6 =	vld.idx.msk [tilespmem:v29+s2+$0x0], $0xffff  }
.Ltmp5:
0x102: {  	v12 =	vshrl.u32 v8, $0x10;
	v8 =	vld.idx.msk [tilespmem:v30+s2+$0x0], $0xffff;
	(pc) =	sbr.rel @p1 .LBB2_9-.Ltmp5, $4  }
0x103: {  	[tilespmem:v14+s16+$0x0] =	vst.idx.add.f32.msk $0xffff, v21  }
0x104: {  	[tilespmem:v31+s16+$0x0] =	vst.idx.add.f32.msk $0xffff, v23  }
0x105: {  	v14 =	vld.idx.msk [tilespmem:v28+s2+$0x0], $0xffff  }
0x106: {  	v18 =	vld.idx.msk [tilespmem:v24+s2+$0x0], $0xffff  }
0x107: {  	_ =	sdelay $0x3  }
0x108: {  	[tilespmem:v15+s16+$0x0] =	vst.idx.add.f32.msk $0xffff, v13  }
0x109: {  	[tilespmem:v16+s16+$0x0] =	vst.idx.add.f32.msk $0xffff, v7  }
0x10a: {  	[tilespmem:v17+s16+$0x0] =	vst.idx.add.f32.msk $0xffff, v11  }
0x10b: {  	v62 =	vld.idx.msk [tilespmem:v9+s2+$0x0], $0xffff  }
0x10c: {  	v63 =	vld.idx.msk [tilespmem:v10+s2+$0x0], $0xffff;
	v1 =	vshrl.u32 v1, $0x10  }
0x10d: {  	[tilespmem:v3+s16+$0x0] =	vst.idx.add.f32.msk $0xffff, v6  }
0x10e: {  	[tilespmem:v4+s16+$0x0] =	vst.idx.add.f32.msk $0xffff, v8  }
0x10f: {  	[tilespmem:v2+s16+$0x0] =	vst.idx.add.f32.msk $0xffff, v14  }
0x110: {  	[tilespmem:v5+s16+$0x0] =	vst.idx.add.f32.msk $0xffff, v18  }
0x111: {  	[tilespmem:v1+s16+$0x0] =	vst.idx.add.f32.msk $0xffff, v62  }
0x112: {  	[tilespmem:v12+s16+$0x0] =	vst.idx.add.f32.msk $0xffff, v63  }
0x113: {  	v1 =	vld [tilespmem:$0x1D580];
	_ =	sdelay $0x4  }
0x114: {  	v2 =	vand.u32 $0xFFFF, v1;
	_ =	sdelay $0x4  }
0x115: {  	v1 =	vshrl.u32 v1, $0x10;
	v2 =	vld.idx.msk [tilespmem:v2+s2+$0x0], $0xffff  }
.Ltmp6:
0x116: {  	_ = 	snop;
	(pc) =	sbr.rel @p0 .LBB2_12-.Ltmp6, $2  }
0x117: {  	_ =	sdelay $0x2  }
0x118: {  	[tilespmem:v1+s16+$0x0] =	vst.idx.add.f32.msk $0xffff, v2  }
0x119: {  	s20 =	smul.u32 $0x4E20, s19  }
.Ltmp7:
0x11a: {  	_ = 	snop;
	(pc) =	sbr.rel .LBB2_6-.Ltmp7, $4  }
0x11b: {  	s20 =	sshrl.u32 s20, $0x3  }
0x11c: {  	s20 =	sadd.s32 s3, s20  }
0x11d: {  	s19 =	sadd.s32 $0x1, s19;
	s20 =	sadd.s32 $0xEA6, s20  }
0x11e: {  	[tilespmem:s14], [sflag:$0x2] =	stream.linear.gather [hbm4b:s20+s2], $0x2710, $0x38;
	[tilespmem:$0x1D600] =	vst v63  }
.LBB2_12:
0x11f: {  	[hbm4b:s6+s10] =	stream.strided.scatter [tilespmem:s16], [sflag:$0x3], $0xC380, s11, s10, $0x38;
	[tilespmem:$0x1D600] =	vst v63  }
0x120: {  	_ =	swait.ge [sflag:s12], $0xC380  }
0x121: {  	[sflag:s12] =	ssyncset.done $0x0  }
0x122: {  	[sflag:s12] =	ssyncadd.s32 $0xFFFF3C80  }
0x123: {  	[tilespmem:s2], [sflag:$0x3] =	stream.strided.gather [hbm4b:s7+s10], $0xC380, s11, s10, $0x38;
	[tilespmem:$0x1D600] =	vst v63  }
0x124: {  	_ =	swait.ge [sflag:s12], $0xC380  }
0x125: {  	[sflag:s12] =	ssyncset.done $0x0  }
0x126: {  	s19 =	simm.s32 $0xC400;
	[sflag:s12] =	ssyncadd.s32 $0xFFFF3C80  }
0x127: {  	[tilespmem:s19+$0xFFFFFF80] =	vst v0  }
0x128: {  	[tilespmem:s19+$0x70] =	vst v0  }
0x129: {  	[tilespmem:s19+$0x60] =	vst v0  }
0x12a: {  	[tilespmem:s19+$0x50] =	vst v0  }
0x12b: {  	[tilespmem:s19+$0x40] =	vst v0  }
0x12c: {  	[tilespmem:s19+$0x30] =	vst v0  }
0x12d: {  	[tilespmem:s19+$0x20] =	vst v0  }
0x12e: {  	[tilespmem:s19+$0x10] =	vst v0  }
0x12f: {  	[tilespmem:s19+$0x0] =	vst v0  }
0x130: {  	[tilespmem:s19+$0xFFFFFFF0] =	vst v0  }
0x131: {  	[tilespmem:s19+$0xFFFFFFE0] =	vst v0  }
0x132: {  	[tilespmem:s19+$0xFFFFFFD0] =	vst v0  }
0x133: {  	[tilespmem:s19+$0xFFFFFFC0] =	vst v0  }
0x134: {  	[tilespmem:s19+$0xFFFFFFB0] =	vst v0  }
0x135: {  	s20 =	simm.s32 $0x0;
	[tilespmem:s19+$0xFFFFFFA0] =	vst v0  }
.LBB2_13:
0x136: {  	s20 =	sadd.s32 $0x100, s20;
	[tilespmem:s19+$0xFFFFFF90] =	vst v0;
	s19 =	sadd.s32 $0x100, s19  }
0x137: {  	[tilespmem:s19+$0xFFFFFF80] =	vst v0;
	p0 =	slt.u32 s20, $0xC200  }
0x138: {  	[tilespmem:s19+$0x70] =	vst v0  }
0x139: {  	[tilespmem:s19+$0x60] =	vst v0  }
0x13a: {  	[tilespmem:s19+$0x50] =	vst v0  }
0x13b: {  	[tilespmem:s19+$0x40] =	vst v0  }
0x13c: {  	[tilespmem:s19+$0x30] =	vst v0  }
0x13d: {  	[tilespmem:s19+$0x20] =	vst v0  }
0x13e: {  	[tilespmem:s19+$0x10] =	vst v0  }
0x13f: {  	[tilespmem:s19+$0x0] =	vst v0  }
0x140: {  	[tilespmem:s19+$0xFFFFFFF0] =	vst v0  }
.Ltmp8:
0x141: {  	[tilespmem:s19+$0xFFFFFFE0] =	vst v0;
	(pc) =	sbr.rel @p0 .LBB2_13-.Ltmp8, $4  }
0x142: {  	[tilespmem:s19+$0xFFFFFFD0] =	vst v0  }
0x143: {  	[tilespmem:s19+$0xFFFFFFC0] =	vst v0  }
0x144: {  	[tilespmem:s19+$0xFFFFFFB0] =	vst v0  }
0x145: {  	s21 =	simm.s32 $0x18680;
	[tilespmem:s19+$0xFFFFFFA0] =	vst v0  }
0x146: {  	[tilespmem:s19+$0xFFFFFF90] =	vst v0;
	s19 =	simm.s32 $0xC2F0  }
.LBB2_15:
0x147: {  	s19 =	sadd.s32 $0x10, s19  }
0x148: {  	p0 =	slt.u32 s19, $0xC340  }
.Ltmp9:
0x149: {  	_ = 	snop;
	(pc) =	sbr.rel @p0 .LBB2_15-.Ltmp9, $2  }
0x14a: {  	_ =	sdelay $0x2  }
0x14b: {  	[tilespmem:s21+$0x0] =	vst v0;
	s21 =	sadd.s32 $0x10, s21  }
0x14c: {  	s19 =	simm.s32 $0x0  }
0x14d: {  	[tilespmem:s13], [sflag:$0x1] =	stream.linear.gather [hbm4b:s3+s19], $0x2710, $0x38;
	[tilespmem:$0x1D600] =	vst v63  }
0x14e: {  	_ = 	snop  }
0x14f: {  	[tilespmem:s14], [sflag:$0x2] =	stream.linear.gather [hbm4b:s5+s19], $0x2710, $0x38;
	[tilespmem:$0x1D600] =	vst v63  }
.LBB2_17:
0x150: {  	_ =	swait.ge [sflag:s15], $0x2710  }
0x151: {  	[sflag:s15] =	ssyncset.done $0x0  }
0x152: {  	s20 =	simm.s32 $0x18780;
	[sflag:s15] =	ssyncadd.s32 $0xFFFFD8F0  }
0x153: {  	v12 =	vld [tilespmem:s20+$0xFFFFFF90]  }
0x154: {  	v4 =	vld [tilespmem:s20+$0xFFFFFFC0]  }
0x155: {  	v3 =	vld [tilespmem:s20+$0xFFFFFFD0]  }
0x156: {  	v2 =	vld [tilespmem:s20+$0xFFFFFFE0]  }
0x157: {  	v14 =	vld [tilespmem:s20+$0xFFFFFFF0]  }
0x158: {  	v5 =	vld [tilespmem:s20+$0xFFFFFF80]  }
0x159: {  	v6 =	vld [tilespmem:s20+$0x70]  }
0x15a: {  	v7 =	vld [tilespmem:s20+$0x60]  }
0x15b: {  	v8 =	vld [tilespmem:s20+$0x50]  }
0x15c: {  	v1 =	vld [tilespmem:s20+$0xFFFFFFA0]  }
0x15d: {  	v10 =	vld [tilespmem:s20+$0x40]  }
0x15e: {  	v11 =	vld [tilespmem:s20+$0x30];
	v9 =	vand.u32 $0xFFFF, v5  }
0x15f: {  	v15 =	vld [tilespmem:s20+$0x20];
	v13 =	vand.u32 $0xFFFF, v6  }
0x160: {  	v17 =	vld [tilespmem:s20+$0x10];
	v16 =	vand.u32 $0xFFFF, v7  }
0x161: {  	v19 =	vld [tilespmem:s20+$0x0];
	v18 =	vand.u32 $0xFFFF, v8  }
0x162: {  	v22 =	vld [tilespmem:s20+$0xFFFFFFB0];
	v20 =	vand.u32 $0xFFFF, v10  }
0x163: {  	v5 =	vshrl.u32 v5, $0x10;
	v9 =	vld.idx.msk [tilespmem:v9+s2+$0x0], $0xffff  }
0x164: {  	v21 =	vand.u32 $0xFFFF, v15;
	v13 =	vld.idx.msk [tilespmem:v13+s2+$0x0], $0xffff  }
0x165: {  	v6 =	vshrl.u32 v6, $0x10;
	v16 =	vld.idx.msk [tilespmem:v16+s2+$0x0], $0xffff  }
0x166: {  	v7 =	vshrl.u32 v7, $0x10;
	v18 =	vld.idx.msk [tilespmem:v18+s2+$0x0], $0xffff  }
0x167: {  	v23 =	vand.u32 $0xFFFF, v11;
	v20 =	vld.idx.msk [tilespmem:v20+s2+$0x0], $0xffff  }
0x168: {  	v8 =	vshrl.u32 v8, $0x10;
	[tilespmem:v5+s16+$0x0] =	vst.idx.add.f32.msk $0xffff, v9  }
0x169: {  	v5 =	vand.u32 $0xFFFF, v19;
	v9 =	vld.idx.msk [tilespmem:v21+s2+$0x0], $0xffff  }
0x16a: {  	v62 =	vand.u32 $0xFFFF, v14;
	[tilespmem:v6+s16+$0x0] =	vst.idx.add.f32.msk $0xffff, v13  }
0x16b: {  	v10 =	vshrl.u32 v10, $0x10;
	[tilespmem:v7+s16+$0x0] =	vst.idx.add.f32.msk $0xffff, v16  }
0x16c: {  	v6 =	vand.u32 $0xFFFF, v17;
	v16 =	vld.idx.msk [tilespmem:v23+s2+$0x0], $0xffff  }
0x16d: {  	v63 =	vand.u32 $0xFFFF, v3;
	[tilespmem:v8+s16+$0x0] =	vst.idx.add.f32.msk $0xffff, v18  }
0x16e: {  	v7 =	vld.idx.msk [tilespmem:v5+s2+$0x0], $0xffff;
	v5 =	vshrl.u32 v15, $0x10;
	v15 =	vshrl.u32 v11, $0x10  }
0x16f: {  	v8 =	vand.u32 $0xFFFF, v4;
	v13 =	vld.idx.msk [tilespmem:v62+s2+$0x0], $0xffff  }
0x170: {  	[tilespmem:v10+s16+$0x0] =	vst.idx.add.f32.msk $0xffff, v20  }
0x171: {  	v18 =	vand.u32 $0xFFFF, v2;
	v11 =	vld.idx.msk [tilespmem:v6+s2+$0x0], $0xffff  }
0x172: {  	v20 =	vand.u32 $0xFFFF, v22;
	v6 =	vld.idx.msk [tilespmem:v63+s2+$0x0], $0xffff  }
0x173: {  	[tilespmem:v15+s16+$0x0] =	vst.idx.add.f32.msk $0xffff, v16;
	v15 =	vshrl.u32 v14, $0x10  }
0x174: {  	v8 =	vld.idx.msk [tilespmem:v8+s2+$0x0], $0xffff;
	v16 =	vshrl.u32 v19, $0x10  }
0x175: {  	v3 =	vshrl.u32 v3, $0x10;
	v17 =	vshrl.u32 v17, $0x10;
	[tilespmem:v5+s16+$0x0] =	vst.idx.add.f32.msk $0xffff, v9  }
0x176: {  	v2 =	vshrl.u32 v2, $0x10;
	v4 =	vshrl.u32 v4, $0x10;
	v9 =	vand.u32 $0xFFFF, v1;
	v14 =	vld.idx.msk [tilespmem:v18+s2+$0x0], $0xffff  }
0x177: {  	s21 =	simm.s32 $0x0;
	v10 =	vand.u32 $0xFFFF, v12;
	v12 =	vshrl.u32 v12, $0x10;
	v5 =	vshrl.u32 v22, $0x10;
	v18 =	vld.idx.msk [tilespmem:v20+s2+$0x0], $0xffff  }
.LBB2_18:
0x178: {  	s21 =	sadd.s32 $0x100, s21;
	[tilespmem:v15+s16+$0x0] =	vst.idx.add.f32.msk $0xffff, v13;
	s20 =	sadd.s32 $0x100, s20  }
0x179: {  	p0 =	slt.u32 s21, $0x2600;
	[tilespmem:v16+s16+$0x0] =	vst.idx.add.f32.msk $0xffff, v7  }
0x17a: {  	[tilespmem:v17+s16+$0x0] =	vst.idx.add.f32.msk $0xffff, v11  }
0x17b: {  	v7 =	vld.idx.msk [tilespmem:v9+s2+$0x0], $0xffff  }
0x17c: {  	v1 =	vshrl.u32 v1, $0x10;
	v9 =	vld.idx.msk [tilespmem:v10+s2+$0x0], $0xffff  }
0x17d: {  	[tilespmem:v5+s16+$0x0] =	vst.idx.add.f32.msk $0xffff, v18  }
0x17e: {  	[tilespmem:v2+s16+$0x0] =	vst.idx.add.f32.msk $0xffff, v14  }
0x17f: {  	[tilespmem:v3+s16+$0x0] =	vst.idx.add.f32.msk $0xffff, v6  }
0x180: {  	[tilespmem:v4+s16+$0x0] =	vst.idx.add.f32.msk $0xffff, v8  }
0x181: {  	[tilespmem:v1+s16+$0x0] =	vst.idx.add.f32.msk $0xffff, v7  }
0x182: {  	[tilespmem:v12+s16+$0x0] =	vst.idx.add.f32.msk $0xffff, v9  }
0x183: {  	v8 =	vld [tilespmem:s20+$0xFFFFFF90]  }
0x184: {  	v5 =	vld [tilespmem:s20+$0xFFFFFFC0]  }
0x185: {  	v4 =	vld [tilespmem:s20+$0xFFFFFFD0]  }
0x186: {  	v3 =	vld [tilespmem:s20+$0xFFFFFFE0]  }
0x187: {  	v6 =	vld [tilespmem:s20+$0xFFFFFFF0]  }
0x188: {  	v2 =	vld [tilespmem:s20+$0xFFFFFF80]  }
0x189: {  	v7 =	vld [tilespmem:s20+$0x70]  }
0x18a: {  	v9 =	vld [tilespmem:s20+$0x60]  }
0x18b: {  	v10 =	vld [tilespmem:s20+$0x50]  }
0x18c: {  	v1 =	vld [tilespmem:s20+$0xFFFFFFA0]  }
0x18d: {  	v11 =	vand.u32 $0xFFFF, v2;
	v12 =	vld [tilespmem:s20+$0x40]  }
0x18e: {  	v13 =	vld [tilespmem:s20+$0x30];
	v14 =	vand.u32 $0xFFFF, v7  }
0x18f: {  	v15 =	vld [tilespmem:s20+$0x20];
	v16 =	vand.u32 $0xFFFF, v9  }
0x190: {  	v17 =	vld [tilespmem:s20+$0x10];
	v18 =	vand.u32 $0xFFFF, v10  }
0x191: {  	v19 =	vld [tilespmem:s20+$0x0]  }
0x192: {  	v11 =	vld.idx.msk [tilespmem:v11+s2+$0x0], $0xffff;
	v20 =	vand.u32 $0xFFFF, v12  }
0x193: {  	v2 =	vshrl.u32 v2, $0x10;
	v14 =	vld.idx.msk [tilespmem:v14+s2+$0x0], $0xffff  }
0x194: {  	v7 =	vshrl.u32 v7, $0x10;
	v21 =	vand.u32 $0xFFFF, v15;
	v16 =	vld.idx.msk [tilespmem:v16+s2+$0x0], $0xffff  }
0x195: {  	v9 =	vshrl.u32 v9, $0x10;
	v23 =	vand.u32 $0xFFFF, v13;
	v22 =	vand.u32 $0xFFFF, v17;
	v18 =	vld.idx.msk [tilespmem:v18+s2+$0x0], $0xffff  }
0x196: {  	v26 =	vshrl.u32 v10, $0x10;
	v24 =	vld [tilespmem:s20+$0xFFFFFFB0];
	v25 =	vand.u32 $0xFFFF, v19  }
0x197: {  	v27 =	vand.u32 $0xFFFF, v6;
	v20 =	vld.idx.msk [tilespmem:v20+s2+$0x0], $0xffff  }
0x198: {  	v28 =	vand.u32 $0xFFFF, v3;
	[tilespmem:v2+s16+$0x0] =	vst.idx.add.f32.msk $0xffff, v11;
	v2 =	vshrl.u32 v3, $0x10  }
0x199: {  	v29 =	vand.u32 $0xFFFF, v4;
	v12 =	vshrl.u32 v12, $0x10;
	v3 =	vshrl.u32 v4, $0x10;
	v21 =	vld.idx.msk [tilespmem:v21+s2+$0x0], $0xffff  }
0x19a: {  	v30 =	vand.u32 $0xFFFF, v5;
	v4 =	vshrl.u32 v5, $0x10;
	[tilespmem:v7+s16+$0x0] =	vst.idx.add.f32.msk $0xffff, v14  }
0x19b: {  	v14 =	vshrl.u32 v15, $0x10;
	v5 =	vshrl.u32 v24, $0x10;
	v24 =	vand.u32 $0xFFFF, v24;
	[tilespmem:v9+s16+$0x0] =	vst.idx.add.f32.msk $0xffff, v16  }
0x19c: {  	v9 =	vand.u32 $0xFFFF, v1;
	v23 =	vld.idx.msk [tilespmem:v23+s2+$0x0], $0xffff  }
0x19d: {  	v10 =	vand.u32 $0xFFFF, v8;
	v31 =	vshrl.u32 v13, $0x10;
	[tilespmem:v26+s16+$0x0] =	vst.idx.add.f32.msk $0xffff, v18  }
0x19e: {  	v7 =	vld.idx.msk [tilespmem:v25+s2+$0x0], $0xffff  }
0x19f: {  	v13 =	vld.idx.msk [tilespmem:v27+s2+$0x0], $0xffff  }
0x1a0: {  	v15 =	vshrl.u32 v6, $0x10;
	v11 =	vld.idx.msk [tilespmem:v22+s2+$0x0], $0xffff  }
0x1a1: {  	v16 =	vshrl.u32 v19, $0x10;
	[tilespmem:v12+s16+$0x0] =	vst.idx.add.f32.msk $0xffff, v20  }
0x1a2: {  	v17 =	vshrl.u32 v17, $0x10;
	v6 =	vld.idx.msk [tilespmem:v29+s2+$0x0], $0xffff  }
.Ltmp10:
0x1a3: {  	v12 =	vshrl.u32 v8, $0x10;
	v8 =	vld.idx.msk [tilespmem:v30+s2+$0x0], $0xffff;
	(pc) =	sbr.rel @p0 .LBB2_18-.Ltmp10, $4  }
0x1a4: {  	[tilespmem:v14+s16+$0x0] =	vst.idx.add.f32.msk $0xffff, v21  }
0x1a5: {  	[tilespmem:v31+s16+$0x0] =	vst.idx.add.f32.msk $0xffff, v23  }
0x1a6: {  	v14 =	vld.idx.msk [tilespmem:v28+s2+$0x0], $0xffff  }
0x1a7: {  	v18 =	vld.idx.msk [tilespmem:v24+s2+$0x0], $0xffff  }
0x1a8: {  	_ =	sdelay $0x3  }
0x1a9: {  	[tilespmem:v15+s16+$0x0] =	vst.idx.add.f32.msk $0xffff, v13  }
0x1aa: {  	[tilespmem:v16+s16+$0x0] =	vst.idx.add.f32.msk $0xffff, v7  }
0x1ab: {  	[tilespmem:v17+s16+$0x0] =	vst.idx.add.f32.msk $0xffff, v11  }
0x1ac: {  	v7 =	vld.idx.msk [tilespmem:v9+s2+$0x0], $0xffff  }
0x1ad: {  	v9 =	vld.idx.msk [tilespmem:v10+s2+$0x0], $0xffff;
	v1 =	vshrl.u32 v1, $0x10  }
0x1ae: {  	[tilespmem:v3+s16+$0x0] =	vst.idx.add.f32.msk $0xffff, v6  }
0x1af: {  	[tilespmem:v4+s16+$0x0] =	vst.idx.add.f32.msk $0xffff, v8  }
0x1b0: {  	[tilespmem:v2+s16+$0x0] =	vst.idx.add.f32.msk $0xffff, v14  }
0x1b1: {  	[tilespmem:v5+s16+$0x0] =	vst.idx.add.f32.msk $0xffff, v18  }
0x1b2: {  	[tilespmem:v1+s16+$0x0] =	vst.idx.add.f32.msk $0xffff, v7  }
0x1b3: {  	[tilespmem:v12+s16+$0x0] =	vst.idx.add.f32.msk $0xffff, v9  }
0x1b4: {  	v1 =	vld [tilespmem:$0x1AE00];
	_ =	sdelay $0x4  }
0x1b5: {  	v2 =	vand.u32 $0xFFFF, v1;
	_ =	sdelay $0x4  }
0x1b6: {  	p0 =	seq.s32 s19, $0x4F;
	v1 =	vshrl.u32 v1, $0x10;
	v2 =	vld.idx.msk [tilespmem:v2+s2+$0x0], $0xffff  }
0x1b7: {  	s20 =	smul.u32 @!p0 $0x4E20, s19;
	_ =	sdelay $0x1  }
0x1b8: {  	s20 =	sshrl.u32 @!p0 s20, $0x3  }
0x1b9: {  	s20 =	sadd.s32 @!p0 s3, s20  }
0x1ba: {  	s21 =	simm.s32 @!p0 $0x0;
	s22 =	simm.s32 @!p0 $0x18700;
	s20 =	sadd.s32 @!p0 $0x9C4, s20;
	[tilespmem:v1+s16+$0x0] =	vst.idx.add.f32.msk $0xffff, v2  }
0x1bb: {  	[tilespmem:s22], [sflag:$0x1] =	stream.linear.gather @!p0 [hbm4b:s20+s21], $0x2710, $0x38;
	[tilespmem:$0x1D600] =	vst v63  }
0x1bc: {  	_ =	swait.ge [sflag:s17], $0x2710  }
0x1bd: {  	[sflag:s17] =	ssyncset.done $0x0  }
0x1be: {  	s20 =	simm.s32 $0x1AF00;
	[sflag:s17] =	ssyncadd.s32 $0xFFFFD8F0  }
0x1bf: {  	v12 =	vld [tilespmem:s20+$0xFFFFFF90]  }
0x1c0: {  	v4 =	vld [tilespmem:s20+$0xFFFFFFC0]  }
0x1c1: {  	v3 =	vld [tilespmem:s20+$0xFFFFFFD0]  }
0x1c2: {  	v2 =	vld [tilespmem:s20+$0xFFFFFFE0]  }
0x1c3: {  	v14 =	vld [tilespmem:s20+$0xFFFFFFF0]  }
0x1c4: {  	v5 =	vld [tilespmem:s20+$0xFFFFFF80]  }
0x1c5: {  	v6 =	vld [tilespmem:s20+$0x70]  }
0x1c6: {  	v7 =	vld [tilespmem:s20+$0x60]  }
0x1c7: {  	v8 =	vld [tilespmem:s20+$0x50]  }
0x1c8: {  	v1 =	vld [tilespmem:s20+$0xFFFFFFA0]  }
0x1c9: {  	v10 =	vld [tilespmem:s20+$0x40]  }
0x1ca: {  	v11 =	vld [tilespmem:s20+$0x30];
	v9 =	vand.u32 $0xFFFF, v5  }
0x1cb: {  	v15 =	vld [tilespmem:s20+$0x20];
	v13 =	vand.u32 $0xFFFF, v6  }
0x1cc: {  	v17 =	vld [tilespmem:s20+$0x10];
	v16 =	vand.u32 $0xFFFF, v7  }
0x1cd: {  	v19 =	vld [tilespmem:s20+$0x0];
	v18 =	vand.u32 $0xFFFF, v8  }
0x1ce: {  	v22 =	vld [tilespmem:s20+$0xFFFFFFB0];
	v20 =	vand.u32 $0xFFFF, v10  }
0x1cf: {  	v5 =	vshrl.u32 v5, $0x10;
	v9 =	vld.idx.msk [tilespmem:v9+s2+$0x0], $0xffff  }
0x1d0: {  	v21 =	vand.u32 $0xFFFF, v15;
	v13 =	vld.idx.msk [tilespmem:v13+s2+$0x0], $0xffff  }
0x1d1: {  	v6 =	vshrl.u32 v6, $0x10;
	v16 =	vld.idx.msk [tilespmem:v16+s2+$0x0], $0xffff  }
0x1d2: {  	v7 =	vshrl.u32 v7, $0x10;
	v18 =	vld.idx.msk [tilespmem:v18+s2+$0x0], $0xffff  }
0x1d3: {  	v23 =	vand.u32 $0xFFFF, v11;
	v20 =	vld.idx.msk [tilespmem:v20+s2+$0x0], $0xffff  }
0x1d4: {  	v8 =	vshrl.u32 v8, $0x10;
	[tilespmem:v5+s16+$0x0] =	vst.idx.add.f32.msk $0xffff, v9  }
0x1d5: {  	v5 =	vand.u32 $0xFFFF, v19;
	v9 =	vld.idx.msk [tilespmem:v21+s2+$0x0], $0xffff  }
0x1d6: {  	v62 =	vand.u32 $0xFFFF, v14;
	[tilespmem:v6+s16+$0x0] =	vst.idx.add.f32.msk $0xffff, v13  }
0x1d7: {  	v10 =	vshrl.u32 v10, $0x10;
	[tilespmem:v7+s16+$0x0] =	vst.idx.add.f32.msk $0xffff, v16  }
0x1d8: {  	v6 =	vand.u32 $0xFFFF, v17;
	v16 =	vld.idx.msk [tilespmem:v23+s2+$0x0], $0xffff  }
0x1d9: {  	v63 =	vand.u32 $0xFFFF, v3;
	[tilespmem:v8+s16+$0x0] =	vst.idx.add.f32.msk $0xffff, v18  }
0x1da: {  	v7 =	vld.idx.msk [tilespmem:v5+s2+$0x0], $0xffff;
	v5 =	vshrl.u32 v15, $0x10;
	v15 =	vshrl.u32 v11, $0x10  }
0x1db: {  	v8 =	vand.u32 $0xFFFF, v4;
	v13 =	vld.idx.msk [tilespmem:v62+s2+$0x0], $0xffff  }
0x1dc: {  	[tilespmem:v10+s16+$0x0] =	vst.idx.add.f32.msk $0xffff, v20  }
0x1dd: {  	v18 =	vand.u32 $0xFFFF, v2;
	v11 =	vld.idx.msk [tilespmem:v6+s2+$0x0], $0xffff  }
0x1de: {  	v20 =	vand.u32 $0xFFFF, v22;
	v6 =	vld.idx.msk [tilespmem:v63+s2+$0x0], $0xffff  }
0x1df: {  	[tilespmem:v15+s16+$0x0] =	vst.idx.add.f32.msk $0xffff, v16;
	v15 =	vshrl.u32 v14, $0x10  }
0x1e0: {  	v8 =	vld.idx.msk [tilespmem:v8+s2+$0x0], $0xffff;
	v16 =	vshrl.u32 v19, $0x10  }
0x1e1: {  	v3 =	vshrl.u32 v3, $0x10;
	v17 =	vshrl.u32 v17, $0x10;
	[tilespmem:v5+s16+$0x0] =	vst.idx.add.f32.msk $0xffff, v9  }
0x1e2: {  	v2 =	vshrl.u32 v2, $0x10;
	v4 =	vshrl.u32 v4, $0x10;
	v9 =	vand.u32 $0xFFFF, v1;
	v14 =	vld.idx.msk [tilespmem:v18+s2+$0x0], $0xffff  }
0x1e3: {  	s21 =	simm.s32 $0x0;
	v10 =	vand.u32 $0xFFFF, v12;
	v12 =	vshrl.u32 v12, $0x10;
	v5 =	vshrl.u32 v22, $0x10;
	v18 =	vld.idx.msk [tilespmem:v20+s2+$0x0], $0xffff  }
.LBB2_20:
0x1e4: {  	s21 =	sadd.s32 $0x100, s21;
	[tilespmem:v15+s16+$0x0] =	vst.idx.add.f32.msk $0xffff, v13;
	s20 =	sadd.s32 $0x100, s20  }
0x1e5: {  	p1 =	slt.u32 s21, $0x2600;
	[tilespmem:v16+s16+$0x0] =	vst.idx.add.f32.msk $0xffff, v7  }
0x1e6: {  	[tilespmem:v17+s16+$0x0] =	vst.idx.add.f32.msk $0xffff, v11  }
0x1e7: {  	v7 =	vld.idx.msk [tilespmem:v9+s2+$0x0], $0xffff  }
0x1e8: {  	v1 =	vshrl.u32 v1, $0x10;
	v9 =	vld.idx.msk [tilespmem:v10+s2+$0x0], $0xffff  }
0x1e9: {  	[tilespmem:v5+s16+$0x0] =	vst.idx.add.f32.msk $0xffff, v18  }
0x1ea: {  	[tilespmem:v2+s16+$0x0] =	vst.idx.add.f32.msk $0xffff, v14  }
0x1eb: {  	[tilespmem:v3+s16+$0x0] =	vst.idx.add.f32.msk $0xffff, v6  }
0x1ec: {  	[tilespmem:v4+s16+$0x0] =	vst.idx.add.f32.msk $0xffff, v8  }
0x1ed: {  	[tilespmem:v1+s16+$0x0] =	vst.idx.add.f32.msk $0xffff, v7  }
0x1ee: {  	[tilespmem:v12+s16+$0x0] =	vst.idx.add.f32.msk $0xffff, v9  }
0x1ef: {  	v8 =	vld [tilespmem:s20+$0xFFFFFF90]  }
0x1f0: {  	v5 =	vld [tilespmem:s20+$0xFFFFFFC0]  }
0x1f1: {  	v4 =	vld [tilespmem:s20+$0xFFFFFFD0]  }
0x1f2: {  	v3 =	vld [tilespmem:s20+$0xFFFFFFE0]  }
0x1f3: {  	v6 =	vld [tilespmem:s20+$0xFFFFFFF0]  }
0x1f4: {  	v2 =	vld [tilespmem:s20+$0xFFFFFF80]  }
0x1f5: {  	v7 =	vld [tilespmem:s20+$0x70]  }
0x1f6: {  	v9 =	vld [tilespmem:s20+$0x60]  }
0x1f7: {  	v10 =	vld [tilespmem:s20+$0x50]  }
0x1f8: {  	v1 =	vld [tilespmem:s20+$0xFFFFFFA0]  }
0x1f9: {  	v11 =	vand.u32 $0xFFFF, v2;
	v12 =	vld [tilespmem:s20+$0x40]  }
0x1fa: {  	v13 =	vld [tilespmem:s20+$0x30];
	v14 =	vand.u32 $0xFFFF, v7  }
0x1fb: {  	v15 =	vld [tilespmem:s20+$0x20];
	v16 =	vand.u32 $0xFFFF, v9  }
0x1fc: {  	v17 =	vld [tilespmem:s20+$0x10];
	v18 =	vand.u32 $0xFFFF, v10  }
0x1fd: {  	v19 =	vld [tilespmem:s20+$0x0]  }
0x1fe: {  	v11 =	vld.idx.msk [tilespmem:v11+s2+$0x0], $0xffff;
	v20 =	vand.u32 $0xFFFF, v12  }
0x1ff: {  	v2 =	vshrl.u32 v2, $0x10;
	v14 =	vld.idx.msk [tilespmem:v14+s2+$0x0], $0xffff  }
0x200: {  	v7 =	vshrl.u32 v7, $0x10;
	v21 =	vand.u32 $0xFFFF, v15;
	v16 =	vld.idx.msk [tilespmem:v16+s2+$0x0], $0xffff  }
0x201: {  	v9 =	vshrl.u32 v9, $0x10;
	v23 =	vand.u32 $0xFFFF, v13;
	v22 =	vand.u32 $0xFFFF, v17;
	v18 =	vld.idx.msk [tilespmem:v18+s2+$0x0], $0xffff  }
0x202: {  	v26 =	vshrl.u32 v10, $0x10;
	v24 =	vld [tilespmem:s20+$0xFFFFFFB0];
	v25 =	vand.u32 $0xFFFF, v19  }
0x203: {  	v27 =	vand.u32 $0xFFFF, v6;
	v20 =	vld.idx.msk [tilespmem:v20+s2+$0x0], $0xffff  }
0x204: {  	v28 =	vand.u32 $0xFFFF, v3;
	[tilespmem:v2+s16+$0x0] =	vst.idx.add.f32.msk $0xffff, v11;
	v2 =	vshrl.u32 v3, $0x10  }
0x205: {  	v29 =	vand.u32 $0xFFFF, v4;
	v12 =	vshrl.u32 v12, $0x10;
	v3 =	vshrl.u32 v4, $0x10;
	v21 =	vld.idx.msk [tilespmem:v21+s2+$0x0], $0xffff  }
0x206: {  	v30 =	vand.u32 $0xFFFF, v5;
	v4 =	vshrl.u32 v5, $0x10;
	[tilespmem:v7+s16+$0x0] =	vst.idx.add.f32.msk $0xffff, v14  }
0x207: {  	v14 =	vshrl.u32 v15, $0x10;
	v5 =	vshrl.u32 v24, $0x10;
	v24 =	vand.u32 $0xFFFF, v24;
	[tilespmem:v9+s16+$0x0] =	vst.idx.add.f32.msk $0xffff, v16  }
0x208: {  	v9 =	vand.u32 $0xFFFF, v1;
	v23 =	vld.idx.msk [tilespmem:v23+s2+$0x0], $0xffff  }
0x209: {  	v10 =	vand.u32 $0xFFFF, v8;
	v31 =	vshrl.u32 v13, $0x10;
	[tilespmem:v26+s16+$0x0] =	vst.idx.add.f32.msk $0xffff, v18  }
0x20a: {  	v7 =	vld.idx.msk [tilespmem:v25+s2+$0x0], $0xffff  }
0x20b: {  	v13 =	vld.idx.msk [tilespmem:v27+s2+$0x0], $0xffff  }
0x20c: {  	v15 =	vshrl.u32 v6, $0x10;
	v11 =	vld.idx.msk [tilespmem:v22+s2+$0x0], $0xffff  }
0x20d: {  	v16 =	vshrl.u32 v19, $0x10;
	[tilespmem:v12+s16+$0x0] =	vst.idx.add.f32.msk $0xffff, v20  }
0x20e: {  	v17 =	vshrl.u32 v17, $0x10;
	v6 =	vld.idx.msk [tilespmem:v29+s2+$0x0], $0xffff  }
.Ltmp11:
0x20f: {  	v12 =	vshrl.u32 v8, $0x10;
	v8 =	vld.idx.msk [tilespmem:v30+s2+$0x0], $0xffff;
	(pc) =	sbr.rel @p1 .LBB2_20-.Ltmp11, $4  }
0x210: {  	[tilespmem:v14+s16+$0x0] =	vst.idx.add.f32.msk $0xffff, v21  }
0x211: {  	[tilespmem:v31+s16+$0x0] =	vst.idx.add.f32.msk $0xffff, v23  }
0x212: {  	v14 =	vld.idx.msk [tilespmem:v28+s2+$0x0], $0xffff  }
0x213: {  	v18 =	vld.idx.msk [tilespmem:v24+s2+$0x0], $0xffff  }
0x214: {  	_ =	sdelay $0x3  }
0x215: {  	[tilespmem:v15+s16+$0x0] =	vst.idx.add.f32.msk $0xffff, v13  }
0x216: {  	[tilespmem:v16+s16+$0x0] =	vst.idx.add.f32.msk $0xffff, v7  }
0x217: {  	[tilespmem:v17+s16+$0x0] =	vst.idx.add.f32.msk $0xffff, v11  }
0x218: {  	v62 =	vld.idx.msk [tilespmem:v9+s2+$0x0], $0xffff  }
0x219: {  	v63 =	vld.idx.msk [tilespmem:v10+s2+$0x0], $0xffff;
	v1 =	vshrl.u32 v1, $0x10  }
0x21a: {  	[tilespmem:v3+s16+$0x0] =	vst.idx.add.f32.msk $0xffff, v6  }
0x21b: {  	[tilespmem:v4+s16+$0x0] =	vst.idx.add.f32.msk $0xffff, v8  }
0x21c: {  	[tilespmem:v2+s16+$0x0] =	vst.idx.add.f32.msk $0xffff, v14  }
0x21d: {  	[tilespmem:v5+s16+$0x0] =	vst.idx.add.f32.msk $0xffff, v18  }
0x21e: {  	[tilespmem:v1+s16+$0x0] =	vst.idx.add.f32.msk $0xffff, v62  }
0x21f: {  	[tilespmem:v12+s16+$0x0] =	vst.idx.add.f32.msk $0xffff, v63  }
0x220: {  	v1 =	vld [tilespmem:$0x1D580];
	_ =	sdelay $0x4  }
0x221: {  	v2 =	vand.u32 $0xFFFF, v1;
	_ =	sdelay $0x4  }
0x222: {  	v1 =	vshrl.u32 v1, $0x10;
	v2 =	vld.idx.msk [tilespmem:v2+s2+$0x0], $0xffff  }
.Ltmp12:
0x223: {  	_ = 	snop;
	(pc) =	sbr.rel @p0 .LBB2_23-.Ltmp12, $2  }
0x224: {  	_ =	sdelay $0x2  }
0x225: {  	[tilespmem:v1+s16+$0x0] =	vst.idx.add.f32.msk $0xffff, v2  }
0x226: {  	s20 =	smul.u32 $0x4E20, s19  }
.Ltmp13:
0x227: {  	_ = 	snop;
	(pc) =	sbr.rel .LBB2_17-.Ltmp13, $4  }
0x228: {  	s20 =	sshrl.u32 s20, $0x3  }
0x229: {  	s20 =	sadd.s32 s3, s20  }
0x22a: {  	s19 =	sadd.s32 $0x1, s19;
	s20 =	sadd.s32 $0xEA6, s20  }
0x22b: {  	[tilespmem:s14], [sflag:$0x2] =	stream.linear.gather [hbm4b:s20+s2], $0x2710, $0x38;
	[tilespmem:$0x1D600] =	vst v63  }
.LBB2_24:
0x22c: {  	_ =	sfence.sel $0x180000  }
0x22d: {  	[bflag:$0x0] =	sbarrier.arrive $0xFFFF  }
0x22e: {  	p0 =	sne.s32 s1, $0x0;
	_ =	strace $0x90000047  }
0x22f: {  	s0 =	sadd.s32 @!p0 $0x100000, s0;
	[bflag:$0x2] =	sbarrier.arrive $0xFFFF  }
0x230: {  	[sflag:s0] =	ssyncadd.tile.s32 @!p0 $0x1;
	_ =	shalt  }
.Lfunc_end2:
_tile_overlayer_lowered:
.L_overlay_start_2:
0x231: {  	(tag) =	ssettag $0x2  }
0x232: {  	s0 =	rddreg [dreg:$0x0];
	s2 =	stileid.u32  }
0x233: {  	s1 =	rddreg [dreg:$0x1];
	p0 =	sne.s32 s2, $0x0  }
0x234: {  	s3 =	rddreg [dreg:$0x2];
	[bflag:$0x3] =	sbarrier.arrive $0xFFFF;
	s2 =	simm.s32 @!p0 $0x1C03  }
0x235: {  	[timem:s3], [sflag:s2] =	dma.local @!p0 [hbm:s0], s1  }
0x236: {  	s0 =	simm.s32 @!p0 $0x3  }
0x237: {  	_ =	swait.ge @!p0 [sflag:s0], s1  }
0x238: {  	s1 =	ssub.s32 @!p0 $0x0, s1;
	[sflag:s0] =	ssyncset.done @!p0 $0x0  }
0x239: {  	[sflag:s0] =	ssyncadd.s32 @!p0 s1  }
0x23a: {  	[bflag:$0x3] =	sbarrier.arrive $0xFFFF  }
0x23b: {  	_ =	shalt  }

// kernel: kernel.16.cloned.1.call-start
scs
__scs_entry_jumppad:
0x0: {  	(pc) =	sbr.rel $0x88, $3  }
0x1: {  	(tag) =	ssettag $0x0;
	lr =	simm.s32 $0x1  }
0x2: {  	[smem:$0x3F98] =	sst lr;
	_ =	strace $0xD0000000  }
0x3: {  	_ = 	snop  }
0x4: {  	_ = 	snop  }
0x5: {  	_ = 	snop  }
0x6: {  	_ = 	snop  }
0x7: {  	_ = 	snop  }
__scs_overlays_trampoline_lowered:
0x8: {  	[smem:$0x3FA7] =	sst s0  }
0x9: {  	[smem:$0x3FA8] =	sst s1  }
0xa: {  	[smem:$0x3FA9] =	sst s2  }
0xb: {  	[smem:$0x3FAA] =	sst s3  }
0xc: {  	[smem:$0x3FAB] =	sst s4  }
0xd: {  	[smem:$0x3FAC] =	sst s5  }
0xe: {  	[smem:$0x3FAD] =	sst s6  }
0xf: {  	[smem:$0x3FAE] =	sst s7  }
0x10: {  	[smem:$0x3FAF] =	sst s8  }
0x11: {  	[smem:$0x3FB0] =	sst s9;
	s0 =	simm.s32 @!p0 $0x0  }
0x12: {  	s1 =	sld [smem:$0x3F96];
	s0 =	simm.s32 @p0 $0x1  }
0x13: {  	[smem:$0x3FB1] =	sst s0;
	s0 =	simm.s32 @!p1 $0x0  }
0x14: {  	s2 =	sld [smem:$0x3F95];
	s0 =	simm.s32 @p1 $0x1  }
0x15: {  	[smem:$0x3FB2] =	sst s0;
	s0 =	simm.s32 @!p2 $0x0  }
0x16: {  	s3 =	sld [smem:$0x3FDB];
	s0 =	simm.s32 @p2 $0x1  }
0x17: {  	s4 =	simm.s32 $0x1BF5;
	[smem:$0x3FB4] =	sst s0  }
0x18: {  	s0 =	sld [smem:$0x3F97];
	_ =	swait.ge [sflag:s4], $0x0  }
0x19: {  	s7 =	sld [smem:$0x3F98]  }
0x1a: {  	s8 =	sadd.s32 $0xFFFFE003, lr  }
0x1b: {  	s9 =	sadd.s32 $0xFFFFFEF7, lr;
	s5 =	simm.s32 $0xFFFFFFFF;
	p2 =	slt.u32 s8, $0xFFFFF086  }
0x1c: {  	p1 =	slt.u32 s9, $0xF7A;
	s5 =	simm.s32 @!p2 $0x0  }
0x1d: {  	s5 =	simm.s32 @p1 $0x1;
	p0 =	seq.s32 s7, s2  }
0x1e: {  	s7 =	smul.u32 @!p0 $0xF7A, s2;
	p2 =	seq.s32 @!p0 s5, $0x0  }
0x1f: {  	s9 =	smul.u32 $0xF7A, s1;
	s8 =	simm.s32 @!p0 $0x1BF5;
	p2 =	por !p2, p0  }
0x20: {  	[sflag:s8] =	ssyncset.s32 @!p0 $0xFFFFF086;
	s6 =	sadd.s32 @!p0 s3, s7;
	s7 =	simm.s32 @!p0 $0x108  }
0x21: {  	s3 =	sadd.s32 s3, s9;
	s6 =	sadd.s32 @!p0 $0x88, s6;
	s7 =	simm.s32 @p2 $0x1082  }
0x22: {  	[simem:s7], [sflag:s8] =	dma.local @!p0 [hbm:s6], $0xF7A  }
0x23: {  	s9 =	sor.u32 $0xD0000000, s2;
	s6 =	simm.s32 $0x108;
	_ =	swait.ge @!p0 [sflag:s8], $0x0  }
0x24: {  	s3 =	sadd.s32 $0x88, s3;
	s6 =	simm.s32 @!p1 $0x1082;
	[sflag:s4] =	ssyncset.s32 $0xFFFFF086  }
0x25: {  	[simem:s6], [sflag:s4] =	dma.local [hbm:s3], $0xF7A  }
0x26: {  	[smem:$0x3F98] =	sst s1;
	(tag) =	ssettag s2;
	_ =	strace s9  }
0x27: {  	s1 =	sld [smem:$0x3FA8]  }
0x28: {  	s2 =	sld [smem:$0x3FA9]  }
0x29: {  	s4 =	sld [smem:$0x3FAB]  }
0x2a: {  	p0 =	seq.s32 s5, $0x0;
	s5 =	sld [smem:$0x3FAC]  }
0x2b: {  	s6 =	sld [smem:$0x3FAD]  }
0x2c: {  	s7 =	sld [smem:$0x3FAE]  }
0x2d: {  	s3 =	simm.s32 $0x108;
	s8 =	sld [smem:$0x3FAF]  }
0x2e: {  	s3 =	simm.s32 @!p0 $0x1082;
	s9 =	sld [smem:$0x3FB0]  }
0x2f: {  	lr =	sadd.s32 s0, s3;
	s0 =	sld [smem:$0x3FA7]  }
0x30: {  	s3 =	sld [smem:$0x3FAA]  }
0x31: {  	[smem:$0x3FB3] =	sst s10  }
0x32: {  	s10 =	sld [smem:$0x3FB1];
	_ =	sdelay $0x3  }
0x33: {  	p0 =	seq.s32 s10, $0x1;
	s10 =	sld [smem:$0x3FB3];
	_ =	sdelay $0x3  }
0x34: {  	[smem:$0x3FB3] =	sst s10  }
0x35: {  	s10 =	sld [smem:$0x3FB2];
	_ =	sdelay $0x3  }
0x36: {  	p1 =	seq.s32 s10, $0x1;
	s10 =	sld [smem:$0x3FB3];
	_ =	sdelay $0x3  }
0x37: {  	[smem:$0x3FB3] =	sst s10  }
0x38: {  	s10 =	sld [smem:$0x3FB4]  }
0x39: {  	_ = 	snop;
	(pc) =	sbr.ind lr, $3  }
0x3a: {  	_ = 	snop  }
0x3b: {  	_ = 	snop  }
0x3c: {  	p2 =	seq.s32 s10, $0x1;
	s10 =	sld [smem:$0x3FB3]  }
0x3d: {  	_ =	shalt  }
0x3e: {  	_ =	shalt  }
0x3f: {  	_ =	shalt  }
0x40: {  	_ =	shalt  }
0x41: {  	_ =	shalt  }
0x42: {  	_ =	shalt  }
0x43: {  	_ =	shalt  }
0x44: {  	_ =	shalt  }
0x45: {  	_ =	shalt  }
0x46: {  	_ =	shalt  }
0x47: {  	_ =	shalt  }
0x48: {  	_ =	shalt  }
0x49: {  	_ =	shalt  }
0x4a: {  	_ =	shalt  }
0x4b: {  	_ =	shalt  }
0x4c: {  	_ =	shalt  }
0x4d: {  	_ =	shalt  }
0x4e: {  	_ =	shalt  }
0x4f: {  	_ =	shalt  }
0x50: {  	_ =	shalt  }
0x51: {  	_ =	shalt  }
0x52: {  	_ =	shalt  }
0x53: {  	_ =	shalt  }
0x54: {  	_ =	shalt  }
0x55: {  	_ =	shalt  }
0x56: {  	_ =	shalt  }
0x57: {  	_ =	shalt  }
0x58: {  	_ =	shalt  }
0x59: {  	_ =	shalt  }
0x5a: {  	_ =	shalt  }
0x5b: {  	_ =	shalt  }
0x5c: {  	_ =	shalt  }
0x5d: {  	_ =	shalt  }
0x5e: {  	_ =	shalt  }
0x5f: {  	_ =	shalt  }
0x60: {  	_ =	shalt  }
0x61: {  	_ =	shalt  }
0x62: {  	_ =	shalt  }
0x63: {  	_ =	shalt  }
0x64: {  	_ =	shalt  }
0x65: {  	_ =	shalt  }
0x66: {  	_ =	shalt  }
0x67: {  	_ =	shalt  }
0x68: {  	_ =	shalt  }
0x69: {  	_ =	shalt  }
0x6a: {  	_ =	shalt  }
0x6b: {  	_ =	shalt  }
0x6c: {  	_ =	shalt  }
0x6d: {  	_ =	shalt  }
0x6e: {  	_ =	shalt  }
0x6f: {  	_ =	shalt  }
0x70: {  	_ =	shalt  }
0x71: {  	_ =	shalt  }
0x72: {  	_ =	shalt  }
0x73: {  	_ =	shalt  }
0x74: {  	_ =	shalt  }
0x75: {  	_ =	shalt  }
0x76: {  	_ =	shalt  }
0x77: {  	_ =	shalt  }
0x78: {  	_ =	shalt  }
0x79: {  	_ =	shalt  }
0x7a: {  	_ =	shalt  }
0x7b: {  	_ =	shalt  }
0x7c: {  	_ =	shalt  }
0x7d: {  	_ =	shalt  }
0x7e: {  	_ =	shalt  }
0x7f: {  	_ =	shalt  }
0x80: {  	_ =	shalt  }
0x81: {  	_ =	shalt  }
0x82: {  	_ =	shalt  }
0x83: {  	_ =	shalt  }
0x84: {  	_ =	shalt  }
0x85: {  	_ =	shalt  }
0x86: {  	_ =	shalt  }
0x87: {  	_ =	shalt  }
.Lfunc_end0:
.L_simem_size_0:
called_computation.1_lowered:
.L_overlay_start_0:
0x88: {  	s2 =	sld [smem:$0x3FD9]  }
0x89: {  	s3 =	sld [smem:$0x3FFE];
	_ =	sdelay $0x1  }
0x8a: {  	s1 =	srdreg.scid  }
0x8b: {  	s0 =	sand.u32 $0x1, s1  }
0x8c: {  	s16 =	sshll.u32 s0, $0xA;
	s2 =	sadd.s32 s3, s2  }
0x8d: {  	s2 =	sadd.s32 s2, s16  }
0x8e: {  	[smem:$0x3FBF] =	sst s2  }
0x8f: {  	_ = 	snop  }
0x90: {  	(tm) =	ssettm $0x1  }
0x91: {  	s17 =	sld [smem:$0x3FFB];
	_ =	sdelay $0x3  }
0x92: {  	_ =	strace s17  }
0x93: {  	s2 =	sld [smem:$0x3FFC];
	_ =	sdelay $0x3  }
0x94: {  	_ =	strace s2  }
0x95: {  	s2 =	sld [smem:$0x3FFD];
	_ =	sdelay $0x3  }
0x96: {  	_ =	strace s2  }
0x97: {  	_ =	strace $0x8FFFFFFF  }
0x98: {  	s18 =	sld [smem:$0x3FDB];
	_ =	sdelay $0x1  }
0x99: {  	s19 =	simm.s32 $_scs_section_size  }
0x9a: {  	s4 =	simm.s32 $_size__tile_overlayer_lowered;
	s5 =	simm.s32 $_tile_overlayer_lowered  }
0x9b: {  	s22 =	simm.s32 $0x1BFF;
	s21 =	sshll.u32 s5, $0x1;
	s2 =	sadd.s32 s19, s18  }
0x9c: {  	s6 =	simm.s32 $0x0;
	s20 =	sshll.u32 s4, $0x1;
	s4 =	sadd.s32 s21, s2  }
0x9d: {  	[timem:s6], [sflag:s22] =	dma.local [hbm:s4], s20  }
0x9e: {  	_ =	swait.ge [sflag:s22], s20  }
0x9f: {  	s3 =	ssub.s32 $0x0, s20;
	[sflag:s22] =	ssyncset.done $0x0  }
0xa0: {  	[sflag:s22] =	ssyncadd.s32 s3;
	_ =	sdelay $0x1  }
0xa1: {  	s23 =	simm.s32 $0x1B8B  }
0xa2: {  	_ =	swait.ge [sflag:s23], $0x1  }
0xa3: {  	[sflag:s23] =	ssyncset.done $0x0  }
0xa4: {  	s25 =	simm.s32 $0x1B8E;
	s24 =	sld [smem:$0x3FFE];
	[sflag:s23] =	ssyncadd.s32 $0xFFFFFFFF  }
0xa5: {  	s26 =	simm.s32 $execute0_lowered;
	[smem:$0x3FD2] =	sst s25  }
0xa6: {  	s4 =	sshll.u32 s26, $0x1;
	_ =	strace $0x80000049;
	[dreg:$0x1] =	wrdreg $0xFFFFFFFF  }
0xa7: {  	s28 =	simm.s32 $_size_execute0_lowered;
	s2 =	sadd.s32 s2, s4;
	[dreg:$0x0] =	wrdreg $0x0  }
0xa8: {  	s4 =	sshll.u32 s28, $0x1;
	[dreg:$0x2] =	wrdreg s2  }
0xa9: {  	[dreg:$0x3] =	wrdreg s4  }
0xaa: {  	[dreg:$0x4] =	wrdreg $0xC0  }
0xab: {  	_ =	task [dreg:s6], $0x5FFFF  }
0xac: {  	[dreg:$0x1] =	wrdreg $0xFFFFFFFF  }
0xad: {  	[dreg:$0x0] =	wrdreg $0x60  }
0xae: {  	[dreg:$0x2] =	wrdreg s24  }
0xaf: {  	[dreg:$0x3] =	wrdreg $0x9  }
0xb0: {  	_ =	task.clear_ibuf [dreg:s6], $0x4FFFF;
	_ =	strace $0x90000049  }
0xb1: {  	s29 =	simm.s32 $0x9;
	_ =	strace $0x8000004B  }
0xb2: {  	_ =	swait.ge [sflag:s29], $0x1  }
0xb3: {  	[sflag:s29] =	ssyncadd.s32 $0xFFFFFFFF  }
0xb4: {  	_ =	strace $0x9000004B  }
0xb5: {  	_ =	sfence  }
0xb6: {  	s30 =	sld [smem:$0x0];
	_ =	sdelay $0x2  }
0xb7: {  	s31 =	sshll.u32 s1, $0xD;
	s1 =	sshrl.u32 s1, $0x2  }
0xb8: {  	s3 =	sand.u32 $0x4000, s31;
	s1 =	sadd.s32 s1, s30  }
0xb9: {  	s0 =	sor.u32 s3, s0;
	s1 =	sshll.u32 s1, $0x11  }
0xba: {  	s0 =	sor.u32 s1, s0  }
0xbb: {  	s0 =	sadd.s32 $0x8F2B, s0  }
0xbc: {  	[sflag:s0] =	ssyncadd.remote.s32 $0x1  }
0xbd: {  	_ =	sfence.sel $0xFFFF  }
0xbe: {  	[dreg:$0x0] =	wrdreg $0xFFFFFFFF;
	(pc) =	sbr.abs _section_cstart, $3  }
0xbf: {  	[dreg:$0x1] =	wrdreg $0xFFFFFFFF  }
0xc0: {  	_ =	task.clear_ibuf [dreg:s6], $0x2FFFF;
	_ =	strace $0x9FFFFFFF  }
0xc1: {  	(tm) =	ssettm $0x7FFFFFFF  }
tec
execute0_lowered:
.L_overlay_start_1:
0x0: {  	(tag) =	ssettag $0x1  }
0x1: {  	s5 =	rddreg [dreg:$0x0]  }
0x2: {  	s0 =	rddreg [dreg:$0x1];
	s2 =	simm.s32 $0x0;
	s3 =	srdreg.scid  }
0x3: {  	s1 =	stileid.u32;
	s12 =	simm.s32 $0x3;
	s13 =	simm.s32 $0x18700  }
0x4: {  	s14 =	simm.s32 $0x1AE80;
	s15 =	simm.s32 $0x1;
	s16 =	simm.s32 $0xC380  }
0x5: {  	s17 =	simm.s32 $0x2;
	s18 =	simm.s32 $0x0;
	[smem:$0x7FF] =	sst s2  }
0x6: {  	s4 =	sand.u32 $0x1, s3;
	s26 =	sshrl.u32 s1, $0x2;
	s6 =	sshll.u32 s1, $0x8  }
0x7: {  	s8 =	sadd.s32 $0x2600, s5;
	s3 =	sadd.s32 $0x64200, s5;
	s9 =	sadd.s32 $0x189200, s5  }
0x8: {  	s7 =	smul.u32 $0x61C00, s26;
	s28 =	sshll.u32 s4, $0x7;
	s6 =	sand.u32 $0x300, s6  }
0x9: {  	s5 =	sadd.s32 $0x646E2, s5;
	_ =	strace $0x8000004A;
	s6 =	sor.u32 s28, s6  }
.Ltmp0:
0xa: {  	s4 =	ssub.s32 $0x2, s4;
	s6 =	sor.u32 s7, s6;
	(pc) =	sbr.rel .LBB2_1-.Ltmp0, $4  }
0xb: {  	s29 =	sshrl.u32 s4, $0x1;
	s10 =	sshrl.u32 s6, $0x3;
	s30 =	sadd.s32 $0x187000, s6  }
0xc: {  	s11 =	ssub.s32 s4, s29;
	s4 =	sadd.s32 s8, s10;
	s31 =	sshrl.u32 s30, $0x3  }
0xd: {  	s6 =	sadd.s32 s9, s10;
	s10 =	simm.s32 $0x80;
	s7 =	sadd.s32 s8, s31  }
0xe: {  	v0 =	vimm.f32 $0.0e+00;
	s8 =	sadd.s32 s9, s31;
	s9 =	smax.u32 s11, $0x1;
	s11 =	simm.s32 $0x400  }
.LBB2_23:
0xf: {  	s18 =	sadd.s32 $0x1, s18  }
0x10: {  	p0 =	sne.s32 s18, s9  }
.Ltmp1:
0x11: {  	_ = 	snop;
	(pc) =	sbr.rel @!p0 .LBB2_24-.Ltmp1, $4  }
0x12: {  	[hbm4b:s8+s10] =	stream.strided.scatter [tilespmem:s16], [sflag:$0x3], $0xC380, s11, s10, $0x38;
	[tilespmem:$0x1D600] =	vst v63  }
0x13: {  	_ =	swait.ge [sflag:s12], $0xC380  }
0x14: {  	[sflag:s12] =	ssyncset.done $0x0  }
0x15: {  	[sflag:s12] =	ssyncadd.s32 $0xFFFF3C80  }
.LBB2_1:
0x16: {  	[tilespmem:s2], [sflag:$0x3] =	stream.strided.gather [hbm4b:s4+s10], $0xC380, s11, s10, $0x38;
	[tilespmem:$0x1D600] =	vst v63  }
0x17: {  	_ =	swait.ge [sflag:s12], $0xC380  }
0x18: {  	[sflag:s12] =	ssyncset.done $0x0  }
0x19: {  	s19 =	simm.s32 $0xC400;
	[sflag:s12] =	ssyncadd.s32 $0xFFFF3C80  }
0x1a: {  	[tilespmem:s19+$0xFFFFFF80] =	vst v0  }
0x1b: {  	[tilespmem:s19+$0x70] =	vst v0  }
0x1c: {  	[tilespmem:s19+$0x60] =	vst v0  }
0x1d: {  	[tilespmem:s19+$0x50] =	vst v0  }
0x1e: {  	[tilespmem:s19+$0x40] =	vst v0  }
0x1f: {  	[tilespmem:s19+$0x30] =	vst v0  }
0x20: {  	[tilespmem:s19+$0x20] =	vst v0  }
0x21: {  	[tilespmem:s19+$0x10] =	vst v0  }
0x22: {  	[tilespmem:s19+$0x0] =	vst v0  }
0x23: {  	[tilespmem:s19+$0xFFFFFFF0] =	vst v0  }
0x24: {  	[tilespmem:s19+$0xFFFFFFE0] =	vst v0  }
0x25: {  	[tilespmem:s19+$0xFFFFFFD0] =	vst v0  }
0x26: {  	[tilespmem:s19+$0xFFFFFFC0] =	vst v0  }
0x27: {  	[tilespmem:s19+$0xFFFFFFB0] =	vst v0  }
0x28: {  	s22 =	simm.s32 $0x0;
	s20 =	simm.s32 $0x18680;
	[tilespmem:s19+$0xFFFFFFA0] =	vst v0  }
.LBB2_2:
0x29: {  	s22 =	sadd.s32 $0x100, s22;
	[tilespmem:s19+$0xFFFFFF90] =	vst v0;
	s19 =	sadd.s32 $0x100, s19;
	s21 =	simm.s32 $0xC2F0  }
0x2a: {  	[tilespmem:s19+$0xFFFFFF80] =	vst v0;
	p0 =	slt.u32 s22, $0xC200  }
0x2b: {  	[tilespmem:s19+$0x70] =	vst v0  }
0x2c: {  	[tilespmem:s19+$0x60] =	vst v0  }
0x2d: {  	[tilespmem:s19+$0x50] =	vst v0  }
0x2e: {  	[tilespmem:s19+$0x40] =	vst v0  }
0x2f: {  	[tilespmem:s19+$0x30] =	vst v0  }
0x30: {  	[tilespmem:s19+$0x20] =	vst v0  }
0x31: {  	[tilespmem:s19+$0x10] =	vst v0  }
0x32: {  	[tilespmem:s19+$0x0] =	vst v0  }
0x33: {  	[tilespmem:s19+$0xFFFFFFF0] =	vst v0  }
.Ltmp2:
0x34: {  	[tilespmem:s19+$0xFFFFFFE0] =	vst v0;
	(pc) =	sbr.rel @p0 .LBB2_2-.Ltmp2, $4  }
0x35: {  	[tilespmem:s19+$0xFFFFFFD0] =	vst v0  }
0x36: {  	[tilespmem:s19+$0xFFFFFFC0] =	vst v0  }
0x37: {  	[tilespmem:s19+$0xFFFFFFB0] =	vst v0  }
0x38: {  	[tilespmem:s19+$0xFFFFFFA0] =	vst v0  }
0x39: {  	[tilespmem:s19+$0xFFFFFF90] =	vst v0  }
.LBB2_4:
0x3a: {  	s21 =	sadd.s32 $0x10, s21  }
0x3b: {  	p0 =	slt.u32 s21, $0xC340  }
.Ltmp3:
0x3c: {  	_ = 	snop;
	(pc) =	sbr.rel @p0 .LBB2_4-.Ltmp3, $2  }
0x3d: {  	_ =	sdelay $0x2  }
0x3e: {  	[tilespmem:s20+$0x0] =	vst v0;
	s20 =	sadd.s32 $0x10, s20  }
0x3f: {  	s19 =	simm.s32 $0x0  }
0x40: {  	[tilespmem:s13], [sflag:$0x1] =	stream.linear.gather [hbm4b:s3+s19], $0x2710, $0x38;
	[tilespmem:$0x1D600] =	vst v63  }
0x41: {  	_ = 	snop  }
0x42: {  	[tilespmem:s14], [sflag:$0x2] =	stream.linear.gather [hbm4b:s5+s19], $0x2710, $0x38;
	[tilespmem:$0x1D600] =	vst v63  }
.LBB2_6:
0x43: {  	_ =	swait.ge [sflag:s15], $0x2710  }
0x44: {  	[sflag:s15] =	ssyncset.done $0x0  }
0x45: {  	s20 =	simm.s32 $0x18780;
	[sflag:s15] =	ssyncadd.s32 $0xFFFFD8F0  }
0x46: {  	v12 =	vld [tilespmem:s20+$0xFFFFFF90]  }
0x47: {  	v4 =	vld [tilespmem:s20+$0xFFFFFFC0]  }
0x48: {  	v3 =	vld [tilespmem:s20+$0xFFFFFFD0]  }
0x49: {  	v2 =	vld [tilespmem:s20+$0xFFFFFFE0]  }
0x4a: {  	v14 =	vld [tilespmem:s20+$0xFFFFFFF0]  }
0x4b: {  	v5 =	vld [tilespmem:s20+$0xFFFFFF80]  }
0x4c: {  	v6 =	vld [tilespmem:s20+$0x70]  }
0x4d: {  	v7 =	vld [tilespmem:s20+$0x60]  }
0x4e: {  	v8 =	vld [tilespmem:s20+$0x50]  }
0x4f: {  	v1 =	vld [tilespmem:s20+$0xFFFFFFA0]  }
0x50: {  	v10 =	vld [tilespmem:s20+$0x40]  }
0x51: {  	v11 =	vld [tilespmem:s20+$0x30];
	v9 =	vand.u32 $0xFFFF, v5  }
0x52: {  	v15 =	vld [tilespmem:s20+$0x20];
	v13 =	vand.u32 $0xFFFF, v6  }
0x53: {  	v17 =	vld [tilespmem:s20+$0x10];
	v16 =	vand.u32 $0xFFFF, v7  }
0x54: {  	v19 =	vld [tilespmem:s20+$0x0];
	v18 =	vand.u32 $0xFFFF, v8  }
0x55: {  	v22 =	vld [tilespmem:s20+$0xFFFFFFB0];
	v20 =	vand.u32 $0xFFFF, v10  }
0x56: {  	v5 =	vshrl.u32 v5, $0x10;
	v9 =	vld.idx.msk [tilespmem:v9+s2+$0x0], $0xffff  }
0x57: {  	v21 =	vand.u32 $0xFFFF, v15;
	v13 =	vld.idx.msk [tilespmem:v13+s2+$0x0], $0xffff  }
0x58: {  	v6 =	vshrl.u32 v6, $0x10;
	v16 =	vld.idx.msk [tilespmem:v16+s2+$0x0], $0xffff  }
0x59: {  	v7 =	vshrl.u32 v7, $0x10;
	v18 =	vld.idx.msk [tilespmem:v18+s2+$0x0], $0xffff  }
0x5a: {  	v23 =	vand.u32 $0xFFFF, v11;
	v20 =	vld.idx.msk [tilespmem:v20+s2+$0x0], $0xffff  }
0x5b: {  	v8 =	vshrl.u32 v8, $0x10;
	[tilespmem:v5+s16+$0x0] =	vst.idx.add.f32.msk $0xffff, v9  }
0x5c: {  	v5 =	vand.u32 $0xFFFF, v19;
	v9 =	vld.idx.msk [tilespmem:v21+s2+$0x0], $0xffff  }
0x5d: {  	v62 =	vand.u32 $0xFFFF, v14;
	[tilespmem:v6+s16+$0x0] =	vst.idx.add.f32.msk $0xffff, v13  }
0x5e: {  	v10 =	vshrl.u32 v10, $0x10;
	[tilespmem:v7+s16+$0x0] =	vst.idx.add.f32.msk $0xffff, v16  }
0x5f: {  	v6 =	vand.u32 $0xFFFF, v17;
	v16 =	vld.idx.msk [tilespmem:v23+s2+$0x0], $0xffff  }
0x60: {  	v63 =	vand.u32 $0xFFFF, v3;
	[tilespmem:v8+s16+$0x0] =	vst.idx.add.f32.msk $0xffff, v18  }
0x61: {  	v7 =	vld.idx.msk [tilespmem:v5+s2+$0x0], $0xffff;
	v5 =	vshrl.u32 v15, $0x10;
	v15 =	vshrl.u32 v11, $0x10  }
0x62: {  	v8 =	vand.u32 $0xFFFF, v4;
	v13 =	vld.idx.msk [tilespmem:v62+s2+$0x0], $0xffff  }
0x63: {  	[tilespmem:v10+s16+$0x0] =	vst.idx.add.f32.msk $0xffff, v20  }
0x64: {  	v18 =	vand.u32 $0xFFFF, v2;
	v11 =	vld.idx.msk [tilespmem:v6+s2+$0x0], $0xffff  }
0x65: {  	v20 =	vand.u32 $0xFFFF, v22;
	v6 =	vld.idx.msk [tilespmem:v63+s2+$0x0], $0xffff  }
0x66: {  	[tilespmem:v15+s16+$0x0] =	vst.idx.add.f32.msk $0xffff, v16;
	v15 =	vshrl.u32 v14, $0x10  }
0x67: {  	v8 =	vld.idx.msk [tilespmem:v8+s2+$0x0], $0xffff;
	v16 =	vshrl.u32 v19, $0x10  }
0x68: {  	v3 =	vshrl.u32 v3, $0x10;
	v17 =	vshrl.u32 v17, $0x10;
	[tilespmem:v5+s16+$0x0] =	vst.idx.add.f32.msk $0xffff, v9  }
0x69: {  	v2 =	vshrl.u32 v2, $0x10;
	v4 =	vshrl.u32 v4, $0x10;
	v9 =	vand.u32 $0xFFFF, v1;
	v14 =	vld.idx.msk [tilespmem:v18+s2+$0x0], $0xffff  }
0x6a: {  	s21 =	simm.s32 $0x0;
	v10 =	vand.u32 $0xFFFF, v12;
	v12 =	vshrl.u32 v12, $0x10;
	v5 =	vshrl.u32 v22, $0x10;
	v18 =	vld.idx.msk [tilespmem:v20+s2+$0x0], $0xffff  }
.LBB2_7:
0x6b: {  	s21 =	sadd.s32 $0x100, s21;
	[tilespmem:v15+s16+$0x0] =	vst.idx.add.f32.msk $0xffff, v13;
	s20 =	sadd.s32 $0x100, s20  }
0x6c: {  	p0 =	slt.u32 s21, $0x2600;
	[tilespmem:v16+s16+$0x0] =	vst.idx.add.f32.msk $0xffff, v7  }
0x6d: {  	[tilespmem:v17+s16+$0x0] =	vst.idx.add.f32.msk $0xffff, v11  }
0x6e: {  	v7 =	vld.idx.msk [tilespmem:v9+s2+$0x0], $0xffff  }
0x6f: {  	v1 =	vshrl.u32 v1, $0x10;
	v9 =	vld.idx.msk [tilespmem:v10+s2+$0x0], $0xffff  }
0x70: {  	[tilespmem:v5+s16+$0x0] =	vst.idx.add.f32.msk $0xffff, v18  }
0x71: {  	[tilespmem:v2+s16+$0x0] =	vst.idx.add.f32.msk $0xffff, v14  }
0x72: {  	[tilespmem:v3+s16+$0x0] =	vst.idx.add.f32.msk $0xffff, v6  }
0x73: {  	[tilespmem:v4+s16+$0x0] =	vst.idx.add.f32.msk $0xffff, v8  }
0x74: {  	[tilespmem:v1+s16+$0x0] =	vst.idx.add.f32.msk $0xffff, v7  }
0x75: {  	[tilespmem:v12+s16+$0x0] =	vst.idx.add.f32.msk $0xffff, v9  }
0x76: {  	v8 =	vld [tilespmem:s20+$0xFFFFFF90]  }
0x77: {  	v5 =	vld [tilespmem:s20+$0xFFFFFFC0]  }
0x78: {  	v4 =	vld [tilespmem:s20+$0xFFFFFFD0]  }
0x79: {  	v3 =	vld [tilespmem:s20+$0xFFFFFFE0]  }
0x7a: {  	v6 =	vld [tilespmem:s20+$0xFFFFFFF0]  }
0x7b: {  	v2 =	vld [tilespmem:s20+$0xFFFFFF80]  }
0x7c: {  	v7 =	vld [tilespmem:s20+$0x70]  }
0x7d: {  	v9 =	vld [tilespmem:s20+$0x60]  }
0x7e: {  	v10 =	vld [tilespmem:s20+$0x50]  }
0x7f: {  	v1 =	vld [tilespmem:s20+$0xFFFFFFA0]  }
0x80: {  	v11 =	vand.u32 $0xFFFF, v2;
	v12 =	vld [tilespmem:s20+$0x40]  }
0x81: {  	v13 =	vld [tilespmem:s20+$0x30];
	v14 =	vand.u32 $0xFFFF, v7  }
0x82: {  	v15 =	vld [tilespmem:s20+$0x20];
	v16 =	vand.u32 $0xFFFF, v9  }
0x83: {  	v17 =	vld [tilespmem:s20+$0x10];
	v18 =	vand.u32 $0xFFFF, v10  }
0x84: {  	v19 =	vld [tilespmem:s20+$0x0]  }
0x85: {  	v11 =	vld.idx.msk [tilespmem:v11+s2+$0x0], $0xffff;
	v20 =	vand.u32 $0xFFFF, v12  }
0x86: {  	v2 =	vshrl.u32 v2, $0x10;
	v14 =	vld.idx.msk [tilespmem:v14+s2+$0x0], $0xffff  }
0x87: {  	v7 =	vshrl.u32 v7, $0x10;
	v21 =	vand.u32 $0xFFFF, v15;
	v16 =	vld.idx.msk [tilespmem:v16+s2+$0x0], $0xffff  }
0x88: {  	v9 =	vshrl.u32 v9, $0x10;
	v23 =	vand.u32 $0xFFFF, v13;
	v22 =	vand.u32 $0xFFFF, v17;
	v18 =	vld.idx.msk [tilespmem:v18+s2+$0x0], $0xffff  }
0x89: {  	v26 =	vshrl.u32 v10, $0x10;
	v24 =	vld [tilespmem:s20+$0xFFFFFFB0];
	v25 =	vand.u32 $0xFFFF, v19  }
0x8a: {  	v27 =	vand.u32 $0xFFFF, v6;
	v20 =	vld.idx.msk [tilespmem:v20+s2+$0x0], $0xffff  }
0x8b: {  	v28 =	vand.u32 $0xFFFF, v3;
	[tilespmem:v2+s16+$0x0] =	vst.idx.add.f32.msk $0xffff, v11;
	v2 =	vshrl.u32 v3, $0x10  }
0x8c: {  	v29 =	vand.u32 $0xFFFF, v4;
	v12 =	vshrl.u32 v12, $0x10;
	v3 =	vshrl.u32 v4, $0x10;
	v21 =	vld.idx.msk [tilespmem:v21+s2+$0x0], $0xffff  }
0x8d: {  	v30 =	vand.u32 $0xFFFF, v5;
	v4 =	vshrl.u32 v5, $0x10;
	[tilespmem:v7+s16+$0x0] =	vst.idx.add.f32.msk $0xffff, v14  }
0x8e: {  	v14 =	vshrl.u32 v15, $0x10;
	v5 =	vshrl.u32 v24, $0x10;
	v24 =	vand.u32 $0xFFFF, v24;
	[tilespmem:v9+s16+$0x0] =	vst.idx.add.f32.msk $0xffff, v16  }
0x8f: {  	v9 =	vand.u32 $0xFFFF, v1;
	v23 =	vld.idx.msk [tilespmem:v23+s2+$0x0], $0xffff  }
0x90: {  	v10 =	vand.u32 $0xFFFF, v8;
	v31 =	vshrl.u32 v13, $0x10;
	[tilespmem:v26+s16+$0x0] =	vst.idx.add.f32.msk $0xffff, v18  }
0x91: {  	v7 =	vld.idx.msk [tilespmem:v25+s2+$0x0], $0xffff  }
0x92: {  	v13 =	vld.idx.msk [tilespmem:v27+s2+$0x0], $0xffff  }
0x93: {  	v15 =	vshrl.u32 v6, $0x10;
	v11 =	vld.idx.msk [tilespmem:v22+s2+$0x0], $0xffff  }
0x94: {  	v16 =	vshrl.u32 v19, $0x10;
	[tilespmem:v12+s16+$0x0] =	vst.idx.add.f32.msk $0xffff, v20  }
0x95: {  	v17 =	vshrl.u32 v17, $0x10;
	v6 =	vld.idx.msk [tilespmem:v29+s2+$0x0], $0xffff  }
.Ltmp4:
0x96: {  	v12 =	vshrl.u32 v8, $0x10;
	v8 =	vld.idx.msk [tilespmem:v30+s2+$0x0], $0xffff;
	(pc) =	sbr.rel @p0 .LBB2_7-.Ltmp4, $4  }
0x97: {  	[tilespmem:v14+s16+$0x0] =	vst.idx.add.f32.msk $0xffff, v21  }
0x98: {  	[tilespmem:v31+s16+$0x0] =	vst.idx.add.f32.msk $0xffff, v23  }
0x99: {  	v14 =	vld.idx.msk [tilespmem:v28+s2+$0x0], $0xffff  }
0x9a: {  	v18 =	vld.idx.msk [tilespmem:v24+s2+$0x0], $0xffff  }
0x9b: {  	_ =	sdelay $0x3  }
0x9c: {  	[tilespmem:v15+s16+$0x0] =	vst.idx.add.f32.msk $0xffff, v13  }
0x9d: {  	[tilespmem:v16+s16+$0x0] =	vst.idx.add.f32.msk $0xffff, v7  }
0x9e: {  	[tilespmem:v17+s16+$0x0] =	vst.idx.add.f32.msk $0xffff, v11  }
0x9f: {  	v7 =	vld.idx.msk [tilespmem:v9+s2+$0x0], $0xffff  }
0xa0: {  	v9 =	vld.idx.msk [tilespmem:v10+s2+$0x0], $0xffff;
	v1 =	vshrl.u32 v1, $0x10  }
0xa1: {  	[tilespmem:v3+s16+$0x0] =	vst.idx.add.f32.msk $0xffff, v6  }
0xa2: {  	[tilespmem:v4+s16+$0x0] =	vst.idx.add.f32.msk $0xffff, v8  }
0xa3: {  	[tilespmem:v2+s16+$0x0] =	vst.idx.add.f32.msk $0xffff, v14  }
0xa4: {  	[tilespmem:v5+s16+$0x0] =	vst.idx.add.f32.msk $0xffff, v18  }
0xa5: {  	[tilespmem:v1+s16+$0x0] =	vst.idx.add.f32.msk $0xffff, v7  }
0xa6: {  	[tilespmem:v12+s16+$0x0] =	vst.idx.add.f32.msk $0xffff, v9  }
0xa7: {  	v1 =	vld [tilespmem:$0x1AE00];
	_ =	sdelay $0x4  }
0xa8: {  	v2 =	vand.u32 $0xFFFF, v1;
	_ =	sdelay $0x4  }
0xa9: {  	p0 =	seq.s32 s19, $0x4F;
	v1 =	vshrl.u32 v1, $0x10;
	v2 =	vld.idx.msk [tilespmem:v2+s2+$0x0], $0xffff  }
0xaa: {  	s20 =	smul.u32 @!p0 $0x4E20, s19;
	_ =	sdelay $0x1  }
0xab: {  	s20 =	sshrl.u32 @!p0 s20, $0x3  }
0xac: {  	s20 =	sadd.s32 @!p0 s3, s20  }
0xad: {  	s21 =	simm.s32 @!p0 $0x0;
	s22 =	simm.s32 @!p0 $0x18700;
	s20 =	sadd.s32 @!p0 $0x9C4, s20;
	[tilespmem:v1+s16+$0x0] =	vst.idx.add.f32.msk $0xffff, v2  }
0xae: {  	[tilespmem:s22], [sflag:$0x1] =	stream.linear.gather @!p0 [hbm4b:s20+s21], $0x2710, $0x38;
	[tilespmem:$0x1D600] =	vst v63  }
0xaf: {  	_ =	swait.ge [sflag:s17], $0x2710  }
0xb0: {  	[sflag:s17] =	ssyncset.done $0x0  }
0xb1: {  	s20 =	simm.s32 $0x1AF00;
	[sflag:s17] =	ssyncadd.s32 $0xFFFFD8F0  }
0xb2: {  	v12 =	vld [tilespmem:s20+$0xFFFFFF90]  }
0xb3: {  	v4 =	vld [tilespmem:s20+$0xFFFFFFC0]  }
0xb4: {  	v3 =	vld [tilespmem:s20+$0xFFFFFFD0]  }
0xb5: {  	v2 =	vld [tilespmem:s20+$0xFFFFFFE0]  }
0xb6: {  	v14 =	vld [tilespmem:s20+$0xFFFFFFF0]  }
0xb7: {  	v5 =	vld [tilespmem:s20+$0xFFFFFF80]  }
0xb8: {  	v6 =	vld [tilespmem:s20+$0x70]  }
0xb9: {  	v7 =	vld [tilespmem:s20+$0x60]  }
0xba: {  	v8 =	vld [tilespmem:s20+$0x50]  }
0xbb: {  	v1 =	vld [tilespmem:s20+$0xFFFFFFA0]  }
0xbc: {  	v10 =	vld [tilespmem:s20+$0x40]  }
0xbd: {  	v11 =	vld [tilespmem:s20+$0x30];
	v9 =	vand.u32 $0xFFFF, v5  }
0xbe: {  	v15 =	vld [tilespmem:s20+$0x20];
	v13 =	vand.u32 $0xFFFF, v6  }
0xbf: {  	v17 =	vld [tilespmem:s20+$0x10];
	v16 =	vand.u32 $0xFFFF, v7  }
0xc0: {  	v19 =	vld [tilespmem:s20+$0x0];
	v18 =	vand.u32 $0xFFFF, v8  }
0xc1: {  	v22 =	vld [tilespmem:s20+$0xFFFFFFB0];
	v20 =	vand.u32 $0xFFFF, v10  }
0xc2: {  	v5 =	vshrl.u32 v5, $0x10;
	v9 =	vld.idx.msk [tilespmem:v9+s2+$0x0], $0xffff  }
0xc3: {  	v21 =	vand.u32 $0xFFFF, v15;
	v13 =	vld.idx.msk [tilespmem:v13+s2+$0x0], $0xffff  }
0xc4: {  	v6 =	vshrl.u32 v6, $0x10;
	v16 =	vld.idx.msk [tilespmem:v16+s2+$0x0], $0xffff  }
0xc5: {  	v7 =	vshrl.u32 v7, $0x10;
	v18 =	vld.idx.msk [tilespmem:v18+s2+$0x0], $0xffff  }
0xc6: {  	v23 =	vand.u32 $0xFFFF, v11;
	v20 =	vld.idx.msk [tilespmem:v20+s2+$0x0], $0xffff  }
0xc7: {  	v8 =	vshrl.u32 v8, $0x10;
	[tilespmem:v5+s16+$0x0] =	vst.idx.add.f32.msk $0xffff, v9  }
0xc8: {  	v5 =	vand.u32 $0xFFFF, v19;
	v9 =	vld.idx.msk [tilespmem:v21+s2+$0x0], $0xffff  }
0xc9: {  	v62 =	vand.u32 $0xFFFF, v14;
	[tilespmem:v6+s16+$0x0] =	vst.idx.add.f32.msk $0xffff, v13  }
0xca: {  	v10 =	vshrl.u32 v10, $0x10;
	[tilespmem:v7+s16+$0x0] =	vst.idx.add.f32.msk $0xffff, v16  }
0xcb: {  	v6 =	vand.u32 $0xFFFF, v17;
	v16 =	vld.idx.msk [tilespmem:v23+s2+$0x0], $0xffff  }
0xcc: {  	v63 =	vand.u32 $0xFFFF, v3;
	[tilespmem:v8+s16+$0x0] =	vst.idx.add.f32.msk $0xffff, v18  }
0xcd: {  	v7 =	vld.idx.msk [tilespmem:v5+s2+$0x0], $0xffff;
	v5 =	vshrl.u32 v15, $0x10;
	v15 =	vshrl.u32 v11, $0x10  }
0xce: {  	v8 =	vand.u32 $0xFFFF, v4;
	v13 =	vld.idx.msk [tilespmem:v62+s2+$0x0], $0xffff  }
0xcf: {  	[tilespmem:v10+s16+$0x0] =	vst.idx.add.f32.msk $0xffff, v20  }
0xd0: {  	v18 =	vand.u32 $0xFFFF, v2;
	v11 =	vld.idx.msk [tilespmem:v6+s2+$0x0], $0xffff  }
0xd1: {  	v20 =	vand.u32 $0xFFFF, v22;
	v6 =	vld.idx.msk [tilespmem:v63+s2+$0x0], $0xffff  }
0xd2: {  	[tilespmem:v15+s16+$0x0] =	vst.idx.add.f32.msk $0xffff, v16;
	v15 =	vshrl.u32 v14, $0x10  }
0xd3: {  	v8 =	vld.idx.msk [tilespmem:v8+s2+$0x0], $0xffff;
	v16 =	vshrl.u32 v19, $0x10  }
0xd4: {  	v3 =	vshrl.u32 v3, $0x10;
	v17 =	vshrl.u32 v17, $0x10;
	[tilespmem:v5+s16+$0x0] =	vst.idx.add.f32.msk $0xffff, v9  }
0xd5: {  	v2 =	vshrl.u32 v2, $0x10;
	v4 =	vshrl.u32 v4, $0x10;
	v9 =	vand.u32 $0xFFFF, v1;
	v14 =	vld.idx.msk [tilespmem:v18+s2+$0x0], $0xffff  }
0xd6: {  	s21 =	simm.s32 $0x0;
	v10 =	vand.u32 $0xFFFF, v12;
	v12 =	vshrl.u32 v12, $0x10;
	v5 =	vshrl.u32 v22, $0x10;
	v18 =	vld.idx.msk [tilespmem:v20+s2+$0x0], $0xffff  }
.LBB2_9:
0xd7: {  	s21 =	sadd.s32 $0x100, s21;
	[tilespmem:v15+s16+$0x0] =	vst.idx.add.f32.msk $0xffff, v13;
	s20 =	sadd.s32 $0x100, s20  }
0xd8: {  	p1 =	slt.u32 s21, $0x2600;
	[tilespmem:v16+s16+$0x0] =	vst.idx.add.f32.msk $0xffff, v7  }
0xd9: {  	[tilespmem:v17+s16+$0x0] =	vst.idx.add.f32.msk $0xffff, v11  }
0xda: {  	v7 =	vld.idx.msk [tilespmem:v9+s2+$0x0], $0xffff  }
0xdb: {  	v1 =	vshrl.u32 v1, $0x10;
	v9 =	vld.idx.msk [tilespmem:v10+s2+$0x0], $0xffff  }
0xdc: {  	[tilespmem:v5+s16+$0x0] =	vst.idx.add.f32.msk $0xffff, v18  }
0xdd: {  	[tilespmem:v2+s16+$0x0] =	vst.idx.add.f32.msk $0xffff, v14  }
0xde: {  	[tilespmem:v3+s16+$0x0] =	vst.idx.add.f32.msk $0xffff, v6  }
0xdf: {  	[tilespmem:v4+s16+$0x0] =	vst.idx.add.f32.msk $0xffff, v8  }
0xe0: {  	[tilespmem:v1+s16+$0x0] =	vst.idx.add.f32.msk $0xffff, v7  }
0xe1: {  	[tilespmem:v12+s16+$0x0] =	vst.idx.add.f32.msk $0xffff, v9  }
0xe2: {  	v8 =	vld [tilespmem:s20+$0xFFFFFF90]  }
0xe3: {  	v5 =	vld [tilespmem:s20+$0xFFFFFFC0]  }
0xe4: {  	v4 =	vld [tilespmem:s20+$0xFFFFFFD0]  }
0xe5: {  	v3 =	vld [tilespmem:s20+$0xFFFFFFE0]  }
0xe6: {  	v6 =	vld [tilespmem:s20+$0xFFFFFFF0]  }
0xe7: {  	v2 =	vld [tilespmem:s20+$0xFFFFFF80]  }
0xe8: {  	v7 =	vld [tilespmem:s20+$0x70]  }
0xe9: {  	v9 =	vld [tilespmem:s20+$0x60]  }
0xea: {  	v10 =	vld [tilespmem:s20+$0x50]  }
0xeb: {  	v1 =	vld [tilespmem:s20+$0xFFFFFFA0]  }
0xec: {  	v11 =	vand.u32 $0xFFFF, v2;
	v12 =	vld [tilespmem:s20+$0x40]  }
0xed: {  	v13 =	vld [tilespmem:s20+$0x30];
	v14 =	vand.u32 $0xFFFF, v7  }
0xee: {  	v15 =	vld [tilespmem:s20+$0x20];
	v16 =	vand.u32 $0xFFFF, v9  }
0xef: {  	v17 =	vld [tilespmem:s20+$0x10];
	v18 =	vand.u32 $0xFFFF, v10  }
0xf0: {  	v19 =	vld [tilespmem:s20+$0x0]  }
0xf1: {  	v11 =	vld.idx.msk [tilespmem:v11+s2+$0x0], $0xffff;
	v20 =	vand.u32 $0xFFFF, v12  }
0xf2: {  	v2 =	vshrl.u32 v2, $0x10;
	v14 =	vld.idx.msk [tilespmem:v14+s2+$0x0], $0xffff  }
0xf3: {  	v7 =	vshrl.u32 v7, $0x10;
	v21 =	vand.u32 $0xFFFF, v15;
	v16 =	vld.idx.msk [tilespmem:v16+s2+$0x0], $0xffff  }
0xf4: {  	v9 =	vshrl.u32 v9, $0x10;
	v23 =	vand.u32 $0xFFFF, v13;
	v22 =	vand.u32 $0xFFFF, v17;
	v18 =	vld.idx.msk [tilespmem:v18+s2+$0x0], $0xffff  }
0xf5: {  	v26 =	vshrl.u32 v10, $0x10;
	v24 =	vld [tilespmem:s20+$0xFFFFFFB0];
	v25 =	vand.u32 $0xFFFF, v19  }
0xf6: {  	v27 =	vand.u32 $0xFFFF, v6;
	v20 =	vld.idx.msk [tilespmem:v20+s2+$0x0], $0xffff  }
0xf7: {  	v28 =	vand.u32 $0xFFFF, v3;
	[tilespmem:v2+s16+$0x0] =	vst.idx.add.f32.msk $0xffff, v11;
	v2 =	vshrl.u32 v3, $0x10  }
0xf8: {  	v29 =	vand.u32 $0xFFFF, v4;
	v12 =	vshrl.u32 v12, $0x10;
	v3 =	vshrl.u32 v4, $0x10;
	v21 =	vld.idx.msk [tilespmem:v21+s2+$0x0], $0xffff  }
0xf9: {  	v30 =	vand.u32 $0xFFFF, v5;
	v4 =	vshrl.u32 v5, $0x10;
	[tilespmem:v7+s16+$0x0] =	vst.idx.add.f32.msk $0xffff, v14  }
0xfa: {  	v14 =	vshrl.u32 v15, $0x10;
	v5 =	vshrl.u32 v24, $0x10;
	v24 =	vand.u32 $0xFFFF, v24;
	[tilespmem:v9+s16+$0x0] =	vst.idx.add.f32.msk $0xffff, v16  }
0xfb: {  	v9 =	vand.u32 $0xFFFF, v1;
	v23 =	vld.idx.msk [tilespmem:v23+s2+$0x0], $0xffff  }
0xfc: {  	v10 =	vand.u32 $0xFFFF, v8;
	v31 =	vshrl.u32 v13, $0x10;
	[tilespmem:v26+s16+$0x0] =	vst.idx.add.f32.msk $0xffff, v18  }
0xfd: {  	v7 =	vld.idx.msk [tilespmem:v25+s2+$0x0], $0xffff  }
0xfe: {  	v13 =	vld.idx.msk [tilespmem:v27+s2+$0x0], $0xffff  }
0xff: {  	v15 =	vshrl.u32 v6, $0x10;
	v11 =	vld.idx.msk [tilespmem:v22+s2+$0x0], $0xffff  }
0x100: {  	v16 =	vshrl.u32 v19, $0x10;
	[tilespmem:v12+s16+$0x0] =	vst.idx.add.f32.msk $0xffff, v20  }
0x101: {  	v17 =	vshrl.u32 v17, $0x10;
	v6 =	vld.idx.msk [tilespmem:v29+s2+$0x0], $0xffff  }
.Ltmp5:
0x102: {  	v12 =	vshrl.u32 v8, $0x10;
	v8 =	vld.idx.msk [tilespmem:v30+s2+$0x0], $0xffff;
	(pc) =	sbr.rel @p1 .LBB2_9-.Ltmp5, $4  }
0x103: {  	[tilespmem:v14+s16+$0x0] =	vst.idx.add.f32.msk $0xffff, v21  }
0x104: {  	[tilespmem:v31+s16+$0x0] =	vst.idx.add.f32.msk $0xffff, v23  }
0x105: {  	v14 =	vld.idx.msk [tilespmem:v28+s2+$0x0], $0xffff  }
0x106: {  	v18 =	vld.idx.msk [tilespmem:v24+s2+$0x0], $0xffff  }
0x107: {  	_ =	sdelay $0x3  }
0x108: {  	[tilespmem:v15+s16+$0x0] =	vst.idx.add.f32.msk $0xffff, v13  }
0x109: {  	[tilespmem:v16+s16+$0x0] =	vst.idx.add.f32.msk $0xffff, v7  }
0x10a: {  	[tilespmem:v17+s16+$0x0] =	vst.idx.add.f32.msk $0xffff, v11  }
0x10b: {  	v62 =	vld.idx.msk [tilespmem:v9+s2+$0x0], $0xffff  }
0x10c: {  	v63 =	vld.idx.msk [tilespmem:v10+s2+$0x0], $0xffff;
	v1 =	vshrl.u32 v1, $0x10  }
0x10d: {  	[tilespmem:v3+s16+$0x0] =	vst.idx.add.f32.msk $0xffff, v6  }
0x10e: {  	[tilespmem:v4+s16+$0x0] =	vst.idx.add.f32.msk $0xffff, v8  }
0x10f: {  	[tilespmem:v2+s16+$0x0] =	vst.idx.add.f32.msk $0xffff, v14  }
0x110: {  	[tilespmem:v5+s16+$0x0] =	vst.idx.add.f32.msk $0xffff, v18  }
0x111: {  	[tilespmem:v1+s16+$0x0] =	vst.idx.add.f32.msk $0xffff, v62  }
0x112: {  	[tilespmem:v12+s16+$0x0] =	vst.idx.add.f32.msk $0xffff, v63  }
0x113: {  	v1 =	vld [tilespmem:$0x1D580];
	_ =	sdelay $0x4  }
0x114: {  	v2 =	vand.u32 $0xFFFF, v1;
	_ =	sdelay $0x4  }
0x115: {  	v1 =	vshrl.u32 v1, $0x10;
	v2 =	vld.idx.msk [tilespmem:v2+s2+$0x0], $0xffff  }
.Ltmp6:
0x116: {  	_ = 	snop;
	(pc) =	sbr.rel @p0 .LBB2_12-.Ltmp6, $2  }
0x117: {  	_ =	sdelay $0x2  }
0x118: {  	[tilespmem:v1+s16+$0x0] =	vst.idx.add.f32.msk $0xffff, v2  }
0x119: {  	s20 =	smul.u32 $0x4E20, s19  }
.Ltmp7:
0x11a: {  	_ = 	snop;
	(pc) =	sbr.rel .LBB2_6-.Ltmp7, $4  }
0x11b: {  	s20 =	sshrl.u32 s20, $0x3  }
0x11c: {  	s20 =	sadd.s32 s3, s20  }
0x11d: {  	s19 =	sadd.s32 $0x1, s19;
	s20 =	sadd.s32 $0xEA6, s20  }
0x11e: {  	[tilespmem:s14], [sflag:$0x2] =	stream.linear.gather [hbm4b:s20+s2], $0x2710, $0x38;
	[tilespmem:$0x1D600] =	vst v63  }
.LBB2_12:
0x11f: {  	[hbm4b:s6+s10] =	stream.strided.scatter [tilespmem:s16], [sflag:$0x3], $0xC380, s11, s10, $0x38;
	[tilespmem:$0x1D600] =	vst v63  }
0x120: {  	_ =	swait.ge [sflag:s12], $0xC380  }
0x121: {  	[sflag:s12] =	ssyncset.done $0x0  }
0x122: {  	[sflag:s12] =	ssyncadd.s32 $0xFFFF3C80  }
0x123: {  	[tilespmem:s2], [sflag:$0x3] =	stream.strided.gather [hbm4b:s7+s10], $0xC380, s11, s10, $0x38;
	[tilespmem:$0x1D600] =	vst v63  }
0x124: {  	_ =	swait.ge [sflag:s12], $0xC380  }
0x125: {  	[sflag:s12] =	ssyncset.done $0x0  }
0x126: {  	s19 =	simm.s32 $0xC400;
	[sflag:s12] =	ssyncadd.s32 $0xFFFF3C80  }
0x127: {  	[tilespmem:s19+$0xFFFFFF80] =	vst v0  }
0x128: {  	[tilespmem:s19+$0x70] =	vst v0  }
0x129: {  	[tilespmem:s19+$0x60] =	vst v0  }
0x12a: {  	[tilespmem:s19+$0x50] =	vst v0  }
0x12b: {  	[tilespmem:s19+$0x40] =	vst v0  }
0x12c: {  	[tilespmem:s19+$0x30] =	vst v0  }
0x12d: {  	[tilespmem:s19+$0x20] =	vst v0  }
0x12e: {  	[tilespmem:s19+$0x10] =	vst v0  }
0x12f: {  	[tilespmem:s19+$0x0] =	vst v0  }
0x130: {  	[tilespmem:s19+$0xFFFFFFF0] =	vst v0  }
0x131: {  	[tilespmem:s19+$0xFFFFFFE0] =	vst v0  }
0x132: {  	[tilespmem:s19+$0xFFFFFFD0] =	vst v0  }
0x133: {  	[tilespmem:s19+$0xFFFFFFC0] =	vst v0  }
0x134: {  	[tilespmem:s19+$0xFFFFFFB0] =	vst v0  }
0x135: {  	s20 =	simm.s32 $0x0;
	[tilespmem:s19+$0xFFFFFFA0] =	vst v0  }
.LBB2_13:
0x136: {  	s20 =	sadd.s32 $0x100, s20;
	[tilespmem:s19+$0xFFFFFF90] =	vst v0;
	s19 =	sadd.s32 $0x100, s19  }
0x137: {  	[tilespmem:s19+$0xFFFFFF80] =	vst v0;
	p0 =	slt.u32 s20, $0xC200  }
0x138: {  	[tilespmem:s19+$0x70] =	vst v0  }
0x139: {  	[tilespmem:s19+$0x60] =	vst v0  }
0x13a: {  	[tilespmem:s19+$0x50] =	vst v0  }
0x13b: {  	[tilespmem:s19+$0x40] =	vst v0  }
0x13c: {  	[tilespmem:s19+$0x30] =	vst v0  }
0x13d: {  	[tilespmem:s19+$0x20] =	vst v0  }
0x13e: {  	[tilespmem:s19+$0x10] =	vst v0  }
0x13f: {  	[tilespmem:s19+$0x0] =	vst v0  }
0x140: {  	[tilespmem:s19+$0xFFFFFFF0] =	vst v0  }
.Ltmp8:
0x141: {  	[tilespmem:s19+$0xFFFFFFE0] =	vst v0;
	(pc) =	sbr.rel @p0 .LBB2_13-.Ltmp8, $4  }
0x142: {  	[tilespmem:s19+$0xFFFFFFD0] =	vst v0  }
0x143: {  	[tilespmem:s19+$0xFFFFFFC0] =	vst v0  }
0x144: {  	[tilespmem:s19+$0xFFFFFFB0] =	vst v0  }
0x145: {  	s21 =	simm.s32 $0x18680;
	[tilespmem:s19+$0xFFFFFFA0] =	vst v0  }
0x146: {  	[tilespmem:s19+$0xFFFFFF90] =	vst v0;
	s19 =	simm.s32 $0xC2F0  }
.LBB2_15:
0x147: {  	s19 =	sadd.s32 $0x10, s19  }
0x148: {  	p0 =	slt.u32 s19, $0xC340  }
.Ltmp9:
0x149: {  	_ = 	snop;
	(pc) =	sbr.rel @p0 .LBB2_15-.Ltmp9, $2  }
0x14a: {  	_ =	sdelay $0x2  }
0x14b: {  	[tilespmem:s21+$0x0] =	vst v0;
	s21 =	sadd.s32 $0x10, s21  }
0x14c: {  	s19 =	simm.s32 $0x0  }
0x14d: {  	[tilespmem:s13], [sflag:$0x1] =	stream.linear.gather [hbm4b:s3+s19], $0x2710, $0x38;
	[tilespmem:$0x1D600] =	vst v63  }
0x14e: {  	_ = 	snop  }
0x14f: {  	[tilespmem:s14], [sflag:$0x2] =	stream.linear.gather [hbm4b:s5+s19], $0x2710, $0x38;
	[tilespmem:$0x1D600] =	vst v63  }
.LBB2_17:
0x150: {  	_ =	swait.ge [sflag:s15], $0x2710  }
0x151: {  	[sflag:s15] =	ssyncset.done $0x0  }
0x152: {  	s20 =	simm.s32 $0x18780;
	[sflag:s15] =	ssyncadd.s32 $0xFFFFD8F0  }
0x153: {  	v12 =	vld [tilespmem:s20+$0xFFFFFF90]  }
0x154: {  	v4 =	vld [tilespmem:s20+$0xFFFFFFC0]  }
0x155: {  	v3 =	vld [tilespmem:s20+$0xFFFFFFD0]  }
0x156: {  	v2 =	vld [tilespmem:s20+$0xFFFFFFE0]  }
0x157: {  	v14 =	vld [tilespmem:s20+$0xFFFFFFF0]  }
0x158: {  	v5 =	vld [tilespmem:s20+$0xFFFFFF80]  }
0x159: {  	v6 =	vld [tilespmem:s20+$0x70]  }
0x15a: {  	v7 =	vld [tilespmem:s20+$0x60]  }
0x15b: {  	v8 =	vld [tilespmem:s20+$0x50]  }
0x15c: {  	v1 =	vld [tilespmem:s20+$0xFFFFFFA0]  }
0x15d: {  	v10 =	vld [tilespmem:s20+$0x40]  }
0x15e: {  	v11 =	vld [tilespmem:s20+$0x30];
	v9 =	vand.u32 $0xFFFF, v5  }
0x15f: {  	v15 =	vld [tilespmem:s20+$0x20];
	v13 =	vand.u32 $0xFFFF, v6  }
0x160: {  	v17 =	vld [tilespmem:s20+$0x10];
	v16 =	vand.u32 $0xFFFF, v7  }
0x161: {  	v19 =	vld [tilespmem:s20+$0x0];
	v18 =	vand.u32 $0xFFFF, v8  }
0x162: {  	v22 =	vld [tilespmem:s20+$0xFFFFFFB0];
	v20 =	vand.u32 $0xFFFF, v10  }
0x163: {  	v5 =	vshrl.u32 v5, $0x10;
	v9 =	vld.idx.msk [tilespmem:v9+s2+$0x0], $0xffff  }
0x164: {  	v21 =	vand.u32 $0xFFFF, v15;
	v13 =	vld.idx.msk [tilespmem:v13+s2+$0x0], $0xffff  }
0x165: {  	v6 =	vshrl.u32 v6, $0x10;
	v16 =	vld.idx.msk [tilespmem:v16+s2+$0x0], $0xffff  }
0x166: {  	v7 =	vshrl.u32 v7, $0x10;
	v18 =	vld.idx.msk [tilespmem:v18+s2+$0x0], $0xffff  }
0x167: {  	v23 =	vand.u32 $0xFFFF, v11;
	v20 =	vld.idx.msk [tilespmem:v20+s2+$0x0], $0xffff  }
0x168: {  	v8 =	vshrl.u32 v8, $0x10;
	[tilespmem:v5+s16+$0x0] =	vst.idx.add.f32.msk $0xffff, v9  }
0x169: {  	v5 =	vand.u32 $0xFFFF, v19;
	v9 =	vld.idx.msk [tilespmem:v21+s2+$0x0], $0xffff  }
0x16a: {  	v62 =	vand.u32 $0xFFFF, v14;
	[tilespmem:v6+s16+$0x0] =	vst.idx.add.f32.msk $0xffff, v13  }
0x16b: {  	v10 =	vshrl.u32 v10, $0x10;
	[tilespmem:v7+s16+$0x0] =	vst.idx.add.f32.msk $0xffff, v16  }
0x16c: {  	v6 =	vand.u32 $0xFFFF, v17;
	v16 =	vld.idx.msk [tilespmem:v23+s2+$0x0], $0xffff  }
0x16d: {  	v63 =	vand.u32 $0xFFFF, v3;
	[tilespmem:v8+s16+$0x0] =	vst.idx.add.f32.msk $0xffff, v18  }
0x16e: {  	v7 =	vld.idx.msk [tilespmem:v5+s2+$0x0], $0xffff;
	v5 =	vshrl.u32 v15, $0x10;
	v15 =	vshrl.u32 v11, $0x10  }
0x16f: {  	v8 =	vand.u32 $0xFFFF, v4;
	v13 =	vld.idx.msk [tilespmem:v62+s2+$0x0], $0xffff  }
0x170: {  	[tilespmem:v10+s16+$0x0] =	vst.idx.add.f32.msk $0xffff, v20  }
0x171: {  	v18 =	vand.u32 $0xFFFF, v2;
	v11 =	vld.idx.msk [tilespmem:v6+s2+$0x0], $0xffff  }
0x172: {  	v20 =	vand.u32 $0xFFFF, v22;
	v6 =	vld.idx.msk [tilespmem:v63+s2+$0x0], $0xffff  }
0x173: {  	[tilespmem:v15+s16+$0x0] =	vst.idx.add.f32.msk $0xffff, v16;
	v15 =	vshrl.u32 v14, $0x10  }
0x174: {  	v8 =	vld.idx.msk [tilespmem:v8+s2+$0x0], $0xffff;
	v16 =	vshrl.u32 v19, $0x10  }
0x175: {  	v3 =	vshrl.u32 v3, $0x10;
	v17 =	vshrl.u32 v17, $0x10;
	[tilespmem:v5+s16+$0x0] =	vst.idx.add.f32.msk $0xffff, v9  }
0x176: {  	v2 =	vshrl.u32 v2, $0x10;
	v4 =	vshrl.u32 v4, $0x10;
	v9 =	vand.u32 $0xFFFF, v1;
	v14 =	vld.idx.msk [tilespmem:v18+s2+$0x0], $0xffff  }
0x177: {  	s21 =	simm.s32 $0x0;
	v10 =	vand.u32 $0xFFFF, v12;
	v12 =	vshrl.u32 v12, $0x10;
	v5 =	vshrl.u32 v22, $0x10;
	v18 =	vld.idx.msk [tilespmem:v20+s2+$0x0], $0xffff  }
.LBB2_18:
0x178: {  	s21 =	sadd.s32 $0x100, s21;
	[tilespmem:v15+s16+$0x0] =	vst.idx.add.f32.msk $0xffff, v13;
	s20 =	sadd.s32 $0x100, s20  }
0x179: {  	p0 =	slt.u32 s21, $0x2600;
	[tilespmem:v16+s16+$0x0] =	vst.idx.add.f32.msk $0xffff, v7  }
0x17a: {  	[tilespmem:v17+s16+$0x0] =	vst.idx.add.f32.msk $0xffff, v11  }
0x17b: {  	v7 =	vld.idx.msk [tilespmem:v9+s2+$0x0], $0xffff  }
0x17c: {  	v1 =	vshrl.u32 v1, $0x10;
	v9 =	vld.idx.msk [tilespmem:v10+s2+$0x0], $0xffff  }
0x17d: {  	[tilespmem:v5+s16+$0x0] =	vst.idx.add.f32.msk $0xffff, v18  }
0x17e: {  	[tilespmem:v2+s16+$0x0] =	vst.idx.add.f32.msk $0xffff, v14  }
0x17f: {  	[tilespmem:v3+s16+$0x0] =	vst.idx.add.f32.msk $0xffff, v6  }
0x180: {  	[tilespmem:v4+s16+$0x0] =	vst.idx.add.f32.msk $0xffff, v8  }
0x181: {  	[tilespmem:v1+s16+$0x0] =	vst.idx.add.f32.msk $0xffff, v7  }
0x182: {  	[tilespmem:v12+s16+$0x0] =	vst.idx.add.f32.msk $0xffff, v9  }
0x183: {  	v8 =	vld [tilespmem:s20+$0xFFFFFF90]  }
0x184: {  	v5 =	vld [tilespmem:s20+$0xFFFFFFC0]  }
0x185: {  	v4 =	vld [tilespmem:s20+$0xFFFFFFD0]  }
0x186: {  	v3 =	vld [tilespmem:s20+$0xFFFFFFE0]  }
0x187: {  	v6 =	vld [tilespmem:s20+$0xFFFFFFF0]  }
0x188: {  	v2 =	vld [tilespmem:s20+$0xFFFFFF80]  }
0x189: {  	v7 =	vld [tilespmem:s20+$0x70]  }
0x18a: {  	v9 =	vld [tilespmem:s20+$0x60]  }
0x18b: {  	v10 =	vld [tilespmem:s20+$0x50]  }
0x18c: {  	v1 =	vld [tilespmem:s20+$0xFFFFFFA0]  }
0x18d: {  	v11 =	vand.u32 $0xFFFF, v2;
	v12 =	vld [tilespmem:s20+$0x40]  }
0x18e: {  	v13 =	vld [tilespmem:s20+$0x30];
	v14 =	vand.u32 $0xFFFF, v7  }
0x18f: {  	v15 =	vld [tilespmem:s20+$0x20];
	v16 =	vand.u32 $0xFFFF, v9  }
0x190: {  	v17 =	vld [tilespmem:s20+$0x10];
	v18 =	vand.u32 $0xFFFF, v10  }
0x191: {  	v19 =	vld [tilespmem:s20+$0x0]  }
0x192: {  	v11 =	vld.idx.msk [tilespmem:v11+s2+$0x0], $0xffff;
	v20 =	vand.u32 $0xFFFF, v12  }
0x193: {  	v2 =	vshrl.u32 v2, $0x10;
	v14 =	vld.idx.msk [tilespmem:v14+s2+$0x0], $0xffff  }
0x194: {  	v7 =	vshrl.u32 v7, $0x10;
	v21 =	vand.u32 $0xFFFF, v15;
	v16 =	vld.idx.msk [tilespmem:v16+s2+$0x0], $0xffff  }
0x195: {  	v9 =	vshrl.u32 v9, $0x10;
	v23 =	vand.u32 $0xFFFF, v13;
	v22 =	vand.u32 $0xFFFF, v17;
	v18 =	vld.idx.msk [tilespmem:v18+s2+$0x0], $0xffff  }
0x196: {  	v26 =	vshrl.u32 v10, $0x10;
	v24 =	vld [tilespmem:s20+$0xFFFFFFB0];
	v25 =	vand.u32 $0xFFFF, v19  }
0x197: {  	v27 =	vand.u32 $0xFFFF, v6;
	v20 =	vld.idx.msk [tilespmem:v20+s2+$0x0], $0xffff  }
0x198: {  	v28 =	vand.u32 $0xFFFF, v3;
	[tilespmem:v2+s16+$0x0] =	vst.idx.add.f32.msk $0xffff, v11;
	v2 =	vshrl.u32 v3, $0x10  }
0x199: {  	v29 =	vand.u32 $0xFFFF, v4;
	v12 =	vshrl.u32 v12, $0x10;
	v3 =	vshrl.u32 v4, $0x10;
	v21 =	vld.idx.msk [tilespmem:v21+s2+$0x0], $0xffff  }
0x19a: {  	v30 =	vand.u32 $0xFFFF, v5;
	v4 =	vshrl.u32 v5, $0x10;
	[tilespmem:v7+s16+$0x0] =	vst.idx.add.f32.msk $0xffff, v14  }
0x19b: {  	v14 =	vshrl.u32 v15, $0x10;
	v5 =	vshrl.u32 v24, $0x10;
	v24 =	vand.u32 $0xFFFF, v24;
	[tilespmem:v9+s16+$0x0] =	vst.idx.add.f32.msk $0xffff, v16  }
0x19c: {  	v9 =	vand.u32 $0xFFFF, v1;
	v23 =	vld.idx.msk [tilespmem:v23+s2+$0x0], $0xffff  }
0x19d: {  	v10 =	vand.u32 $0xFFFF, v8;
	v31 =	vshrl.u32 v13, $0x10;
	[tilespmem:v26+s16+$0x0] =	vst.idx.add.f32.msk $0xffff, v18  }
0x19e: {  	v7 =	vld.idx.msk [tilespmem:v25+s2+$0x0], $0xffff  }
0x19f: {  	v13 =	vld.idx.msk [tilespmem:v27+s2+$0x0], $0xffff  }
0x1a0: {  	v15 =	vshrl.u32 v6, $0x10;
	v11 =	vld.idx.msk [tilespmem:v22+s2+$0x0], $0xffff  }
0x1a1: {  	v16 =	vshrl.u32 v19, $0x10;
	[tilespmem:v12+s16+$0x0] =	vst.idx.add.f32.msk $0xffff, v20  }
0x1a2: {  	v17 =	vshrl.u32 v17, $0x10;
	v6 =	vld.idx.msk [tilespmem:v29+s2+$0x0], $0xffff  }
.Ltmp10:
0x1a3: {  	v12 =	vshrl.u32 v8, $0x10;
	v8 =	vld.idx.msk [tilespmem:v30+s2+$0x0], $0xffff;
	(pc) =	sbr.rel @p0 .LBB2_18-.Ltmp10, $4  }
0x1a4: {  	[tilespmem:v14+s16+$0x0] =	vst.idx.add.f32.msk $0xffff, v21  }
0x1a5: {  	[tilespmem:v31+s16+$0x0] =	vst.idx.add.f32.msk $0xffff, v23  }
0x1a6: {  	v14 =	vld.idx.msk [tilespmem:v28+s2+$0x0], $0xffff  }
0x1a7: {  	v18 =	vld.idx.msk [tilespmem:v24+s2+$0x0], $0xffff  }
0x1a8: {  	_ =	sdelay $0x3  }
0x1a9: {  	[tilespmem:v15+s16+$0x0] =	vst.idx.add.f32.msk $0xffff, v13  }
0x1aa: {  	[tilespmem:v16+s16+$0x0] =	vst.idx.add.f32.msk $0xffff, v7  }
0x1ab: {  	[tilespmem:v17+s16+$0x0] =	vst.idx.add.f32.msk $0xffff, v11  }
0x1ac: {  	v7 =	vld.idx.msk [tilespmem:v9+s2+$0x0], $0xffff  }
0x1ad: {  	v9 =	vld.idx.msk [tilespmem:v10+s2+$0x0], $0xffff;
	v1 =	vshrl.u32 v1, $0x10  }
0x1ae: {  	[tilespmem:v3+s16+$0x0] =	vst.idx.add.f32.msk $0xffff, v6  }
0x1af: {  	[tilespmem:v4+s16+$0x0] =	vst.idx.add.f32.msk $0xffff, v8  }
0x1b0: {  	[tilespmem:v2+s16+$0x0] =	vst.idx.add.f32.msk $0xffff, v14  }
0x1b1: {  	[tilespmem:v5+s16+$0x0] =	vst.idx.add.f32.msk $0xffff, v18  }
0x1b2: {  	[tilespmem:v1+s16+$0x0] =	vst.idx.add.f32.msk $0xffff, v7  }
0x1b3: {  	[tilespmem:v12+s16+$0x0] =	vst.idx.add.f32.msk $0xffff, v9  }
0x1b4: {  	v1 =	vld [tilespmem:$0x1AE00];
	_ =	sdelay $0x4  }
0x1b5: {  	v2 =	vand.u32 $0xFFFF, v1;
	_ =	sdelay $0x4  }
0x1b6: {  	p0 =	seq.s32 s19, $0x4F;
	v1 =	vshrl.u32 v1, $0x10;
	v2 =	vld.idx.msk [tilespmem:v2+s2+$0x0], $0xffff  }
0x1b7: {  	s20 =	smul.u32 @!p0 $0x4E20, s19;
	_ =	sdelay $0x1  }
0x1b8: {  	s20 =	sshrl.u32 @!p0 s20, $0x3  }
0x1b9: {  	s20 =	sadd.s32 @!p0 s3, s20  }
0x1ba: {  	s21 =	simm.s32 @!p0 $0x0;
	s22 =	simm.s32 @!p0 $0x18700;
	s20 =	sadd.s32 @!p0 $0x9C4, s20;
	[tilespmem:v1+s16+$0x0] =	vst.idx.add.f32.msk $0xffff, v2  }
0x1bb: {  	[tilespmem:s22], [sflag:$0x1] =	stream.linear.gather @!p0 [hbm4b:s20+s21], $0x2710, $0x38;
	[tilespmem:$0x1D600] =	vst v63  }
0x1bc: {  	_ =	swait.ge [sflag:s17], $0x2710  }
0x1bd: {  	[sflag:s17] =	ssyncset.done $0x0  }
0x1be: {  	s20 =	simm.s32 $0x1AF00;
	[sflag:s17] =	ssyncadd.s32 $0xFFFFD8F0  }
0x1bf: {  	v12 =	vld [tilespmem:s20+$0xFFFFFF90]  }
0x1c0: {  	v4 =	vld [tilespmem:s20+$0xFFFFFFC0]  }
0x1c1: {  	v3 =	vld [tilespmem:s20+$0xFFFFFFD0]  }
0x1c2: {  	v2 =	vld [tilespmem:s20+$0xFFFFFFE0]  }
0x1c3: {  	v14 =	vld [tilespmem:s20+$0xFFFFFFF0]  }
0x1c4: {  	v5 =	vld [tilespmem:s20+$0xFFFFFF80]  }
0x1c5: {  	v6 =	vld [tilespmem:s20+$0x70]  }
0x1c6: {  	v7 =	vld [tilespmem:s20+$0x60]  }
0x1c7: {  	v8 =	vld [tilespmem:s20+$0x50]  }
0x1c8: {  	v1 =	vld [tilespmem:s20+$0xFFFFFFA0]  }
0x1c9: {  	v10 =	vld [tilespmem:s20+$0x40]  }
0x1ca: {  	v11 =	vld [tilespmem:s20+$0x30];
	v9 =	vand.u32 $0xFFFF, v5  }
0x1cb: {  	v15 =	vld [tilespmem:s20+$0x20];
	v13 =	vand.u32 $0xFFFF, v6  }
0x1cc: {  	v17 =	vld [tilespmem:s20+$0x10];
	v16 =	vand.u32 $0xFFFF, v7  }
0x1cd: {  	v19 =	vld [tilespmem:s20+$0x0];
	v18 =	vand.u32 $0xFFFF, v8  }
0x1ce: {  	v22 =	vld [tilespmem:s20+$0xFFFFFFB0];
	v20 =	vand.u32 $0xFFFF, v10  }
0x1cf: {  	v5 =	vshrl.u32 v5, $0x10;
	v9 =	vld.idx.msk [tilespmem:v9+s2+$0x0], $0xffff  }
0x1d0: {  	v21 =	vand.u32 $0xFFFF, v15;
	v13 =	vld.idx.msk [tilespmem:v13+s2+$0x0], $0xffff  }
0x1d1: {  	v6 =	vshrl.u32 v6, $0x10;
	v16 =	vld.idx.msk [tilespmem:v16+s2+$0x0], $0xffff  }
0x1d2: {  	v7 =	vshrl.u32 v7, $0x10;
	v18 =	vld.idx.msk [tilespmem:v18+s2+$0x0], $0xffff  }
0x1d3: {  	v23 =	vand.u32 $0xFFFF, v11;
	v20 =	vld.idx.msk [tilespmem:v20+s2+$0x0], $0xffff  }
0x1d4: {  	v8 =	vshrl.u32 v8, $0x10;
	[tilespmem:v5+s16+$0x0] =	vst.idx.add.f32.msk $0xffff, v9  }
0x1d5: {  	v5 =	vand.u32 $0xFFFF, v19;
	v9 =	vld.idx.msk [tilespmem:v21+s2+$0x0], $0xffff  }
0x1d6: {  	v62 =	vand.u32 $0xFFFF, v14;
	[tilespmem:v6+s16+$0x0] =	vst.idx.add.f32.msk $0xffff, v13  }
0x1d7: {  	v10 =	vshrl.u32 v10, $0x10;
	[tilespmem:v7+s16+$0x0] =	vst.idx.add.f32.msk $0xffff, v16  }
0x1d8: {  	v6 =	vand.u32 $0xFFFF, v17;
	v16 =	vld.idx.msk [tilespmem:v23+s2+$0x0], $0xffff  }
0x1d9: {  	v63 =	vand.u32 $0xFFFF, v3;
	[tilespmem:v8+s16+$0x0] =	vst.idx.add.f32.msk $0xffff, v18  }
0x1da: {  	v7 =	vld.idx.msk [tilespmem:v5+s2+$0x0], $0xffff;
	v5 =	vshrl.u32 v15, $0x10;
	v15 =	vshrl.u32 v11, $0x10  }
0x1db: {  	v8 =	vand.u32 $0xFFFF, v4;
	v13 =	vld.idx.msk [tilespmem:v62+s2+$0x0], $0xffff  }
0x1dc: {  	[tilespmem:v10+s16+$0x0] =	vst.idx.add.f32.msk $0xffff, v20  }
0x1dd: {  	v18 =	vand.u32 $0xFFFF, v2;
	v11 =	vld.idx.msk [tilespmem:v6+s2+$0x0], $0xffff  }
0x1de: {  	v20 =	vand.u32 $0xFFFF, v22;
	v6 =	vld.idx.msk [tilespmem:v63+s2+$0x0], $0xffff  }
0x1df: {  	[tilespmem:v15+s16+$0x0] =	vst.idx.add.f32.msk $0xffff, v16;
	v15 =	vshrl.u32 v14, $0x10  }
0x1e0: {  	v8 =	vld.idx.msk [tilespmem:v8+s2+$0x0], $0xffff;
	v16 =	vshrl.u32 v19, $0x10  }
0x1e1: {  	v3 =	vshrl.u32 v3, $0x10;
	v17 =	vshrl.u32 v17, $0x10;
	[tilespmem:v5+s16+$0x0] =	vst.idx.add.f32.msk $0xffff, v9  }
0x1e2: {  	v2 =	vshrl.u32 v2, $0x10;
	v4 =	vshrl.u32 v4, $0x10;
	v9 =	vand.u32 $0xFFFF, v1;
	v14 =	vld.idx.msk [tilespmem:v18+s2+$0x0], $0xffff  }
0x1e3: {  	s21 =	simm.s32 $0x0;
	v10 =	vand.u32 $0xFFFF, v12;
	v12 =	vshrl.u32 v12, $0x10;
	v5 =	vshrl.u32 v22, $0x10;
	v18 =	vld.idx.msk [tilespmem:v20+s2+$0x0], $0xffff  }
.LBB2_20:
0x1e4: {  	s21 =	sadd.s32 $0x100, s21;
	[tilespmem:v15+s16+$0x0] =	vst.idx.add.f32.msk $0xffff, v13;
	s20 =	sadd.s32 $0x100, s20  }
0x1e5: {  	p1 =	slt.u32 s21, $0x2600;
	[tilespmem:v16+s16+$0x0] =	vst.idx.add.f32.msk $0xffff, v7  }
0x1e6: {  	[tilespmem:v17+s16+$0x0] =	vst.idx.add.f32.msk $0xffff, v11  }
0x1e7: {  	v7 =	vld.idx.msk [tilespmem:v9+s2+$0x0], $0xffff  }
0x1e8: {  	v1 =	vshrl.u32 v1, $0x10;
	v9 =	vld.idx.msk [tilespmem:v10+s2+$0x0], $0xffff  }
0x1e9: {  	[tilespmem:v5+s16+$0x0] =	vst.idx.add.f32.msk $0xffff, v18  }
0x1ea: {  	[tilespmem:v2+s16+$0x0] =	vst.idx.add.f32.msk $0xffff, v14  }
0x1eb: {  	[tilespmem:v3+s16+$0x0] =	vst.idx.add.f32.msk $0xffff, v6  }
0x1ec: {  	[tilespmem:v4+s16+$0x0] =	vst.idx.add.f32.msk $0xffff, v8  }
0x1ed: {  	[tilespmem:v1+s16+$0x0] =	vst.idx.add.f32.msk $0xffff, v7  }
0x1ee: {  	[tilespmem:v12+s16+$0x0] =	vst.idx.add.f32.msk $0xffff, v9  }
0x1ef: {  	v8 =	vld [tilespmem:s20+$0xFFFFFF90]  }
0x1f0: {  	v5 =	vld [tilespmem:s20+$0xFFFFFFC0]  }
0x1f1: {  	v4 =	vld [tilespmem:s20+$0xFFFFFFD0]  }
0x1f2: {  	v3 =	vld [tilespmem:s20+$0xFFFFFFE0]  }
0x1f3: {  	v6 =	vld [tilespmem:s20+$0xFFFFFFF0]  }
0x1f4: {  	v2 =	vld [tilespmem:s20+$0xFFFFFF80]  }
0x1f5: {  	v7 =	vld [tilespmem:s20+$0x70]  }
0x1f6: {  	v9 =	vld [tilespmem:s20+$0x60]  }
0x1f7: {  	v10 =	vld [tilespmem:s20+$0x50]  }
0x1f8: {  	v1 =	vld [tilespmem:s20+$0xFFFFFFA0]  }
0x1f9: {  	v11 =	vand.u32 $0xFFFF, v2;
	v12 =	vld [tilespmem:s20+$0x40]  }
0x1fa: {  	v13 =	vld [tilespmem:s20+$0x30];
	v14 =	vand.u32 $0xFFFF, v7  }
0x1fb: {  	v15 =	vld [tilespmem:s20+$0x20];
	v16 =	vand.u32 $0xFFFF, v9  }
0x1fc: {  	v17 =	vld [tilespmem:s20+$0x10];
	v18 =	vand.u32 $0xFFFF, v10  }
0x1fd: {  	v19 =	vld [tilespmem:s20+$0x0]  }
0x1fe: {  	v11 =	vld.idx.msk [tilespmem:v11+s2+$0x0], $0xffff;
	v20 =	vand.u32 $0xFFFF, v12  }
0x1ff: {  	v2 =	vshrl.u32 v2, $0x10;
	v14 =	vld.idx.msk [tilespmem:v14+s2+$0x0], $0xffff  }
0x200: {  	v7 =	vshrl.u32 v7, $0x10;
	v21 =	vand.u32 $0xFFFF, v15;
	v16 =	vld.idx.msk [tilespmem:v16+s2+$0x0], $0xffff  }
0x201: {  	v9 =	vshrl.u32 v9, $0x10;
	v23 =	vand.u32 $0xFFFF, v13;
	v22 =	vand.u32 $0xFFFF, v17;
	v18 =	vld.idx.msk [tilespmem:v18+s2+$0x0], $0xffff  }
0x202: {  	v26 =	vshrl.u32 v10, $0x10;
	v24 =	vld [tilespmem:s20+$0xFFFFFFB0];
	v25 =	vand.u32 $0xFFFF, v19  }
0x203: {  	v27 =	vand.u32 $0xFFFF, v6;
	v20 =	vld.idx.msk [tilespmem:v20+s2+$0x0], $0xffff  }
0x204: {  	v28 =	vand.u32 $0xFFFF, v3;
	[tilespmem:v2+s16+$0x0] =	vst.idx.add.f32.msk $0xffff, v11;
	v2 =	vshrl.u32 v3, $0x10  }
0x205: {  	v29 =	vand.u32 $0xFFFF, v4;
	v12 =	vshrl.u32 v12, $0x10;
	v3 =	vshrl.u32 v4, $0x10;
	v21 =	vld.idx.msk [tilespmem:v21+s2+$0x0], $0xffff  }
0x206: {  	v30 =	vand.u32 $0xFFFF, v5;
	v4 =	vshrl.u32 v5, $0x10;
	[tilespmem:v7+s16+$0x0] =	vst.idx.add.f32.msk $0xffff, v14  }
0x207: {  	v14 =	vshrl.u32 v15, $0x10;
	v5 =	vshrl.u32 v24, $0x10;
	v24 =	vand.u32 $0xFFFF, v24;
	[tilespmem:v9+s16+$0x0] =	vst.idx.add.f32.msk $0xffff, v16  }
0x208: {  	v9 =	vand.u32 $0xFFFF, v1;
	v23 =	vld.idx.msk [tilespmem:v23+s2+$0x0], $0xffff  }
0x209: {  	v10 =	vand.u32 $0xFFFF, v8;
	v31 =	vshrl.u32 v13, $0x10;
	[tilespmem:v26+s16+$0x0] =	vst.idx.add.f32.msk $0xffff, v18  }
0x20a: {  	v7 =	vld.idx.msk [tilespmem:v25+s2+$0x0], $0xffff  }
0x20b: {  	v13 =	vld.idx.msk [tilespmem:v27+s2+$0x0], $0xffff  }
0x20c: {  	v15 =	vshrl.u32 v6, $0x10;
	v11 =	vld.idx.msk [tilespmem:v22+s2+$0x0], $0xffff  }
0x20d: {  	v16 =	vshrl.u32 v19, $0x10;
	[tilespmem:v12+s16+$0x0] =	vst.idx.add.f32.msk $0xffff, v20  }
0x20e: {  	v17 =	vshrl.u32 v17, $0x10;
	v6 =	vld.idx.msk [tilespmem:v29+s2+$0x0], $0xffff  }
.Ltmp11:
0x20f: {  	v12 =	vshrl.u32 v8, $0x10;
	v8 =	vld.idx.msk [tilespmem:v30+s2+$0x0], $0xffff;
	(pc) =	sbr.rel @p1 .LBB2_20-.Ltmp11, $4  }
0x210: {  	[tilespmem:v14+s16+$0x0] =	vst.idx.add.f32.msk $0xffff, v21  }
0x211: {  	[tilespmem:v31+s16+$0x0] =	vst.idx.add.f32.msk $0xffff, v23  }
0x212: {  	v14 =	vld.idx.msk [tilespmem:v28+s2+$0x0], $0xffff  }
0x213: {  	v18 =	vld.idx.msk [tilespmem:v24+s2+$0x0], $0xffff  }
0x214: {  	_ =	sdelay $0x3  }
0x215: {  	[tilespmem:v15+s16+$0x0] =	vst.idx.add.f32.msk $0xffff, v13  }
0x216: {  	[tilespmem:v16+s16+$0x0] =	vst.idx.add.f32.msk $0xffff, v7  }
0x217: {  	[tilespmem:v17+s16+$0x0] =	vst.idx.add.f32.msk $0xffff, v11  }
0x218: {  	v62 =	vld.idx.msk [tilespmem:v9+s2+$0x0], $0xffff  }
0x219: {  	v63 =	vld.idx.msk [tilespmem:v10+s2+$0x0], $0xffff;
	v1 =	vshrl.u32 v1, $0x10  }
0x21a: {  	[tilespmem:v3+s16+$0x0] =	vst.idx.add.f32.msk $0xffff, v6  }
0x21b: {  	[tilespmem:v4+s16+$0x0] =	vst.idx.add.f32.msk $0xffff, v8  }
0x21c: {  	[tilespmem:v2+s16+$0x0] =	vst.idx.add.f32.msk $0xffff, v14  }
0x21d: {  	[tilespmem:v5+s16+$0x0] =	vst.idx.add.f32.msk $0xffff, v18  }
0x21e: {  	[tilespmem:v1+s16+$0x0] =	vst.idx.add.f32.msk $0xffff, v62  }
0x21f: {  	[tilespmem:v12+s16+$0x0] =	vst.idx.add.f32.msk $0xffff, v63  }
0x220: {  	v1 =	vld [tilespmem:$0x1D580];
	_ =	sdelay $0x4  }
0x221: {  	v2 =	vand.u32 $0xFFFF, v1;
	_ =	sdelay $0x4  }
0x222: {  	v1 =	vshrl.u32 v1, $0x10;
	v2 =	vld.idx.msk [tilespmem:v2+s2+$0x0], $0xffff  }
.Ltmp12:
0x223: {  	_ = 	snop;
	(pc) =	sbr.rel @p0 .LBB2_23-.Ltmp12, $2  }
0x224: {  	_ =	sdelay $0x2  }
0x225: {  	[tilespmem:v1+s16+$0x0] =	vst.idx.add.f32.msk $0xffff, v2  }
0x226: {  	s20 =	smul.u32 $0x4E20, s19  }
.Ltmp13:
0x227: {  	_ = 	snop;
	(pc) =	sbr.rel .LBB2_17-.Ltmp13, $4  }
0x228: {  	s20 =	sshrl.u32 s20, $0x3  }
0x229: {  	s20 =	sadd.s32 s3, s20  }
0x22a: {  	s19 =	sadd.s32 $0x1, s19;
	s20 =	sadd.s32 $0xEA6, s20  }
0x22b: {  	[tilespmem:s14], [sflag:$0x2] =	stream.linear.gather [hbm4b:s20+s2], $0x2710, $0x38;
	[tilespmem:$0x1D600] =	vst v63  }
.LBB2_24:
0x22c: {  	_ =	sfence.sel $0x180000  }
0x22d: {  	[bflag:$0x0] =	sbarrier.arrive $0xFFFF  }
0x22e: {  	p0 =	sne.s32 s1, $0x0;
	_ =	strace $0x9000004A  }
0x22f: {  	s0 =	sadd.s32 @!p0 $0x100000, s0;
	[bflag:$0x2] =	sbarrier.arrive $0xFFFF  }
0x230: {  	[sflag:s0] =	ssyncadd.tile.s32 @!p0 $0x1;
	_ =	shalt  }
.Lfunc_end2:
_tile_overlayer_lowered:
.L_overlay_start_2:
0x231: {  	(tag) =	ssettag $0x2  }
0x232: {  	s0 =	rddreg [dreg:$0x0];
	s2 =	stileid.u32  }
0x233: {  	s1 =	rddreg [dreg:$0x1];
	p0 =	sne.s32 s2, $0x0  }
0x234: {  	s3 =	rddreg [dreg:$0x2];
	[bflag:$0x3] =	sbarrier.arrive $0xFFFF;
	s2 =	simm.s32 @!p0 $0x1C03  }
0x235: {  	[timem:s3], [sflag:s2] =	dma.local @!p0 [hbm:s0], s1  }
0x236: {  	s0 =	simm.s32 @!p0 $0x3  }
0x237: {  	_ =	swait.ge @!p0 [sflag:s0], s1  }
0x238: {  	s1 =	ssub.s32 @!p0 $0x0, s1;
	[sflag:s0] =	ssyncset.done @!p0 $0x0  }
0x239: {  	[sflag:s0] =	ssyncadd.s32 @!p0 s1  }
0x23a: {  	[bflag:$0x3] =	sbarrier.arrive $0xFFFF  }
0x23b: {  	_ =	shalt  }

// kernel: kernel.19.cloned.1.call-start
scs
__scs_entry_jumppad:
0x0: {  	(pc) =	sbr.rel $0x88, $3  }
0x1: {  	(tag) =	ssettag $0x0;
	lr =	simm.s32 $0x1  }
0x2: {  	[smem:$0x3F98] =	sst lr;
	_ =	strace $0xD0000000  }
0x3: {  	_ = 	snop  }
0x4: {  	_ = 	snop  }
0x5: {  	_ = 	snop  }
0x6: {  	_ = 	snop  }
0x7: {  	_ = 	snop  }
__scs_overlays_trampoline_lowered:
0x8: {  	[smem:$0x3FA7] =	sst s0  }
0x9: {  	[smem:$0x3FA8] =	sst s1  }
0xa: {  	[smem:$0x3FA9] =	sst s2  }
0xb: {  	[smem:$0x3FAA] =	sst s3  }
0xc: {  	[smem:$0x3FAB] =	sst s4  }
0xd: {  	[smem:$0x3FAC] =	sst s5  }
0xe: {  	[smem:$0x3FAD] =	sst s6  }
0xf: {  	[smem:$0x3FAE] =	sst s7  }
0x10: {  	[smem:$0x3FAF] =	sst s8  }
0x11: {  	[smem:$0x3FB0] =	sst s9;
	s0 =	simm.s32 @!p0 $0x0  }
0x12: {  	s1 =	sld [smem:$0x3F96];
	s0 =	simm.s32 @p0 $0x1  }
0x13: {  	[smem:$0x3FB1] =	sst s0;
	s0 =	simm.s32 @!p1 $0x0  }
0x14: {  	s2 =	sld [smem:$0x3F95];
	s0 =	simm.s32 @p1 $0x1  }
0x15: {  	[smem:$0x3FB2] =	sst s0;
	s0 =	simm.s32 @!p2 $0x0  }
0x16: {  	s3 =	sld [smem:$0x3FDB];
	s0 =	simm.s32 @p2 $0x1  }
0x17: {  	s4 =	simm.s32 $0x1BF5;
	[smem:$0x3FB4] =	sst s0  }
0x18: {  	s0 =	sld [smem:$0x3F97];
	_ =	swait.ge [sflag:s4], $0x0  }
0x19: {  	s7 =	sld [smem:$0x3F98]  }
0x1a: {  	s8 =	sadd.s32 $0xFFFFE003, lr  }
0x1b: {  	s9 =	sadd.s32 $0xFFFFFEF7, lr;
	s5 =	simm.s32 $0xFFFFFFFF;
	p2 =	slt.u32 s8, $0xFFFFF086  }
0x1c: {  	p1 =	slt.u32 s9, $0xF7A;
	s5 =	simm.s32 @!p2 $0x0  }
0x1d: {  	s5 =	simm.s32 @p1 $0x1;
	p0 =	seq.s32 s7, s2  }
0x1e: {  	s7 =	smul.u32 @!p0 $0xF7A, s2;
	p2 =	seq.s32 @!p0 s5, $0x0  }
0x1f: {  	s9 =	smul.u32 $0xF7A, s1;
	s8 =	simm.s32 @!p0 $0x1BF5;
	p2 =	por !p2, p0  }
0x20: {  	[sflag:s8] =	ssyncset.s32 @!p0 $0xFFFFF086;
	s6 =	sadd.s32 @!p0 s3, s7;
	s7 =	simm.s32 @!p0 $0x108  }
0x21: {  	s3 =	sadd.s32 s3, s9;
	s6 =	sadd.s32 @!p0 $0x88, s6;
	s7 =	simm.s32 @p2 $0x1082  }
0x22: {  	[simem:s7], [sflag:s8] =	dma.local @!p0 [hbm:s6], $0xF7A  }
0x23: {  	s9 =	sor.u32 $0xD0000000, s2;
	s6 =	simm.s32 $0x108;
	_ =	swait.ge @!p0 [sflag:s8], $0x0  }
0x24: {  	s3 =	sadd.s32 $0x88, s3;
	s6 =	simm.s32 @!p1 $0x1082;
	[sflag:s4] =	ssyncset.s32 $0xFFFFF086  }
0x25: {  	[simem:s6], [sflag:s4] =	dma.local [hbm:s3], $0xF7A  }
0x26: {  	[smem:$0x3F98] =	sst s1;
	(tag) =	ssettag s2;
	_ =	strace s9  }
0x27: {  	s1 =	sld [smem:$0x3FA8]  }
0x28: {  	s2 =	sld [smem:$0x3FA9]  }
0x29: {  	s4 =	sld [smem:$0x3FAB]  }
0x2a: {  	p0 =	seq.s32 s5, $0x0;
	s5 =	sld [smem:$0x3FAC]  }
0x2b: {  	s6 =	sld [smem:$0x3FAD]  }
0x2c: {  	s7 =	sld [smem:$0x3FAE]  }
0x2d: {  	s3 =	simm.s32 $0x108;
	s8 =	sld [smem:$0x3FAF]  }
0x2e: {  	s3 =	simm.s32 @!p0 $0x1082;
	s9 =	sld [smem:$0x3FB0]  }
0x2f: {  	lr =	sadd.s32 s0, s3;
	s0 =	sld [smem:$0x3FA7]  }
0x30: {  	s3 =	sld [smem:$0x3FAA]  }
0x31: {  	[smem:$0x3FB3] =	sst s10  }
0x32: {  	s10 =	sld [smem:$0x3FB1];
	_ =	sdelay $0x3  }
0x33: {  	p0 =	seq.s32 s10, $0x1;
	s10 =	sld [smem:$0x3FB3];
	_ =	sdelay $0x3  }
0x34: {  	[smem:$0x3FB3] =	sst s10  }
0x35: {  	s10 =	sld [smem:$0x3FB2];
	_ =	sdelay $0x3  }
0x36: {  	p1 =	seq.s32 s10, $0x1;
	s10 =	sld [smem:$0x3FB3];
	_ =	sdelay $0x3  }
0x37: {  	[smem:$0x3FB3] =	sst s10  }
0x38: {  	s10 =	sld [smem:$0x3FB4]  }
0x39: {  	_ = 	snop;
	(pc) =	sbr.ind lr, $3  }
0x3a: {  	_ = 	snop  }
0x3b: {  	_ = 	snop  }
0x3c: {  	p2 =	seq.s32 s10, $0x1;
	s10 =	sld [smem:$0x3FB3]  }
0x3d: {  	_ =	shalt  }
0x3e: {  	_ =	shalt  }
0x3f: {  	_ =	shalt  }
0x40: {  	_ =	shalt  }
0x41: {  	_ =	shalt  }
0x42: {  	_ =	shalt  }
0x43: {  	_ =	shalt  }
0x44: {  	_ =	shalt  }
0x45: {  	_ =	shalt  }
0x46: {  	_ =	shalt  }
0x47: {  	_ =	shalt  }
0x48: {  	_ =	shalt  }
0x49: {  	_ =	shalt  }
0x4a: {  	_ =	shalt  }
0x4b: {  	_ =	shalt  }
0x4c: {  	_ =	shalt  }
0x4d: {  	_ =	shalt  }
0x4e: {  	_ =	shalt  }
0x4f: {  	_ =	shalt  }
0x50: {  	_ =	shalt  }
0x51: {  	_ =	shalt  }
0x52: {  	_ =	shalt  }
0x53: {  	_ =	shalt  }
0x54: {  	_ =	shalt  }
0x55: {  	_ =	shalt  }
0x56: {  	_ =	shalt  }
0x57: {  	_ =	shalt  }
0x58: {  	_ =	shalt  }
0x59: {  	_ =	shalt  }
0x5a: {  	_ =	shalt  }
0x5b: {  	_ =	shalt  }
0x5c: {  	_ =	shalt  }
0x5d: {  	_ =	shalt  }
0x5e: {  	_ =	shalt  }
0x5f: {  	_ =	shalt  }
0x60: {  	_ =	shalt  }
0x61: {  	_ =	shalt  }
0x62: {  	_ =	shalt  }
0x63: {  	_ =	shalt  }
0x64: {  	_ =	shalt  }
0x65: {  	_ =	shalt  }
0x66: {  	_ =	shalt  }
0x67: {  	_ =	shalt  }
0x68: {  	_ =	shalt  }
0x69: {  	_ =	shalt  }
0x6a: {  	_ =	shalt  }
0x6b: {  	_ =	shalt  }
0x6c: {  	_ =	shalt  }
0x6d: {  	_ =	shalt  }
0x6e: {  	_ =	shalt  }
0x6f: {  	_ =	shalt  }
0x70: {  	_ =	shalt  }
0x71: {  	_ =	shalt  }
0x72: {  	_ =	shalt  }
0x73: {  	_ =	shalt  }
0x74: {  	_ =	shalt  }
0x75: {  	_ =	shalt  }
0x76: {  	_ =	shalt  }
0x77: {  	_ =	shalt  }
0x78: {  	_ =	shalt  }
0x79: {  	_ =	shalt  }
0x7a: {  	_ =	shalt  }
0x7b: {  	_ =	shalt  }
0x7c: {  	_ =	shalt  }
0x7d: {  	_ =	shalt  }
0x7e: {  	_ =	shalt  }
0x7f: {  	_ =	shalt  }
0x80: {  	_ =	shalt  }
0x81: {  	_ =	shalt  }
0x82: {  	_ =	shalt  }
0x83: {  	_ =	shalt  }
0x84: {  	_ =	shalt  }
0x85: {  	_ =	shalt  }
0x86: {  	_ =	shalt  }
0x87: {  	_ =	shalt  }
.Lfunc_end0:
.L_simem_size_0:
called_computation.2_lowered:
.L_overlay_start_0:
0x88: {  	s2 =	sld [smem:$0x3FD9]  }
0x89: {  	s3 =	sld [smem:$0x3FFE];
	_ =	sdelay $0x1  }
0x8a: {  	s1 =	srdreg.scid  }
0x8b: {  	s0 =	sand.u32 $0x1, s1  }
0x8c: {  	s16 =	sshll.u32 s0, $0xA;
	s2 =	sadd.s32 s3, s2  }
0x8d: {  	s2 =	sadd.s32 s2, s16  }
0x8e: {  	[smem:$0x3FBF] =	sst s2  }
0x8f: {  	_ = 	snop  }
0x90: {  	(tm) =	ssettm $0x1  }
0x91: {  	s17 =	sld [smem:$0x3FFB];
	_ =	sdelay $0x3  }
0x92: {  	_ =	strace s17  }
0x93: {  	s2 =	sld [smem:$0x3FFC];
	_ =	sdelay $0x3  }
0x94: {  	_ =	strace s2  }
0x95: {  	s2 =	sld [smem:$0x3FFD];
	_ =	sdelay $0x3  }
0x96: {  	_ =	strace s2  }
0x97: {  	_ =	strace $0x8FFFFFFF  }
0x98: {  	s18 =	sld [smem:$0x3FDB];
	_ =	sdelay $0x1  }
0x99: {  	s19 =	simm.s32 $_scs_section_size  }
0x9a: {  	s4 =	simm.s32 $_size__tile_overlayer_lowered;
	s5 =	simm.s32 $_tile_overlayer_lowered  }
0x9b: {  	s22 =	simm.s32 $0x1BFF;
	s21 =	sshll.u32 s5, $0x1;
	s2 =	sadd.s32 s19, s18  }
0x9c: {  	s6 =	simm.s32 $0x0;
	s20 =	sshll.u32 s4, $0x1;
	s4 =	sadd.s32 s21, s2  }
0x9d: {  	[timem:s6], [sflag:s22] =	dma.local [hbm:s4], s20  }
0x9e: {  	_ =	swait.ge [sflag:s22], s20  }
0x9f: {  	s3 =	ssub.s32 $0x0, s20;
	[sflag:s22] =	ssyncset.done $0x0  }
0xa0: {  	[sflag:s22] =	ssyncadd.s32 s3;
	_ =	sdelay $0x1  }
0xa1: {  	s23 =	simm.s32 $0x1B8B  }
0xa2: {  	_ =	swait.ge [sflag:s23], $0x1  }
0xa3: {  	[sflag:s23] =	ssyncset.done $0x0  }
0xa4: {  	s25 =	simm.s32 $0x1B8E;
	s24 =	sld [smem:$0x3FFE];
	[sflag:s23] =	ssyncadd.s32 $0xFFFFFFFF  }
0xa5: {  	s26 =	simm.s32 $execute0_lowered;
	[smem:$0x3FD2] =	sst s25  }
0xa6: {  	s4 =	sshll.u32 s26, $0x1;
	_ =	strace $0x8000004C;
	[dreg:$0x1] =	wrdreg $0xFFFFFFFF  }
0xa7: {  	s28 =	simm.s32 $_size_execute0_lowered;
	s2 =	sadd.s32 s2, s4;
	[dreg:$0x0] =	wrdreg $0x0  }
0xa8: {  	s4 =	sshll.u32 s28, $0x1;
	[dreg:$0x2] =	wrdreg s2  }
0xa9: {  	[dreg:$0x3] =	wrdreg s4  }
0xaa: {  	[dreg:$0x4] =	wrdreg $0xC0  }
0xab: {  	_ =	task [dreg:s6], $0x5FFFF  }
0xac: {  	[dreg:$0x1] =	wrdreg $0xFFFFFFFF  }
0xad: {  	[dreg:$0x0] =	wrdreg $0x60  }
0xae: {  	[dreg:$0x2] =	wrdreg s24  }
0xaf: {  	[dreg:$0x3] =	wrdreg $0x9  }
0xb0: {  	_ =	task.clear_ibuf [dreg:s6], $0x4FFFF;
	_ =	strace $0x9000004C  }
0xb1: {  	s29 =	simm.s32 $0x9;
	_ =	strace $0x8000004E  }
0xb2: {  	_ =	swait.ge [sflag:s29], $0x1  }
0xb3: {  	[sflag:s29] =	ssyncadd.s32 $0xFFFFFFFF  }
0xb4: {  	_ =	strace $0x9000004E  }
0xb5: {  	_ =	sfence  }
0xb6: {  	s30 =	sld [smem:$0x0];
	_ =	sdelay $0x2  }
0xb7: {  	s31 =	sshll.u32 s1, $0xD;
	s1 =	sshrl.u32 s1, $0x2  }
0xb8: {  	s3 =	sand.u32 $0x4000, s31;
	s1 =	sadd.s32 s1, s30  }
0xb9: {  	s0 =	sor.u32 s3, s0;
	s1 =	sshll.u32 s1, $0x11  }
0xba: {  	s0 =	sor.u32 s1, s0  }
0xbb: {  	s0 =	sadd.s32 $0x8F2B, s0  }
0xbc: {  	[sflag:s0] =	ssyncadd.remote.s32 $0x1  }
0xbd: {  	_ =	sfence.sel $0xFFFF  }
0xbe: {  	[dreg:$0x0] =	wrdreg $0xFFFFFFFF;
	(pc) =	sbr.abs _section_cstart, $3  }
0xbf: {  	[dreg:$0x1] =	wrdreg $0xFFFFFFFF  }
0xc0: {  	_ =	task.clear_ibuf [dreg:s6], $0x2FFFF;
	_ =	strace $0x9FFFFFFF  }
0xc1: {  	(tm) =	ssettm $0x7FFFFFFF  }
tec
execute0_lowered:
.L_overlay_start_1:
0x0: {  	(tag) =	ssettag $0x1  }
0x1: {  	s5 =	rddreg [dreg:$0x0]  }
0x2: {  	s0 =	rddreg [dreg:$0x1];
	s2 =	simm.s32 $0x0;
	s3 =	srdreg.scid  }
0x3: {  	s1 =	stileid.u32;
	s12 =	simm.s32 $0x3;
	s13 =	simm.s32 $0x18700  }
0x4: {  	s14 =	simm.s32 $0x1AE80;
	s15 =	simm.s32 $0x1;
	s16 =	simm.s32 $0xC380  }
0x5: {  	s17 =	simm.s32 $0x2;
	s18 =	simm.s32 $0x0;
	[smem:$0x7FF] =	sst s2  }
0x6: {  	s4 =	sand.u32 $0x1, s3;
	s26 =	sshrl.u32 s1, $0x2;
	s6 =	sshll.u32 s1, $0x8  }
0x7: {  	s8 =	sadd.s32 $0x2600, s5;
	s3 =	sadd.s32 $0x64200, s5;
	s9 =	sadd.s32 $0x189200, s5  }
0x8: {  	s7 =	smul.u32 $0x61C00, s26;
	s28 =	sshll.u32 s4, $0x7;
	s6 =	sand.u32 $0x300, s6  }
0x9: {  	s5 =	sadd.s32 $0x646E2, s5;
	_ =	strace $0x8000004D;
	s6 =	sor.u32 s28, s6  }
.Ltmp0:
0xa: {  	s4 =	ssub.s32 $0x2, s4;
	s6 =	sor.u32 s7, s6;
	(pc) =	sbr.rel .LBB2_1-.Ltmp0, $4  }
0xb: {  	s29 =	sshrl.u32 s4, $0x1;
	s10 =	sshrl.u32 s6, $0x3;
	s30 =	sadd.s32 $0x187000, s6  }
0xc: {  	s11 =	ssub.s32 s4, s29;
	s4 =	sadd.s32 s8, s10;
	s31 =	sshrl.u32 s30, $0x3  }
0xd: {  	s6 =	sadd.s32 s9, s10;
	s10 =	simm.s32 $0x80;
	s7 =	sadd.s32 s8, s31  }
0xe: {  	v0 =	vimm.f32 $0.0e+00;
	s8 =	sadd.s32 s9, s31;
	s9 =	smax.u32 s11, $0x1;
	s11 =	simm.s32 $0x400  }
.LBB2_23:
0xf: {  	s18 =	sadd.s32 $0x1, s18  }
0x10: {  	p0 =	sne.s32 s18, s9  }
.Ltmp1:
0x11: {  	_ = 	snop;
	(pc) =	sbr.rel @!p0 .LBB2_24-.Ltmp1, $4  }
0x12: {  	[hbm4b:s8+s10] =	stream.strided.scatter [tilespmem:s16], [sflag:$0x3], $0xC380, s11, s10, $0x38;
	[tilespmem:$0x1D600] =	vst v63  }
0x13: {  	_ =	swait.ge [sflag:s12], $0xC380  }
0x14: {  	[sflag:s12] =	ssyncset.done $0x0  }
0x15: {  	[sflag:s12] =	ssyncadd.s32 $0xFFFF3C80  }
.LBB2_1:
0x16: {  	[tilespmem:s2], [sflag:$0x3] =	stream.strided.gather [hbm4b:s4+s10], $0xC380, s11, s10, $0x38;
	[tilespmem:$0x1D600] =	vst v63  }
0x17: {  	_ =	swait.ge [sflag:s12], $0xC380  }
0x18: {  	[sflag:s12] =	ssyncset.done $0x0  }
0x19: {  	s19 =	simm.s32 $0xC400;
	[sflag:s12] =	ssyncadd.s32 $0xFFFF3C80  }
0x1a: {  	[tilespmem:s19+$0xFFFFFF80] =	vst v0  }
0x1b: {  	[tilespmem:s19+$0x70] =	vst v0  }
0x1c: {  	[tilespmem:s19+$0x60] =	vst v0  }
0x1d: {  	[tilespmem:s19+$0x50] =	vst v0  }
0x1e: {  	[tilespmem:s19+$0x40] =	vst v0  }
0x1f: {  	[tilespmem:s19+$0x30] =	vst v0  }
0x20: {  	[tilespmem:s19+$0x20] =	vst v0  }
0x21: {  	[tilespmem:s19+$0x10] =	vst v0  }
0x22: {  	[tilespmem:s19+$0x0] =	vst v0  }
0x23: {  	[tilespmem:s19+$0xFFFFFFF0] =	vst v0  }
0x24: {  	[tilespmem:s19+$0xFFFFFFE0] =	vst v0  }
0x25: {  	[tilespmem:s19+$0xFFFFFFD0] =	vst v0  }
0x26: {  	[tilespmem:s19+$0xFFFFFFC0] =	vst v0  }
0x27: {  	[tilespmem:s19+$0xFFFFFFB0] =	vst v0  }
0x28: {  	s22 =	simm.s32 $0x0;
	s20 =	simm.s32 $0x18680;
	[tilespmem:s19+$0xFFFFFFA0] =	vst v0  }
.LBB2_2:
0x29: {  	s22 =	sadd.s32 $0x100, s22;
	[tilespmem:s19+$0xFFFFFF90] =	vst v0;
	s19 =	sadd.s32 $0x100, s19;
	s21 =	simm.s32 $0xC2F0  }
0x2a: {  	[tilespmem:s19+$0xFFFFFF80] =	vst v0;
	p0 =	slt.u32 s22, $0xC200  }
0x2b: {  	[tilespmem:s19+$0x70] =	vst v0  }
0x2c: {  	[tilespmem:s19+$0x60] =	vst v0  }
0x2d: {  	[tilespmem:s19+$0x50] =	vst v0  }
0x2e: {  	[tilespmem:s19+$0x40] =	vst v0  }
0x2f: {  	[tilespmem:s19+$0x30] =	vst v0  }
0x30: {  	[tilespmem:s19+$0x20] =	vst v0  }
0x31: {  	[tilespmem:s19+$0x10] =	vst v0  }
0x32: {  	[tilespmem:s19+$0x0] =	vst v0  }
0x33: {  	[tilespmem:s19+$0xFFFFFFF0] =	vst v0  }
.Ltmp2:
0x34: {  	[tilespmem:s19+$0xFFFFFFE0] =	vst v0;
	(pc) =	sbr.rel @p0 .LBB2_2-.Ltmp2, $4  }
0x35: {  	[tilespmem:s19+$0xFFFFFFD0] =	vst v0  }
0x36: {  	[tilespmem:s19+$0xFFFFFFC0] =	vst v0  }
0x37: {  	[tilespmem:s19+$0xFFFFFFB0] =	vst v0  }
0x38: {  	[tilespmem:s19+$0xFFFFFFA0] =	vst v0  }
0x39: {  	[tilespmem:s19+$0xFFFFFF90] =	vst v0  }
.LBB2_4:
0x3a: {  	s21 =	sadd.s32 $0x10, s21  }
0x3b: {  	p0 =	slt.u32 s21, $0xC340  }
.Ltmp3:
0x3c: {  	_ = 	snop;
	(pc) =	sbr.rel @p0 .LBB2_4-.Ltmp3, $2  }
0x3d: {  	_ =	sdelay $0x2  }
0x3e: {  	[tilespmem:s20+$0x0] =	vst v0;
	s20 =	sadd.s32 $0x10, s20  }
0x3f: {  	s19 =	simm.s32 $0x0  }
0x40: {  	[tilespmem:s13], [sflag:$0x1] =	stream.linear.gather [hbm4b:s3+s19], $0x2710, $0x38;
	[tilespmem:$0x1D600] =	vst v63  }
0x41: {  	_ = 	snop  }
0x42: {  	[tilespmem:s14], [sflag:$0x2] =	stream.linear.gather [hbm4b:s5+s19], $0x2710, $0x38;
	[tilespmem:$0x1D600] =	vst v63  }
.LBB2_6:
0x43: {  	_ =	swait.ge [sflag:s15], $0x2710  }
0x44: {  	[sflag:s15] =	ssyncset.done $0x0  }
0x45: {  	s20 =	simm.s32 $0x18780;
	[sflag:s15] =	ssyncadd.s32 $0xFFFFD8F0  }
0x46: {  	v12 =	vld [tilespmem:s20+$0xFFFFFF90]  }
0x47: {  	v4 =	vld [tilespmem:s20+$0xFFFFFFC0]  }
0x48: {  	v3 =	vld [tilespmem:s20+$0xFFFFFFD0]  }
0x49: {  	v2 =	vld [tilespmem:s20+$0xFFFFFFE0]  }
0x4a: {  	v14 =	vld [tilespmem:s20+$0xFFFFFFF0]  }
0x4b: {  	v5 =	vld [tilespmem:s20+$0xFFFFFF80]  }
0x4c: {  	v6 =	vld [tilespmem:s20+$0x70]  }
0x4d: {  	v7 =	vld [tilespmem:s20+$0x60]  }
0x4e: {  	v8 =	vld [tilespmem:s20+$0x50]  }
0x4f: {  	v1 =	vld [tilespmem:s20+$0xFFFFFFA0]  }
0x50: {  	v10 =	vld [tilespmem:s20+$0x40]  }
0x51: {  	v11 =	vld [tilespmem:s20+$0x30];
	v9 =	vand.u32 $0xFFFF, v5  }
0x52: {  	v15 =	vld [tilespmem:s20+$0x20];
	v13 =	vand.u32 $0xFFFF, v6  }
0x53: {  	v17 =	vld [tilespmem:s20+$0x10];
	v16 =	vand.u32 $0xFFFF, v7  }
0x54: {  	v19 =	vld [tilespmem:s20+$0x0];
	v18 =	vand.u32 $0xFFFF, v8  }
0x55: {  	v22 =	vld [tilespmem:s20+$0xFFFFFFB0];
	v20 =	vand.u32 $0xFFFF, v10  }
0x56: {  	v5 =	vshrl.u32 v5, $0x10;
	v9 =	vld.idx.msk [tilespmem:v9+s2+$0x0], $0xffff  }
0x57: {  	v21 =	vand.u32 $0xFFFF, v15;
	v13 =	vld.idx.msk [tilespmem:v13+s2+$0x0], $0xffff  }
0x58: {  	v6 =	vshrl.u32 v6, $0x10;
	v16 =	vld.idx.msk [tilespmem:v16+s2+$0x0], $0xffff  }
0x59: {  	v7 =	vshrl.u32 v7, $0x10;
	v18 =	vld.idx.msk [tilespmem:v18+s2+$0x0], $0xffff  }
0x5a: {  	v23 =	vand.u32 $0xFFFF, v11;
	v20 =	vld.idx.msk [tilespmem:v20+s2+$0x0], $0xffff  }
0x5b: {  	v8 =	vshrl.u32 v8, $0x10;
	[tilespmem:v5+s16+$0x0] =	vst.idx.add.f32.msk $0xffff, v9  }
0x5c: {  	v5 =	vand.u32 $0xFFFF, v19;
	v9 =	vld.idx.msk [tilespmem:v21+s2+$0x0], $0xffff  }
0x5d: {  	v62 =	vand.u32 $0xFFFF, v14;
	[tilespmem:v6+s16+$0x0] =	vst.idx.add.f32.msk $0xffff, v13  }
0x5e: {  	v10 =	vshrl.u32 v10, $0x10;
	[tilespmem:v7+s16+$0x0] =	vst.idx.add.f32.msk $0xffff, v16  }
0x5f: {  	v6 =	vand.u32 $0xFFFF, v17;
	v16 =	vld.idx.msk [tilespmem:v23+s2+$0x0], $0xffff  }
0x60: {  	v63 =	vand.u32 $0xFFFF, v3;
	[tilespmem:v8+s16+$0x0] =	vst.idx.add.f32.msk $0xffff, v18  }
0x61: {  	v7 =	vld.idx.msk [tilespmem:v5+s2+$0x0], $0xffff;
	v5 =	vshrl.u32 v15, $0x10;
	v15 =	vshrl.u32 v11, $0x10  }
0x62: {  	v8 =	vand.u32 $0xFFFF, v4;
	v13 =	vld.idx.msk [tilespmem:v62+s2+$0x0], $0xffff  }
0x63: {  	[tilespmem:v10+s16+$0x0] =	vst.idx.add.f32.msk $0xffff, v20  }
0x64: {  	v18 =	vand.u32 $0xFFFF, v2;
	v11 =	vld.idx.msk [tilespmem:v6+s2+$0x0], $0xffff  }
0x65: {  	v20 =	vand.u32 $0xFFFF, v22;
	v6 =	vld.idx.msk [tilespmem:v63+s2+$0x0], $0xffff  }
0x66: {  	[tilespmem:v15+s16+$0x0] =	vst.idx.add.f32.msk $0xffff, v16;
	v15 =	vshrl.u32 v14, $0x10  }
0x67: {  	v8 =	vld.idx.msk [tilespmem:v8+s2+$0x0], $0xffff;
	v16 =	vshrl.u32 v19, $0x10  }
0x68: {  	v3 =	vshrl.u32 v3, $0x10;
	v17 =	vshrl.u32 v17, $0x10;
	[tilespmem:v5+s16+$0x0] =	vst.idx.add.f32.msk $0xffff, v9  }
0x69: {  	v2 =	vshrl.u32 v2, $0x10;
	v4 =	vshrl.u32 v4, $0x10;
	v9 =	vand.u32 $0xFFFF, v1;
	v14 =	vld.idx.msk [tilespmem:v18+s2+$0x0], $0xffff  }
0x6a: {  	s21 =	simm.s32 $0x0;
	v10 =	vand.u32 $0xFFFF, v12;
	v12 =	vshrl.u32 v12, $0x10;
	v5 =	vshrl.u32 v22, $0x10;
	v18 =	vld.idx.msk [tilespmem:v20+s2+$0x0], $0xffff  }
.LBB2_7:
0x6b: {  	s21 =	sadd.s32 $0x100, s21;
	[tilespmem:v15+s16+$0x0] =	vst.idx.add.f32.msk $0xffff, v13;
	s20 =	sadd.s32 $0x100, s20  }
0x6c: {  	p0 =	slt.u32 s21, $0x2600;
	[tilespmem:v16+s16+$0x0] =	vst.idx.add.f32.msk $0xffff, v7  }
0x6d: {  	[tilespmem:v17+s16+$0x0] =	vst.idx.add.f32.msk $0xffff, v11  }
0x6e: {  	v7 =	vld.idx.msk [tilespmem:v9+s2+$0x0], $0xffff  }
0x6f: {  	v1 =	vshrl.u32 v1, $0x10;
	v9 =	vld.idx.msk [tilespmem:v10+s2+$0x0], $0xffff  }
0x70: {  	[tilespmem:v5+s16+$0x0] =	vst.idx.add.f32.msk $0xffff, v18  }
0x71: {  	[tilespmem:v2+s16+$0x0] =	vst.idx.add.f32.msk $0xffff, v14  }
0x72: {  	[tilespmem:v3+s16+$0x0] =	vst.idx.add.f32.msk $0xffff, v6  }
0x73: {  	[tilespmem:v4+s16+$0x0] =	vst.idx.add.f32.msk $0xffff, v8  }
0x74: {  	[tilespmem:v1+s16+$0x0] =	vst.idx.add.f32.msk $0xffff, v7  }
0x75: {  	[tilespmem:v12+s16+$0x0] =	vst.idx.add.f32.msk $0xffff, v9  }
0x76: {  	v8 =	vld [tilespmem:s20+$0xFFFFFF90]  }
0x77: {  	v5 =	vld [tilespmem:s20+$0xFFFFFFC0]  }
0x78: {  	v4 =	vld [tilespmem:s20+$0xFFFFFFD0]  }
0x79: {  	v3 =	vld [tilespmem:s20+$0xFFFFFFE0]  }
0x7a: {  	v6 =	vld [tilespmem:s20+$0xFFFFFFF0]  }
0x7b: {  	v2 =	vld [tilespmem:s20+$0xFFFFFF80]  }
0x7c: {  	v7 =	vld [tilespmem:s20+$0x70]  }
0x7d: {  	v9 =	vld [tilespmem:s20+$0x60]  }
0x7e: {  	v10 =	vld [tilespmem:s20+$0x50]  }
0x7f: {  	v1 =	vld [tilespmem:s20+$0xFFFFFFA0]  }
0x80: {  	v11 =	vand.u32 $0xFFFF, v2;
	v12 =	vld [tilespmem:s20+$0x40]  }
0x81: {  	v13 =	vld [tilespmem:s20+$0x30];
	v14 =	vand.u32 $0xFFFF, v7  }
0x82: {  	v15 =	vld [tilespmem:s20+$0x20];
	v16 =	vand.u32 $0xFFFF, v9  }
0x83: {  	v17 =	vld [tilespmem:s20+$0x10];
	v18 =	vand.u32 $0xFFFF, v10  }
0x84: {  	v19 =	vld [tilespmem:s20+$0x0]  }
0x85: {  	v11 =	vld.idx.msk [tilespmem:v11+s2+$0x0], $0xffff;
	v20 =	vand.u32 $0xFFFF, v12  }
0x86: {  	v2 =	vshrl.u32 v2, $0x10;
	v14 =	vld.idx.msk [tilespmem:v14+s2+$0x0], $0xffff  }
0x87: {  	v7 =	vshrl.u32 v7, $0x10;
	v21 =	vand.u32 $0xFFFF, v15;
	v16 =	vld.idx.msk [tilespmem:v16+s2+$0x0], $0xffff  }
0x88: {  	v9 =	vshrl.u32 v9, $0x10;
	v23 =	vand.u32 $0xFFFF, v13;
	v22 =	vand.u32 $0xFFFF, v17;
	v18 =	vld.idx.msk [tilespmem:v18+s2+$0x0], $0xffff  }
0x89: {  	v26 =	vshrl.u32 v10, $0x10;
	v24 =	vld [tilespmem:s20+$0xFFFFFFB0];
	v25 =	vand.u32 $0xFFFF, v19  }
0x8a: {  	v27 =	vand.u32 $0xFFFF, v6;
	v20 =	vld.idx.msk [tilespmem:v20+s2+$0x0], $0xffff  }
0x8b: {  	v28 =	vand.u32 $0xFFFF, v3;
	[tilespmem:v2+s16+$0x0] =	vst.idx.add.f32.msk $0xffff, v11;
	v2 =	vshrl.u32 v3, $0x10  }
0x8c: {  	v29 =	vand.u32 $0xFFFF, v4;
	v12 =	vshrl.u32 v12, $0x10;
	v3 =	vshrl.u32 v4, $0x10;
	v21 =	vld.idx.msk [tilespmem:v21+s2+$0x0], $0xffff  }
0x8d: {  	v30 =	vand.u32 $0xFFFF, v5;
	v4 =	vshrl.u32 v5, $0x10;
	[tilespmem:v7+s16+$0x0] =	vst.idx.add.f32.msk $0xffff, v14  }
0x8e: {  	v14 =	vshrl.u32 v15, $0x10;
	v5 =	vshrl.u32 v24, $0x10;
	v24 =	vand.u32 $0xFFFF, v24;
	[tilespmem:v9+s16+$0x0] =	vst.idx.add.f32.msk $0xffff, v16  }
0x8f: {  	v9 =	vand.u32 $0xFFFF, v1;
	v23 =	vld.idx.msk [tilespmem:v23+s2+$0x0], $0xffff  }
0x90: {  	v10 =	vand.u32 $0xFFFF, v8;
	v31 =	vshrl.u32 v13, $0x10;
	[tilespmem:v26+s16+$0x0] =	vst.idx.add.f32.msk $0xffff, v18  }
0x91: {  	v7 =	vld.idx.msk [tilespmem:v25+s2+$0x0], $0xffff  }
0x92: {  	v13 =	vld.idx.msk [tilespmem:v27+s2+$0x0], $0xffff  }
0x93: {  	v15 =	vshrl.u32 v6, $0x10;
	v11 =	vld.idx.msk [tilespmem:v22+s2+$0x0], $0xffff  }
0x94: {  	v16 =	vshrl.u32 v19, $0x10;
	[tilespmem:v12+s16+$0x0] =	vst.idx.add.f32.msk $0xffff, v20  }
0x95: {  	v17 =	vshrl.u32 v17, $0x10;
	v6 =	vld.idx.msk [tilespmem:v29+s2+$0x0], $0xffff  }
.Ltmp4:
0x96: {  	v12 =	vshrl.u32 v8, $0x10;
	v8 =	vld.idx.msk [tilespmem:v30+s2+$0x0], $0xffff;
	(pc) =	sbr.rel @p0 .LBB2_7-.Ltmp4, $4  }
0x97: {  	[tilespmem:v14+s16+$0x0] =	vst.idx.add.f32.msk $0xffff, v21  }
0x98: {  	[tilespmem:v31+s16+$0x0] =	vst.idx.add.f32.msk $0xffff, v23  }
0x99: {  	v14 =	vld.idx.msk [tilespmem:v28+s2+$0x0], $0xffff  }
0x9a: {  	v18 =	vld.idx.msk [tilespmem:v24+s2+$0x0], $0xffff  }
0x9b: {  	_ =	sdelay $0x3  }
0x9c: {  	[tilespmem:v15+s16+$0x0] =	vst.idx.add.f32.msk $0xffff, v13  }
0x9d: {  	[tilespmem:v16+s16+$0x0] =	vst.idx.add.f32.msk $0xffff, v7  }
0x9e: {  	[tilespmem:v17+s16+$0x0] =	vst.idx.add.f32.msk $0xffff, v11  }
0x9f: {  	v7 =	vld.idx.msk [tilespmem:v9+s2+$0x0], $0xffff  }
0xa0: {  	v9 =	vld.idx.msk [tilespmem:v10+s2+$0x0], $0xffff;
	v1 =	vshrl.u32 v1, $0x10  }
0xa1: {  	[tilespmem:v3+s16+$0x0] =	vst.idx.add.f32.msk $0xffff, v6  }
0xa2: {  	[tilespmem:v4+s16+$0x0] =	vst.idx.add.f32.msk $0xffff, v8  }
0xa3: {  	[tilespmem:v2+s16+$0x0] =	vst.idx.add.f32.msk $0xffff, v14  }
0xa4: {  	[tilespmem:v5+s16+$0x0] =	vst.idx.add.f32.msk $0xffff, v18  }
0xa5: {  	[tilespmem:v1+s16+$0x0] =	vst.idx.add.f32.msk $0xffff, v7  }
0xa6: {  	[tilespmem:v12+s16+$0x0] =	vst.idx.add.f32.msk $0xffff, v9  }
0xa7: {  	v1 =	vld [tilespmem:$0x1AE00];
	_ =	sdelay $0x4  }
0xa8: {  	v2 =	vand.u32 $0xFFFF, v1;
	_ =	sdelay $0x4  }
0xa9: {  	p0 =	seq.s32 s19, $0x4F;
	v1 =	vshrl.u32 v1, $0x10;
	v2 =	vld.idx.msk [tilespmem:v2+s2+$0x0], $0xffff  }
0xaa: {  	s20 =	smul.u32 @!p0 $0x4E20, s19;
	_ =	sdelay $0x1  }
0xab: {  	s20 =	sshrl.u32 @!p0 s20, $0x3  }
0xac: {  	s20 =	sadd.s32 @!p0 s3, s20  }
0xad: {  	s21 =	simm.s32 @!p0 $0x0;
	s22 =	simm.s32 @!p0 $0x18700;
	s20 =	sadd.s32 @!p0 $0x9C4, s20;
	[tilespmem:v1+s16+$0x0] =	vst.idx.add.f32.msk $0xffff, v2  }
0xae: {  	[tilespmem:s22], [sflag:$0x1] =	stream.linear.gather @!p0 [hbm4b:s20+s21], $0x2710, $0x38;
	[tilespmem:$0x1D600] =	vst v63  }
0xaf: {  	_ =	swait.ge [sflag:s17], $0x2710  }
0xb0: {  	[sflag:s17] =	ssyncset.done $0x0  }
0xb1: {  	s20 =	simm.s32 $0x1AF00;
	[sflag:s17] =	ssyncadd.s32 $0xFFFFD8F0  }
0xb2: {  	v12 =	vld [tilespmem:s20+$0xFFFFFF90]  }
0xb3: {  	v4 =	vld [tilespmem:s20+$0xFFFFFFC0]  }
0xb4: {  	v3 =	vld [tilespmem:s20+$0xFFFFFFD0]  }
0xb5: {  	v2 =	vld [tilespmem:s20+$0xFFFFFFE0]  }
0xb6: {  	v14 =	vld [tilespmem:s20+$0xFFFFFFF0]  }
0xb7: {  	v5 =	vld [tilespmem:s20+$0xFFFFFF80]  }
0xb8: {  	v6 =	vld [tilespmem:s20+$0x70]  }
0xb9: {  	v7 =	vld [tilespmem:s20+$0x60]  }
0xba: {  	v8 =	vld [tilespmem:s20+$0x50]  }
0xbb: {  	v1 =	vld [tilespmem:s20+$0xFFFFFFA0]  }
0xbc: {  	v10 =	vld [tilespmem:s20+$0x40]  }
0xbd: {  	v11 =	vld [tilespmem:s20+$0x30];
	v9 =	vand.u32 $0xFFFF, v5  }
0xbe: {  	v15 =	vld [tilespmem:s20+$0x20];
	v13 =	vand.u32 $0xFFFF, v6  }
0xbf: {  	v17 =	vld [tilespmem:s20+$0x10];
	v16 =	vand.u32 $0xFFFF, v7  }
0xc0: {  	v19 =	vld [tilespmem:s20+$0x0];
	v18 =	vand.u32 $0xFFFF, v8  }
0xc1: {  	v22 =	vld [tilespmem:s20+$0xFFFFFFB0];
	v20 =	vand.u32 $0xFFFF, v10  }
0xc2: {  	v5 =	vshrl.u32 v5, $0x10;
	v9 =	vld.idx.msk [tilespmem:v9+s2+$0x0], $0xffff  }
0xc3: {  	v21 =	vand.u32 $0xFFFF, v15;
	v13 =	vld.idx.msk [tilespmem:v13+s2+$0x0], $0xffff  }
0xc4: {  	v6 =	vshrl.u32 v6, $0x10;
	v16 =	vld.idx.msk [tilespmem:v16+s2+$0x0], $0xffff  }
0xc5: {  	v7 =	vshrl.u32 v7, $0x10;
	v18 =	vld.idx.msk [tilespmem:v18+s2+$0x0], $0xffff  }
0xc6: {  	v23 =	vand.u32 $0xFFFF, v11;
	v20 =	vld.idx.msk [tilespmem:v20+s2+$0x0], $0xffff  }
0xc7: {  	v8 =	vshrl.u32 v8, $0x10;
	[tilespmem:v5+s16+$0x0] =	vst.idx.add.f32.msk $0xffff, v9  }
0xc8: {  	v5 =	vand.u32 $0xFFFF, v19;
	v9 =	vld.idx.msk [tilespmem:v21+s2+$0x0], $0xffff  }
0xc9: {  	v62 =	vand.u32 $0xFFFF, v14;
	[tilespmem:v6+s16+$0x0] =	vst.idx.add.f32.msk $0xffff, v13  }
0xca: {  	v10 =	vshrl.u32 v10, $0x10;
	[tilespmem:v7+s16+$0x0] =	vst.idx.add.f32.msk $0xffff, v16  }
0xcb: {  	v6 =	vand.u32 $0xFFFF, v17;
	v16 =	vld.idx.msk [tilespmem:v23+s2+$0x0], $0xffff  }
0xcc: {  	v63 =	vand.u32 $0xFFFF, v3;
	[tilespmem:v8+s16+$0x0] =	vst.idx.add.f32.msk $0xffff, v18  }
0xcd: {  	v7 =	vld.idx.msk [tilespmem:v5+s2+$0x0], $0xffff;
	v5 =	vshrl.u32 v15, $0x10;
	v15 =	vshrl.u32 v11, $0x10  }
0xce: {  	v8 =	vand.u32 $0xFFFF, v4;
	v13 =	vld.idx.msk [tilespmem:v62+s2+$0x0], $0xffff  }
0xcf: {  	[tilespmem:v10+s16+$0x0] =	vst.idx.add.f32.msk $0xffff, v20  }
0xd0: {  	v18 =	vand.u32 $0xFFFF, v2;
	v11 =	vld.idx.msk [tilespmem:v6+s2+$0x0], $0xffff  }
0xd1: {  	v20 =	vand.u32 $0xFFFF, v22;
	v6 =	vld.idx.msk [tilespmem:v63+s2+$0x0], $0xffff  }
0xd2: {  	[tilespmem:v15+s16+$0x0] =	vst.idx.add.f32.msk $0xffff, v16;
	v15 =	vshrl.u32 v14, $0x10  }
0xd3: {  	v8 =	vld.idx.msk [tilespmem:v8+s2+$0x0], $0xffff;
	v16 =	vshrl.u32 v19, $0x10  }
0xd4: {  	v3 =	vshrl.u32 v3, $0x10;
	v17 =	vshrl.u32 v17, $0x10;
	[tilespmem:v5+s16+$0x0] =	vst.idx.add.f32.msk $0xffff, v9  }
0xd5: {  	v2 =	vshrl.u32 v2, $0x10;
	v4 =	vshrl.u32 v4, $0x10;
	v9 =	vand.u32 $0xFFFF, v1;
	v14 =	vld.idx.msk [tilespmem:v18+s2+$0x0], $0xffff  }
0xd6: {  	s21 =	simm.s32 $0x0;
	v10 =	vand.u32 $0xFFFF, v12;
	v12 =	vshrl.u32 v12, $0x10;
	v5 =	vshrl.u32 v22, $0x10;
	v18 =	vld.idx.msk [tilespmem:v20+s2+$0x0], $0xffff  }
.LBB2_9:
0xd7: {  	s21 =	sadd.s32 $0x100, s21;
	[tilespmem:v15+s16+$0x0] =	vst.idx.add.f32.msk $0xffff, v13;
	s20 =	sadd.s32 $0x100, s20  }
0xd8: {  	p1 =	slt.u32 s21, $0x2600;
	[tilespmem:v16+s16+$0x0] =	vst.idx.add.f32.msk $0xffff, v7  }
0xd9: {  	[tilespmem:v17+s16+$0x0] =	vst.idx.add.f32.msk $0xffff, v11  }
0xda: {  	v7 =	vld.idx.msk [tilespmem:v9+s2+$0x0], $0xffff  }
0xdb: {  	v1 =	vshrl.u32 v1, $0x10;
	v9 =	vld.idx.msk [tilespmem:v10+s2+$0x0], $0xffff  }
0xdc: {  	[tilespmem:v5+s16+$0x0] =	vst.idx.add.f32.msk $0xffff, v18  }
0xdd: {  	[tilespmem:v2+s16+$0x0] =	vst.idx.add.f32.msk $0xffff, v14  }
0xde: {  	[tilespmem:v3+s16+$0x0] =	vst.idx.add.f32.msk $0xffff, v6  }
0xdf: {  	[tilespmem:v4+s16+$0x0] =	vst.idx.add.f32.msk $0xffff, v8  }
0xe0: {  	[tilespmem:v1+s16+$0x0] =	vst.idx.add.f32.msk $0xffff, v7  }
0xe1: {  	[tilespmem:v12+s16+$0x0] =	vst.idx.add.f32.msk $0xffff, v9  }
0xe2: {  	v8 =	vld [tilespmem:s20+$0xFFFFFF90]  }
0xe3: {  	v5 =	vld [tilespmem:s20+$0xFFFFFFC0]  }
0xe4: {  	v4 =	vld [tilespmem:s20+$0xFFFFFFD0]  }
0xe5: {  	v3 =	vld [tilespmem:s20+$0xFFFFFFE0]  }
0xe6: {  	v6 =	vld [tilespmem:s20+$0xFFFFFFF0]  }
0xe7: {  	v2 =	vld [tilespmem:s20+$0xFFFFFF80]  }
0xe8: {  	v7 =	vld [tilespmem:s20+$0x70]  }
0xe9: {  	v9 =	vld [tilespmem:s20+$0x60]  }
0xea: {  	v10 =	vld [tilespmem:s20+$0x50]  }
0xeb: {  	v1 =	vld [tilespmem:s20+$0xFFFFFFA0]  }
0xec: {  	v11 =	vand.u32 $0xFFFF, v2;
	v12 =	vld [tilespmem:s20+$0x40]  }
0xed: {  	v13 =	vld [tilespmem:s20+$0x30];
	v14 =	vand.u32 $0xFFFF, v7  }
0xee: {  	v15 =	vld [tilespmem:s20+$0x20];
	v16 =	vand.u32 $0xFFFF, v9  }
0xef: {  	v17 =	vld [tilespmem:s20+$0x10];
	v18 =	vand.u32 $0xFFFF, v10  }
0xf0: {  	v19 =	vld [tilespmem:s20+$0x0]  }
0xf1: {  	v11 =	vld.idx.msk [tilespmem:v11+s2+$0x0], $0xffff;
	v20 =	vand.u32 $0xFFFF, v12  }
0xf2: {  	v2 =	vshrl.u32 v2, $0x10;
	v14 =	vld.idx.msk [tilespmem:v14+s2+$0x0], $0xffff  }
0xf3: {  	v7 =	vshrl.u32 v7, $0x10;
	v21 =	vand.u32 $0xFFFF, v15;
	v16 =	vld.idx.msk [tilespmem:v16+s2+$0x0], $0xffff  }
0xf4: {  	v9 =	vshrl.u32 v9, $0x10;
	v23 =	vand.u32 $0xFFFF, v13;
	v22 =	vand.u32 $0xFFFF, v17;
	v18 =	vld.idx.msk [tilespmem:v18+s2+$0x0], $0xffff  }
0xf5: {  	v26 =	vshrl.u32 v10, $0x10;
	v24 =	vld [tilespmem:s20+$0xFFFFFFB0];
	v25 =	vand.u32 $0xFFFF, v19  }
0xf6: {  	v27 =	vand.u32 $0xFFFF, v6;
	v20 =	vld.idx.msk [tilespmem:v20+s2+$0x0], $0xffff  }
0xf7: {  	v28 =	vand.u32 $0xFFFF, v3;
	[tilespmem:v2+s16+$0x0] =	vst.idx.add.f32.msk $0xffff, v11;
	v2 =	vshrl.u32 v3, $0x10  }
0xf8: {  	v29 =	vand.u32 $0xFFFF, v4;
	v12 =	vshrl.u32 v12, $0x10;
	v3 =	vshrl.u32 v4, $0x10;
	v21 =	vld.idx.msk [tilespmem:v21+s2+$0x0], $0xffff  }
0xf9: {  	v30 =	vand.u32 $0xFFFF, v5;
	v4 =	vshrl.u32 v5, $0x10;
	[tilespmem:v7+s16+$0x0] =	vst.idx.add.f32.msk $0xffff, v14  }
0xfa: {  	v14 =	vshrl.u32 v15, $0x10;
	v5 =	vshrl.u32 v24, $0x10;
	v24 =	vand.u32 $0xFFFF, v24;
	[tilespmem:v9+s16+$0x0] =	vst.idx.add.f32.msk $0xffff, v16  }
0xfb: {  	v9 =	vand.u32 $0xFFFF, v1;
	v23 =	vld.idx.msk [tilespmem:v23+s2+$0x0], $0xffff  }
0xfc: {  	v10 =	vand.u32 $0xFFFF, v8;
	v31 =	vshrl.u32 v13, $0x10;
	[tilespmem:v26+s16+$0x0] =	vst.idx.add.f32.msk $0xffff, v18  }
0xfd: {  	v7 =	vld.idx.msk [tilespmem:v25+s2+$0x0], $0xffff  }
0xfe: {  	v13 =	vld.idx.msk [tilespmem:v27+s2+$0x0], $0xffff  }
0xff: {  	v15 =	vshrl.u32 v6, $0x10;
	v11 =	vld.idx.msk [tilespmem:v22+s2+$0x0], $0xffff  }
0x100: {  	v16 =	vshrl.u32 v19, $0x10;
	[tilespmem:v12+s16+$0x0] =	vst.idx.add.f32.msk $0xffff, v20  }
0x101: {  	v17 =	vshrl.u32 v17, $0x10;
	v6 =	vld.idx.msk [tilespmem:v29+s2+$0x0], $0xffff  }
.Ltmp5:
0x102: {  	v12 =	vshrl.u32 v8, $0x10;
	v8 =	vld.idx.msk [tilespmem:v30+s2+$0x0], $0xffff;
	(pc) =	sbr.rel @p1 .LBB2_9-.Ltmp5, $4  }
0x103: {  	[tilespmem:v14+s16+$0x0] =	vst.idx.add.f32.msk $0xffff, v21  }
0x104: {  	[tilespmem:v31+s16+$0x0] =	vst.idx.add.f32.msk $0xffff, v23  }
0x105: {  	v14 =	vld.idx.msk [tilespmem:v28+s2+$0x0], $0xffff  }
0x106: {  	v18 =	vld.idx.msk [tilespmem:v24+s2+$0x0], $0xffff  }
0x107: {  	_ =	sdelay $0x3  }
0x108: {  	[tilespmem:v15+s16+$0x0] =	vst.idx.add.f32.msk $0xffff, v13  }
0x109: {  	[tilespmem:v16+s16+$0x0] =	vst.idx.add.f32.msk $0xffff, v7  }
0x10a: {  	[tilespmem:v17+s16+$0x0] =	vst.idx.add.f32.msk $0xffff, v11  }
0x10b: {  	v62 =	vld.idx.msk [tilespmem:v9+s2+$0x0], $0xffff  }
0x10c: {  	v63 =	vld.idx.msk [tilespmem:v10+s2+$0x0], $0xffff;
	v1 =	vshrl.u32 v1, $0x10  }
0x10d: {  	[tilespmem:v3+s16+$0x0] =	vst.idx.add.f32.msk $0xffff, v6  }
0x10e: {  	[tilespmem:v4+s16+$0x0] =	vst.idx.add.f32.msk $0xffff, v8  }
0x10f: {  	[tilespmem:v2+s16+$0x0] =	vst.idx.add.f32.msk $0xffff, v14  }
0x110: {  	[tilespmem:v5+s16+$0x0] =	vst.idx.add.f32.msk $0xffff, v18  }
0x111: {  	[tilespmem:v1+s16+$0x0] =	vst.idx.add.f32.msk $0xffff, v62  }
0x112: {  	[tilespmem:v12+s16+$0x0] =	vst.idx.add.f32.msk $0xffff, v63  }
0x113: {  	v1 =	vld [tilespmem:$0x1D580];
	_ =	sdelay $0x4  }
0x114: {  	v2 =	vand.u32 $0xFFFF, v1;
	_ =	sdelay $0x4  }
0x115: {  	v1 =	vshrl.u32 v1, $0x10;
	v2 =	vld.idx.msk [tilespmem:v2+s2+$0x0], $0xffff  }
.Ltmp6:
0x116: {  	_ = 	snop;
	(pc) =	sbr.rel @p0 .LBB2_12-.Ltmp6, $2  }
0x117: {  	_ =	sdelay $0x2  }
0x118: {  	[tilespmem:v1+s16+$0x0] =	vst.idx.add.f32.msk $0xffff, v2  }
0x119: {  	s20 =	smul.u32 $0x4E20, s19  }
.Ltmp7:
0x11a: {  	_ = 	snop;
	(pc) =	sbr.rel .LBB2_6-.Ltmp7, $4  }
0x11b: {  	s20 =	sshrl.u32 s20, $0x3  }
0x11c: {  	s20 =	sadd.s32 s3, s20  }
0x11d: {  	s19 =	sadd.s32 $0x1, s19;
	s20 =	sadd.s32 $0xEA6, s20  }
0x11e: {  	[tilespmem:s14], [sflag:$0x2] =	stream.linear.gather [hbm4b:s20+s2], $0x2710, $0x38;
	[tilespmem:$0x1D600] =	vst v63  }
.LBB2_12:
0x11f: {  	[hbm4b:s6+s10] =	stream.strided.scatter [tilespmem:s16], [sflag:$0x3], $0xC380, s11, s10, $0x38;
	[tilespmem:$0x1D600] =	vst v63  }
0x120: {  	_ =	swait.ge [sflag:s12], $0xC380  }
0x121: {  	[sflag:s12] =	ssyncset.done $0x0  }
0x122: {  	[sflag:s12] =	ssyncadd.s32 $0xFFFF3C80  }
0x123: {  	[tilespmem:s2], [sflag:$0x3] =	stream.strided.gather [hbm4b:s7+s10], $0xC380, s11, s10, $0x38;
	[tilespmem:$0x1D600] =	vst v63  }
0x124: {  	_ =	swait.ge [sflag:s12], $0xC380  }
0x125: {  	[sflag:s12] =	ssyncset.done $0x0  }
0x126: {  	s19 =	simm.s32 $0xC400;
	[sflag:s12] =	ssyncadd.s32 $0xFFFF3C80  }
0x127: {  	[tilespmem:s19+$0xFFFFFF80] =	vst v0  }
0x128: {  	[tilespmem:s19+$0x70] =	vst v0  }
0x129: {  	[tilespmem:s19+$0x60] =	vst v0  }
0x12a: {  	[tilespmem:s19+$0x50] =	vst v0  }
0x12b: {  	[tilespmem:s19+$0x40] =	vst v0  }
0x12c: {  	[tilespmem:s19+$0x30] =	vst v0  }
0x12d: {  	[tilespmem:s19+$0x20] =	vst v0  }
0x12e: {  	[tilespmem:s19+$0x10] =	vst v0  }
0x12f: {  	[tilespmem:s19+$0x0] =	vst v0  }
0x130: {  	[tilespmem:s19+$0xFFFFFFF0] =	vst v0  }
0x131: {  	[tilespmem:s19+$0xFFFFFFE0] =	vst v0  }
0x132: {  	[tilespmem:s19+$0xFFFFFFD0] =	vst v0  }
0x133: {  	[tilespmem:s19+$0xFFFFFFC0] =	vst v0  }
0x134: {  	[tilespmem:s19+$0xFFFFFFB0] =	vst v0  }
0x135: {  	s20 =	simm.s32 $0x0;
	[tilespmem:s19+$0xFFFFFFA0] =	vst v0  }
.LBB2_13:
0x136: {  	s20 =	sadd.s32 $0x100, s20;
	[tilespmem:s19+$0xFFFFFF90] =	vst v0;
	s19 =	sadd.s32 $0x100, s19  }
0x137: {  	[tilespmem:s19+$0xFFFFFF80] =	vst v0;
	p0 =	slt.u32 s20, $0xC200  }
0x138: {  	[tilespmem:s19+$0x70] =	vst v0  }
0x139: {  	[tilespmem:s19+$0x60] =	vst v0  }
0x13a: {  	[tilespmem:s19+$0x50] =	vst v0  }
0x13b: {  	[tilespmem:s19+$0x40] =	vst v0  }
0x13c: {  	[tilespmem:s19+$0x30] =	vst v0  }
0x13d: {  	[tilespmem:s19+$0x20] =	vst v0  }
0x13e: {  	[tilespmem:s19+$0x10] =	vst v0  }
0x13f: {  	[tilespmem:s19+$0x0] =	vst v0  }
0x140: {  	[tilespmem:s19+$0xFFFFFFF0] =	vst v0  }
.Ltmp8:
0x141: {  	[tilespmem:s19+$0xFFFFFFE0] =	vst v0;
	(pc) =	sbr.rel @p0 .LBB2_13-.Ltmp8, $4  }
0x142: {  	[tilespmem:s19+$0xFFFFFFD0] =	vst v0  }
0x143: {  	[tilespmem:s19+$0xFFFFFFC0] =	vst v0  }
0x144: {  	[tilespmem:s19+$0xFFFFFFB0] =	vst v0  }
0x145: {  	s21 =	simm.s32 $0x18680;
	[tilespmem:s19+$0xFFFFFFA0] =	vst v0  }
0x146: {  	[tilespmem:s19+$0xFFFFFF90] =	vst v0;
	s19 =	simm.s32 $0xC2F0  }
.LBB2_15:
0x147: {  	s19 =	sadd.s32 $0x10, s19  }
0x148: {  	p0 =	slt.u32 s19, $0xC340  }
.Ltmp9:
0x149: {  	_ = 	snop;
	(pc) =	sbr.rel @p0 .LBB2_15-.Ltmp9, $2  }
0x14a: {  	_ =	sdelay $0x2  }
0x14b: {  	[tilespmem:s21+$0x0] =	vst v0;
	s21 =	sadd.s32 $0x10, s21  }
0x14c: {  	s19 =	simm.s32 $0x0  }
0x14d: {  	[tilespmem:s13], [sflag:$0x1] =	stream.linear.gather [hbm4b:s3+s19], $0x2710, $0x38;
	[tilespmem:$0x1D600] =	vst v63  }
0x14e: {  	_ = 	snop  }
0x14f: {  	[tilespmem:s14], [sflag:$0x2] =	stream.linear.gather [hbm4b:s5+s19], $0x2710, $0x38;
	[tilespmem:$0x1D600] =	vst v63  }
.LBB2_17:
0x150: {  	_ =	swait.ge [sflag:s15], $0x2710  }
0x151: {  	[sflag:s15] =	ssyncset.done $0x0  }
0x152: {  	s20 =	simm.s32 $0x18780;
	[sflag:s15] =	ssyncadd.s32 $0xFFFFD8F0  }
0x153: {  	v12 =	vld [tilespmem:s20+$0xFFFFFF90]  }
0x154: {  	v4 =	vld [tilespmem:s20+$0xFFFFFFC0]  }
0x155: {  	v3 =	vld [tilespmem:s20+$0xFFFFFFD0]  }
0x156: {  	v2 =	vld [tilespmem:s20+$0xFFFFFFE0]  }
0x157: {  	v14 =	vld [tilespmem:s20+$0xFFFFFFF0]  }
0x158: {  	v5 =	vld [tilespmem:s20+$0xFFFFFF80]  }
0x159: {  	v6 =	vld [tilespmem:s20+$0x70]  }
0x15a: {  	v7 =	vld [tilespmem:s20+$0x60]  }
0x15b: {  	v8 =	vld [tilespmem:s20+$0x50]  }
0x15c: {  	v1 =	vld [tilespmem:s20+$0xFFFFFFA0]  }
0x15d: {  	v10 =	vld [tilespmem:s20+$0x40]  }
0x15e: {  	v11 =	vld [tilespmem:s20+$0x30];
	v9 =	vand.u32 $0xFFFF, v5  }
0x15f: {  	v15 =	vld [tilespmem:s20+$0x20];
	v13 =	vand.u32 $0xFFFF, v6  }
0x160: {  	v17 =	vld [tilespmem:s20+$0x10];
	v16 =	vand.u32 $0xFFFF, v7  }
0x161: {  	v19 =	vld [tilespmem:s20+$0x0];
	v18 =	vand.u32 $0xFFFF, v8  }
0x162: {  	v22 =	vld [tilespmem:s20+$0xFFFFFFB0];
	v20 =	vand.u32 $0xFFFF, v10  }
0x163: {  	v5 =	vshrl.u32 v5, $0x10;
	v9 =	vld.idx.msk [tilespmem:v9+s2+$0x0], $0xffff  }
0x164: {  	v21 =	vand.u32 $0xFFFF, v15;
	v13 =	vld.idx.msk [tilespmem:v13+s2+$0x0], $0xffff  }
0x165: {  	v6 =	vshrl.u32 v6, $0x10;
	v16 =	vld.idx.msk [tilespmem:v16+s2+$0x0], $0xffff  }
0x166: {  	v7 =	vshrl.u32 v7, $0x10;
	v18 =	vld.idx.msk [tilespmem:v18+s2+$0x0], $0xffff  }
0x167: {  	v23 =	vand.u32 $0xFFFF, v11;
	v20 =	vld.idx.msk [tilespmem:v20+s2+$0x0], $0xffff  }
0x168: {  	v8 =	vshrl.u32 v8, $0x10;
	[tilespmem:v5+s16+$0x0] =	vst.idx.add.f32.msk $0xffff, v9  }
0x169: {  	v5 =	vand.u32 $0xFFFF, v19;
	v9 =	vld.idx.msk [tilespmem:v21+s2+$0x0], $0xffff  }
0x16a: {  	v62 =	vand.u32 $0xFFFF, v14;
	[tilespmem:v6+s16+$0x0] =	vst.idx.add.f32.msk $0xffff, v13  }
0x16b: {  	v10 =	vshrl.u32 v10, $0x10;
	[tilespmem:v7+s16+$0x0] =	vst.idx.add.f32.msk $0xffff, v16  }
0x16c: {  	v6 =	vand.u32 $0xFFFF, v17;
	v16 =	vld.idx.msk [tilespmem:v23+s2+$0x0], $0xffff  }
0x16d: {  	v63 =	vand.u32 $0xFFFF, v3;
	[tilespmem:v8+s16+$0x0] =	vst.idx.add.f32.msk $0xffff, v18  }
0x16e: {  	v7 =	vld.idx.msk [tilespmem:v5+s2+$0x0], $0xffff;
	v5 =	vshrl.u32 v15, $0x10;
	v15 =	vshrl.u32 v11, $0x10  }
0x16f: {  	v8 =	vand.u32 $0xFFFF, v4;
	v13 =	vld.idx.msk [tilespmem:v62+s2+$0x0], $0xffff  }
0x170: {  	[tilespmem:v10+s16+$0x0] =	vst.idx.add.f32.msk $0xffff, v20  }
0x171: {  	v18 =	vand.u32 $0xFFFF, v2;
	v11 =	vld.idx.msk [tilespmem:v6+s2+$0x0], $0xffff  }
0x172: {  	v20 =	vand.u32 $0xFFFF, v22;
	v6 =	vld.idx.msk [tilespmem:v63+s2+$0x0], $0xffff  }
0x173: {  	[tilespmem:v15+s16+$0x0] =	vst.idx.add.f32.msk $0xffff, v16;
	v15 =	vshrl.u32 v14, $0x10  }
0x174: {  	v8 =	vld.idx.msk [tilespmem:v8+s2+$0x0], $0xffff;
	v16 =	vshrl.u32 v19, $0x10  }
0x175: {  	v3 =	vshrl.u32 v3, $0x10;
	v17 =	vshrl.u32 v17, $0x10;
	[tilespmem:v5+s16+$0x0] =	vst.idx.add.f32.msk $0xffff, v9  }
0x176: {  	v2 =	vshrl.u32 v2, $0x10;
	v4 =	vshrl.u32 v4, $0x10;
	v9 =	vand.u32 $0xFFFF, v1;
	v14 =	vld.idx.msk [tilespmem:v18+s2+$0x0], $0xffff  }
0x177: {  	s21 =	simm.s32 $0x0;
	v10 =	vand.u32 $0xFFFF, v12;
	v12 =	vshrl.u32 v12, $0x10;
	v5 =	vshrl.u32 v22, $0x10;
	v18 =	vld.idx.msk [tilespmem:v20+s2+$0x0], $0xffff  }
.LBB2_18:
0x178: {  	s21 =	sadd.s32 $0x100, s21;
	[tilespmem:v15+s16+$0x0] =	vst.idx.add.f32.msk $0xffff, v13;
	s20 =	sadd.s32 $0x100, s20  }
0x179: {  	p0 =	slt.u32 s21, $0x2600;
	[tilespmem:v16+s16+$0x0] =	vst.idx.add.f32.msk $0xffff, v7  }
0x17a: {  	[tilespmem:v17+s16+$0x0] =	vst.idx.add.f32.msk $0xffff, v11  }
0x17b: {  	v7 =	vld.idx.msk [tilespmem:v9+s2+$0x0], $0xffff  }
0x17c: {  	v1 =	vshrl.u32 v1, $0x10;
	v9 =	vld.idx.msk [tilespmem:v10+s2+$0x0], $0xffff  }
0x17d: {  	[tilespmem:v5+s16+$0x0] =	vst.idx.add.f32.msk $0xffff, v18  }
0x17e: {  	[tilespmem:v2+s16+$0x0] =	vst.idx.add.f32.msk $0xffff, v14  }
0x17f: {  	[tilespmem:v3+s16+$0x0] =	vst.idx.add.f32.msk $0xffff, v6  }
0x180: {  	[tilespmem:v4+s16+$0x0] =	vst.idx.add.f32.msk $0xffff, v8  }
0x181: {  	[tilespmem:v1+s16+$0x0] =	vst.idx.add.f32.msk $0xffff, v7  }
0x182: {  	[tilespmem:v12+s16+$0x0] =	vst.idx.add.f32.msk $0xffff, v9  }
0x183: {  	v8 =	vld [tilespmem:s20+$0xFFFFFF90]  }
0x184: {  	v5 =	vld [tilespmem:s20+$0xFFFFFFC0]  }
0x185: {  	v4 =	vld [tilespmem:s20+$0xFFFFFFD0]  }
0x186: {  	v3 =	vld [tilespmem:s20+$0xFFFFFFE0]  }
0x187: {  	v6 =	vld [tilespmem:s20+$0xFFFFFFF0]  }
0x188: {  	v2 =	vld [tilespmem:s20+$0xFFFFFF80]  }
0x189: {  	v7 =	vld [tilespmem:s20+$0x70]  }
0x18a: {  	v9 =	vld [tilespmem:s20+$0x60]  }
0x18b: {  	v10 =	vld [tilespmem:s20+$0x50]  }
0x18c: {  	v1 =	vld [tilespmem:s20+$0xFFFFFFA0]  }
0x18d: {  	v11 =	vand.u32 $0xFFFF, v2;
	v12 =	vld [tilespmem:s20+$0x40]  }
0x18e: {  	v13 =	vld [tilespmem:s20+$0x30];
	v14 =	vand.u32 $0xFFFF, v7  }
0x18f: {  	v15 =	vld [tilespmem:s20+$0x20];
	v16 =	vand.u32 $0xFFFF, v9  }
0x190: {  	v17 =	vld [tilespmem:s20+$0x10];
	v18 =	vand.u32 $0xFFFF, v10  }
0x191: {  	v19 =	vld [tilespmem:s20+$0x0]  }
0x192: {  	v11 =	vld.idx.msk [tilespmem:v11+s2+$0x0], $0xffff;
	v20 =	vand.u32 $0xFFFF, v12  }
0x193: {  	v2 =	vshrl.u32 v2, $0x10;
	v14 =	vld.idx.msk [tilespmem:v14+s2+$0x0], $0xffff  }
0x194: {  	v7 =	vshrl.u32 v7, $0x10;
	v21 =	vand.u32 $0xFFFF, v15;
	v16 =	vld.idx.msk [tilespmem:v16+s2+$0x0], $0xffff  }
0x195: {  	v9 =	vshrl.u32 v9, $0x10;
	v23 =	vand.u32 $0xFFFF, v13;
	v22 =	vand.u32 $0xFFFF, v17;
	v18 =	vld.idx.msk [tilespmem:v18+s2+$0x0], $0xffff  }
0x196: {  	v26 =	vshrl.u32 v10, $0x10;
	v24 =	vld [tilespmem:s20+$0xFFFFFFB0];
	v25 =	vand.u32 $0xFFFF, v19  }
0x197: {  	v27 =	vand.u32 $0xFFFF, v6;
	v20 =	vld.idx.msk [tilespmem:v20+s2+$0x0], $0xffff  }
0x198: {  	v28 =	vand.u32 $0xFFFF, v3;
	[tilespmem:v2+s16+$0x0] =	vst.idx.add.f32.msk $0xffff, v11;
	v2 =	vshrl.u32 v3, $0x10  }
0x199: {  	v29 =	vand.u32 $0xFFFF, v4;
	v12 =	vshrl.u32 v12, $0x10;
	v3 =	vshrl.u32 v4, $0x10;
	v21 =	vld.idx.msk [tilespmem:v21+s2+$0x0], $0xffff  }
0x19a: {  	v30 =	vand.u32 $0xFFFF, v5;
	v4 =	vshrl.u32 v5, $0x10;
	[tilespmem:v7+s16+$0x0] =	vst.idx.add.f32.msk $0xffff, v14  }
0x19b: {  	v14 =	vshrl.u32 v15, $0x10;
	v5 =	vshrl.u32 v24, $0x10;
	v24 =	vand.u32 $0xFFFF, v24;
	[tilespmem:v9+s16+$0x0] =	vst.idx.add.f32.msk $0xffff, v16  }
0x19c: {  	v9 =	vand.u32 $0xFFFF, v1;
	v23 =	vld.idx.msk [tilespmem:v23+s2+$0x0], $0xffff  }
0x19d: {  	v10 =	vand.u32 $0xFFFF, v8;
	v31 =	vshrl.u32 v13, $0x10;
	[tilespmem:v26+s16+$0x0] =	vst.idx.add.f32.msk $0xffff, v18  }
0x19e: {  	v7 =	vld.idx.msk [tilespmem:v25+s2+$0x0], $0xffff  }
0x19f: {  	v13 =	vld.idx.msk [tilespmem:v27+s2+$0x0], $0xffff  }
0x1a0: {  	v15 =	vshrl.u32 v6, $0x10;
	v11 =	vld.idx.msk [tilespmem:v22+s2+$0x0], $0xffff  }
0x1a1: {  	v16 =	vshrl.u32 v19, $0x10;
	[tilespmem:v12+s16+$0x0] =	vst.idx.add.f32.msk $0xffff, v20  }
0x1a2: {  	v17 =	vshrl.u32 v17, $0x10;
	v6 =	vld.idx.msk [tilespmem:v29+s2+$0x0], $0xffff  }
.Ltmp10:
0x1a3: {  	v12 =	vshrl.u32 v8, $0x10;
	v8 =	vld.idx.msk [tilespmem:v30+s2+$0x0], $0xffff;
	(pc) =	sbr.rel @p0 .LBB2_18-.Ltmp10, $4  }
0x1a4: {  	[tilespmem:v14+s16+$0x0] =	vst.idx.add.f32.msk $0xffff, v21  }
0x1a5: {  	[tilespmem:v31+s16+$0x0] =	vst.idx.add.f32.msk $0xffff, v23  }
0x1a6: {  	v14 =	vld.idx.msk [tilespmem:v28+s2+$0x0], $0xffff  }
0x1a7: {  	v18 =	vld.idx.msk [tilespmem:v24+s2+$0x0], $0xffff  }
0x1a8: {  	_ =	sdelay $0x3  }
0x1a9: {  	[tilespmem:v15+s16+$0x0] =	vst.idx.add.f32.msk $0xffff, v13  }
0x1aa: {  	[tilespmem:v16+s16+$0x0] =	vst.idx.add.f32.msk $0xffff, v7  }
0x1ab: {  	[tilespmem:v17+s16+$0x0] =	vst.idx.add.f32.msk $0xffff, v11  }
0x1ac: {  	v7 =	vld.idx.msk [tilespmem:v9+s2+$0x0], $0xffff  }
0x1ad: {  	v9 =	vld.idx.msk [tilespmem:v10+s2+$0x0], $0xffff;
	v1 =	vshrl.u32 v1, $0x10  }
0x1ae: {  	[tilespmem:v3+s16+$0x0] =	vst.idx.add.f32.msk $0xffff, v6  }
0x1af: {  	[tilespmem:v4+s16+$0x0] =	vst.idx.add.f32.msk $0xffff, v8  }
0x1b0: {  	[tilespmem:v2+s16+$0x0] =	vst.idx.add.f32.msk $0xffff, v14  }
0x1b1: {  	[tilespmem:v5+s16+$0x0] =	vst.idx.add.f32.msk $0xffff, v18  }
0x1b2: {  	[tilespmem:v1+s16+$0x0] =	vst.idx.add.f32.msk $0xffff, v7  }
0x1b3: {  	[tilespmem:v12+s16+$0x0] =	vst.idx.add.f32.msk $0xffff, v9  }
0x1b4: {  	v1 =	vld [tilespmem:$0x1AE00];
	_ =	sdelay $0x4  }
0x1b5: {  	v2 =	vand.u32 $0xFFFF, v1;
	_ =	sdelay $0x4  }
0x1b6: {  	p0 =	seq.s32 s19, $0x4F;
	v1 =	vshrl.u32 v1, $0x10;
	v2 =	vld.idx.msk [tilespmem:v2+s2+$0x0], $0xffff  }
0x1b7: {  	s20 =	smul.u32 @!p0 $0x4E20, s19;
	_ =	sdelay $0x1  }
0x1b8: {  	s20 =	sshrl.u32 @!p0 s20, $0x3  }
0x1b9: {  	s20 =	sadd.s32 @!p0 s3, s20  }
0x1ba: {  	s21 =	simm.s32 @!p0 $0x0;
	s22 =	simm.s32 @!p0 $0x18700;
	s20 =	sadd.s32 @!p0 $0x9C4, s20;
	[tilespmem:v1+s16+$0x0] =	vst.idx.add.f32.msk $0xffff, v2  }
0x1bb: {  	[tilespmem:s22], [sflag:$0x1] =	stream.linear.gather @!p0 [hbm4b:s20+s21], $0x2710, $0x38;
	[tilespmem:$0x1D600] =	vst v63  }
0x1bc: {  	_ =	swait.ge [sflag:s17], $0x2710  }
0x1bd: {  	[sflag:s17] =	ssyncset.done $0x0  }
0x1be: {  	s20 =	simm.s32 $0x1AF00;
	[sflag:s17] =	ssyncadd.s32 $0xFFFFD8F0  }
0x1bf: {  	v12 =	vld [tilespmem:s20+$0xFFFFFF90]  }
0x1c0: {  	v4 =	vld [tilespmem:s20+$0xFFFFFFC0]  }
0x1c1: {  	v3 =	vld [tilespmem:s20+$0xFFFFFFD0]  }
0x1c2: {  	v2 =	vld [tilespmem:s20+$0xFFFFFFE0]  }
0x1c3: {  	v14 =	vld [tilespmem:s20+$0xFFFFFFF0]  }
0x1c4: {  	v5 =	vld [tilespmem:s20+$0xFFFFFF80]  }
0x1c5: {  	v6 =	vld [tilespmem:s20+$0x70]  }
0x1c6: {  	v7 =	vld [tilespmem:s20+$0x60]  }
0x1c7: {  	v8 =	vld [tilespmem:s20+$0x50]  }
0x1c8: {  	v1 =	vld [tilespmem:s20+$0xFFFFFFA0]  }
0x1c9: {  	v10 =	vld [tilespmem:s20+$0x40]  }
0x1ca: {  	v11 =	vld [tilespmem:s20+$0x30];
	v9 =	vand.u32 $0xFFFF, v5  }
0x1cb: {  	v15 =	vld [tilespmem:s20+$0x20];
	v13 =	vand.u32 $0xFFFF, v6  }
0x1cc: {  	v17 =	vld [tilespmem:s20+$0x10];
	v16 =	vand.u32 $0xFFFF, v7  }
0x1cd: {  	v19 =	vld [tilespmem:s20+$0x0];
	v18 =	vand.u32 $0xFFFF, v8  }
0x1ce: {  	v22 =	vld [tilespmem:s20+$0xFFFFFFB0];
	v20 =	vand.u32 $0xFFFF, v10  }
0x1cf: {  	v5 =	vshrl.u32 v5, $0x10;
	v9 =	vld.idx.msk [tilespmem:v9+s2+$0x0], $0xffff  }
0x1d0: {  	v21 =	vand.u32 $0xFFFF, v15;
	v13 =	vld.idx.msk [tilespmem:v13+s2+$0x0], $0xffff  }
0x1d1: {  	v6 =	vshrl.u32 v6, $0x10;
	v16 =	vld.idx.msk [tilespmem:v16+s2+$0x0], $0xffff  }
0x1d2: {  	v7 =	vshrl.u32 v7, $0x10;
	v18 =	vld.idx.msk [tilespmem:v18+s2+$0x0], $0xffff  }
0x1d3: {  	v23 =	vand.u32 $0xFFFF, v11;
	v20 =	vld.idx.msk [tilespmem:v20+s2+$0x0], $0xffff  }
0x1d4: {  	v8 =	vshrl.u32 v8, $0x10;
	[tilespmem:v5+s16+$0x0] =	vst.idx.add.f32.msk $0xffff, v9  }
0x1d5: {  	v5 =	vand.u32 $0xFFFF, v19;
	v9 =	vld.idx.msk [tilespmem:v21+s2+$0x0], $0xffff  }
0x1d6: {  	v62 =	vand.u32 $0xFFFF, v14;
	[tilespmem:v6+s16+$0x0] =	vst.idx.add.f32.msk $0xffff, v13  }
0x1d7: {  	v10 =	vshrl.u32 v10, $0x10;
	[tilespmem:v7+s16+$0x0] =	vst.idx.add.f32.msk $0xffff, v16  }
0x1d8: {  	v6 =	vand.u32 $0xFFFF, v17;
	v16 =	vld.idx.msk [tilespmem:v23+s2+$0x0], $0xffff  }
0x1d9: {  	v63 =	vand.u32 $0xFFFF, v3;
	[tilespmem:v8+s16+$0x0] =	vst.idx.add.f32.msk $0xffff, v18  }
0x1da: {  	v7 =	vld.idx.msk [tilespmem:v5+s2+$0x0], $0xffff;
	v5 =	vshrl.u32 v15, $0x10;
	v15 =	vshrl.u32 v11, $0x10  }
0x1db: {  	v8 =	vand.u32 $0xFFFF, v4;
	v13 =	vld.idx.msk [tilespmem:v62+s2+$0x0], $0xffff  }
0x1dc: {  	[tilespmem:v10+s16+$0x0] =	vst.idx.add.f32.msk $0xffff, v20  }
0x1dd: {  	v18 =	vand.u32 $0xFFFF, v2;
	v11 =	vld.idx.msk [tilespmem:v6+s2+$0x0], $0xffff  }
0x1de: {  	v20 =	vand.u32 $0xFFFF, v22;
	v6 =	vld.idx.msk [tilespmem:v63+s2+$0x0], $0xffff  }
0x1df: {  	[tilespmem:v15+s16+$0x0] =	vst.idx.add.f32.msk $0xffff, v16;
	v15 =	vshrl.u32 v14, $0x10  }
0x1e0: {  	v8 =	vld.idx.msk [tilespmem:v8+s2+$0x0], $0xffff;
	v16 =	vshrl.u32 v19, $0x10  }
0x1e1: {  	v3 =	vshrl.u32 v3, $0x10;
	v17 =	vshrl.u32 v17, $0x10;
	[tilespmem:v5+s16+$0x0] =	vst.idx.add.f32.msk $0xffff, v9  }
0x1e2: {  	v2 =	vshrl.u32 v2, $0x10;
	v4 =	vshrl.u32 v4, $0x10;
	v9 =	vand.u32 $0xFFFF, v1;
	v14 =	vld.idx.msk [tilespmem:v18+s2+$0x0], $0xffff  }
0x1e3: {  	s21 =	simm.s32 $0x0;
	v10 =	vand.u32 $0xFFFF, v12;
	v12 =	vshrl.u32 v12, $0x10;
	v5 =	vshrl.u32 v22, $0x10;
	v18 =	vld.idx.msk [tilespmem:v20+s2+$0x0], $0xffff  }
.LBB2_20:
0x1e4: {  	s21 =	sadd.s32 $0x100, s21;
	[tilespmem:v15+s16+$0x0] =	vst.idx.add.f32.msk $0xffff, v13;
	s20 =	sadd.s32 $0x100, s20  }
0x1e5: {  	p1 =	slt.u32 s21, $0x2600;
	[tilespmem:v16+s16+$0x0] =	vst.idx.add.f32.msk $0xffff, v7  }
0x1e6: {  	[tilespmem:v17+s16+$0x0] =	vst.idx.add.f32.msk $0xffff, v11  }
0x1e7: {  	v7 =	vld.idx.msk [tilespmem:v9+s2+$0x0], $0xffff  }
0x1e8: {  	v1 =	vshrl.u32 v1, $0x10;
	v9 =	vld.idx.msk [tilespmem:v10+s2+$0x0], $0xffff  }
0x1e9: {  	[tilespmem:v5+s16+$0x0] =	vst.idx.add.f32.msk $0xffff, v18  }
0x1ea: {  	[tilespmem:v2+s16+$0x0] =	vst.idx.add.f32.msk $0xffff, v14  }
0x1eb: {  	[tilespmem:v3+s16+$0x0] =	vst.idx.add.f32.msk $0xffff, v6  }
0x1ec: {  	[tilespmem:v4+s16+$0x0] =	vst.idx.add.f32.msk $0xffff, v8  }
0x1ed: {  	[tilespmem:v1+s16+$0x0] =	vst.idx.add.f32.msk $0xffff, v7  }
0x1ee: {  	[tilespmem:v12+s16+$0x0] =	vst.idx.add.f32.msk $0xffff, v9  }
0x1ef: {  	v8 =	vld [tilespmem:s20+$0xFFFFFF90]  }
0x1f0: {  	v5 =	vld [tilespmem:s20+$0xFFFFFFC0]  }
0x1f1: {  	v4 =	vld [tilespmem:s20+$0xFFFFFFD0]  }
0x1f2: {  	v3 =	vld [tilespmem:s20+$0xFFFFFFE0]  }
0x1f3: {  	v6 =	vld [tilespmem:s20+$0xFFFFFFF0]  }
0x1f4: {  	v2 =	vld [tilespmem:s20+$0xFFFFFF80]  }
0x1f5: {  	v7 =	vld [tilespmem:s20+$0x70]  }
0x1f6: {  	v9 =	vld [tilespmem:s20+$0x60]  }
0x1f7: {  	v10 =	vld [tilespmem:s20+$0x50]  }
0x1f8: {  	v1 =	vld [tilespmem:s20+$0xFFFFFFA0]  }
0x1f9: {  	v11 =	vand.u32 $0xFFFF, v2;
	v12 =	vld [tilespmem:s20+$0x40]  }
0x1fa: {  	v13 =	vld [tilespmem:s20+$0x30];
	v14 =	vand.u32 $0xFFFF, v7  }
0x1fb: {  	v15 =	vld [tilespmem:s20+$0x20];
	v16 =	vand.u32 $0xFFFF, v9  }
0x1fc: {  	v17 =	vld [tilespmem:s20+$0x10];
	v18 =	vand.u32 $0xFFFF, v10  }
0x1fd: {  	v19 =	vld [tilespmem:s20+$0x0]  }
0x1fe: {  	v11 =	vld.idx.msk [tilespmem:v11+s2+$0x0], $0xffff;
	v20 =	vand.u32 $0xFFFF, v12  }
0x1ff: {  	v2 =	vshrl.u32 v2, $0x10;
	v14 =	vld.idx.msk [tilespmem:v14+s2+$0x0], $0xffff  }
0x200: {  	v7 =	vshrl.u32 v7, $0x10;
	v21 =	vand.u32 $0xFFFF, v15;
	v16 =	vld.idx.msk [tilespmem:v16+s2+$0x0], $0xffff  }
0x201: {  	v9 =	vshrl.u32 v9, $0x10;
	v23 =	vand.u32 $0xFFFF, v13;
	v22 =	vand.u32 $0xFFFF, v17;
	v18 =	vld.idx.msk [tilespmem:v18+s2+$0x0], $0xffff  }
0x202: {  	v26 =	vshrl.u32 v10, $0x10;
	v24 =	vld [tilespmem:s20+$0xFFFFFFB0];
	v25 =	vand.u32 $0xFFFF, v19  }
0x203: {  	v27 =	vand.u32 $0xFFFF, v6;
	v20 =	vld.idx.msk [tilespmem:v20+s2+$0x0], $0xffff  }
0x204: {  	v28 =	vand.u32 $0xFFFF, v3;
	[tilespmem:v2+s16+$0x0] =	vst.idx.add.f32.msk $0xffff, v11;
	v2 =	vshrl.u32 v3, $0x10  }
0x205: {  	v29 =	vand.u32 $0xFFFF, v4;
	v12 =	vshrl.u32 v12, $0x10;
	v3 =	vshrl.u32 v4, $0x10;
	v21 =	vld.idx.msk [tilespmem:v21+s2+$0x0], $0xffff  }
0x206: {  	v30 =	vand.u32 $0xFFFF, v5;
	v4 =	vshrl.u32 v5, $0x10;
	[tilespmem:v7+s16+$0x0] =	vst.idx.add.f32.msk $0xffff, v14  }
0x207: {  	v14 =	vshrl.u32 v15, $0x10;
	v5 =	vshrl.u32 v24, $0x10;
	v24 =	vand.u32 $0xFFFF, v24;
	[tilespmem:v9+s16+$0x0] =	vst.idx.add.f32.msk $0xffff, v16  }
0x208: {  	v9 =	vand.u32 $0xFFFF, v1;
	v23 =	vld.idx.msk [tilespmem:v23+s2+$0x0], $0xffff  }
0x209: {  	v10 =	vand.u32 $0xFFFF, v8;
	v31 =	vshrl.u32 v13, $0x10;
	[tilespmem:v26+s16+$0x0] =	vst.idx.add.f32.msk $0xffff, v18  }
0x20a: {  	v7 =	vld.idx.msk [tilespmem:v25+s2+$0x0], $0xffff  }
0x20b: {  	v13 =	vld.idx.msk [tilespmem:v27+s2+$0x0], $0xffff  }
0x20c: {  	v15 =	vshrl.u32 v6, $0x10;
	v11 =	vld.idx.msk [tilespmem:v22+s2+$0x0], $0xffff  }
0x20d: {  	v16 =	vshrl.u32 v19, $0x10;
	[tilespmem:v12+s16+$0x0] =	vst.idx.add.f32.msk $0xffff, v20  }
0x20e: {  	v17 =	vshrl.u32 v17, $0x10;
	v6 =	vld.idx.msk [tilespmem:v29+s2+$0x0], $0xffff  }
.Ltmp11:
0x20f: {  	v12 =	vshrl.u32 v8, $0x10;
	v8 =	vld.idx.msk [tilespmem:v30+s2+$0x0], $0xffff;
	(pc) =	sbr.rel @p1 .LBB2_20-.Ltmp11, $4  }
0x210: {  	[tilespmem:v14+s16+$0x0] =	vst.idx.add.f32.msk $0xffff, v21  }
0x211: {  	[tilespmem:v31+s16+$0x0] =	vst.idx.add.f32.msk $0xffff, v23  }
0x212: {  	v14 =	vld.idx.msk [tilespmem:v28+s2+$0x0], $0xffff  }
0x213: {  	v18 =	vld.idx.msk [tilespmem:v24+s2+$0x0], $0xffff  }
0x214: {  	_ =	sdelay $0x3  }
0x215: {  	[tilespmem:v15+s16+$0x0] =	vst.idx.add.f32.msk $0xffff, v13  }
0x216: {  	[tilespmem:v16+s16+$0x0] =	vst.idx.add.f32.msk $0xffff, v7  }
0x217: {  	[tilespmem:v17+s16+$0x0] =	vst.idx.add.f32.msk $0xffff, v11  }
0x218: {  	v62 =	vld.idx.msk [tilespmem:v9+s2+$0x0], $0xffff  }
0x219: {  	v63 =	vld.idx.msk [tilespmem:v10+s2+$0x0], $0xffff;
	v1 =	vshrl.u32 v1, $0x10  }
0x21a: {  	[tilespmem:v3+s16+$0x0] =	vst.idx.add.f32.msk $0xffff, v6  }
0x21b: {  	[tilespmem:v4+s16+$0x0] =	vst.idx.add.f32.msk $0xffff, v8  }
0x21c: {  	[tilespmem:v2+s16+$0x0] =	vst.idx.add.f32.msk $0xffff, v14  }
0x21d: {  	[tilespmem:v5+s16+$0x0] =	vst.idx.add.f32.msk $0xffff, v18  }
0x21e: {  	[tilespmem:v1+s16+$0x0] =	vst.idx.add.f32.msk $0xffff, v62  }
0x21f: {  	[tilespmem:v12+s16+$0x0] =	vst.idx.add.f32.msk $0xffff, v63  }
0x220: {  	v1 =	vld [tilespmem:$0x1D580];
	_ =	sdelay $0x4  }
0x221: {  	v2 =	vand.u32 $0xFFFF, v1;
	_ =	sdelay $0x4  }
0x222: {  	v1 =	vshrl.u32 v1, $0x10;
	v2 =	vld.idx.msk [tilespmem:v2+s2+$0x0], $0xffff  }
.Ltmp12:
0x223: {  	_ = 	snop;
	(pc) =	sbr.rel @p0 .LBB2_23-.Ltmp12, $2  }
0x224: {  	_ =	sdelay $0x2  }
0x225: {  	[tilespmem:v1+s16+$0x0] =	vst.idx.add.f32.msk $0xffff, v2  }
0x226: {  	s20 =	smul.u32 $0x4E20, s19  }
.Ltmp13:
0x227: {  	_ = 	snop;
	(pc) =	sbr.rel .LBB2_17-.Ltmp13, $4  }
0x228: {  	s20 =	sshrl.u32 s20, $0x3  }
0x229: {  	s20 =	sadd.s32 s3, s20  }
0x22a: {  	s19 =	sadd.s32 $0x1, s19;
	s20 =	sadd.s32 $0xEA6, s20  }
0x22b: {  	[tilespmem:s14], [sflag:$0x2] =	stream.linear.gather [hbm4b:s20+s2], $0x2710, $0x38;
	[tilespmem:$0x1D600] =	vst v63  }
.LBB2_24:
0x22c: {  	_ =	sfence.sel $0x180000  }
0x22d: {  	[bflag:$0x0] =	sbarrier.arrive $0xFFFF  }
0x22e: {  	p0 =	sne.s32 s1, $0x0;
	_ =	strace $0x9000004D  }
0x22f: {  	s0 =	sadd.s32 @!p0 $0x100000, s0;
	[bflag:$0x2] =	sbarrier.arrive $0xFFFF  }
0x230: {  	[sflag:s0] =	ssyncadd.tile.s32 @!p0 $0x1;
	_ =	shalt  }
.Lfunc_end2:
_tile_overlayer_lowered:
.L_overlay_start_2:
0x231: {  	(tag) =	ssettag $0x2  }
0x232: {  	s0 =	rddreg [dreg:$0x0];
	s2 =	stileid.u32  }
0x233: {  	s1 =	rddreg [dreg:$0x1];
	p0 =	sne.s32 s2, $0x0  }
0x234: {  	s3 =	rddreg [dreg:$0x2];
	[bflag:$0x3] =	sbarrier.arrive $0xFFFF;
	s2 =	simm.s32 @!p0 $0x1C03  }
0x235: {  	[timem:s3], [sflag:s2] =	dma.local @!p0 [hbm:s0], s1  }
0x236: {  	s0 =	simm.s32 @!p0 $0x3  }
0x237: {  	_ =	swait.ge @!p0 [sflag:s0], s1  }
0x238: {  	s1 =	ssub.s32 @!p0 $0x0, s1;
	[sflag:s0] =	ssyncset.done @!p0 $0x0  }
0x239: {  	[sflag:s0] =	ssyncadd.s32 @!p0 s1  }
0x23a: {  	[bflag:$0x3] =	sbarrier.arrive $0xFFFF  }
0x23b: {  	_ =	shalt  }

// kernel: kernel.22.cloned.1.call-start
scs
__scs_entry_jumppad:
0x0: {  	(pc) =	sbr.rel $0x88, $3  }
0x1: {  	(tag) =	ssettag $0x0;
	lr =	simm.s32 $0x1  }
0x2: {  	[smem:$0x3F98] =	sst lr;
	_ =	strace $0xD0000000  }
0x3: {  	_ = 	snop  }
0x4: {  	_ = 	snop  }
0x5: {  	_ = 	snop  }
0x6: {  	_ = 	snop  }
0x7: {  	_ = 	snop  }
__scs_overlays_trampoline_lowered:
0x8: {  	[smem:$0x3FA7] =	sst s0  }
0x9: {  	[smem:$0x3FA8] =	sst s1  }
0xa: {  	[smem:$0x3FA9] =	sst s2  }
0xb: {  	[smem:$0x3FAA] =	sst s3  }
0xc: {  	[smem:$0x3FAB] =	sst s4  }
0xd: {  	[smem:$0x3FAC] =	sst s5  }
0xe: {  	[smem:$0x3FAD] =	sst s6  }
0xf: {  	[smem:$0x3FAE] =	sst s7  }
0x10: {  	[smem:$0x3FAF] =	sst s8  }
0x11: {  	[smem:$0x3FB0] =	sst s9;
	s0 =	simm.s32 @!p0 $0x0  }
0x12: {  	s1 =	sld [smem:$0x3F96];
	s0 =	simm.s32 @p0 $0x1  }
0x13: {  	[smem:$0x3FB1] =	sst s0;
	s0 =	simm.s32 @!p1 $0x0  }
0x14: {  	s2 =	sld [smem:$0x3F95];
	s0 =	simm.s32 @p1 $0x1  }
0x15: {  	[smem:$0x3FB2] =	sst s0;
	s0 =	simm.s32 @!p2 $0x0  }
0x16: {  	s3 =	sld [smem:$0x3FDB];
	s0 =	simm.s32 @p2 $0x1  }
0x17: {  	s4 =	simm.s32 $0x1BF5;
	[smem:$0x3FB4] =	sst s0  }
0x18: {  	s0 =	sld [smem:$0x3F97];
	_ =	swait.ge [sflag:s4], $0x0  }
0x19: {  	s7 =	sld [smem:$0x3F98]  }
0x1a: {  	s8 =	sadd.s32 $0xFFFFE003, lr  }
0x1b: {  	s9 =	sadd.s32 $0xFFFFFEF7, lr;
	s5 =	simm.s32 $0xFFFFFFFF;
	p2 =	slt.u32 s8, $0xFFFFF086  }
0x1c: {  	p1 =	slt.u32 s9, $0xF7A;
	s5 =	simm.s32 @!p2 $0x0  }
0x1d: {  	s5 =	simm.s32 @p1 $0x1;
	p0 =	seq.s32 s7, s2  }
0x1e: {  	s7 =	smul.u32 @!p0 $0xF7A, s2;
	p2 =	seq.s32 @!p0 s5, $0x0  }
0x1f: {  	s9 =	smul.u32 $0xF7A, s1;
	s8 =	simm.s32 @!p0 $0x1BF5;
	p2 =	por !p2, p0  }
0x20: {  	[sflag:s8] =	ssyncset.s32 @!p0 $0xFFFFF086;
	s6 =	sadd.s32 @!p0 s3, s7;
	s7 =	simm.s32 @!p0 $0x108  }
0x21: {  	s3 =	sadd.s32 s3, s9;
	s6 =	sadd.s32 @!p0 $0x88, s6;
	s7 =	simm.s32 @p2 $0x1082  }
0x22: {  	[simem:s7], [sflag:s8] =	dma.local @!p0 [hbm:s6], $0xF7A  }
0x23: {  	s9 =	sor.u32 $0xD0000000, s2;
	s6 =	simm.s32 $0x108;
	_ =	swait.ge @!p0 [sflag:s8], $0x0  }
0x24: {  	s3 =	sadd.s32 $0x88, s3;
	s6 =	simm.s32 @!p1 $0x1082;
	[sflag:s4] =	ssyncset.s32 $0xFFFFF086  }
0x25: {  	[simem:s6], [sflag:s4] =	dma.local [hbm:s3], $0xF7A  }
0x26: {  	[smem:$0x3F98] =	sst s1;
	(tag) =	ssettag s2;
	_ =	strace s9  }
0x27: {  	s1 =	sld [smem:$0x3FA8]  }
0x28: {  	s2 =	sld [smem:$0x3FA9]  }
0x29: {  	s4 =	sld [smem:$0x3FAB]  }
0x2a: {  	p0 =	seq.s32 s5, $0x0;
	s5 =	sld [smem:$0x3FAC]  }
0x2b: {  	s6 =	sld [smem:$0x3FAD]  }
0x2c: {  	s7 =	sld [smem:$0x3FAE]  }
0x2d: {  	s3 =	simm.s32 $0x108;
	s8 =	sld [smem:$0x3FAF]  }
0x2e: {  	s3 =	simm.s32 @!p0 $0x1082;
	s9 =	sld [smem:$0x3FB0]  }
0x2f: {  	lr =	sadd.s32 s0, s3;
	s0 =	sld [smem:$0x3FA7]  }
0x30: {  	s3 =	sld [smem:$0x3FAA]  }
0x31: {  	[smem:$0x3FB3] =	sst s10  }
0x32: {  	s10 =	sld [smem:$0x3FB1];
	_ =	sdelay $0x3  }
0x33: {  	p0 =	seq.s32 s10, $0x1;
	s10 =	sld [smem:$0x3FB3];
	_ =	sdelay $0x3  }
0x34: {  	[smem:$0x3FB3] =	sst s10  }
0x35: {  	s10 =	sld [smem:$0x3FB2];
	_ =	sdelay $0x3  }
0x36: {  	p1 =	seq.s32 s10, $0x1;
	s10 =	sld [smem:$0x3FB3];
	_ =	sdelay $0x3  }
0x37: {  	[smem:$0x3FB3] =	sst s10  }
0x38: {  	s10 =	sld [smem:$0x3FB4]  }
0x39: {  	_ = 	snop;
	(pc) =	sbr.ind lr, $3  }
0x3a: {  	_ = 	snop  }
0x3b: {  	_ = 	snop  }
0x3c: {  	p2 =	seq.s32 s10, $0x1;
	s10 =	sld [smem:$0x3FB3]  }
0x3d: {  	_ =	shalt  }
0x3e: {  	_ =	shalt  }
0x3f: {  	_ =	shalt  }
0x40: {  	_ =	shalt  }
0x41: {  	_ =	shalt  }
0x42: {  	_ =	shalt  }
0x43: {  	_ =	shalt  }
0x44: {  	_ =	shalt  }
0x45: {  	_ =	shalt  }
0x46: {  	_ =	shalt  }
0x47: {  	_ =	shalt  }
0x48: {  	_ =	shalt  }
0x49: {  	_ =	shalt  }
0x4a: {  	_ =	shalt  }
0x4b: {  	_ =	shalt  }
0x4c: {  	_ =	shalt  }
0x4d: {  	_ =	shalt  }
0x4e: {  	_ =	shalt  }
0x4f: {  	_ =	shalt  }
0x50: {  	_ =	shalt  }
0x51: {  	_ =	shalt  }
0x52: {  	_ =	shalt  }
0x53: {  	_ =	shalt  }
0x54: {  	_ =	shalt  }
0x55: {  	_ =	shalt  }
0x56: {  	_ =	shalt  }
0x57: {  	_ =	shalt  }
0x58: {  	_ =	shalt  }
0x59: {  	_ =	shalt  }
0x5a: {  	_ =	shalt  }
0x5b: {  	_ =	shalt  }
0x5c: {  	_ =	shalt  }
0x5d: {  	_ =	shalt  }
0x5e: {  	_ =	shalt  }
0x5f: {  	_ =	shalt  }
0x60: {  	_ =	shalt  }
0x61: {  	_ =	shalt  }
0x62: {  	_ =	shalt  }
0x63: {  	_ =	shalt  }
0x64: {  	_ =	shalt  }
0x65: {  	_ =	shalt  }
0x66: {  	_ =	shalt  }
0x67: {  	_ =	shalt  }
0x68: {  	_ =	shalt  }
0x69: {  	_ =	shalt  }
0x6a: {  	_ =	shalt  }
0x6b: {  	_ =	shalt  }
0x6c: {  	_ =	shalt  }
0x6d: {  	_ =	shalt  }
0x6e: {  	_ =	shalt  }
0x6f: {  	_ =	shalt  }
0x70: {  	_ =	shalt  }
0x71: {  	_ =	shalt  }
0x72: {  	_ =	shalt  }
0x73: {  	_ =	shalt  }
0x74: {  	_ =	shalt  }
0x75: {  	_ =	shalt  }
0x76: {  	_ =	shalt  }
0x77: {  	_ =	shalt  }
0x78: {  	_ =	shalt  }
0x79: {  	_ =	shalt  }
0x7a: {  	_ =	shalt  }
0x7b: {  	_ =	shalt  }
0x7c: {  	_ =	shalt  }
0x7d: {  	_ =	shalt  }
0x7e: {  	_ =	shalt  }
0x7f: {  	_ =	shalt  }
0x80: {  	_ =	shalt  }
0x81: {  	_ =	shalt  }
0x82: {  	_ =	shalt  }
0x83: {  	_ =	shalt  }
0x84: {  	_ =	shalt  }
0x85: {  	_ =	shalt  }
0x86: {  	_ =	shalt  }
0x87: {  	_ =	shalt  }
.Lfunc_end0:
.L_simem_size_0:
called_computation.3_lowered:
.L_overlay_start_0:
0x88: {  	s2 =	sld [smem:$0x3FD9]  }
0x89: {  	s3 =	sld [smem:$0x3FFE];
	_ =	sdelay $0x1  }
0x8a: {  	s1 =	srdreg.scid  }
0x8b: {  	s0 =	sand.u32 $0x1, s1  }
0x8c: {  	s17 =	sshll.u32 s0, $0xA;
	s2 =	sadd.s32 s3, s2  }
0x8d: {  	s2 =	sadd.s32 s2, s17  }
0x8e: {  	[smem:$0x3FBF] =	sst s2  }
0x8f: {  	_ = 	snop  }
0x90: {  	s2 =	sld [smem:$0x3FC7]  }
0x91: {  	s18 =	sld [smem:$0x3FD0];
	(tm) =	ssettm $0x1  }
0x92: {  	s4 =	sld [smem:$0x3FFB];
	_ =	sdelay $0x3  }
0x93: {  	_ =	strace s4  }
0x94: {  	s4 =	sld [smem:$0x3FFC];
	_ =	sdelay $0x3  }
0x95: {  	_ =	strace s4  }
0x96: {  	s4 =	sld [smem:$0x3FFD];
	_ =	sdelay $0x3  }
0x97: {  	_ =	strace s4  }
0x98: {  	_ =	strace $0x8FFFFFFF  }
0x99: {  	s19 =	sld [smem:$0x3FDB];
	_ =	sdelay $0x1  }
0x9a: {  	s5 =	simm.s32 $_scs_section_size  }
0x9b: {  	s6 =	simm.s32 $_size__tile_overlayer_lowered;
	s7 =	simm.s32 $_tile_overlayer_lowered  }
0x9c: {  	s22 =	simm.s32 $0x1BFF;
	s21 =	sshll.u32 s7, $0x1;
	s4 =	sadd.s32 s5, s19  }
0x9d: {  	s8 =	simm.s32 $0x0;
	s20 =	sshll.u32 s6, $0x1;
	s6 =	sadd.s32 s21, s4  }
0x9e: {  	[timem:s8], [sflag:s22] =	dma.local [hbm:s6], s20  }
0x9f: {  	_ =	swait.ge [sflag:s22], s20  }
0xa0: {  	s5 =	ssub.s32 $0x0, s20;
	[sflag:s22] =	ssyncset.done $0x0  }
0xa1: {  	[sflag:s22] =	ssyncadd.s32 s5;
	_ =	sdelay $0x1  }
0xa2: {  	s23 =	simm.s32 $0x1B8B  }
0xa3: {  	_ =	swait.ge [sflag:s23], $0x1  }
0xa4: {  	[sflag:s23] =	ssyncset.done $0x0  }
0xa5: {  	s25 =	simm.s32 $0x1B8E;
	s24 =	sld [smem:$0x3FFE];
	[sflag:s23] =	ssyncadd.s32 $0xFFFFFFFF  }
0xa6: {  	s26 =	simm.s32 $execute0_lowered;
	[smem:$0x3FD2] =	sst s25  }
0xa7: {  	s6 =	sshll.u32 s26, $0x1;
	_ =	strace $0x8000004F;
	[dreg:$0x1] =	wrdreg $0xFFFFFFFF  }
0xa8: {  	s28 =	simm.s32 $_size_execute0_lowered;
	s4 =	sadd.s32 s4, s6;
	[dreg:$0x0] =	wrdreg $0x0  }
0xa9: {  	s6 =	sshll.u32 s28, $0x1;
	[dreg:$0x2] =	wrdreg s4  }
0xaa: {  	[dreg:$0x3] =	wrdreg s6  }
0xab: {  	[dreg:$0x4] =	wrdreg $0xC0  }
0xac: {  	_ =	task [dreg:s8], $0x5FFFF  }
0xad: {  	[dreg:$0x1] =	wrdreg $0xFFFFFFFF  }
0xae: {  	[dreg:$0x0] =	wrdreg $0x60  }
0xaf: {  	[dreg:$0x2] =	wrdreg s24  }
0xb0: {  	[dreg:$0x3] =	wrdreg s2  }
0xb1: {  	[dreg:$0x4] =	wrdreg s18  }
0xb2: {  	[dreg:$0x5] =	wrdreg $0x9  }
0xb3: {  	_ =	task.clear_ibuf [dreg:s8], $0x6FFFF;
	_ =	strace $0x9000004F  }
0xb4: {  	s29 =	simm.s32 $0x9;
	_ =	strace $0x80000051  }
0xb5: {  	_ =	swait.ge [sflag:s29], $0x1  }
0xb6: {  	[sflag:s29] =	ssyncadd.s32 $0xFFFFFFFF  }
0xb7: {  	_ =	strace $0x90000051  }
0xb8: {  	_ =	sfence  }
0xb9: {  	s30 =	sld [smem:$0x0];
	_ =	sdelay $0x2  }
0xba: {  	s31 =	sshll.u32 s1, $0xD;
	s1 =	sshrl.u32 s1, $0x2  }
0xbb: {  	s3 =	sand.u32 $0x4000, s31;
	s1 =	sadd.s32 s1, s30  }
0xbc: {  	s0 =	sor.u32 s3, s0;
	s1 =	sshll.u32 s1, $0x11  }
0xbd: {  	s0 =	sor.u32 s1, s0  }
0xbe: {  	s0 =	sadd.s32 $0x8F2B, s0  }
0xbf: {  	[sflag:s0] =	ssyncadd.remote.s32 $0x1  }
0xc0: {  	_ =	sfence.sel $0xFFFF  }
0xc1: {  	[dreg:$0x0] =	wrdreg $0xFFFFFFFF;
	(pc) =	sbr.abs _section_cstart, $3  }
0xc2: {  	[dreg:$0x1] =	wrdreg $0xFFFFFFFF  }
0xc3: {  	_ =	task.clear_ibuf [dreg:s8], $0x2FFFF;
	_ =	strace $0x9FFFFFFF  }
0xc4: {  	(tm) =	ssettm $0x7FFFFFFF  }
0xc5: {  	_ =	shalt  }
tec
execute0_lowered:
.L_overlay_start_1:
0x0: {  	(tag) =	ssettag $0x1  }
0x1: {  	s4 =	rddreg [dreg:$0x0]  }
0x2: {  	s1 =	rddreg [dreg:$0x1]  }
0x3: {  	s7 =	rddreg [dreg:$0x2]  }
0x4: {  	s0 =	rddreg [dreg:$0x3]  }
0x5: {  	s3 =	simm.s32 $0x0;
	s5 =	srdreg.scid;
	s2 =	stileid.u32  }
0x6: {  	s12 =	simm.s32 $0x400;
	s13 =	simm.s32 $0x18700;
	s14 =	simm.s32 $0x0  }
0x7: {  	[smem:$0x7FF] =	sst s3;
	s5 =	sand.u32 $0x1, s5;
	s8 =	sshrl.u32 s2, $0x2  }
0x8: {  	s9 =	sshll.u32 s2, $0x8;
	s11 =	sadd.s32 $0x2600, s4;
	_ =	strace $0x80000050  }
0x9: {  	s6 =	ssub.s32 $0x2, s5;
	s5 =	sshll.u32 s5, $0x7;
	s9 =	sand.u32 $0x300, s9  }
0xa: {  	s10 =	smul.u32 $0x61C00, s8;
	s28 =	sor.u32 $0x4, s8;
	s8 =	sshll.u32 s8, $0xA  }
0xb: {  	s24 =	sshrl.u32 s6, $0x1;
	s5 =	sor.u32 s5, s9;
	s29 =	smul.u32 $0x61C00, s28  }
0xc: {  	s9 =	simm.s32 $0xC380;
	s25 =	ssub.s32 s6, s24;
	s26 =	sor.u32 s10, s5  }
0xd: {  	s8 =	sor.u32 s8, s5;
	s6 =	sshll.u32 s28, $0xA;
	s4 =	sshrl.u32 s26, $0x3  }
0xe: {  	s8 =	sshrl.u32 s8, $0x3;
	s10 =	sor.u32 s5, s29;
	s6 =	sor.u32 s5, s6  }
0xf: {  	s4 =	sadd.s32 s11, s4;
	s5 =	sadd.s32 s7, s8;
	s30 =	sshrl.u32 s10, $0x3  }
0x10: {  	s31 =	sshrl.u32 s6, $0x3;
	s8 =	smax.u32 s25, $0x1;
	s10 =	simm.s32 $0x1  }
0x11: {  	v0 =	vimm.f32 $0.0e+00;
	s6 =	sadd.s32 s11, s30;
	s7 =	sadd.s32 s7, s31;
	s11 =	simm.s32 $0x80  }
.LBB2_1:
0x12: {  	[tilespmem:s9], [sflag:$0x1] =	stream.linear.gather [hbm4b:s1+s3], $0xC380, $0x38;
	[tilespmem:$0x18780] =	vst v63  }
0x13: {  	_ =	swait.ge [sflag:s10], $0xC380  }
0x14: {  	[sflag:s10] =	ssyncset.done $0x0  }
0x15: {  	[sflag:s10] =	ssyncadd.s32 $0xFFFF3C80  }
0x16: {  	[tilespmem:s3], [sflag:$0x1] =	stream.strided.gather [hbm4b:s4+s11], $0xC380, s12, s11, $0x38;
	[tilespmem:$0x18780] =	vst v63  }
0x17: {  	_ =	swait.ge [sflag:s10], $0xC380  }
0x18: {  	[sflag:s10] =	ssyncset.done $0x0  }
0x19: {  	[sflag:s10] =	ssyncadd.s32 $0xFFFF3C80  }
0x1a: {  	s15 =	simm.s32 $0x0;
	[tilespmem:$0x18700] =	vst v0  }
.LBB2_2:
0x1b: {  	s16 =	sshra.s32 s15, $0x2  }
0x1c: {  	v1 =	vld [tilespmem:s16+$0xC380];
	_ =	sdelay $0x2  }
0x1d: {  	v2 =	vld [tilespmem:s16+$0x0];
	_ =	sdelay $0x4  }
0x1e: {  	[tilespmem:v1+s13+$0x0] =	vst.idx.add.f32.msk $0xffff, v2  }
0x1f: {  	v1 =	vld [tilespmem:s16+$0xC390];
	_ =	sdelay $0x2  }
0x20: {  	v2 =	vld [tilespmem:s16+$0x10];
	_ =	sdelay $0x4  }
0x21: {  	[tilespmem:v1+s13+$0x0] =	vst.idx.add.f32.msk $0xffff, v2  }
0x22: {  	v1 =	vld [tilespmem:s16+$0xC3A0];
	_ =	sdelay $0x2  }
0x23: {  	v2 =	vld [tilespmem:s16+$0x20];
	_ =	sdelay $0x4  }
0x24: {  	[tilespmem:v1+s13+$0x0] =	vst.idx.add.f32.msk $0xffff, v2  }
0x25: {  	v1 =	vld [tilespmem:s16+$0xC3B0];
	_ =	sdelay $0x2  }
0x26: {  	v2 =	vld [tilespmem:s16+$0x30];
	_ =	sdelay $0x4  }
0x27: {  	[tilespmem:v1+s13+$0x0] =	vst.idx.add.f32.msk $0xffff, v2  }
0x28: {  	v1 =	vld [tilespmem:s16+$0xC3C0];
	_ =	sdelay $0x2  }
0x29: {  	p0 =	sne.s32 s15, $0x30C00;
	v2 =	vld [tilespmem:s16+$0x40]  }
.Ltmp0:
0x2a: {  	_ = 	snop;
	(pc) =	sbr.rel @p0 .LBB2_2-.Ltmp0, $2  }
0x2b: {  	_ =	sdelay $0x2  }
0x2c: {  	s15 =	sadd.s32 $0x140, s15;
	[tilespmem:v1+s13+$0x0] =	vst.idx.add.f32.msk $0xffff, v2  }
0x2d: {  	s15 =	simm.s32 $0x0  }
0x2e: {  	[hbm4b:s5+s15] =	stream.linear.scatter [tilespmem:s13], [sflag:$0x1], $0x80, $0x38;
	[tilespmem:$0x18780] =	vst v63  }
0x2f: {  	_ =	swait.ge [sflag:s10], $0x80  }
0x30: {  	[sflag:s10] =	ssyncset.done $0x0  }
0x31: {  	[sflag:s10] =	ssyncadd.s32 $0xFFFFFF80  }
0x32: {  	[tilespmem:s15], [sflag:$0x1] =	stream.strided.gather [hbm4b:s6+s11], $0xC380, s12, s11, $0x38;
	[tilespmem:$0x18780] =	vst v63  }
0x33: {  	_ =	swait.ge [sflag:s10], $0xC380  }
0x34: {  	[sflag:s10] =	ssyncset.done $0x0  }
0x35: {  	[sflag:s10] =	ssyncadd.s32 $0xFFFF3C80  }
0x36: {  	[tilespmem:$0x18700] =	vst v0  }
.LBB2_4:
0x37: {  	s16 =	sshra.s32 s15, $0x2  }
0x38: {  	v1 =	vld [tilespmem:s16+$0xC380];
	_ =	sdelay $0x2  }
0x39: {  	v2 =	vld [tilespmem:s16+$0x0];
	_ =	sdelay $0x4  }
0x3a: {  	[tilespmem:v1+s13+$0x0] =	vst.idx.add.f32.msk $0xffff, v2  }
0x3b: {  	v1 =	vld [tilespmem:s16+$0xC390];
	_ =	sdelay $0x2  }
0x3c: {  	v2 =	vld [tilespmem:s16+$0x10];
	_ =	sdelay $0x4  }
0x3d: {  	[tilespmem:v1+s13+$0x0] =	vst.idx.add.f32.msk $0xffff, v2  }
0x3e: {  	v1 =	vld [tilespmem:s16+$0xC3A0];
	_ =	sdelay $0x2  }
0x3f: {  	v2 =	vld [tilespmem:s16+$0x20];
	_ =	sdelay $0x4  }
0x40: {  	[tilespmem:v1+s13+$0x0] =	vst.idx.add.f32.msk $0xffff, v2  }
0x41: {  	v1 =	vld [tilespmem:s16+$0xC3B0];
	_ =	sdelay $0x2  }
0x42: {  	v2 =	vld [tilespmem:s16+$0x30];
	_ =	sdelay $0x4  }
0x43: {  	[tilespmem:v1+s13+$0x0] =	vst.idx.add.f32.msk $0xffff, v2  }
0x44: {  	v1 =	vld [tilespmem:s16+$0xC3C0];
	_ =	sdelay $0x2  }
0x45: {  	p0 =	sne.s32 s15, $0x30C00;
	v2 =	vld [tilespmem:s16+$0x40]  }
.Ltmp1:
0x46: {  	_ = 	snop;
	(pc) =	sbr.rel @p0 .LBB2_4-.Ltmp1, $2  }
0x47: {  	_ =	sdelay $0x2  }
0x48: {  	s15 =	sadd.s32 $0x140, s15;
	[tilespmem:v1+s13+$0x0] =	vst.idx.add.f32.msk $0xffff, v2  }
0x49: {  	s14 =	sadd.s32 $0x1, s14  }
0x4a: {  	p0 =	sne.s32 s14, s8  }
.Ltmp2:
0x4b: {  	_ = 	snop;
	(pc) =	sbr.rel @p0 .LBB2_1-.Ltmp2, $4  }
0x4c: {  	[hbm4b:s7+s3] =	stream.linear.scatter [tilespmem:s13], [sflag:$0x1], $0x80, $0x38;
	[tilespmem:$0x18780] =	vst v63  }
0x4d: {  	_ =	swait.ge [sflag:s10], $0x80  }
0x4e: {  	[sflag:s10] =	ssyncset.done $0x0  }
0x4f: {  	[sflag:s10] =	ssyncadd.s32 $0xFFFFFF80  }
0x50: {  	_ =	sfence.sel $0x180000  }
0x51: {  	[bflag:$0x0] =	sbarrier.arrive $0xFFFF  }
0x52: {  	p0 =	sne.s32 s2, $0x0;
	_ =	strace $0x90000050  }
0x53: {  	s0 =	sadd.s32 @!p0 $0x100000, s0;
	[bflag:$0x2] =	sbarrier.arrive $0xFFFF  }
0x54: {  	[sflag:s0] =	ssyncadd.tile.s32 @!p0 $0x1;
	_ =	shalt  }
.Lfunc_end2:
_tile_overlayer_lowered:
.L_overlay_start_2:
0x55: {  	(tag) =	ssettag $0x2  }
0x56: {  	s0 =	rddreg [dreg:$0x0];
	s2 =	stileid.u32  }
0x57: {  	s1 =	rddreg [dreg:$0x1];
	p0 =	sne.s32 s2, $0x0  }
0x58: {  	s3 =	rddreg [dreg:$0x2];
	[bflag:$0x3] =	sbarrier.arrive $0xFFFF;
	s2 =	simm.s32 @!p0 $0x1C01  }
0x59: {  	[timem:s3], [sflag:s2] =	dma.local @!p0 [hbm:s0], s1  }
0x5a: {  	s0 =	simm.s32 @!p0 $0x1  }
0x5b: {  	_ =	swait.ge @!p0 [sflag:s0], s1  }
0x5c: {  	s1 =	ssub.s32 @!p0 $0x0, s1;
	[sflag:s0] =	ssyncset.done @!p0 $0x0  }
0x5d: {  	[sflag:s0] =	ssyncadd.s32 @!p0 s1  }
0x5e: {  	[bflag:$0x3] =	sbarrier.arrive $0xFFFF  }
0x5f: {  	_ =	shalt  }

</sc_bundles>
